<compile_context>
chip_gen: v7x
topology: tpu7x:2x2x1
jax: 0.10.2.dev20260603
libtpu: 0.0.44.dev20260713+nightly
codegen_flags: <defaults>
</compile_context>

<pallas_src>
import functools

import jax
import jax.numpy as jnp
from jax import lax
from jax.experimental import pallas as pl
from jax.experimental import layout as jlayout
from jax.experimental.pallas import tpu as pltpu
from jax.experimental.pallas import tpu_sc as plsc

VOCAB_SIZE = 1000000
EMBED_DIM = 64
BATCH = 16384
HIST_LEN = 50

_INFO = plsc.get_sparse_core_info()
_NC, _NS = _INFO.num_cores, _INFO.num_subcores
_NW = _NC * _NS
_B = BATCH * HIST_LEN
_BPW = _B // _NW
_RPW = BATCH // _NW
_CROWS = 4
_CH = _CROWS * HIST_LEN
_NCHUNK = _BPW // _CH
_RING = 4
_LOOK = 2
_NSUP = _NCHUNK // _RING


def _make_sc_gather():
  mesh = plsc.VectorSubcoreMesh(core_axis_name="c", subcore_axis_name="s")

  @functools.partial(
      pl.kernel,
      mesh=mesh,
      compiler_params=pltpu.CompilerParams(use_tc_tiling_on_sc=False),
      out_type=jax.ShapeDtypeStruct((BATCH, HIST_LEN, EMBED_DIM), jnp.float32),
      scratch_types=[
          pltpu.VMEM((_BPW,), jnp.int32),
          pltpu.VMEM((_RING, _CH, EMBED_DIM), jnp.float32),
          [pltpu.SemaphoreType.DMA] * _RING,
          [pltpu.SemaphoreType.DMA] * _RING,
      ],
  )
  def k(table_hbm, idx_hbm, out_hbm, idx_v, rows_v, gsem, ssem):
    wid = lax.axis_index("s") * _NC + lax.axis_index("c")
    base = wid * _BPW
    row0 = wid * _RPW
    pltpu.sync_copy(idx_hbm.at[pl.ds(base, _BPW)], idx_v)

    def g_copy(c, b):
      return pltpu.make_async_copy(
          table_hbm.at[idx_v.at[pl.ds(c * _CH, _CH)]], rows_v.at[b], gsem[b])

    def s_copies(c, b):
      return [
          pltpu.make_async_copy(
              rows_v.at[b].at[pl.ds(r * HIST_LEN, HIST_LEN)],
              out_hbm.at[row0 + c * _CROWS + r], ssem[b])
          for r in range(_CROWS)
      ]

    def step(c, b, launch):
      g_copy(c, b).wait()
      for d in s_copies(c, b):
        d.start()
      if launch:
        nb = (b + _LOOK) % _RING
        if launch == 2:
          for d in s_copies(0, nb):
            d.wait()
        g_copy(c + _LOOK, nb).start()

    for b in range(_LOOK):
      g_copy(b, b).start()

    for b in range(_RING):
      step(b, b, launch=1 if b + _LOOK < _RING else 2)

    def body(s, _):
      for b in range(_RING):
        step(s * _RING + b, b, launch=2)
      return 0

    lax.fori_loop(1, _NSUP - 1, body, 0)

    c0 = (_NSUP - 1) * _RING
    for b in range(_RING):
      step(c0 + b, b, launch=2 if c0 + b + _LOOK < _NCHUNK else 0)

    for b in range(_RING):
      for d in s_copies(0, b):
        d.wait()

  return k


_sc_gather = _make_sc_gather()


def kernel(tokens, embedding_weight):
  idx = tokens.reshape(_B).astype(jnp.int32) * 2
  table = jlayout.with_layout_constraint(
      embedding_weight, jlayout.Layout((0, 1), tiling=((8, 128),)))
  return _sc_gather(table, idx)

# --- scband reference (transcript-rebuilt; emitter-appended) ---
"""Pipeline reference for scband-token-embedding-5248450036425 (READ-ONLY COPY).

The authoritative reference and input builder live on the scoring server;
editing this copy changes nothing except your own understanding.
"""

import jax, jax.numpy as jnp
import numpy as np

VOCAB_SIZE = 1000000
EMBED_DIM = 64
BATCH = 16384
HIST_LEN = 50

def setup_inputs(seed: int = 0) -> dict:
    key = jax.random.key(seed)
    k_tok, k_emb = jax.random.split(key)
    tokens = jax.random.randint(k_tok, (BATCH, HIST_LEN), 0, VOCAB_SIZE, dtype=jnp.int64 if jax.config.jax_enable_x64 else jnp.int32)
    embedding_weight = jax.random.normal(k_emb, (VOCAB_SIZE, EMBED_DIM), dtype=jnp.float32)
    return {"tokens": tokens, "embedding_weight": embedding_weight}

def reference(tokens, embedding_weight):
    # nn.Embedding forward: gather rows of the table by token id
    return jnp.take(embedding_weight, tokens, axis=0)

if __name__ == "__main__":
    import jax
    _d = setup_inputs()
    print(jax.jit(kernel)(*tuple(_d.values())))

</pallas_src>

<mosaic_0001>
#map = affine_map<(d0, d1) -> (0, 0)>
#map1 = affine_map<(d0, d1) -> (0)>
#map2 = affine_map<(d0, d1) -> (0, 0, 0)>
module attributes {stable_mosaic.version = 14 : i64} {
  func.func @k(%arg0: i32, %arg1: i32, %arg2: memref<1000000x64xf32, #tpu.memory_space<hbm>>, %arg3: memref<819200xi32, #tpu.memory_space<hbm>>, %arg4: memref<16384x50x64xf32, #tpu.memory_space<hbm>>, %arg5: memref<25600xi32, #tpu.memory_space<vmem>>, %arg6: memref<4x200x64xf32, #tpu.memory_space<vmem>>, %arg7: memref<!tpu.dma_semaphore, #tpu.memory_space<semaphore_mem>>, %arg8: memref<!tpu.dma_semaphore, #tpu.memory_space<semaphore_mem>>, %arg9: memref<!tpu.dma_semaphore, #tpu.memory_space<semaphore_mem>>, %arg10: memref<!tpu.dma_semaphore, #tpu.memory_space<semaphore_mem>>, %arg11: memref<!tpu.dma_semaphore, #tpu.memory_space<semaphore_mem>>, %arg12: memref<!tpu.dma_semaphore, #tpu.memory_space<semaphore_mem>>, %arg13: memref<!tpu.dma_semaphore, #tpu.memory_space<semaphore_mem>>, %arg14: memref<!tpu.dma_semaphore, #tpu.memory_space<semaphore_mem>>) attributes {dimension_semantics = [#tpu.dimension_semantics<core_parallel>, #tpu.dimension_semantics<subcore_parallel>], iteration_bounds = array<i64: 2, 16>, scalar_prefetch = 0 : i64, scratch_operands = 10 : i64, tpu.core_type = #tpu.core_type<sc_vector_subcore>, window_params = [{transform_indices = #map}, {transform_indices = #map1}, {transform_indices = #map2}]} {
    %mul3A = arith.constant 2 : i32
    %mul3A_0 = arith.muli %arg1, %mul3A : i32
    %add3A = arith.addi %mul3A_0, %arg0 : i32
    %mul3A_1 = arith.constant 25600 : i32
    %mul3A_2 = arith.muli %add3A, %mul3A_1 : i32
    %mul3A_3 = arith.constant 512 : i32
    %mul3A_4 = arith.muli %add3A, %mul3A_3 : i32
    "tpu.region"() ({
      %run_scoped3A = tpu.sem_alloc : memref<!tpu.dma_semaphore, #tpu.memory_space<semaphore_mem>>
      %dma_start3A_1897 = tpu.memref_slice %arg3[%mul3A_2] : memref<819200xi32, #tpu.memory_space<hbm>> -> memref<25600xi32, #tpu.memory_space<hbm>>
      %dma_start3A_1898 = tpu.memref_slice %arg3[%mul3A_2] : memref<819200xi32, #tpu.memory_space<hbm>> -> memref<25600xi32, #tpu.memory_space<hbm>>
      tpu.enqueue_dma source(%dma_start3A_1898 : memref<25600xi32, #tpu.memory_space<hbm>>) target(%arg5 : memref<25600xi32, #tpu.memory_space<vmem>>) target_semaphore(%run_scoped3A : memref<!tpu.dma_semaphore, #tpu.memory_space<semaphore_mem>>)
      %dma_wait3A_1899 = tpu.memref_slice %arg3[%mul3A_2] : memref<819200xi32, #tpu.memory_space<hbm>> -> memref<25600xi32, #tpu.memory_space<hbm>>
      %dma_wait3A_1900 = tpu.memref_slice %arg3[%mul3A_2] : memref<819200xi32, #tpu.memory_space<hbm>> -> memref<25600xi32, #tpu.memory_space<hbm>>
      tpu.wait_dma2 semaphore(%run_scoped3A : memref<!tpu.dma_semaphore, #tpu.memory_space<semaphore_mem>>) src(%dma_wait3A_1900 : memref<25600xi32, #tpu.memory_space<hbm>>) dst(%arg5 : memref<25600xi32, #tpu.memory_space<vmem>>)
      tpu.yield
    }) : () -> ()
    %dma_start3A = arith.constant 0 : i32
    %dma_start3A_5 = arith.constant 0 : i32
    %dma_start3A_6 = arith.constant 0 : i32
    %dma_start3A_7 = tpu.memref_slice %arg6[%dma_start3A, %dma_start3A_5, %dma_start3A_6] : memref<4x200x64xf32, #tpu.memory_space<vmem>> -> memref<1x200x64xf32, #tpu.memory_space<vmem>>
    %dma_start3A_8 = tpu.memref_squeeze %dma_start3A_7 : memref<1x200x64xf32, #tpu.memory_space<vmem>> -> memref<200x64xf32, #tpu.memory_space<vmem>>
    %dma_start3A_9 = arith.constant 0 : i32
    %dma_start3A_10 = tpu.memref_slice %arg5[%dma_start3A_9] : memref<25600xi32, #tpu.memory_space<vmem>> -> memref<200xi32, #tpu.memory_space<vmem>>
    %dma_start3A_11 = arith.constant 0 : i32
    %dma_start3A_12 = arith.constant 0 : i32
    %dma_start3A_13 = tpu.memref_slice %arg2[%dma_start3A_11, %dma_start3A_12] : memref<1000000x64xf32, #tpu.memory_space<hbm>> -> memref<1000000x64xf32, #tpu.memory_space<hbm>>
    tpu.enqueue_indirect_dma source(%dma_start3A_13 : memref<1000000x64xf32, #tpu.memory_space<hbm>>) target(%dma_start3A_8 : memref<200x64xf32, #tpu.memory_space<vmem>>) offsets(%dma_start3A_10 : memref<200xi32, #tpu.memory_space<vmem>>) semaphore(%arg7 : memref<!tpu.dma_semaphore, #tpu.memory_space<semaphore_mem>>)
    %dma_start3A_14 = arith.constant 1 : i32
    %dma_start3A_15 = arith.constant 0 : i32
    %dma_start3A_16 = arith.constant 0 : i32
    %dma_start3A_17 = tpu.memref_slice %arg6[%dma_start3A_14, %dma_start3A_15, %dma_start3A_16] : memref<4x200x64xf32, #tpu.memory_space<vmem>> -> memref<1x200x64xf32, #tpu.memory_space<vmem>>
    %dma_start3A_18 = tpu.memref_squeeze %dma_start3A_17 : memref<1x200x64xf32, #tpu.memory_space<vmem>> -> memref<200x64xf32, #tpu.memory_space<vmem>>
    %dma_start3A_19 = arith.constant 200 : i32
    %dma_start3A_20 = tpu.memref_slice %arg5[%dma_start3A_19] : memref<25600xi32, #tpu.memory_space<vmem>> -> memref<200xi32, #tpu.memory_space<vmem>>
    %dma_start3A_21 = arith.constant 0 : i32
    %dma_start3A_22 = arith.constant 0 : i32
    %dma_start3A_23 = tpu.memref_slice %arg2[%dma_start3A_21, %dma_start3A_22] : memref<1000000x64xf32, #tpu.memory_space<hbm>> -> memref<1000000x64xf32, #tpu.memory_space<hbm>>
    tpu.enqueue_indirect_dma source(%dma_start3A_23 : memref<1000000x64xf32, #tpu.memory_space<hbm>>) target(%dma_start3A_18 : memref<200x64xf32, #tpu.memory_space<vmem>>) offsets(%dma_start3A_20 : memref<200xi32, #tpu.memory_space<vmem>>) semaphore(%arg8 : memref<!tpu.dma_semaphore, #tpu.memory_space<semaphore_mem>>)
    %dma_wait3A = arith.constant 0 : i32
    %dma_wait3A_24 = arith.constant 0 : i32
    %dma_wait3A_25 = arith.constant 0 : i32
    %dma_wait3A_26 = tpu.memref_slice %arg6[%dma_wait3A, %dma_wait3A_24, %dma_wait3A_25] : memref<4x200x64xf32, #tpu.memory_space<vmem>> -> memref<1x200x64xf32, #tpu.memory_space<vmem>>
    %dma_wait3A_27 = tpu.memref_squeeze %dma_wait3A_26 : memref<1x200x64xf32, #tpu.memory_space<vmem>> -> memref<200x64xf32, #tpu.memory_space<vmem>>
    %dma_wait3A_28 = arith.constant 0 : i32
    %dma_wait3A_29 = tpu.memref_slice %arg5[%dma_wait3A_28] : memref<25600xi32, #tpu.memory_space<vmem>> -> memref<200xi32, #tpu.memory_space<vmem>>
    %dma_wait3A_30 = arith.constant 0 : i32
    %dma_wait3A_31 = arith.constant 0 : i32
    %dma_wait3A_32 = tpu.memref_slice %arg2[%dma_wait3A_30, %dma_wait3A_31] : memref<1000000x64xf32, #tpu.memory_space<hbm>> -> memref<1000000x64xf32, #tpu.memory_space<hbm>>
    tpu.wait_indirect_dma semaphore(%arg7 : memref<!tpu.dma_semaphore, #tpu.memory_space<semaphore_mem>>) src(%dma_wait3A_32 : memref<1000000x64xf32, #tpu.memory_space<hbm>>) dst(%dma_wait3A_27 : memref<200x64xf32, #tpu.memory_space<vmem>>)
    %add3A_33 = arith.constant 0 : i32
    %add3A_34 = arith.addi %mul3A_4, %add3A_33 : i32
    %add3A_35 = arith.constant 0 : i32
    %add3A_36 = arith.addi %add3A_34, %add3A_35 : i32
    %add3A_37 = arith.constant 0 : i32
    %add3A_38 = arith.addi %mul3A_4, %add3A_37 : i32
    %add3A_39 = arith.constant 1 : i32
    %add3A_40 = arith.addi %add3A_38, %add3A_39 : i32
    %add3A_41 = arith.constant 0 : i32
    %add3A_42 = arith.addi %mul3A_4, %add3A_41 : i32
    %add3A_43 = arith.constant 2 : i32
    %add3A_44 = arith.addi %add3A_42, %add3A_43 : i32
    %add3A_45 = arith.constant 0 : i32
    %add3A_46 = arith.addi %mul3A_4, %add3A_45 : i32
    %add3A_47 = arith.constant 3 : i32
    %add3A_48 = arith.addi %add3A_46, %add3A_47 : i32
    %dma_start3A_49 = arith.constant 0 : i32
    %dma_start3A_50 = arith.constant 0 : i32
    %dma_start3A_51 = arith.constant 0 : i32
    %dma_start3A_52 = tpu.memref_slice %arg6[%dma_start3A_49, %dma_start3A_50, %dma_start3A_51] : memref<4x200x64xf32, #tpu.memory_space<vmem>> -> memref<1x200x64xf32, #tpu.memory_space<vmem>>
    %dma_start3A_53 = tpu.memref_squeeze %dma_start3A_52 : memref<1x200x64xf32, #tpu.memory_space<vmem>> -> memref<200x64xf32, #tpu.memory_space<vmem>>
    %dma_start3A_54 = arith.constant 0 : i32
    %dma_start3A_55 = arith.constant 0 : i32
    %dma_start3A_56 = tpu.memref_slice %dma_start3A_53[%dma_start3A_54, %dma_start3A_55] : memref<200x64xf32, #tpu.memory_space<vmem>> -> memref<50x64xf32, #tpu.memory_space<vmem>>
    %dma_start3A_57 = arith.constant 0 : i32
    %dma_start3A_58 = arith.constant 0 : i32
    %dma_start3A_59 = tpu.memref_slice %arg4[%add3A_36, %dma_start3A_57, %dma_start3A_58] : memref<16384x50x64xf32, #tpu.memory_space<hbm>> -> memref<1x50x64xf32, #tpu.memory_space<hbm>>
    %dma_start3A_60 = tpu.memref_squeeze %dma_start3A_59 : memref<1x50x64xf32, #tpu.memory_space<hbm>> -> memref<50x64xf32, #tpu.memory_space<hbm>>
    %dma_start3A_61 = arith.constant 0 : i32
    %dma_start3A_62 = arith.constant 0 : i32
    %dma_start3A_63 = tpu.memref_slice %arg4[%add3A_36, %dma_start3A_61, %dma_start3A_62] : memref<16384x50x64xf32, #tpu.memory_space<hbm>> -> memref<1x50x64xf32, #tpu.memory_space<hbm>>
    %dma_start3A_64 = tpu.memref_squeeze %dma_start3A_63 : memref<1x50x64xf32, #tpu.memory_space<hbm>> -> memref<50x64xf32, #tpu.memory_space<hbm>>
    %dma_start3A_65 = arith.constant 0 : i32
    %dma_start3A_66 = arith.constant 0 : i32
    %dma_start3A_67 = tpu.memref_slice %arg6[%dma_start3A_49, %dma_start3A_65, %dma_start3A_66] : memref<4x200x64xf32, #tpu.memory_space<vmem>> -> memref<1x200x64xf32, #tpu.memory_space<vmem>>
    %dma_start3A_68 = tpu.memref_squeeze %dma_start3A_67 : memref<1x200x64xf32, #tpu.memory_space<vmem>> -> memref<200x64xf32, #tpu.memory_space<vmem>>
    %dma_start3A_69 = arith.constant 0 : i32
    %dma_start3A_70 = arith.constant 0 : i32
    %dma_start3A_71 = tpu.memref_slice %dma_start3A_68[%dma_start3A_69, %dma_start3A_70] : memref<200x64xf32, #tpu.memory_space<vmem>> -> memref<50x64xf32, #tpu.memory_space<vmem>>
    tpu.enqueue_dma source(%dma_start3A_71 : memref<50x64xf32, #tpu.memory_space<vmem>>) target(%dma_start3A_64 : memref<50x64xf32, #tpu.memory_space<hbm>>) target_semaphore(%arg11 : memref<!tpu.dma_semaphore, #tpu.memory_space<semaphore_mem>>)
    %dma_start3A_72 = arith.constant 0 : i32
    %dma_start3A_73 = arith.constant 0 : i32
    %dma_start3A_74 = arith.constant 0 : i32
    %dma_start3A_75 = tpu.memref_slice %arg6[%dma_start3A_72, %dma_start3A_73, %dma_start3A_74] : memref<4x200x64xf32, #tpu.memory_space<vmem>> -> memref<1x200x64xf32, #tpu.memory_space<vmem>>
    %dma_start3A_76 = tpu.memref_squeeze %dma_start3A_75 : memref<1x200x64xf32, #tpu.memory_space<vmem>> -> memref<200x64xf32, #tpu.memory_space<vmem>>
    %dma_start3A_77 = arith.constant 50 : i32
    %dma_start3A_78 = arith.constant 0 : i32
    %dma_start3A_79 = tpu.memref_slice %dma_start3A_76[%dma_start3A_77, %dma_start3A_78] : memref<200x64xf32, #tpu.memory_space<vmem>> -> memref<50x64xf32, #tpu.memory_space<vmem>>
    %dma_start3A_80 = arith.constant 0 : i32
    %dma_start3A_81 = arith.constant 0 : i32
    %dma_start3A_82 = tpu.memref_slice %arg4[%add3A_40, %dma_start3A_80, %dma_start3A_81] : memref<16384x50x64xf32, #tpu.memory_space<hbm>> -> memref<1x50x64xf32, #tpu.memory_space<hbm>>
    %dma_start3A_83 = tpu.memref_squeeze %dma_start3A_82 : memref<1x50x64xf32, #tpu.memory_space<hbm>> -> memref<50x64xf32, #tpu.memory_space<hbm>>
    %dma_start3A_84 = arith.constant 0 : i32
    %dma_start3A_85 = arith.constant 0 : i32
    %dma_start3A_86 = tpu.memref_slice %arg4[%add3A_40, %dma_start3A_84, %dma_start3A_85] : memref<16384x50x64xf32, #tpu.memory_space<hbm>> -> memref<1x50x64xf32, #tpu.memory_space<hbm>>
    %dma_start3A_87 = tpu.memref_squeeze %dma_start3A_86 : memref<1x50x64xf32, #tpu.memory_space<hbm>> -> memref<50x64xf32, #tpu.memory_space<hbm>>
    %dma_start3A_88 = arith.constant 0 : i32
    %dma_start3A_89 = arith.constant 0 : i32
    %dma_start3A_90 = tpu.memref_slice %arg6[%dma_start3A_72, %dma_start3A_88, %dma_start3A_89] : memref<4x200x64xf32, #tpu.memory_space<vmem>> -> memref<1x200x64xf32, #tpu.memory_space<vmem>>
    %dma_start3A_91 = tpu.memref_squeeze %dma_start3A_90 : memref<1x200x64xf32, #tpu.memory_space<vmem>> -> memref<200x64xf32, #tpu.memory_space<vmem>>
    %dma_start3A_92 = arith.constant 50 : i32
    %dma_start3A_93 = arith.constant 0 : i32
    %dma_start3A_94 = tpu.memref_slice %dma_start3A_91[%dma_start3A_92, %dma_start3A_93] : memref<200x64xf32, #tpu.memory_space<vmem>> -> memref<50x64xf32, #tpu.memory_space<vmem>>
    tpu.enqueue_dma source(%dma_start3A_94 : memref<50x64xf32, #tpu.memory_space<vmem>>) target(%dma_start3A_87 : memref<50x64xf32, #tpu.memory_space<hbm>>) target_semaphore(%arg11 : memref<!tpu.dma_semaphore, #tpu.memory_space<semaphore_mem>>)
    %dma_start3A_95 = arith.constant 0 : i32
    %dma_start3A_96 = arith.constant 0 : i32
    %dma_start3A_97 = arith.constant 0 : i32
    %dma_start3A_98 = tpu.memref_slice %arg6[%dma_start3A_95, %dma_start3A_96, %dma_start3A_97] : memref<4x200x64xf32, #tpu.memory_space<vmem>> -> memref<1x200x64xf32, #tpu.memory_space<vmem>>
    %dma_start3A_99 = tpu.memref_squeeze %dma_start3A_98 : memref<1x200x64xf32, #tpu.memory_space<vmem>> -> memref<200x64xf32, #tpu.memory_space<vmem>>
    %dma_start3A_100 = arith.constant 100 : i32
    %dma_start3A_101 = arith.constant 0 : i32
    %dma_start3A_102 = tpu.memref_slice %dma_start3A_99[%dma_start3A_100, %dma_start3A_101] : memref<200x64xf32, #tpu.memory_space<vmem>> -> memref<50x64xf32, #tpu.memory_space<vmem>>
    %dma_start3A_103 = arith.constant 0 : i32
    %dma_start3A_104 = arith.constant 0 : i32
    %dma_start3A_105 = tpu.memref_slice %arg4[%add3A_44, %dma_start3A_103, %dma_start3A_104] : memref<16384x50x64xf32, #tpu.memory_space<hbm>> -> memref<1x50x64xf32, #tpu.memory_space<hbm>>
    %dma_start3A_106 = tpu.memref_squeeze %dma_start3A_105 : memref<1x50x64xf32, #tpu.memory_space<hbm>> -> memref<50x64xf32, #tpu.memory_space<hbm>>
    %dma_start3A_107 = arith.constant 0 : i32
    %dma_start3A_108 = arith.constant 0 : i32
    %dma_start3A_109 = tpu.memref_slice %arg4[%add3A_44, %dma_start3A_107, %dma_start3A_108] : memref<16384x50x64xf32, #tpu.memory_space<hbm>> -> memref<1x50x64xf32, #tpu.memory_space<hbm>>
    %dma_start3A_110 = tpu.memref_squeeze %dma_start3A_109 : memref<1x50x64xf32, #tpu.memory_space<hbm>> -> memref<50x64xf32, #tpu.memory_space<hbm>>
    %dma_start3A_111 = arith.constant 0 : i32
    %dma_start3A_112 = arith.constant 0 : i32
    %dma_start3A_113 = tpu.memref_slice %arg6[%dma_start3A_95, %dma_start3A_111, %dma_start3A_112] : memref<4x200x64xf32, #tpu.memory_space<vmem>> -> memref<1x200x64xf32, #tpu.memory_space<vmem>>
    %dma_start3A_114 = tpu.memref_squeeze %dma_start3A_113 : memref<1x200x64xf32, #tpu.memory_space<vmem>> -> memref<200x64xf32, #tpu.memory_space<vmem>>
    %dma_start3A_115 = arith.constant 100 : i32
    %dma_start3A_116 = arith.constant 0 : i32
    %dma_start3A_117 = tpu.memref_slice %dma_start3A_114[%dma_start3A_115, %dma_start3A_116] : memref<200x64xf32, #tpu.memory_space<vmem>> -> memref<50x64xf32, #tpu.memory_space<vmem>>
    tpu.enqueue_dma source(%dma_start3A_117 : memref<50x64xf32, #tpu.memory_space<vmem>>) target(%dma_start3A_110 : memref<50x64xf32, #tpu.memory_space<hbm>>) target_semaphore(%arg11 : memref<!tpu.dma_semaphore, #tpu.memory_space<semaphore_mem>>)
    %dma_start3A_118 = arith.constant 0 : i32
    %dma_start3A_119 = arith.constant 0 : i32
    %dma_start3A_120 = arith.constant 0 : i32
    %dma_start3A_121 = tpu.memref_slice %arg6[%dma_start3A_118, %dma_start3A_119, %dma_start3A_120] : memref<4x200x64xf32, #tpu.memory_space<vmem>> -> memref<1x200x64xf32, #tpu.memory_space<vmem>>
    %dma_start3A_122 = tpu.memref_squeeze %dma_start3A_121 : memref<1x200x64xf32, #tpu.memory_space<vmem>> -> memref<200x64xf32, #tpu.memory_space<vmem>>
    %dma_start3A_123 = arith.constant 150 : i32
    %dma_start3A_124 = arith.constant 0 : i32
    %dma_start3A_125 = tpu.memref_slice %dma_start3A_122[%dma_start3A_123, %dma_start3A_124] : memref<200x64xf32, #tpu.memory_space<vmem>> -> memref<50x64xf32, #tpu.memory_space<vmem>>
    %dma_start3A_126 = arith.constant 0 : i32
    %dma_start3A_127 = arith.constant 0 : i32
    %dma_start3A_128 = tpu.memref_slice %arg4[%add3A_48, %dma_start3A_126, %dma_start3A_127] : memref<16384x50x64xf32, #tpu.memory_space<hbm>> -> memref<1x50x64xf32, #tpu.memory_space<hbm>>
    %dma_start3A_129 = tpu.memref_squeeze %dma_start3A_128 : memref<1x50x64xf32, #tpu.memory_space<hbm>> -> memref<50x64xf32, #tpu.memory_space<hbm>>
    %dma_start3A_130 = arith.constant 0 : i32
    %dma_start3A_131 = arith.constant 0 : i32
    %dma_start3A_132 = tpu.memref_slice %arg4[%add3A_48, %dma_start3A_130, %dma_start3A_131] : memref<16384x50x64xf32, #tpu.memory_space<hbm>> -> memref<1x50x64xf32, #tpu.memory_space<hbm>>
    %dma_start3A_133 = tpu.memref_squeeze %dma_start3A_132 : memref<1x50x64xf32, #tpu.memory_space<hbm>> -> memref<50x64xf32, #tpu.memory_space<hbm>>
    %dma_start3A_134 = arith.constant 0 : i32
    %dma_start3A_135 = arith.constant 0 : i32
    %dma_start3A_136 = tpu.memref_slice %arg6[%dma_start3A_118, %dma_start3A_134, %dma_start3A_135] : memref<4x200x64xf32, #tpu.memory_space<vmem>> -> memref<1x200x64xf32, #tpu.memory_space<vmem>>
    %dma_start3A_137 = tpu.memref_squeeze %dma_start3A_136 : memref<1x200x64xf32, #tpu.memory_space<vmem>> -> memref<200x64xf32, #tpu.memory_space<vmem>>
    %dma_start3A_138 = arith.constant 150 : i32
    %dma_start3A_139 = arith.constant 0 : i32
    %dma_start3A_140 = tpu.memref_slice %dma_start3A_137[%dma_start3A_138, %dma_start3A_139] : memref<200x64xf32, #tpu.memory_space<vmem>> -> memref<50x64xf32, #tpu.memory_space<vmem>>
    tpu.enqueue_dma source(%dma_start3A_140 : memref<50x64xf32, #tpu.memory_space<vmem>>) target(%dma_start3A_133 : memref<50x64xf32, #tpu.memory_space<hbm>>) target_semaphore(%arg11 : memref<!tpu.dma_semaphore, #tpu.memory_space<semaphore_mem>>)
    %dma_start3A_141 = arith.constant 2 : i32
    %dma_start3A_142 = arith.constant 0 : i32
    %dma_start3A_143 = arith.constant 0 : i32
    %dma_start3A_144 = tpu.memref_slice %arg6[%dma_start3A_141, %dma_start3A_142, %dma_start3A_143] : memref<4x200x64xf32, #tpu.memory_space<vmem>> -> memref<1x200x64xf32, #tpu.memory_space<vmem>>
    %dma_start3A_145 = tpu.memref_squeeze %dma_start3A_144 : memref<1x200x64xf32, #tpu.memory_space<vmem>> -> memref<200x64xf32, #tpu.memory_space<vmem>>
    %dma_start3A_146 = arith.constant 400 : i32
    %dma_start3A_147 = tpu.memref_slice %arg5[%dma_start3A_146] : memref<25600xi32, #tpu.memory_space<vmem>> -> memref<200xi32, #tpu.memory_space<vmem>>
    %dma_start3A_148 = arith.constant 0 : i32
    %dma_start3A_149 = arith.constant 0 : i32
    %dma_start3A_150 = tpu.memref_slice %arg2[%dma_start3A_148, %dma_start3A_149] : memref<1000000x64xf32, #tpu.memory_space<hbm>> -> memref<1000000x64xf32, #tpu.memory_space<hbm>>
    tpu.enqueue_indirect_dma source(%dma_start3A_150 : memref<1000000x64xf32, #tpu.memory_space<hbm>>) target(%dma_start3A_145 : memref<200x64xf32, #tpu.memory_space<vmem>>) offsets(%dma_start3A_147 : memref<200xi32, #tpu.memory_space<vmem>>) semaphore(%arg9 : memref<!tpu.dma_semaphore, #tpu.memory_space<semaphore_mem>>)
    %dma_wait3A_151 = arith.constant 1 : i32
    %dma_wait3A_152 = arith.constant 0 : i32
    %dma_wait3A_153 = arith.constant 0 : i32
    %dma_wait3A_154 = tpu.memref_slice %arg6[%dma_wait3A_151, %dma_wait3A_152, %dma_wait3A_153] : memref<4x200x64xf32, #tpu.memory_space<vmem>> -> memref<1x200x64xf32, #tpu.memory_space<vmem>>
    %dma_wait3A_155 = tpu.memref_squeeze %dma_wait3A_154 : memref<1x200x64xf32, #tpu.memory_space<vmem>> -> memref<200x64xf32, #tpu.memory_space<vmem>>
    %dma_wait3A_156 = arith.constant 200 : i32
    %dma_wait3A_157 = tpu.memref_slice %arg5[%dma_wait3A_156] : memref<25600xi32, #tpu.memory_space<vmem>> -> memref<200xi32, #tpu.memory_space<vmem>>
    %dma_wait3A_158 = arith.constant 0 : i32
    %dma_wait3A_159 = arith.constant 0 : i32
    %dma_wait3A_160 = tpu.memref_slice %arg2[%dma_wait3A_158, %dma_wait3A_159] : memref<1000000x64xf32, #tpu.memory_space<hbm>> -> memref<1000000x64xf32, #tpu.memory_space<hbm>>
    tpu.wait_indirect_dma semaphore(%arg8 : memref<!tpu.dma_semaphore, #tpu.memory_space<semaphore_mem>>) src(%dma_wait3A_160 : memref<1000000x64xf32, #tpu.memory_space<hbm>>) dst(%dma_wait3A_155 : memref<200x64xf32, #tpu.memory_space<vmem>>)
    %add3A_161 = arith.constant 4 : i32
    %add3A_162 = arith.addi %mul3A_4, %add3A_161 : i32
    %add3A_163 = arith.constant 0 : i32
    %add3A_164 = arith.addi %add3A_162, %add3A_163 : i32
    %add3A_165 = arith.constant 4 : i32
    %add3A_166 = arith.addi %mul3A_4, %add3A_165 : i32
    %add3A_167 = arith.constant 1 : i32
    %add3A_168 = arith.addi %add3A_166, %add3A_167 : i32
    %add3A_169 = arith.constant 4 : i32
    %add3A_170 = arith.addi %mul3A_4, %add3A_169 : i32
    %add3A_171 = arith.constant 2 : i32
    %add3A_172 = arith.addi %add3A_170, %add3A_171 : i32
    %add3A_173 = arith.constant 4 : i32
    %add3A_174 = arith.addi %mul3A_4, %add3A_173 : i32
    %add3A_175 = arith.constant 3 : i32
    %add3A_176 = arith.addi %add3A_174, %add3A_175 : i32
    %dma_start3A_177 = arith.constant 1 : i32
    %dma_start3A_178 = arith.constant 0 : i32
    %dma_start3A_179 = arith.constant 0 : i32
    %dma_start3A_180 = tpu.memref_slice %arg6[%dma_start3A_177, %dma_start3A_178, %dma_start3A_179] : memref<4x200x64xf32, #tpu.memory_space<vmem>> -> memref<1x200x64xf32, #tpu.memory_space<vmem>>
    %dma_start3A_181 = tpu.memref_squeeze %dma_start3A_180 : memref<1x200x64xf32, #tpu.memory_space<vmem>> -> memref<200x64xf32, #tpu.memory_space<vmem>>
    %dma_start3A_182 = arith.constant 0 : i32
    %dma_start3A_183 = arith.constant 0 : i32
    %dma_start3A_184 = tpu.memref_slice %dma_start3A_181[%dma_start3A_182, %dma_start3A_183] : memref<200x64xf32, #tpu.memory_space<vmem>> -> memref<50x64xf32, #tpu.memory_space<vmem>>
    %dma_start3A_185 = arith.constant 0 : i32
    %dma_start3A_186 = arith.constant 0 : i32
    %dma_start3A_187 = tpu.memref_slice %arg4[%add3A_164, %dma_start3A_185, %dma_start3A_186] : memref<16384x50x64xf32, #tpu.memory_space<hbm>> -> memref<1x50x64xf32, #tpu.memory_space<hbm>>
    %dma_start3A_188 = tpu.memref_squeeze %dma_start3A_187 : memref<1x50x64xf32, #tpu.memory_space<hbm>> -> memref<50x64xf32, #tpu.memory_space<hbm>>
    %dma_start3A_189 = arith.constant 0 : i32
    %dma_start3A_190 = arith.constant 0 : i32
    %dma_start3A_191 = tpu.memref_slice %arg4[%add3A_164, %dma_start3A_189, %dma_start3A_190] : memref<16384x50x64xf32, #tpu.memory_space<hbm>> -> memref<1x50x64xf32, #tpu.memory_space<hbm>>
    %dma_start3A_192 = tpu.memref_squeeze %dma_start3A_191 : memref<1x50x64xf32, #tpu.memory_space<hbm>> -> memref<50x64xf32, #tpu.memory_space<hbm>>
    %dma_start3A_193 = arith.constant 0 : i32
    %dma_start3A_194 = arith.constant 0 : i32
    %dma_start3A_195 = tpu.memref_slice %arg6[%dma_start3A_177, %dma_start3A_193, %dma_start3A_194] : memref<4x200x64xf32, #tpu.memory_space<vmem>> -> memref<1x200x64xf32, #tpu.memory_space<vmem>>
    %dma_start3A_196 = tpu.memref_squeeze %dma_start3A_195 : memref<1x200x64xf32, #tpu.memory_space<vmem>> -> memref<200x64xf32, #tpu.memory_space<vmem>>
    %dma_start3A_197 = arith.constant 0 : i32
    %dma_start3A_198 = arith.constant 0 : i32
    %dma_start3A_199 = tpu.memref_slice %dma_start3A_196[%dma_start3A_197, %dma_start3A_198] : memref<200x64xf32, #tpu.memory_space<vmem>> -> memref<50x64xf32, #tpu.memory_space<vmem>>
    tpu.enqueue_dma source(%dma_start3A_199 : memref<50x64xf32, #tpu.memory_space<vmem>>) target(%dma_start3A_192 : memref<50x64xf32, #tpu.memory_space<hbm>>) target_semaphore(%arg12 : memref<!tpu.dma_semaphore, #tpu.memory_space<semaphore_mem>>)
    %dma_start3A_200 = arith.constant 1 : i32
    %dma_start3A_201 = arith.constant 0 : i32
    %dma_start3A_202 = arith.constant 0 : i32
    %dma_start3A_203 = tpu.memref_slice %arg6[%dma_start3A_200, %dma_start3A_201, %dma_start3A_202] : memref<4x200x64xf32, #tpu.memory_space<vmem>> -> memref<1x200x64xf32, #tpu.memory_space<vmem>>
    %dma_start3A_204 = tpu.memref_squeeze %dma_start3A_203 : memref<1x200x64xf32, #tpu.memory_space<vmem>> -> memref<200x64xf32, #tpu.memory_space<vmem>>
    %dma_start3A_205 = arith.constant 50 : i32
    %dma_start3A_206 = arith.constant 0 : i32
    %dma_start3A_207 = tpu.memref_slice %dma_start3A_204[%dma_start3A_205, %dma_start3A_206] : memref<200x64xf32, #tpu.memory_space<vmem>> -> memref<50x64xf32, #tpu.memory_space<vmem>>
    %dma_start3A_208 = arith.constant 0 : i32
    %dma_start3A_209 = arith.constant 0 : i32
    %dma_start3A_210 = tpu.memref_slice %arg4[%add3A_168, %dma_start3A_208, %dma_start3A_209] : memref<16384x50x64xf32, #tpu.memory_space<hbm>> -> memref<1x50x64xf32, #tpu.memory_space<hbm>>
    %dma_start3A_211 = tpu.memref_squeeze %dma_start3A_210 : memref<1x50x64xf32, #tpu.memory_space<hbm>> -> memref<50x64xf32, #tpu.memory_space<hbm>>
    %dma_start3A_212 = arith.constant 0 : i32
    %dma_start3A_213 = arith.constant 0 : i32
    %dma_start3A_214 = tpu.memref_slice %arg4[%add3A_168, %dma_start3A_212, %dma_start3A_213] : memref<16384x50x64xf32, #tpu.memory_space<hbm>> -> memref<1x50x64xf32, #tpu.memory_space<hbm>>
    %dma_start3A_215 = tpu.memref_squeeze %dma_start3A_214 : memref<1x50x64xf32, #tpu.memory_space<hbm>> -> memref<50x64xf32, #tpu.memory_space<hbm>>
    %dma_start3A_216 = arith.constant 0 : i32
    %dma_start3A_217 = arith.constant 0 : i32
    %dma_start3A_218 = tpu.memref_slice %arg6[%dma_start3A_200, %dma_start3A_216, %dma_start3A_217] : memref<4x200x64xf32, #tpu.memory_space<vmem>> -> memref<1x200x64xf32, #tpu.memory_space<vmem>>
    %dma_start3A_219 = tpu.memref_squeeze %dma_start3A_218 : memref<1x200x64xf32, #tpu.memory_space<vmem>> -> memref<200x64xf32, #tpu.memory_space<vmem>>
    %dma_start3A_220 = arith.constant 50 : i32
    %dma_start3A_221 = arith.constant 0 : i32
    %dma_start3A_222 = tpu.memref_slice %dma_start3A_219[%dma_start3A_220, %dma_start3A_221] : memref<200x64xf32, #tpu.memory_space<vmem>> -> memref<50x64xf32, #tpu.memory_space<vmem>>
    tpu.enqueue_dma source(%dma_start3A_222 : memref<50x64xf32, #tpu.memory_space<vmem>>) target(%dma_start3A_215 : memref<50x64xf32, #tpu.memory_space<hbm>>) target_semaphore(%arg12 : memref<!tpu.dma_semaphore, #tpu.memory_space<semaphore_mem>>)
    %dma_start3A_223 = arith.constant 1 : i32
    %dma_start3A_224 = arith.constant 0 : i32
    %dma_start3A_225 = arith.constant 0 : i32
    %dma_start3A_226 = tpu.memref_slice %arg6[%dma_start3A_223, %dma_start3A_224, %dma_start3A_225] : memref<4x200x64xf32, #tpu.memory_space<vmem>> -> memref<1x200x64xf32, #tpu.memory_space<vmem>>
    %dma_start3A_227 = tpu.memref_squeeze %dma_start3A_226 : memref<1x200x64xf32, #tpu.memory_space<vmem>> -> memref<200x64xf32, #tpu.memory_space<vmem>>
    %dma_start3A_228 = arith.constant 100 : i32
    %dma_start3A_229 = arith.constant 0 : i32
    %dma_start3A_230 = tpu.memref_slice %dma_start3A_227[%dma_start3A_228, %dma_start3A_229] : memref<200x64xf32, #tpu.memory_space<vmem>> -> memref<50x64xf32, #tpu.memory_space<vmem>>
    %dma_start3A_231 = arith.constant 0 : i32
    %dma_start3A_232 = arith.constant 0 : i32
    %dma_start3A_233 = tpu.memref_slice %arg4[%add3A_172, %dma_start3A_231, %dma_start3A_232] : memref<16384x50x64xf32, #tpu.memory_space<hbm>> -> memref<1x50x64xf32, #tpu.memory_space<hbm>>
    %dma_start3A_234 = tpu.memref_squeeze %dma_start3A_233 : memref<1x50x64xf32, #tpu.memory_space<hbm>> -> memref<50x64xf32, #tpu.memory_space<hbm>>
    %dma_start3A_235 = arith.constant 0 : i32
    %dma_start3A_236 = arith.constant 0 : i32
    %dma_start3A_237 = tpu.memref_slice %arg4[%add3A_172, %dma_start3A_235, %dma_start3A_236] : memref<16384x50x64xf32, #tpu.memory_space<hbm>> -> memref<1x50x64xf32, #tpu.memory_space<hbm>>
    %dma_start3A_238 = tpu.memref_squeeze %dma_start3A_237 : memref<1x50x64xf32, #tpu.memory_space<hbm>> -> memref<50x64xf32, #tpu.memory_space<hbm>>
    %dma_start3A_239 = arith.constant 0 : i32
    %dma_start3A_240 = arith.constant 0 : i32
    %dma_start3A_241 = tpu.memref_slice %arg6[%dma_start3A_223, %dma_start3A_239, %dma_start3A_240] : memref<4x200x64xf32, #tpu.memory_space<vmem>> -> memref<1x200x64xf32, #tpu.memory_space<vmem>>
    %dma_start3A_242 = tpu.memref_squeeze %dma_start3A_241 : memref<1x200x64xf32, #tpu.memory_space<vmem>> -> memref<200x64xf32, #tpu.memory_space<vmem>>
    %dma_start3A_243 = arith.constant 100 : i32
    %dma_start3A_244 = arith.constant 0 : i32
    %dma_start3A_245 = tpu.memref_slice %dma_start3A_242[%dma_start3A_243, %dma_start3A_244] : memref<200x64xf32, #tpu.memory_space<vmem>> -> memref<50x64xf32, #tpu.memory_space<vmem>>
    tpu.enqueue_dma source(%dma_start3A_245 : memref<50x64xf32, #tpu.memory_space<vmem>>) target(%dma_start3A_238 : memref<50x64xf32, #tpu.memory_space<hbm>>) target_semaphore(%arg12 : memref<!tpu.dma_semaphore, #tpu.memory_space<semaphore_mem>>)
    %dma_start3A_246 = arith.constant 1 : i32
    %dma_start3A_247 = arith.constant 0 : i32
    %dma_start3A_248 = arith.constant 0 : i32
    %dma_start3A_249 = tpu.memref_slice %arg6[%dma_start3A_246, %dma_start3A_247, %dma_start3A_248] : memref<4x200x64xf32, #tpu.memory_space<vmem>> -> memref<1x200x64xf32, #tpu.memory_space<vmem>>
    %dma_start3A_250 = tpu.memref_squeeze %dma_start3A_249 : memref<1x200x64xf32, #tpu.memory_space<vmem>> -> memref<200x64xf32, #tpu.memory_space<vmem>>
    %dma_start3A_251 = arith.constant 150 : i32
    %dma_start3A_252 = arith.constant 0 : i32
    %dma_start3A_253 = tpu.memref_slice %dma_start3A_250[%dma_start3A_251, %dma_start3A_252] : memref<200x64xf32, #tpu.memory_space<vmem>> -> memref<50x64xf32, #tpu.memory_space<vmem>>
    %dma_start3A_254 = arith.constant 0 : i32
    %dma_start3A_255 = arith.constant 0 : i32
    %dma_start3A_256 = tpu.memref_slice %arg4[%add3A_176, %dma_start3A_254, %dma_start3A_255] : memref<16384x50x64xf32, #tpu.memory_space<hbm>> -> memref<1x50x64xf32, #tpu.memory_space<hbm>>
    %dma_start3A_257 = tpu.memref_squeeze %dma_start3A_256 : memref<1x50x64xf32, #tpu.memory_space<hbm>> -> memref<50x64xf32, #tpu.memory_space<hbm>>
    %dma_start3A_258 = arith.constant 0 : i32
    %dma_start3A_259 = arith.constant 0 : i32
    %dma_start3A_260 = tpu.memref_slice %arg4[%add3A_176, %dma_start3A_258, %dma_start3A_259] : memref<16384x50x64xf32, #tpu.memory_space<hbm>> -> memref<1x50x64xf32, #tpu.memory_space<hbm>>
    %dma_start3A_261 = tpu.memref_squeeze %dma_start3A_260 : memref<1x50x64xf32, #tpu.memory_space<hbm>> -> memref<50x64xf32, #tpu.memory_space<hbm>>
    %dma_start3A_262 = arith.constant 0 : i32
    %dma_start3A_263 = arith.constant 0 : i32
    %dma_start3A_264 = tpu.memref_slice %arg6[%dma_start3A_246, %dma_start3A_262, %dma_start3A_263] : memref<4x200x64xf32, #tpu.memory_space<vmem>> -> memref<1x200x64xf32, #tpu.memory_space<vmem>>
    %dma_start3A_265 = tpu.memref_squeeze %dma_start3A_264 : memref<1x200x64xf32, #tpu.memory_space<vmem>> -> memref<200x64xf32, #tpu.memory_space<vmem>>
    %dma_start3A_266 = arith.constant 150 : i32
    %dma_start3A_267 = arith.constant 0 : i32
    %dma_start3A_268 = tpu.memref_slice %dma_start3A_265[%dma_start3A_266, %dma_start3A_267] : memref<200x64xf32, #tpu.memory_space<vmem>> -> memref<50x64xf32, #tpu.memory_space<vmem>>
    tpu.enqueue_dma source(%dma_start3A_268 : memref<50x64xf32, #tpu.memory_space<vmem>>) target(%dma_start3A_261 : memref<50x64xf32, #tpu.memory_space<hbm>>) target_semaphore(%arg12 : memref<!tpu.dma_semaphore, #tpu.memory_space<semaphore_mem>>)
    %dma_start3A_269 = arith.constant 3 : i32
    %dma_start3A_270 = arith.constant 0 : i32
    %dma_start3A_271 = arith.constant 0 : i32
    %dma_start3A_272 = tpu.memref_slice %arg6[%dma_start3A_269, %dma_start3A_270, %dma_start3A_271] : memref<4x200x64xf32, #tpu.memory_space<vmem>> -> memref<1x200x64xf32, #tpu.memory_space<vmem>>
    %dma_start3A_273 = tpu.memref_squeeze %dma_start3A_272 : memref<1x200x64xf32, #tpu.memory_space<vmem>> -> memref<200x64xf32, #tpu.memory_space<vmem>>
    %dma_start3A_274 = arith.constant 600 : i32
    %dma_start3A_275 = tpu.memref_slice %arg5[%dma_start3A_274] : memref<25600xi32, #tpu.memory_space<vmem>> -> memref<200xi32, #tpu.memory_space<vmem>>
    %dma_start3A_276 = arith.constant 0 : i32
    %dma_start3A_277 = arith.constant 0 : i32
    %dma_start3A_278 = tpu.memref_slice %arg2[%dma_start3A_276, %dma_start3A_277] : memref<1000000x64xf32, #tpu.memory_space<hbm>> -> memref<1000000x64xf32, #tpu.memory_space<hbm>>
    tpu.enqueue_indirect_dma source(%dma_start3A_278 : memref<1000000x64xf32, #tpu.memory_space<hbm>>) target(%dma_start3A_273 : memref<200x64xf32, #tpu.memory_space<vmem>>) offsets(%dma_start3A_275 : memref<200xi32, #tpu.memory_space<vmem>>) semaphore(%arg10 : memref<!tpu.dma_semaphore, #tpu.memory_space<semaphore_mem>>)
    %dma_wait3A_279 = arith.constant 2 : i32
    %dma_wait3A_280 = arith.constant 0 : i32
    %dma_wait3A_281 = arith.constant 0 : i32
    %dma_wait3A_282 = tpu.memref_slice %arg6[%dma_wait3A_279, %dma_wait3A_280, %dma_wait3A_281] : memref<4x200x64xf32, #tpu.memory_space<vmem>> -> memref<1x200x64xf32, #tpu.memory_space<vmem>>
    %dma_wait3A_283 = tpu.memref_squeeze %dma_wait3A_282 : memref<1x200x64xf32, #tpu.memory_space<vmem>> -> memref<200x64xf32, #tpu.memory_space<vmem>>
    %dma_wait3A_284 = arith.constant 400 : i32
    %dma_wait3A_285 = tpu.memref_slice %arg5[%dma_wait3A_284] : memref<25600xi32, #tpu.memory_space<vmem>> -> memref<200xi32, #tpu.memory_space<vmem>>
    %dma_wait3A_286 = arith.constant 0 : i32
    %dma_wait3A_287 = arith.constant 0 : i32
    %dma_wait3A_288 = tpu.memref_slice %arg2[%dma_wait3A_286, %dma_wait3A_287] : memref<1000000x64xf32, #tpu.memory_space<hbm>> -> memref<1000000x64xf32, #tpu.memory_space<hbm>>
    tpu.wait_indirect_dma semaphore(%arg9 : memref<!tpu.dma_semaphore, #tpu.memory_space<semaphore_mem>>) src(%dma_wait3A_288 : memref<1000000x64xf32, #tpu.memory_space<hbm>>) dst(%dma_wait3A_283 : memref<200x64xf32, #tpu.memory_space<vmem>>)
    %add3A_289 = arith.constant 8 : i32
    %add3A_290 = arith.addi %mul3A_4, %add3A_289 : i32
    %add3A_291 = arith.constant 0 : i32
    %add3A_292 = arith.addi %add3A_290, %add3A_291 : i32
    %add3A_293 = arith.constant 8 : i32
    %add3A_294 = arith.addi %mul3A_4, %add3A_293 : i32
    %add3A_295 = arith.constant 1 : i32
    %add3A_296 = arith.addi %add3A_294, %add3A_295 : i32
    %add3A_297 = arith.constant 8 : i32
    %add3A_298 = arith.addi %mul3A_4, %add3A_297 : i32
    %add3A_299 = arith.constant 2 : i32
    %add3A_300 = arith.addi %add3A_298, %add3A_299 : i32
    %add3A_301 = arith.constant 8 : i32
    %add3A_302 = arith.addi %mul3A_4, %add3A_301 : i32
    %add3A_303 = arith.constant 3 : i32
    %add3A_304 = arith.addi %add3A_302, %add3A_303 : i32
    %dma_start3A_305 = arith.constant 2 : i32
    %dma_start3A_306 = arith.constant 0 : i32
    %dma_start3A_307 = arith.constant 0 : i32
    %dma_start3A_308 = tpu.memref_slice %arg6[%dma_start3A_305, %dma_start3A_306, %dma_start3A_307] : memref<4x200x64xf32, #tpu.memory_space<vmem>> -> memref<1x200x64xf32, #tpu.memory_space<vmem>>
    %dma_start3A_309 = tpu.memref_squeeze %dma_start3A_308 : memref<1x200x64xf32, #tpu.memory_space<vmem>> -> memref<200x64xf32, #tpu.memory_space<vmem>>
    %dma_start3A_310 = arith.constant 0 : i32
    %dma_start3A_311 = arith.constant 0 : i32
    %dma_start3A_312 = tpu.memref_slice %dma_start3A_309[%dma_start3A_310, %dma_start3A_311] : memref<200x64xf32, #tpu.memory_space<vmem>> -> memref<50x64xf32, #tpu.memory_space<vmem>>
    %dma_start3A_313 = arith.constant 0 : i32
    %dma_start3A_314 = arith.constant 0 : i32
    %dma_start3A_315 = tpu.memref_slice %arg4[%add3A_292, %dma_start3A_313, %dma_start3A_314] : memref<16384x50x64xf32, #tpu.memory_space<hbm>> -> memref<1x50x64xf32, #tpu.memory_space<hbm>>
    %dma_start3A_316 = tpu.memref_squeeze %dma_start3A_315 : memref<1x50x64xf32, #tpu.memory_space<hbm>> -> memref<50x64xf32, #tpu.memory_space<hbm>>
    %dma_start3A_317 = arith.constant 0 : i32
    %dma_start3A_318 = arith.constant 0 : i32
    %dma_start3A_319 = tpu.memref_slice %arg4[%add3A_292, %dma_start3A_317, %dma_start3A_318] : memref<16384x50x64xf32, #tpu.memory_space<hbm>> -> memref<1x50x64xf32, #tpu.memory_space<hbm>>
    %dma_start3A_320 = tpu.memref_squeeze %dma_start3A_319 : memref<1x50x64xf32, #tpu.memory_space<hbm>> -> memref<50x64xf32, #tpu.memory_space<hbm>>
    %dma_start3A_321 = arith.constant 0 : i32
    %dma_start3A_322 = arith.constant 0 : i32
    %dma_start3A_323 = tpu.memref_slice %arg6[%dma_start3A_305, %dma_start3A_321, %dma_start3A_322] : memref<4x200x64xf32, #tpu.memory_space<vmem>> -> memref<1x200x64xf32, #tpu.memory_space<vmem>>
    %dma_start3A_324 = tpu.memref_squeeze %dma_start3A_323 : memref<1x200x64xf32, #tpu.memory_space<vmem>> -> memref<200x64xf32, #tpu.memory_space<vmem>>
    %dma_start3A_325 = arith.constant 0 : i32
    %dma_start3A_326 = arith.constant 0 : i32
    %dma_start3A_327 = tpu.memref_slice %dma_start3A_324[%dma_start3A_325, %dma_start3A_326] : memref<200x64xf32, #tpu.memory_space<vmem>> -> memref<50x64xf32, #tpu.memory_space<vmem>>
    tpu.enqueue_dma source(%dma_start3A_327 : memref<50x64xf32, #tpu.memory_space<vmem>>) target(%dma_start3A_320 : memref<50x64xf32, #tpu.memory_space<hbm>>) target_semaphore(%arg13 : memref<!tpu.dma_semaphore, #tpu.memory_space<semaphore_mem>>)
    %dma_start3A_328 = arith.constant 2 : i32
    %dma_start3A_329 = arith.constant 0 : i32
    %dma_start3A_330 = arith.constant 0 : i32
    %dma_start3A_331 = tpu.memref_slice %arg6[%dma_start3A_328, %dma_start3A_329, %dma_start3A_330] : memref<4x200x64xf32, #tpu.memory_space<vmem>> -> memref<1x200x64xf32, #tpu.memory_space<vmem>>
    %dma_start3A_332 = tpu.memref_squeeze %dma_start3A_331 : memref<1x200x64xf32, #tpu.memory_space<vmem>> -> memref<200x64xf32, #tpu.memory_space<vmem>>
    %dma_start3A_333 = arith.constant 50 : i32
    %dma_start3A_334 = arith.constant 0 : i32
    %dma_start3A_335 = tpu.memref_slice %dma_start3A_332[%dma_start3A_333, %dma_start3A_334] : memref<200x64xf32, #tpu.memory_space<vmem>> -> memref<50x64xf32, #tpu.memory_space<vmem>>
    %dma_start3A_336 = arith.constant 0 : i32
    %dma_start3A_337 = arith.constant 0 : i32
    %dma_start3A_338 = tpu.memref_slice %arg4[%add3A_296, %dma_start3A_336, %dma_start3A_337] : memref<16384x50x64xf32, #tpu.memory_space<hbm>> -> memref<1x50x64xf32, #tpu.memory_space<hbm>>
    %dma_start3A_339 = tpu.memref_squeeze %dma_start3A_338 : memref<1x50x64xf32, #tpu.memory_space<hbm>> -> memref<50x64xf32, #tpu.memory_space<hbm>>
    %dma_start3A_340 = arith.constant 0 : i32
    %dma_start3A_341 = arith.constant 0 : i32
    %dma_start3A_342 = tpu.memref_slice %arg4[%add3A_296, %dma_start3A_340, %dma_start3A_341] : memref<16384x50x64xf32, #tpu.memory_space<hbm>> -> memref<1x50x64xf32, #tpu.memory_space<hbm>>
    %dma_start3A_343 = tpu.memref_squeeze %dma_start3A_342 : memref<1x50x64xf32, #tpu.memory_space<hbm>> -> memref<50x64xf32, #tpu.memory_space<hbm>>
    %dma_start3A_344 = arith.constant 0 : i32
    %dma_start3A_345 = arith.constant 0 : i32
    %dma_start3A_346 = tpu.memref_slice %arg6[%dma_start3A_328, %dma_start3A_344, %dma_start3A_345] : memref<4x200x64xf32, #tpu.memory_space<vmem>> -> memref<1x200x64xf32, #tpu.memory_space<vmem>>
    %dma_start3A_347 = tpu.memref_squeeze %dma_start3A_346 : memref<1x200x64xf32, #tpu.memory_space<vmem>> -> memref<200x64xf32, #tpu.memory_space<vmem>>
    %dma_start3A_348 = arith.constant 50 : i32
    %dma_start3A_349 = arith.constant 0 : i32
    %dma_start3A_350 = tpu.memref_slice %dma_start3A_347[%dma_start3A_348, %dma_start3A_349] : memref<200x64xf32, #tpu.memory_space<vmem>> -> memref<50x64xf32, #tpu.memory_space<vmem>>
    tpu.enqueue_dma source(%dma_start3A_350 : memref<50x64xf32, #tpu.memory_space<vmem>>) target(%dma_start3A_343 : memref<50x64xf32, #tpu.memory_space<hbm>>) target_semaphore(%arg13 : memref<!tpu.dma_semaphore, #tpu.memory_space<semaphore_mem>>)
    %dma_start3A_351 = arith.constant 2 : i32
    %dma_start3A_352 = arith.constant 0 : i32
    %dma_start3A_353 = arith.constant 0 : i32
    %dma_start3A_354 = tpu.memref_slice %arg6[%dma_start3A_351, %dma_start3A_352, %dma_start3A_353] : memref<4x200x64xf32, #tpu.memory_space<vmem>> -> memref<1x200x64xf32, #tpu.memory_space<vmem>>
    %dma_start3A_355 = tpu.memref_squeeze %dma_start3A_354 : memref<1x200x64xf32, #tpu.memory_space<vmem>> -> memref<200x64xf32, #tpu.memory_space<vmem>>
    %dma_start3A_356 = arith.constant 100 : i32
    %dma_start3A_357 = arith.constant 0 : i32
    %dma_start3A_358 = tpu.memref_slice %dma_start3A_355[%dma_start3A_356, %dma_start3A_357] : memref<200x64xf32, #tpu.memory_space<vmem>> -> memref<50x64xf32, #tpu.memory_space<vmem>>
    %dma_start3A_359 = arith.constant 0 : i32
    %dma_start3A_360 = arith.constant 0 : i32
    %dma_start3A_361 = tpu.memref_slice %arg4[%add3A_300, %dma_start3A_359, %dma_start3A_360] : memref<16384x50x64xf32, #tpu.memory_space<hbm>> -> memref<1x50x64xf32, #tpu.memory_space<hbm>>
    %dma_start3A_362 = tpu.memref_squeeze %dma_start3A_361 : memref<1x50x64xf32, #tpu.memory_space<hbm>> -> memref<50x64xf32, #tpu.memory_space<hbm>>
    %dma_start3A_363 = arith.constant 0 : i32
    %dma_start3A_364 = arith.constant 0 : i32
    %dma_start3A_365 = tpu.memref_slice %arg4[%add3A_300, %dma_start3A_363, %dma_start3A_364] : memref<16384x50x64xf32, #tpu.memory_space<hbm>> -> memref<1x50x64xf32, #tpu.memory_space<hbm>>
    %dma_start3A_366 = tpu.memref_squeeze %dma_start3A_365 : memref<1x50x64xf32, #tpu.memory_space<hbm>> -> memref<50x64xf32, #tpu.memory_space<hbm>>
    %dma_start3A_367 = arith.constant 0 : i32
    %dma_start3A_368 = arith.constant 0 : i32
    %dma_start3A_369 = tpu.memref_slice %arg6[%dma_start3A_351, %dma_start3A_367, %dma_start3A_368] : memref<4x200x64xf32, #tpu.memory_space<vmem>> -> memref<1x200x64xf32, #tpu.memory_space<vmem>>
    %dma_start3A_370 = tpu.memref_squeeze %dma_start3A_369 : memref<1x200x64xf32, #tpu.memory_space<vmem>> -> memref<200x64xf32, #tpu.memory_space<vmem>>
    %dma_start3A_371 = arith.constant 100 : i32
    %dma_start3A_372 = arith.constant 0 : i32
    %dma_start3A_373 = tpu.memref_slice %dma_start3A_370[%dma_start3A_371, %dma_start3A_372] : memref<200x64xf32, #tpu.memory_space<vmem>> -> memref<50x64xf32, #tpu.memory_space<vmem>>
    tpu.enqueue_dma source(%dma_start3A_373 : memref<50x64xf32, #tpu.memory_space<vmem>>) target(%dma_start3A_366 : memref<50x64xf32, #tpu.memory_space<hbm>>) target_semaphore(%arg13 : memref<!tpu.dma_semaphore, #tpu.memory_space<semaphore_mem>>)
    %dma_start3A_374 = arith.constant 2 : i32
    %dma_start3A_375 = arith.constant 0 : i32
    %dma_start3A_376 = arith.constant 0 : i32
    %dma_start3A_377 = tpu.memref_slice %arg6[%dma_start3A_374, %dma_start3A_375, %dma_start3A_376] : memref<4x200x64xf32, #tpu.memory_space<vmem>> -> memref<1x200x64xf32, #tpu.memory_space<vmem>>
    %dma_start3A_378 = tpu.memref_squeeze %dma_start3A_377 : memref<1x200x64xf32, #tpu.memory_space<vmem>> -> memref<200x64xf32, #tpu.memory_space<vmem>>
    %dma_start3A_379 = arith.constant 150 : i32
    %dma_start3A_380 = arith.constant 0 : i32
    %dma_start3A_381 = tpu.memref_slice %dma_start3A_378[%dma_start3A_379, %dma_start3A_380] : memref<200x64xf32, #tpu.memory_space<vmem>> -> memref<50x64xf32, #tpu.memory_space<vmem>>
    %dma_start3A_382 = arith.constant 0 : i32
    %dma_start3A_383 = arith.constant 0 : i32
    %dma_start3A_384 = tpu.memref_slice %arg4[%add3A_304, %dma_start3A_382, %dma_start3A_383] : memref<16384x50x64xf32, #tpu.memory_space<hbm>> -> memref<1x50x64xf32, #tpu.memory_space<hbm>>
    %dma_start3A_385 = tpu.memref_squeeze %dma_start3A_384 : memref<1x50x64xf32, #tpu.memory_space<hbm>> -> memref<50x64xf32, #tpu.memory_space<hbm>>
    %dma_start3A_386 = arith.constant 0 : i32
    %dma_start3A_387 = arith.constant 0 : i32
    %dma_start3A_388 = tpu.memref_slice %arg4[%add3A_304, %dma_start3A_386, %dma_start3A_387] : memref<16384x50x64xf32, #tpu.memory_space<hbm>> -> memref<1x50x64xf32, #tpu.memory_space<hbm>>
    %dma_start3A_389 = tpu.memref_squeeze %dma_start3A_388 : memref<1x50x64xf32, #tpu.memory_space<hbm>> -> memref<50x64xf32, #tpu.memory_space<hbm>>
    %dma_start3A_390 = arith.constant 0 : i32
    %dma_start3A_391 = arith.constant 0 : i32
    %dma_start3A_392 = tpu.memref_slice %arg6[%dma_start3A_374, %dma_start3A_390, %dma_start3A_391] : memref<4x200x64xf32, #tpu.memory_space<vmem>> -> memref<1x200x64xf32, #tpu.memory_space<vmem>>
    %dma_start3A_393 = tpu.memref_squeeze %dma_start3A_392 : memref<1x200x64xf32, #tpu.memory_space<vmem>> -> memref<200x64xf32, #tpu.memory_space<vmem>>
    %dma_start3A_394 = arith.constant 150 : i32
    %dma_start3A_395 = arith.constant 0 : i32
    %dma_start3A_396 = tpu.memref_slice %dma_start3A_393[%dma_start3A_394, %dma_start3A_395] : memref<200x64xf32, #tpu.memory_space<vmem>> -> memref<50x64xf32, #tpu.memory_space<vmem>>
    tpu.enqueue_dma source(%dma_start3A_396 : memref<50x64xf32, #tpu.memory_space<vmem>>) target(%dma_start3A_389 : memref<50x64xf32, #tpu.memory_space<hbm>>) target_semaphore(%arg13 : memref<!tpu.dma_semaphore, #tpu.memory_space<semaphore_mem>>)
    %add3A_397 = arith.constant 0 : i32
    %add3A_398 = arith.addi %mul3A_4, %add3A_397 : i32
    %add3A_399 = arith.constant 0 : i32
    %add3A_400 = arith.addi %add3A_398, %add3A_399 : i32
    %add3A_401 = arith.constant 0 : i32
    %add3A_402 = arith.addi %mul3A_4, %add3A_401 : i32
    %add3A_403 = arith.constant 1 : i32
    %add3A_404 = arith.addi %add3A_402, %add3A_403 : i32
    %add3A_405 = arith.constant 0 : i32
    %add3A_406 = arith.addi %mul3A_4, %add3A_405 : i32
    %add3A_407 = arith.constant 2 : i32
    %add3A_408 = arith.addi %add3A_406, %add3A_407 : i32
    %add3A_409 = arith.constant 0 : i32
    %add3A_410 = arith.addi %mul3A_4, %add3A_409 : i32
    %add3A_411 = arith.constant 3 : i32
    %add3A_412 = arith.addi %add3A_410, %add3A_411 : i32
    %dma_wait3A_413 = arith.constant 0 : i32
    %dma_wait3A_414 = arith.constant 0 : i32
    %dma_wait3A_415 = arith.constant 0 : i32
    %dma_wait3A_416 = tpu.memref_slice %arg6[%dma_wait3A_413, %dma_wait3A_414, %dma_wait3A_415] : memref<4x200x64xf32, #tpu.memory_space<vmem>> -> memref<1x200x64xf32, #tpu.memory_space<vmem>>
    %dma_wait3A_417 = tpu.memref_squeeze %dma_wait3A_416 : memref<1x200x64xf32, #tpu.memory_space<vmem>> -> memref<200x64xf32, #tpu.memory_space<vmem>>
    %dma_wait3A_418 = arith.constant 0 : i32
    %dma_wait3A_419 = arith.constant 0 : i32
    %dma_wait3A_420 = tpu.memref_slice %dma_wait3A_417[%dma_wait3A_418, %dma_wait3A_419] : memref<200x64xf32, #tpu.memory_space<vmem>> -> memref<50x64xf32, #tpu.memory_space<vmem>>
    %dma_wait3A_421 = arith.constant 0 : i32
    %dma_wait3A_422 = arith.constant 0 : i32
    %dma_wait3A_423 = tpu.memref_slice %arg4[%add3A_400, %dma_wait3A_421, %dma_wait3A_422] : memref<16384x50x64xf32, #tpu.memory_space<hbm>> -> memref<1x50x64xf32, #tpu.memory_space<hbm>>
    %dma_wait3A_424 = tpu.memref_squeeze %dma_wait3A_423 : memref<1x50x64xf32, #tpu.memory_space<hbm>> -> memref<50x64xf32, #tpu.memory_space<hbm>>
    %dma_wait3A_425 = arith.constant 0 : i32
    %dma_wait3A_426 = arith.constant 0 : i32
    %dma_wait3A_427 = tpu.memref_slice %arg4[%add3A_400, %dma_wait3A_425, %dma_wait3A_426] : memref<16384x50x64xf32, #tpu.memory_space<hbm>> -> memref<1x50x64xf32, #tpu.memory_space<hbm>>
    %dma_wait3A_428 = tpu.memref_squeeze %dma_wait3A_427 : memref<1x50x64xf32, #tpu.memory_space<hbm>> -> memref<50x64xf32, #tpu.memory_space<hbm>>
    %dma_wait3A_429 = arith.constant 0 : i32
    %dma_wait3A_430 = arith.constant 0 : i32
    %dma_wait3A_431 = tpu.memref_slice %arg6[%dma_wait3A_413, %dma_wait3A_429, %dma_wait3A_430] : memref<4x200x64xf32, #tpu.memory_space<vmem>> -> memref<1x200x64xf32, #tpu.memory_space<vmem>>
    %dma_wait3A_432 = tpu.memref_squeeze %dma_wait3A_431 : memref<1x200x64xf32, #tpu.memory_space<vmem>> -> memref<200x64xf32, #tpu.memory_space<vmem>>
    %dma_wait3A_433 = arith.constant 0 : i32
    %dma_wait3A_434 = arith.constant 0 : i32
    %dma_wait3A_435 = tpu.memref_slice %dma_wait3A_432[%dma_wait3A_433, %dma_wait3A_434] : memref<200x64xf32, #tpu.memory_space<vmem>> -> memref<50x64xf32, #tpu.memory_space<vmem>>
    tpu.wait_dma2 semaphore(%arg11 : memref<!tpu.dma_semaphore, #tpu.memory_space<semaphore_mem>>) src(%dma_wait3A_435 : memref<50x64xf32, #tpu.memory_space<vmem>>) dst(%dma_wait3A_428 : memref<50x64xf32, #tpu.memory_space<hbm>>)
    %dma_wait3A_436 = arith.constant 0 : i32
    %dma_wait3A_437 = arith.constant 0 : i32
    %dma_wait3A_438 = arith.constant 0 : i32
    %dma_wait3A_439 = tpu.memref_slice %arg6[%dma_wait3A_436, %dma_wait3A_437, %dma_wait3A_438] : memref<4x200x64xf32, #tpu.memory_space<vmem>> -> memref<1x200x64xf32, #tpu.memory_space<vmem>>
    %dma_wait3A_440 = tpu.memref_squeeze %dma_wait3A_439 : memref<1x200x64xf32, #tpu.memory_space<vmem>> -> memref<200x64xf32, #tpu.memory_space<vmem>>
    %dma_wait3A_441 = arith.constant 50 : i32
    %dma_wait3A_442 = arith.constant 0 : i32
    %dma_wait3A_443 = tpu.memref_slice %dma_wait3A_440[%dma_wait3A_441, %dma_wait3A_442] : memref<200x64xf32, #tpu.memory_space<vmem>> -> memref<50x64xf32, #tpu.memory_space<vmem>>
    %dma_wait3A_444 = arith.constant 0 : i32
    %dma_wait3A_445 = arith.constant 0 : i32
    %dma_wait3A_446 = tpu.memref_slice %arg4[%add3A_404, %dma_wait3A_444, %dma_wait3A_445] : memref<16384x50x64xf32, #tpu.memory_space<hbm>> -> memref<1x50x64xf32, #tpu.memory_space<hbm>>
    %dma_wait3A_447 = tpu.memref_squeeze %dma_wait3A_446 : memref<1x50x64xf32, #tpu.memory_space<hbm>> -> memref<50x64xf32, #tpu.memory_space<hbm>>
    %dma_wait3A_448 = arith.constant 0 : i32
    %dma_wait3A_449 = arith.constant 0 : i32
    %dma_wait3A_450 = tpu.memref_slice %arg4[%add3A_404, %dma_wait3A_448, %dma_wait3A_449] : memref<16384x50x64xf32, #tpu.memory_space<hbm>> -> memref<1x50x64xf32, #tpu.memory_space<hbm>>
    %dma_wait3A_451 = tpu.memref_squeeze %dma_wait3A_450 : memref<1x50x64xf32, #tpu.memory_space<hbm>> -> memref<50x64xf32, #tpu.memory_space<hbm>>
    %dma_wait3A_452 = arith.constant 0 : i32
    %dma_wait3A_453 = arith.constant 0 : i32
    %dma_wait3A_454 = tpu.memref_slice %arg6[%dma_wait3A_436, %dma_wait3A_452, %dma_wait3A_453] : memref<4x200x64xf32, #tpu.memory_space<vmem>> -> memref<1x200x64xf32, #tpu.memory_space<vmem>>
    %dma_wait3A_455 = tpu.memref_squeeze %dma_wait3A_454 : memref<1x200x64xf32, #tpu.memory_space<vmem>> -> memref<200x64xf32, #tpu.memory_space<vmem>>
    %dma_wait3A_456 = arith.constant 50 : i32
    %dma_wait3A_457 = arith.constant 0 : i32
    %dma_wait3A_458 = tpu.memref_slice %dma_wait3A_455[%dma_wait3A_456, %dma_wait3A_457] : memref<200x64xf32, #tpu.memory_space<vmem>> -> memref<50x64xf32, #tpu.memory_space<vmem>>
    tpu.wait_dma2 semaphore(%arg11 : memref<!tpu.dma_semaphore, #tpu.memory_space<semaphore_mem>>) src(%dma_wait3A_458 : memref<50x64xf32, #tpu.memory_space<vmem>>) dst(%dma_wait3A_451 : memref<50x64xf32, #tpu.memory_space<hbm>>)
    %dma_wait3A_459 = arith.constant 0 : i32
    %dma_wait3A_460 = arith.constant 0 : i32
    %dma_wait3A_461 = arith.constant 0 : i32
    %dma_wait3A_462 = tpu.memref_slice %arg6[%dma_wait3A_459, %dma_wait3A_460, %dma_wait3A_461] : memref<4x200x64xf32, #tpu.memory_space<vmem>> -> memref<1x200x64xf32, #tpu.memory_space<vmem>>
    %dma_wait3A_463 = tpu.memref_squeeze %dma_wait3A_462 : memref<1x200x64xf32, #tpu.memory_space<vmem>> -> memref<200x64xf32, #tpu.memory_space<vmem>>
    %dma_wait3A_464 = arith.constant 100 : i32
    %dma_wait3A_465 = arith.constant 0 : i32
    %dma_wait3A_466 = tpu.memref_slice %dma_wait3A_463[%dma_wait3A_464, %dma_wait3A_465] : memref<200x64xf32, #tpu.memory_space<vmem>> -> memref<50x64xf32, #tpu.memory_space<vmem>>
    %dma_wait3A_467 = arith.constant 0 : i32
    %dma_wait3A_468 = arith.constant 0 : i32
    %dma_wait3A_469 = tpu.memref_slice %arg4[%add3A_408, %dma_wait3A_467, %dma_wait3A_468] : memref<16384x50x64xf32, #tpu.memory_space<hbm>> -> memref<1x50x64xf32, #tpu.memory_space<hbm>>
    %dma_wait3A_470 = tpu.memref_squeeze %dma_wait3A_469 : memref<1x50x64xf32, #tpu.memory_space<hbm>> -> memref<50x64xf32, #tpu.memory_space<hbm>>
    %dma_wait3A_471 = arith.constant 0 : i32
    %dma_wait3A_472 = arith.constant 0 : i32
    %dma_wait3A_473 = tpu.memref_slice %arg4[%add3A_408, %dma_wait3A_471, %dma_wait3A_472] : memref<16384x50x64xf32, #tpu.memory_space<hbm>> -> memref<1x50x64xf32, #tpu.memory_space<hbm>>
    %dma_wait3A_474 = tpu.memref_squeeze %dma_wait3A_473 : memref<1x50x64xf32, #tpu.memory_space<hbm>> -> memref<50x64xf32, #tpu.memory_space<hbm>>
    %dma_wait3A_475 = arith.constant 0 : i32
    %dma_wait3A_476 = arith.constant 0 : i32
    %dma_wait3A_477 = tpu.memref_slice %arg6[%dma_wait3A_459, %dma_wait3A_475, %dma_wait3A_476] : memref<4x200x64xf32, #tpu.memory_space<vmem>> -> memref<1x200x64xf32, #tpu.memory_space<vmem>>
    %dma_wait3A_478 = tpu.memref_squeeze %dma_wait3A_477 : memref<1x200x64xf32, #tpu.memory_space<vmem>> -> memref<200x64xf32, #tpu.memory_space<vmem>>
    %dma_wait3A_479 = arith.constant 100 : i32
    %dma_wait3A_480 = arith.constant 0 : i32
    %dma_wait3A_481 = tpu.memref_slice %dma_wait3A_478[%dma_wait3A_479, %dma_wait3A_480] : memref<200x64xf32, #tpu.memory_space<vmem>> -> memref<50x64xf32, #tpu.memory_space<vmem>>
    tpu.wait_dma2 semaphore(%arg11 : memref<!tpu.dma_semaphore, #tpu.memory_space<semaphore_mem>>) src(%dma_wait3A_481 : memref<50x64xf32, #tpu.memory_space<vmem>>) dst(%dma_wait3A_474 : memref<50x64xf32, #tpu.memory_space<hbm>>)
    %dma_wait3A_482 = arith.constant 0 : i32
    %dma_wait3A_483 = arith.constant 0 : i32
    %dma_wait3A_484 = arith.constant 0 : i32
    %dma_wait3A_485 = tpu.memref_slice %arg6[%dma_wait3A_482, %dma_wait3A_483, %dma_wait3A_484] : memref<4x200x64xf32, #tpu.memory_space<vmem>> -> memref<1x200x64xf32, #tpu.memory_space<vmem>>
    %dma_wait3A_486 = tpu.memref_squeeze %dma_wait3A_485 : memref<1x200x64xf32, #tpu.memory_space<vmem>> -> memref<200x64xf32, #tpu.memory_space<vmem>>
    %dma_wait3A_487 = arith.constant 150 : i32
    %dma_wait3A_488 = arith.constant 0 : i32
    %dma_wait3A_489 = tpu.memref_slice %dma_wait3A_486[%dma_wait3A_487, %dma_wait3A_488] : memref<200x64xf32, #tpu.memory_space<vmem>> -> memref<50x64xf32, #tpu.memory_space<vmem>>
    %dma_wait3A_490 = arith.constant 0 : i32
    %dma_wait3A_491 = arith.constant 0 : i32
    %dma_wait3A_492 = tpu.memref_slice %arg4[%add3A_412, %dma_wait3A_490, %dma_wait3A_491] : memref<16384x50x64xf32, #tpu.memory_space<hbm>> -> memref<1x50x64xf32, #tpu.memory_space<hbm>>
    %dma_wait3A_493 = tpu.memref_squeeze %dma_wait3A_492 : memref<1x50x64xf32, #tpu.memory_space<hbm>> -> memref<50x64xf32, #tpu.memory_space<hbm>>
    %dma_wait3A_494 = arith.constant 0 : i32
    %dma_wait3A_495 = arith.constant 0 : i32
    %dma_wait3A_496 = tpu.memref_slice %arg4[%add3A_412, %dma_wait3A_494, %dma_wait3A_495] : memref<16384x50x64xf32, #tpu.memory_space<hbm>> -> memref<1x50x64xf32, #tpu.memory_space<hbm>>
    %dma_wait3A_497 = tpu.memref_squeeze %dma_wait3A_496 : memref<1x50x64xf32, #tpu.memory_space<hbm>> -> memref<50x64xf32, #tpu.memory_space<hbm>>
    %dma_wait3A_498 = arith.constant 0 : i32
    %dma_wait3A_499 = arith.constant 0 : i32
    %dma_wait3A_500 = tpu.memref_slice %arg6[%dma_wait3A_482, %dma_wait3A_498, %dma_wait3A_499] : memref<4x200x64xf32, #tpu.memory_space<vmem>> -> memref<1x200x64xf32, #tpu.memory_space<vmem>>
    %dma_wait3A_501 = tpu.memref_squeeze %dma_wait3A_500 : memref<1x200x64xf32, #tpu.memory_space<vmem>> -> memref<200x64xf32, #tpu.memory_space<vmem>>
    %dma_wait3A_502 = arith.constant 150 : i32
    %dma_wait3A_503 = arith.constant 0 : i32
    %dma_wait3A_504 = tpu.memref_slice %dma_wait3A_501[%dma_wait3A_502, %dma_wait3A_503] : memref<200x64xf32, #tpu.memory_space<vmem>> -> memref<50x64xf32, #tpu.memory_space<vmem>>
    tpu.wait_dma2 semaphore(%arg11 : memref<!tpu.dma_semaphore, #tpu.memory_space<semaphore_mem>>) src(%dma_wait3A_504 : memref<50x64xf32, #tpu.memory_space<vmem>>) dst(%dma_wait3A_497 : memref<50x64xf32, #tpu.memory_space<hbm>>)
    %dma_start3A_505 = arith.constant 0 : i32
    %dma_start3A_506 = arith.constant 0 : i32
    %dma_start3A_507 = arith.constant 0 : i32
    %dma_start3A_508 = tpu.memref_slice %arg6[%dma_start3A_505, %dma_start3A_506, %dma_start3A_507] : memref<4x200x64xf32, #tpu.memory_space<vmem>> -> memref<1x200x64xf32, #tpu.memory_space<vmem>>
    %dma_start3A_509 = tpu.memref_squeeze %dma_start3A_508 : memref<1x200x64xf32, #tpu.memory_space<vmem>> -> memref<200x64xf32, #tpu.memory_space<vmem>>
    %dma_start3A_510 = arith.constant 800 : i32
    %dma_start3A_511 = tpu.memref_slice %arg5[%dma_start3A_510] : memref<25600xi32, #tpu.memory_space<vmem>> -> memref<200xi32, #tpu.memory_space<vmem>>
    %dma_start3A_512 = arith.constant 0 : i32
    %dma_start3A_513 = arith.constant 0 : i32
    %dma_start3A_514 = tpu.memref_slice %arg2[%dma_start3A_512, %dma_start3A_513] : memref<1000000x64xf32, #tpu.memory_space<hbm>> -> memref<1000000x64xf32, #tpu.memory_space<hbm>>
    tpu.enqueue_indirect_dma source(%dma_start3A_514 : memref<1000000x64xf32, #tpu.memory_space<hbm>>) target(%dma_start3A_509 : memref<200x64xf32, #tpu.memory_space<vmem>>) offsets(%dma_start3A_511 : memref<200xi32, #tpu.memory_space<vmem>>) semaphore(%arg7 : memref<!tpu.dma_semaphore, #tpu.memory_space<semaphore_mem>>)
    %dma_wait3A_515 = arith.constant 3 : i32
    %dma_wait3A_516 = arith.constant 0 : i32
    %dma_wait3A_517 = arith.constant 0 : i32
    %dma_wait3A_518 = tpu.memref_slice %arg6[%dma_wait3A_515, %dma_wait3A_516, %dma_wait3A_517] : memref<4x200x64xf32, #tpu.memory_space<vmem>> -> memref<1x200x64xf32, #tpu.memory_space<vmem>>
    %dma_wait3A_519 = tpu.memref_squeeze %dma_wait3A_518 : memref<1x200x64xf32, #tpu.memory_space<vmem>> -> memref<200x64xf32, #tpu.memory_space<vmem>>
    %dma_wait3A_520 = arith.constant 600 : i32
    %dma_wait3A_521 = tpu.memref_slice %arg5[%dma_wait3A_520] : memref<25600xi32, #tpu.memory_space<vmem>> -> memref<200xi32, #tpu.memory_space<vmem>>
    %dma_wait3A_522 = arith.constant 0 : i32
    %dma_wait3A_523 = arith.constant 0 : i32
    %dma_wait3A_524 = tpu.memref_slice %arg2[%dma_wait3A_522, %dma_wait3A_523] : memref<1000000x64xf32, #tpu.memory_space<hbm>> -> memref<1000000x64xf32, #tpu.memory_space<hbm>>
    tpu.wait_indirect_dma semaphore(%arg10 : memref<!tpu.dma_semaphore, #tpu.memory_space<semaphore_mem>>) src(%dma_wait3A_524 : memref<1000000x64xf32, #tpu.memory_space<hbm>>) dst(%dma_wait3A_519 : memref<200x64xf32, #tpu.memory_space<vmem>>)
    %add3A_525 = arith.constant 12 : i32
    %add3A_526 = arith.addi %mul3A_4, %add3A_525 : i32
    %add3A_527 = arith.constant 0 : i32
    %add3A_528 = arith.addi %add3A_526, %add3A_527 : i32
    %add3A_529 = arith.constant 12 : i32
    %add3A_530 = arith.addi %mul3A_4, %add3A_529 : i32
    %add3A_531 = arith.constant 1 : i32
    %add3A_532 = arith.addi %add3A_530, %add3A_531 : i32
    %add3A_533 = arith.constant 12 : i32
    %add3A_534 = arith.addi %mul3A_4, %add3A_533 : i32
    %add3A_535 = arith.constant 2 : i32
    %add3A_536 = arith.addi %add3A_534, %add3A_535 : i32
    %add3A_537 = arith.constant 12 : i32
    %add3A_538 = arith.addi %mul3A_4, %add3A_537 : i32
    %add3A_539 = arith.constant 3 : i32
    %add3A_540 = arith.addi %add3A_538, %add3A_539 : i32
    %dma_start3A_541 = arith.constant 3 : i32
    %dma_start3A_542 = arith.constant 0 : i32
    %dma_start3A_543 = arith.constant 0 : i32
    %dma_start3A_544 = tpu.memref_slice %arg6[%dma_start3A_541, %dma_start3A_542, %dma_start3A_543] : memref<4x200x64xf32, #tpu.memory_space<vmem>> -> memref<1x200x64xf32, #tpu.memory_space<vmem>>
    %dma_start3A_545 = tpu.memref_squeeze %dma_start3A_544 : memref<1x200x64xf32, #tpu.memory_space<vmem>> -> memref<200x64xf32, #tpu.memory_space<vmem>>
    %dma_start3A_546 = arith.constant 0 : i32
    %dma_start3A_547 = arith.constant 0 : i32
    %dma_start3A_548 = tpu.memref_slice %dma_start3A_545[%dma_start3A_546, %dma_start3A_547] : memref<200x64xf32, #tpu.memory_space<vmem>> -> memref<50x64xf32, #tpu.memory_space<vmem>>
    %dma_start3A_549 = arith.constant 0 : i32
    %dma_start3A_550 = arith.constant 0 : i32
    %dma_start3A_551 = tpu.memref_slice %arg4[%add3A_528, %dma_start3A_549, %dma_start3A_550] : memref<16384x50x64xf32, #tpu.memory_space<hbm>> -> memref<1x50x64xf32, #tpu.memory_space<hbm>>
    %dma_start3A_552 = tpu.memref_squeeze %dma_start3A_551 : memref<1x50x64xf32, #tpu.memory_space<hbm>> -> memref<50x64xf32, #tpu.memory_space<hbm>>
    %dma_start3A_553 = arith.constant 0 : i32
    %dma_start3A_554 = arith.constant 0 : i32
    %dma_start3A_555 = tpu.memref_slice %arg4[%add3A_528, %dma_start3A_553, %dma_start3A_554] : memref<16384x50x64xf32, #tpu.memory_space<hbm>> -> memref<1x50x64xf32, #tpu.memory_space<hbm>>
    %dma_start3A_556 = tpu.memref_squeeze %dma_start3A_555 : memref<1x50x64xf32, #tpu.memory_space<hbm>> -> memref<50x64xf32, #tpu.memory_space<hbm>>
    %dma_start3A_557 = arith.constant 0 : i32
    %dma_start3A_558 = arith.constant 0 : i32
    %dma_start3A_559 = tpu.memref_slice %arg6[%dma_start3A_541, %dma_start3A_557, %dma_start3A_558] : memref<4x200x64xf32, #tpu.memory_space<vmem>> -> memref<1x200x64xf32, #tpu.memory_space<vmem>>
    %dma_start3A_560 = tpu.memref_squeeze %dma_start3A_559 : memref<1x200x64xf32, #tpu.memory_space<vmem>> -> memref<200x64xf32, #tpu.memory_space<vmem>>
    %dma_start3A_561 = arith.constant 0 : i32
    %dma_start3A_562 = arith.constant 0 : i32
    %dma_start3A_563 = tpu.memref_slice %dma_start3A_560[%dma_start3A_561, %dma_start3A_562] : memref<200x64xf32, #tpu.memory_space<vmem>> -> memref<50x64xf32, #tpu.memory_space<vmem>>
    tpu.enqueue_dma source(%dma_start3A_563 : memref<50x64xf32, #tpu.memory_space<vmem>>) target(%dma_start3A_556 : memref<50x64xf32, #tpu.memory_space<hbm>>) target_semaphore(%arg14 : memref<!tpu.dma_semaphore, #tpu.memory_space<semaphore_mem>>)
    %dma_start3A_564 = arith.constant 3 : i32
    %dma_start3A_565 = arith.constant 0 : i32
    %dma_start3A_566 = arith.constant 0 : i32
    %dma_start3A_567 = tpu.memref_slice %arg6[%dma_start3A_564, %dma_start3A_565, %dma_start3A_566] : memref<4x200x64xf32, #tpu.memory_space<vmem>> -> memref<1x200x64xf32, #tpu.memory_space<vmem>>
    %dma_start3A_568 = tpu.memref_squeeze %dma_start3A_567 : memref<1x200x64xf32, #tpu.memory_space<vmem>> -> memref<200x64xf32, #tpu.memory_space<vmem>>
    %dma_start3A_569 = arith.constant 50 : i32
    %dma_start3A_570 = arith.constant 0 : i32
    %dma_start3A_571 = tpu.memref_slice %dma_start3A_568[%dma_start3A_569, %dma_start3A_570] : memref<200x64xf32, #tpu.memory_space<vmem>> -> memref<50x64xf32, #tpu.memory_space<vmem>>
    %dma_start3A_572 = arith.constant 0 : i32
    %dma_start3A_573 = arith.constant 0 : i32
    %dma_start3A_574 = tpu.memref_slice %arg4[%add3A_532, %dma_start3A_572, %dma_start3A_573] : memref<16384x50x64xf32, #tpu.memory_space<hbm>> -> memref<1x50x64xf32, #tpu.memory_space<hbm>>
    %dma_start3A_575 = tpu.memref_squeeze %dma_start3A_574 : memref<1x50x64xf32, #tpu.memory_space<hbm>> -> memref<50x64xf32, #tpu.memory_space<hbm>>
    %dma_start3A_576 = arith.constant 0 : i32
    %dma_start3A_577 = arith.constant 0 : i32
    %dma_start3A_578 = tpu.memref_slice %arg4[%add3A_532, %dma_start3A_576, %dma_start3A_577] : memref<16384x50x64xf32, #tpu.memory_space<hbm>> -> memref<1x50x64xf32, #tpu.memory_space<hbm>>
    %dma_start3A_579 = tpu.memref_squeeze %dma_start3A_578 : memref<1x50x64xf32, #tpu.memory_space<hbm>> -> memref<50x64xf32, #tpu.memory_space<hbm>>
    %dma_start3A_580 = arith.constant 0 : i32
    %dma_start3A_581 = arith.constant 0 : i32
    %dma_start3A_582 = tpu.memref_slice %arg6[%dma_start3A_564, %dma_start3A_580, %dma_start3A_581] : memref<4x200x64xf32, #tpu.memory_space<vmem>> -> memref<1x200x64xf32, #tpu.memory_space<vmem>>
    %dma_start3A_583 = tpu.memref_squeeze %dma_start3A_582 : memref<1x200x64xf32, #tpu.memory_space<vmem>> -> memref<200x64xf32, #tpu.memory_space<vmem>>
    %dma_start3A_584 = arith.constant 50 : i32
    %dma_start3A_585 = arith.constant 0 : i32
    %dma_start3A_586 = tpu.memref_slice %dma_start3A_583[%dma_start3A_584, %dma_start3A_585] : memref<200x64xf32, #tpu.memory_space<vmem>> -> memref<50x64xf32, #tpu.memory_space<vmem>>
    tpu.enqueue_dma source(%dma_start3A_586 : memref<50x64xf32, #tpu.memory_space<vmem>>) target(%dma_start3A_579 : memref<50x64xf32, #tpu.memory_space<hbm>>) target_semaphore(%arg14 : memref<!tpu.dma_semaphore, #tpu.memory_space<semaphore_mem>>)
    %dma_start3A_587 = arith.constant 3 : i32
    %dma_start3A_588 = arith.constant 0 : i32
    %dma_start3A_589 = arith.constant 0 : i32
    %dma_start3A_590 = tpu.memref_slice %arg6[%dma_start3A_587, %dma_start3A_588, %dma_start3A_589] : memref<4x200x64xf32, #tpu.memory_space<vmem>> -> memref<1x200x64xf32, #tpu.memory_space<vmem>>
    %dma_start3A_591 = tpu.memref_squeeze %dma_start3A_590 : memref<1x200x64xf32, #tpu.memory_space<vmem>> -> memref<200x64xf32, #tpu.memory_space<vmem>>
    %dma_start3A_592 = arith.constant 100 : i32
    %dma_start3A_593 = arith.constant 0 : i32
    %dma_start3A_594 = tpu.memref_slice %dma_start3A_591[%dma_start3A_592, %dma_start3A_593] : memref<200x64xf32, #tpu.memory_space<vmem>> -> memref<50x64xf32, #tpu.memory_space<vmem>>
    %dma_start3A_595 = arith.constant 0 : i32
    %dma_start3A_596 = arith.constant 0 : i32
    %dma_start3A_597 = tpu.memref_slice %arg4[%add3A_536, %dma_start3A_595, %dma_start3A_596] : memref<16384x50x64xf32, #tpu.memory_space<hbm>> -> memref<1x50x64xf32, #tpu.memory_space<hbm>>
    %dma_start3A_598 = tpu.memref_squeeze %dma_start3A_597 : memref<1x50x64xf32, #tpu.memory_space<hbm>> -> memref<50x64xf32, #tpu.memory_space<hbm>>
    %dma_start3A_599 = arith.constant 0 : i32
    %dma_start3A_600 = arith.constant 0 : i32
    %dma_start3A_601 = tpu.memref_slice %arg4[%add3A_536, %dma_start3A_599, %dma_start3A_600] : memref<16384x50x64xf32, #tpu.memory_space<hbm>> -> memref<1x50x64xf32, #tpu.memory_space<hbm>>
    %dma_start3A_602 = tpu.memref_squeeze %dma_start3A_601 : memref<1x50x64xf32, #tpu.memory_space<hbm>> -> memref<50x64xf32, #tpu.memory_space<hbm>>
    %dma_start3A_603 = arith.constant 0 : i32
    %dma_start3A_604 = arith.constant 0 : i32
    %dma_start3A_605 = tpu.memref_slice %arg6[%dma_start3A_587, %dma_start3A_603, %dma_start3A_604] : memref<4x200x64xf32, #tpu.memory_space<vmem>> -> memref<1x200x64xf32, #tpu.memory_space<vmem>>
    %dma_start3A_606 = tpu.memref_squeeze %dma_start3A_605 : memref<1x200x64xf32, #tpu.memory_space<vmem>> -> memref<200x64xf32, #tpu.memory_space<vmem>>
    %dma_start3A_607 = arith.constant 100 : i32
    %dma_start3A_608 = arith.constant 0 : i32
    %dma_start3A_609 = tpu.memref_slice %dma_start3A_606[%dma_start3A_607, %dma_start3A_608] : memref<200x64xf32, #tpu.memory_space<vmem>> -> memref<50x64xf32, #tpu.memory_space<vmem>>
    tpu.enqueue_dma source(%dma_start3A_609 : memref<50x64xf32, #tpu.memory_space<vmem>>) target(%dma_start3A_602 : memref<50x64xf32, #tpu.memory_space<hbm>>) target_semaphore(%arg14 : memref<!tpu.dma_semaphore, #tpu.memory_space<semaphore_mem>>)
    %dma_start3A_610 = arith.constant 3 : i32
    %dma_start3A_611 = arith.constant 0 : i32
    %dma_start3A_612 = arith.constant 0 : i32
    %dma_start3A_613 = tpu.memref_slice %arg6[%dma_start3A_610, %dma_start3A_611, %dma_start3A_612] : memref<4x200x64xf32, #tpu.memory_space<vmem>> -> memref<1x200x64xf32, #tpu.memory_space<vmem>>
    %dma_start3A_614 = tpu.memref_squeeze %dma_start3A_613 : memref<1x200x64xf32, #tpu.memory_space<vmem>> -> memref<200x64xf32, #tpu.memory_space<vmem>>
    %dma_start3A_615 = arith.constant 150 : i32
    %dma_start3A_616 = arith.constant 0 : i32
    %dma_start3A_617 = tpu.memref_slice %dma_start3A_614[%dma_start3A_615, %dma_start3A_616] : memref<200x64xf32, #tpu.memory_space<vmem>> -> memref<50x64xf32, #tpu.memory_space<vmem>>
    %dma_start3A_618 = arith.constant 0 : i32
    %dma_start3A_619 = arith.constant 0 : i32
    %dma_start3A_620 = tpu.memref_slice %arg4[%add3A_540, %dma_start3A_618, %dma_start3A_619] : memref<16384x50x64xf32, #tpu.memory_space<hbm>> -> memref<1x50x64xf32, #tpu.memory_space<hbm>>
    %dma_start3A_621 = tpu.memref_squeeze %dma_start3A_620 : memref<1x50x64xf32, #tpu.memory_space<hbm>> -> memref<50x64xf32, #tpu.memory_space<hbm>>
    %dma_start3A_622 = arith.constant 0 : i32
    %dma_start3A_623 = arith.constant 0 : i32
    %dma_start3A_624 = tpu.memref_slice %arg4[%add3A_540, %dma_start3A_622, %dma_start3A_623] : memref<16384x50x64xf32, #tpu.memory_space<hbm>> -> memref<1x50x64xf32, #tpu.memory_space<hbm>>
    %dma_start3A_625 = tpu.memref_squeeze %dma_start3A_624 : memref<1x50x64xf32, #tpu.memory_space<hbm>> -> memref<50x64xf32, #tpu.memory_space<hbm>>
    %dma_start3A_626 = arith.constant 0 : i32
    %dma_start3A_627 = arith.constant 0 : i32
    %dma_start3A_628 = tpu.memref_slice %arg6[%dma_start3A_610, %dma_start3A_626, %dma_start3A_627] : memref<4x200x64xf32, #tpu.memory_space<vmem>> -> memref<1x200x64xf32, #tpu.memory_space<vmem>>
    %dma_start3A_629 = tpu.memref_squeeze %dma_start3A_628 : memref<1x200x64xf32, #tpu.memory_space<vmem>> -> memref<200x64xf32, #tpu.memory_space<vmem>>
    %dma_start3A_630 = arith.constant 150 : i32
    %dma_start3A_631 = arith.constant 0 : i32
    %dma_start3A_632 = tpu.memref_slice %dma_start3A_629[%dma_start3A_630, %dma_start3A_631] : memref<200x64xf32, #tpu.memory_space<vmem>> -> memref<50x64xf32, #tpu.memory_space<vmem>>
    tpu.enqueue_dma source(%dma_start3A_632 : memref<50x64xf32, #tpu.memory_space<vmem>>) target(%dma_start3A_625 : memref<50x64xf32, #tpu.memory_space<hbm>>) target_semaphore(%arg14 : memref<!tpu.dma_semaphore, #tpu.memory_space<semaphore_mem>>)
    %add3A_633 = arith.constant 0 : i32
    %add3A_634 = arith.addi %mul3A_4, %add3A_633 : i32
    %add3A_635 = arith.constant 0 : i32
    %add3A_636 = arith.addi %add3A_634, %add3A_635 : i32
    %add3A_637 = arith.constant 0 : i32
    %add3A_638 = arith.addi %mul3A_4, %add3A_637 : i32
    %add3A_639 = arith.constant 1 : i32
    %add3A_640 = arith.addi %add3A_638, %add3A_639 : i32
    %add3A_641 = arith.constant 0 : i32
    %add3A_642 = arith.addi %mul3A_4, %add3A_641 : i32
    %add3A_643 = arith.constant 2 : i32
    %add3A_644 = arith.addi %add3A_642, %add3A_643 : i32
    %add3A_645 = arith.constant 0 : i32
    %add3A_646 = arith.addi %mul3A_4, %add3A_645 : i32
    %add3A_647 = arith.constant 3 : i32
    %add3A_648 = arith.addi %add3A_646, %add3A_647 : i32
    %dma_wait3A_649 = arith.constant 1 : i32
    %dma_wait3A_650 = arith.constant 0 : i32
    %dma_wait3A_651 = arith.constant 0 : i32
    %dma_wait3A_652 = tpu.memref_slice %arg6[%dma_wait3A_649, %dma_wait3A_650, %dma_wait3A_651] : memref<4x200x64xf32, #tpu.memory_space<vmem>> -> memref<1x200x64xf32, #tpu.memory_space<vmem>>
    %dma_wait3A_653 = tpu.memref_squeeze %dma_wait3A_652 : memref<1x200x64xf32, #tpu.memory_space<vmem>> -> memref<200x64xf32, #tpu.memory_space<vmem>>
    %dma_wait3A_654 = arith.constant 0 : i32
    %dma_wait3A_655 = arith.constant 0 : i32
    %dma_wait3A_656 = tpu.memref_slice %dma_wait3A_653[%dma_wait3A_654, %dma_wait3A_655] : memref<200x64xf32, #tpu.memory_space<vmem>> -> memref<50x64xf32, #tpu.memory_space<vmem>>
    %dma_wait3A_657 = arith.constant 0 : i32
    %dma_wait3A_658 = arith.constant 0 : i32
    %dma_wait3A_659 = tpu.memref_slice %arg4[%add3A_636, %dma_wait3A_657, %dma_wait3A_658] : memref<16384x50x64xf32, #tpu.memory_space<hbm>> -> memref<1x50x64xf32, #tpu.memory_space<hbm>>
    %dma_wait3A_660 = tpu.memref_squeeze %dma_wait3A_659 : memref<1x50x64xf32, #tpu.memory_space<hbm>> -> memref<50x64xf32, #tpu.memory_space<hbm>>
    %dma_wait3A_661 = arith.constant 0 : i32
    %dma_wait3A_662 = arith.constant 0 : i32
    %dma_wait3A_663 = tpu.memref_slice %arg4[%add3A_636, %dma_wait3A_661, %dma_wait3A_662] : memref<16384x50x64xf32, #tpu.memory_space<hbm>> -> memref<1x50x64xf32, #tpu.memory_space<hbm>>
    %dma_wait3A_664 = tpu.memref_squeeze %dma_wait3A_663 : memref<1x50x64xf32, #tpu.memory_space<hbm>> -> memref<50x64xf32, #tpu.memory_space<hbm>>
    %dma_wait3A_665 = arith.constant 0 : i32
    %dma_wait3A_666 = arith.constant 0 : i32
    %dma_wait3A_667 = tpu.memref_slice %arg6[%dma_wait3A_649, %dma_wait3A_665, %dma_wait3A_666] : memref<4x200x64xf32, #tpu.memory_space<vmem>> -> memref<1x200x64xf32, #tpu.memory_space<vmem>>
    %dma_wait3A_668 = tpu.memref_squeeze %dma_wait3A_667 : memref<1x200x64xf32, #tpu.memory_space<vmem>> -> memref<200x64xf32, #tpu.memory_space<vmem>>
    %dma_wait3A_669 = arith.constant 0 : i32
    %dma_wait3A_670 = arith.constant 0 : i32
    %dma_wait3A_671 = tpu.memref_slice %dma_wait3A_668[%dma_wait3A_669, %dma_wait3A_670] : memref<200x64xf32, #tpu.memory_space<vmem>> -> memref<50x64xf32, #tpu.memory_space<vmem>>
    tpu.wait_dma2 semaphore(%arg12 : memref<!tpu.dma_semaphore, #tpu.memory_space<semaphore_mem>>) src(%dma_wait3A_671 : memref<50x64xf32, #tpu.memory_space<vmem>>) dst(%dma_wait3A_664 : memref<50x64xf32, #tpu.memory_space<hbm>>)
    %dma_wait3A_672 = arith.constant 1 : i32
    %dma_wait3A_673 = arith.constant 0 : i32
    %dma_wait3A_674 = arith.constant 0 : i32
    %dma_wait3A_675 = tpu.memref_slice %arg6[%dma_wait3A_672, %dma_wait3A_673, %dma_wait3A_674] : memref<4x200x64xf32, #tpu.memory_space<vmem>> -> memref<1x200x64xf32, #tpu.memory_space<vmem>>
    %dma_wait3A_676 = tpu.memref_squeeze %dma_wait3A_675 : memref<1x200x64xf32, #tpu.memory_space<vmem>> -> memref<200x64xf32, #tpu.memory_space<vmem>>
    %dma_wait3A_677 = arith.constant 50 : i32
    %dma_wait3A_678 = arith.constant 0 : i32
    %dma_wait3A_679 = tpu.memref_slice %dma_wait3A_676[%dma_wait3A_677, %dma_wait3A_678] : memref<200x64xf32, #tpu.memory_space<vmem>> -> memref<50x64xf32, #tpu.memory_space<vmem>>
    %dma_wait3A_680 = arith.constant 0 : i32
    %dma_wait3A_681 = arith.constant 0 : i32
    %dma_wait3A_682 = tpu.memref_slice %arg4[%add3A_640, %dma_wait3A_680, %dma_wait3A_681] : memref<16384x50x64xf32, #tpu.memory_space<hbm>> -> memref<1x50x64xf32, #tpu.memory_space<hbm>>
    %dma_wait3A_683 = tpu.memref_squeeze %dma_wait3A_682 : memref<1x50x64xf32, #tpu.memory_space<hbm>> -> memref<50x64xf32, #tpu.memory_space<hbm>>
    %dma_wait3A_684 = arith.constant 0 : i32
    %dma_wait3A_685 = arith.constant 0 : i32
    %dma_wait3A_686 = tpu.memref_slice %arg4[%add3A_640, %dma_wait3A_684, %dma_wait3A_685] : memref<16384x50x64xf32, #tpu.memory_space<hbm>> -> memref<1x50x64xf32, #tpu.memory_space<hbm>>
    %dma_wait3A_687 = tpu.memref_squeeze %dma_wait3A_686 : memref<1x50x64xf32, #tpu.memory_space<hbm>> -> memref<50x64xf32, #tpu.memory_space<hbm>>
    %dma_wait3A_688 = arith.constant 0 : i32
    %dma_wait3A_689 = arith.constant 0 : i32
    %dma_wait3A_690 = tpu.memref_slice %arg6[%dma_wait3A_672, %dma_wait3A_688, %dma_wait3A_689] : memref<4x200x64xf32, #tpu.memory_space<vmem>> -> memref<1x200x64xf32, #tpu.memory_space<vmem>>
    %dma_wait3A_691 = tpu.memref_squeeze %dma_wait3A_690 : memref<1x200x64xf32, #tpu.memory_space<vmem>> -> memref<200x64xf32, #tpu.memory_space<vmem>>
    %dma_wait3A_692 = arith.constant 50 : i32
    %dma_wait3A_693 = arith.constant 0 : i32
    %dma_wait3A_694 = tpu.memref_slice %dma_wait3A_691[%dma_wait3A_692, %dma_wait3A_693] : memref<200x64xf32, #tpu.memory_space<vmem>> -> memref<50x64xf32, #tpu.memory_space<vmem>>
    tpu.wait_dma2 semaphore(%arg12 : memref<!tpu.dma_semaphore, #tpu.memory_space<semaphore_mem>>) src(%dma_wait3A_694 : memref<50x64xf32, #tpu.memory_space<vmem>>) dst(%dma_wait3A_687 : memref<50x64xf32, #tpu.memory_space<hbm>>)
    %dma_wait3A_695 = arith.constant 1 : i32
    %dma_wait3A_696 = arith.constant 0 : i32
    %dma_wait3A_697 = arith.constant 0 : i32
    %dma_wait3A_698 = tpu.memref_slice %arg6[%dma_wait3A_695, %dma_wait3A_696, %dma_wait3A_697] : memref<4x200x64xf32, #tpu.memory_space<vmem>> -> memref<1x200x64xf32, #tpu.memory_space<vmem>>
    %dma_wait3A_699 = tpu.memref_squeeze %dma_wait3A_698 : memref<1x200x64xf32, #tpu.memory_space<vmem>> -> memref<200x64xf32, #tpu.memory_space<vmem>>
    %dma_wait3A_700 = arith.constant 100 : i32
    %dma_wait3A_701 = arith.constant 0 : i32
    %dma_wait3A_702 = tpu.memref_slice %dma_wait3A_699[%dma_wait3A_700, %dma_wait3A_701] : memref<200x64xf32, #tpu.memory_space<vmem>> -> memref<50x64xf32, #tpu.memory_space<vmem>>
    %dma_wait3A_703 = arith.constant 0 : i32
    %dma_wait3A_704 = arith.constant 0 : i32
    %dma_wait3A_705 = tpu.memref_slice %arg4[%add3A_644, %dma_wait3A_703, %dma_wait3A_704] : memref<16384x50x64xf32, #tpu.memory_space<hbm>> -> memref<1x50x64xf32, #tpu.memory_space<hbm>>
    %dma_wait3A_706 = tpu.memref_squeeze %dma_wait3A_705 : memref<1x50x64xf32, #tpu.memory_space<hbm>> -> memref<50x64xf32, #tpu.memory_space<hbm>>
    %dma_wait3A_707 = arith.constant 0 : i32
    %dma_wait3A_708 = arith.constant 0 : i32
    %dma_wait3A_709 = tpu.memref_slice %arg4[%add3A_644, %dma_wait3A_707, %dma_wait3A_708] : memref<16384x50x64xf32, #tpu.memory_space<hbm>> -> memref<1x50x64xf32, #tpu.memory_space<hbm>>
    %dma_wait3A_710 = tpu.memref_squeeze %dma_wait3A_709 : memref<1x50x64xf32, #tpu.memory_space<hbm>> -> memref<50x64xf32, #tpu.memory_space<hbm>>
    %dma_wait3A_711 = arith.constant 0 : i32
    %dma_wait3A_712 = arith.constant 0 : i32
    %dma_wait3A_713 = tpu.memref_slice %arg6[%dma_wait3A_695, %dma_wait3A_711, %dma_wait3A_712] : memref<4x200x64xf32, #tpu.memory_space<vmem>> -> memref<1x200x64xf32, #tpu.memory_space<vmem>>
    %dma_wait3A_714 = tpu.memref_squeeze %dma_wait3A_713 : memref<1x200x64xf32, #tpu.memory_space<vmem>> -> memref<200x64xf32, #tpu.memory_space<vmem>>
    %dma_wait3A_715 = arith.constant 100 : i32
    %dma_wait3A_716 = arith.constant 0 : i32
    %dma_wait3A_717 = tpu.memref_slice %dma_wait3A_714[%dma_wait3A_715, %dma_wait3A_716] : memref<200x64xf32, #tpu.memory_space<vmem>> -> memref<50x64xf32, #tpu.memory_space<vmem>>
    tpu.wait_dma2 semaphore(%arg12 : memref<!tpu.dma_semaphore, #tpu.memory_space<semaphore_mem>>) src(%dma_wait3A_717 : memref<50x64xf32, #tpu.memory_space<vmem>>) dst(%dma_wait3A_710 : memref<50x64xf32, #tpu.memory_space<hbm>>)
    %dma_wait3A_718 = arith.constant 1 : i32
    %dma_wait3A_719 = arith.constant 0 : i32
    %dma_wait3A_720 = arith.constant 0 : i32
    %dma_wait3A_721 = tpu.memref_slice %arg6[%dma_wait3A_718, %dma_wait3A_719, %dma_wait3A_720] : memref<4x200x64xf32, #tpu.memory_space<vmem>> -> memref<1x200x64xf32, #tpu.memory_space<vmem>>
    %dma_wait3A_722 = tpu.memref_squeeze %dma_wait3A_721 : memref<1x200x64xf32, #tpu.memory_space<vmem>> -> memref<200x64xf32, #tpu.memory_space<vmem>>
    %dma_wait3A_723 = arith.constant 150 : i32
    %dma_wait3A_724 = arith.constant 0 : i32
    %dma_wait3A_725 = tpu.memref_slice %dma_wait3A_722[%dma_wait3A_723, %dma_wait3A_724] : memref<200x64xf32, #tpu.memory_space<vmem>> -> memref<50x64xf32, #tpu.memory_space<vmem>>
    %dma_wait3A_726 = arith.constant 0 : i32
    %dma_wait3A_727 = arith.constant 0 : i32
    %dma_wait3A_728 = tpu.memref_slice %arg4[%add3A_648, %dma_wait3A_726, %dma_wait3A_727] : memref<16384x50x64xf32, #tpu.memory_space<hbm>> -> memref<1x50x64xf32, #tpu.memory_space<hbm>>
    %dma_wait3A_729 = tpu.memref_squeeze %dma_wait3A_728 : memref<1x50x64xf32, #tpu.memory_space<hbm>> -> memref<50x64xf32, #tpu.memory_space<hbm>>
    %dma_wait3A_730 = arith.constant 0 : i32
    %dma_wait3A_731 = arith.constant 0 : i32
    %dma_wait3A_732 = tpu.memref_slice %arg4[%add3A_648, %dma_wait3A_730, %dma_wait3A_731] : memref<16384x50x64xf32, #tpu.memory_space<hbm>> -> memref<1x50x64xf32, #tpu.memory_space<hbm>>
    %dma_wait3A_733 = tpu.memref_squeeze %dma_wait3A_732 : memref<1x50x64xf32, #tpu.memory_space<hbm>> -> memref<50x64xf32, #tpu.memory_space<hbm>>
    %dma_wait3A_734 = arith.constant 0 : i32
    %dma_wait3A_735 = arith.constant 0 : i32
    %dma_wait3A_736 = tpu.memref_slice %arg6[%dma_wait3A_718, %dma_wait3A_734, %dma_wait3A_735] : memref<4x200x64xf32, #tpu.memory_space<vmem>> -> memref<1x200x64xf32, #tpu.memory_space<vmem>>
    %dma_wait3A_737 = tpu.memref_squeeze %dma_wait3A_736 : memref<1x200x64xf32, #tpu.memory_space<vmem>> -> memref<200x64xf32, #tpu.memory_space<vmem>>
    %dma_wait3A_738 = arith.constant 150 : i32
    %dma_wait3A_739 = arith.constant 0 : i32
    %dma_wait3A_740 = tpu.memref_slice %dma_wait3A_737[%dma_wait3A_738, %dma_wait3A_739] : memref<200x64xf32, #tpu.memory_space<vmem>> -> memref<50x64xf32, #tpu.memory_space<vmem>>
    tpu.wait_dma2 semaphore(%arg12 : memref<!tpu.dma_semaphore, #tpu.memory_space<semaphore_mem>>) src(%dma_wait3A_740 : memref<50x64xf32, #tpu.memory_space<vmem>>) dst(%dma_wait3A_733 : memref<50x64xf32, #tpu.memory_space<hbm>>)
    %dma_start3A_741 = arith.constant 1 : i32
    %dma_start3A_742 = arith.constant 0 : i32
    %dma_start3A_743 = arith.constant 0 : i32
    %dma_start3A_744 = tpu.memref_slice %arg6[%dma_start3A_741, %dma_start3A_742, %dma_start3A_743] : memref<4x200x64xf32, #tpu.memory_space<vmem>> -> memref<1x200x64xf32, #tpu.memory_space<vmem>>
    %dma_start3A_745 = tpu.memref_squeeze %dma_start3A_744 : memref<1x200x64xf32, #tpu.memory_space<vmem>> -> memref<200x64xf32, #tpu.memory_space<vmem>>
    %dma_start3A_746 = arith.constant 1000 : i32
    %dma_start3A_747 = tpu.memref_slice %arg5[%dma_start3A_746] : memref<25600xi32, #tpu.memory_space<vmem>> -> memref<200xi32, #tpu.memory_space<vmem>>
    %dma_start3A_748 = arith.constant 0 : i32
    %dma_start3A_749 = arith.constant 0 : i32
    %dma_start3A_750 = tpu.memref_slice %arg2[%dma_start3A_748, %dma_start3A_749] : memref<1000000x64xf32, #tpu.memory_space<hbm>> -> memref<1000000x64xf32, #tpu.memory_space<hbm>>
    tpu.enqueue_indirect_dma source(%dma_start3A_750 : memref<1000000x64xf32, #tpu.memory_space<hbm>>) target(%dma_start3A_745 : memref<200x64xf32, #tpu.memory_space<vmem>>) offsets(%dma_start3A_747 : memref<200xi32, #tpu.memory_space<vmem>>) semaphore(%arg8 : memref<!tpu.dma_semaphore, #tpu.memory_space<semaphore_mem>>)
    %scan3A = arith.constant 0 : i32
    %scan3A_751 = arith.constant 1 : i32
    %scan3A_752 = arith.constant 30 : i32
    %scan3A_753 = arith.addi %scan3A_751, %scan3A_752 : i32
    %scan3A_754 = arith.constant 1 : i32
    %scan3A_755 = scf.for %scan3A_1897 = %scan3A_751 to %scan3A_753 step %scan3A_754 iter_args(%scan3A_1898 = %scan3A) -> (i32)  : i32 {
      %mul3A_1899 = arith.constant 4 : i32
      %mul3A_1900 = arith.muli %scan3A_1897, %mul3A_1899 : i32
      %add3A_1901 = arith.constant 0 : i32
      %add3A_1902 = arith.addi %mul3A_1900, %add3A_1901 : i32
      %mul3A_1903 = arith.constant 200 : i32
      %mul3A_1904 = arith.muli %add3A_1902, %mul3A_1903 : i32
      %dma_wait3A_1905 = arith.constant 0 : i32
      %dma_wait3A_1906 = arith.constant 0 : i32
      %dma_wait3A_1907 = arith.constant 0 : i32
      %dma_wait3A_1908 = tpu.memref_slice %arg6[%dma_wait3A_1905, %dma_wait3A_1906, %dma_wait3A_1907] : memref<4x200x64xf32, #tpu.memory_space<vmem>> -> memref<1x200x64xf32, #tpu.memory_space<vmem>>
      %dma_wait3A_1909 = tpu.memref_squeeze %dma_wait3A_1908 : memref<1x200x64xf32, #tpu.memory_space<vmem>> -> memref<200x64xf32, #tpu.memory_space<vmem>>
      %dma_wait3A_1910 = tpu.memref_slice %arg5[%mul3A_1904] : memref<25600xi32, #tpu.memory_space<vmem>> -> memref<200xi32, #tpu.memory_space<vmem>>
      %dma_wait3A_1911 = arith.constant 0 : i32
      %dma_wait3A_1912 = arith.constant 0 : i32
      %dma_wait3A_1913 = tpu.memref_slice %arg2[%dma_wait3A_1911, %dma_wait3A_1912] : memref<1000000x64xf32, #tpu.memory_space<hbm>> -> memref<1000000x64xf32, #tpu.memory_space<hbm>>
      tpu.wait_indirect_dma semaphore(%arg7 : memref<!tpu.dma_semaphore, #tpu.memory_space<semaphore_mem>>) src(%dma_wait3A_1913 : memref<1000000x64xf32, #tpu.memory_space<hbm>>) dst(%dma_wait3A_1909 : memref<200x64xf32, #tpu.memory_space<vmem>>)
      %mul3A_1914 = arith.constant 4 : i32
      %mul3A_1915 = arith.muli %add3A_1902, %mul3A_1914 : i32
      %add3A_1916 = arith.addi %mul3A_4, %mul3A_1915 : i32
      %add3A_1917 = arith.constant 0 : i32
      %add3A_1918 = arith.addi %add3A_1916, %add3A_1917 : i32
      %mul3A_1919 = arith.constant 4 : i32
      %mul3A_1920 = arith.muli %add3A_1902, %mul3A_1919 : i32
      %add3A_1921 = arith.addi %mul3A_4, %mul3A_1920 : i32
      %add3A_1922 = arith.constant 1 : i32
      %add3A_1923 = arith.addi %add3A_1921, %add3A_1922 : i32
      %mul3A_1924 = arith.constant 4 : i32
      %mul3A_1925 = arith.muli %add3A_1902, %mul3A_1924 : i32
      %add3A_1926 = arith.addi %mul3A_4, %mul3A_1925 : i32
      %add3A_1927 = arith.constant 2 : i32
      %add3A_1928 = arith.addi %add3A_1926, %add3A_1927 : i32
      %mul3A_1929 = arith.constant 4 : i32
      %mul3A_1930 = arith.muli %add3A_1902, %mul3A_1929 : i32
      %add3A_1931 = arith.addi %mul3A_4, %mul3A_1930 : i32
      %add3A_1932 = arith.constant 3 : i32
      %add3A_1933 = arith.addi %add3A_1931, %add3A_1932 : i32
      %dma_start3A_1934 = arith.constant 0 : i32
      %dma_start3A_1935 = arith.constant 0 : i32
      %dma_start3A_1936 = arith.constant 0 : i32
      %dma_start3A_1937 = tpu.memref_slice %arg6[%dma_start3A_1934, %dma_start3A_1935, %dma_start3A_1936] : memref<4x200x64xf32, #tpu.memory_space<vmem>> -> memref<1x200x64xf32, #tpu.memory_space<vmem>>
      %dma_start3A_1938 = tpu.memref_squeeze %dma_start3A_1937 : memref<1x200x64xf32, #tpu.memory_space<vmem>> -> memref<200x64xf32, #tpu.memory_space<vmem>>
      %dma_start3A_1939 = arith.constant 0 : i32
      %dma_start3A_1940 = arith.constant 0 : i32
      %dma_start3A_1941 = tpu.memref_slice %dma_start3A_1938[%dma_start3A_1939, %dma_start3A_1940] : memref<200x64xf32, #tpu.memory_space<vmem>> -> memref<50x64xf32, #tpu.memory_space<vmem>>
      %dma_start3A_1942 = arith.constant 0 : i32
      %dma_start3A_1943 = arith.constant 0 : i32
      %dma_start3A_1944 = tpu.memref_slice %arg4[%add3A_1918, %dma_start3A_1942, %dma_start3A_1943] : memref<16384x50x64xf32, #tpu.memory_space<hbm>> -> memref<1x50x64xf32, #tpu.memory_space<hbm>>
      %dma_start3A_1945 = tpu.memref_squeeze %dma_start3A_1944 : memref<1x50x64xf32, #tpu.memory_space<hbm>> -> memref<50x64xf32, #tpu.memory_space<hbm>>
      %dma_start3A_1946 = arith.constant 0 : i32
      %dma_start3A_1947 = arith.constant 0 : i32
      %dma_start3A_1948 = tpu.memref_slice %arg4[%add3A_1918, %dma_start3A_1946, %dma_start3A_1947] : memref<16384x50x64xf32, #tpu.memory_space<hbm>> -> memref<1x50x64xf32, #tpu.memory_space<hbm>>
      %dma_start3A_1949 = tpu.memref_squeeze %dma_start3A_1948 : memref<1x50x64xf32, #tpu.memory_space<hbm>> -> memref<50x64xf32, #tpu.memory_space<hbm>>
      %dma_start3A_1950 = arith.constant 0 : i32
      %dma_start3A_1951 = arith.constant 0 : i32
      %dma_start3A_1952 = tpu.memref_slice %arg6[%dma_start3A_1934, %dma_start3A_1950, %dma_start3A_1951] : memref<4x200x64xf32, #tpu.memory_space<vmem>> -> memref<1x200x64xf32, #tpu.memory_space<vmem>>
      %dma_start3A_1953 = tpu.memref_squeeze %dma_start3A_1952 : memref<1x200x64xf32, #tpu.memory_space<vmem>> -> memref<200x64xf32, #tpu.memory_space<vmem>>
      %dma_start3A_1954 = arith.constant 0 : i32
      %dma_start3A_1955 = arith.constant 0 : i32
      %dma_start3A_1956 = tpu.memref_slice %dma_start3A_1953[%dma_start3A_1954, %dma_start3A_1955] : memref<200x64xf32, #tpu.memory_space<vmem>> -> memref<50x64xf32, #tpu.memory_space<vmem>>
      tpu.enqueue_dma source(%dma_start3A_1956 : memref<50x64xf32, #tpu.memory_space<vmem>>) target(%dma_start3A_1949 : memref<50x64xf32, #tpu.memory_space<hbm>>) target_semaphore(%arg11 : memref<!tpu.dma_semaphore, #tpu.memory_space<semaphore_mem>>)
      %dma_start3A_1957 = arith.constant 0 : i32
      %dma_start3A_1958 = arith.constant 0 : i32
      %dma_start3A_1959 = arith.constant 0 : i32
      %dma_start3A_1960 = tpu.memref_slice %arg6[%dma_start3A_1957, %dma_start3A_1958, %dma_start3A_1959] : memref<4x200x64xf32, #tpu.memory_space<vmem>> -> memref<1x200x64xf32, #tpu.memory_space<vmem>>
      %dma_start3A_1961 = tpu.memref_squeeze %dma_start3A_1960 : memref<1x200x64xf32, #tpu.memory_space<vmem>> -> memref<200x64xf32, #tpu.memory_space<vmem>>
      %dma_start3A_1962 = arith.constant 50 : i32
      %dma_start3A_1963 = arith.constant 0 : i32
      %dma_start3A_1964 = tpu.memref_slice %dma_start3A_1961[%dma_start3A_1962, %dma_start3A_1963] : memref<200x64xf32, #tpu.memory_space<vmem>> -> memref<50x64xf32, #tpu.memory_space<vmem>>
      %dma_start3A_1965 = arith.constant 0 : i32
      %dma_start3A_1966 = arith.constant 0 : i32
      %dma_start3A_1967 = tpu.memref_slice %arg4[%add3A_1923, %dma_start3A_1965, %dma_start3A_1966] : memref<16384x50x64xf32, #tpu.memory_space<hbm>> -> memref<1x50x64xf32, #tpu.memory_space<hbm>>
      %dma_start3A_1968 = tpu.memref_squeeze %dma_start3A_1967 : memref<1x50x64xf32, #tpu.memory_space<hbm>> -> memref<50x64xf32, #tpu.memory_space<hbm>>
      %dma_start3A_1969 = arith.constant 0 : i32
      %dma_start3A_1970 = arith.constant 0 : i32
      %dma_start3A_1971 = tpu.memref_slice %arg4[%add3A_1923, %dma_start3A_1969, %dma_start3A_1970] : memref<16384x50x64xf32, #tpu.memory_space<hbm>> -> memref<1x50x64xf32, #tpu.memory_space<hbm>>
      %dma_start3A_1972 = tpu.memref_squeeze %dma_start3A_1971 : memref<1x50x64xf32, #tpu.memory_space<hbm>> -> memref<50x64xf32, #tpu.memory_space<hbm>>
      %dma_start3A_1973 = arith.constant 0 : i32
      %dma_start3A_1974 = arith.constant 0 : i32
      %dma_start3A_1975 = tpu.memref_slice %arg6[%dma_start3A_1957, %dma_start3A_1973, %dma_start3A_1974] : memref<4x200x64xf32, #tpu.memory_space<vmem>> -> memref<1x200x64xf32, #tpu.memory_space<vmem>>
      %dma_start3A_1976 = tpu.memref_squeeze %dma_start3A_1975 : memref<1x200x64xf32, #tpu.memory_space<vmem>> -> memref<200x64xf32, #tpu.memory_space<vmem>>
      %dma_start3A_1977 = arith.constant 50 : i32
      %dma_start3A_1978 = arith.constant 0 : i32
      %dma_start3A_1979 = tpu.memref_slice %dma_start3A_1976[%dma_start3A_1977, %dma_start3A_1978] : memref<200x64xf32, #tpu.memory_space<vmem>> -> memref<50x64xf32, #tpu.memory_space<vmem>>
      tpu.enqueue_dma source(%dma_start3A_1979 : memref<50x64xf32, #tpu.memory_space<vmem>>) target(%dma_start3A_1972 : memref<50x64xf32, #tpu.memory_space<hbm>>) target_semaphore(%arg11 : memref<!tpu.dma_semaphore, #tpu.memory_space<semaphore_mem>>)
      %dma_start3A_1980 = arith.constant 0 : i32
      %dma_start3A_1981 = arith.constant 0 : i32
      %dma_start3A_1982 = arith.constant 0 : i32
      %dma_start3A_1983 = tpu.memref_slice %arg6[%dma_start3A_1980, %dma_start3A_1981, %dma_start3A_1982] : memref<4x200x64xf32, #tpu.memory_space<vmem>> -> memref<1x200x64xf32, #tpu.memory_space<vmem>>
      %dma_start3A_1984 = tpu.memref_squeeze %dma_start3A_1983 : memref<1x200x64xf32, #tpu.memory_space<vmem>> -> memref<200x64xf32, #tpu.memory_space<vmem>>
      %dma_start3A_1985 = arith.constant 100 : i32
      %dma_start3A_1986 = arith.constant 0 : i32
      %dma_start3A_1987 = tpu.memref_slice %dma_start3A_1984[%dma_start3A_1985, %dma_start3A_1986] : memref<200x64xf32, #tpu.memory_space<vmem>> -> memref<50x64xf32, #tpu.memory_space<vmem>>
      %dma_start3A_1988 = arith.constant 0 : i32
      %dma_start3A_1989 = arith.constant 0 : i32
      %dma_start3A_1990 = tpu.memref_slice %arg4[%add3A_1928, %dma_start3A_1988, %dma_start3A_1989] : memref<16384x50x64xf32, #tpu.memory_space<hbm>> -> memref<1x50x64xf32, #tpu.memory_space<hbm>>
      %dma_start3A_1991 = tpu.memref_squeeze %dma_start3A_1990 : memref<1x50x64xf32, #tpu.memory_space<hbm>> -> memref<50x64xf32, #tpu.memory_space<hbm>>
      %dma_start3A_1992 = arith.constant 0 : i32
      %dma_start3A_1993 = arith.constant 0 : i32
      %dma_start3A_1994 = tpu.memref_slice %arg4[%add3A_1928, %dma_start3A_1992, %dma_start3A_1993] : memref<16384x50x64xf32, #tpu.memory_space<hbm>> -> memref<1x50x64xf32, #tpu.memory_space<hbm>>
      %dma_start3A_1995 = tpu.memref_squeeze %dma_start3A_1994 : memref<1x50x64xf32, #tpu.memory_space<hbm>> -> memref<50x64xf32, #tpu.memory_space<hbm>>
      %dma_start3A_1996 = arith.constant 0 : i32
      %dma_start3A_1997 = arith.constant 0 : i32
      %dma_start3A_1998 = tpu.memref_slice %arg6[%dma_start3A_1980, %dma_start3A_1996, %dma_start3A_1997] : memref<4x200x64xf32, #tpu.memory_space<vmem>> -> memref<1x200x64xf32, #tpu.memory_space<vmem>>
      %dma_start3A_1999 = tpu.memref_squeeze %dma_start3A_1998 : memref<1x200x64xf32, #tpu.memory_space<vmem>> -> memref<200x64xf32, #tpu.memory_space<vmem>>
      %dma_start3A_2000 = arith.constant 100 : i32
      %dma_start3A_2001 = arith.constant 0 : i32
      %dma_start3A_2002 = tpu.memref_slice %dma_start3A_1999[%dma_start3A_2000, %dma_start3A_2001] : memref<200x64xf32, #tpu.memory_space<vmem>> -> memref<50x64xf32, #tpu.memory_space<vmem>>
      tpu.enqueue_dma source(%dma_start3A_2002 : memref<50x64xf32, #tpu.memory_space<vmem>>) target(%dma_start3A_1995 : memref<50x64xf32, #tpu.memory_space<hbm>>) target_semaphore(%arg11 : memref<!tpu.dma_semaphore, #tpu.memory_space<semaphore_mem>>)
      %dma_start3A_2003 = arith.constant 0 : i32
      %dma_start3A_2004 = arith.constant 0 : i32
      %dma_start3A_2005 = arith.constant 0 : i32
      %dma_start3A_2006 = tpu.memref_slice %arg6[%dma_start3A_2003, %dma_start3A_2004, %dma_start3A_2005] : memref<4x200x64xf32, #tpu.memory_space<vmem>> -> memref<1x200x64xf32, #tpu.memory_space<vmem>>
      %dma_start3A_2007 = tpu.memref_squeeze %dma_start3A_2006 : memref<1x200x64xf32, #tpu.memory_space<vmem>> -> memref<200x64xf32, #tpu.memory_space<vmem>>
      %dma_start3A_2008 = arith.constant 150 : i32
      %dma_start3A_2009 = arith.constant 0 : i32
      %dma_start3A_2010 = tpu.memref_slice %dma_start3A_2007[%dma_start3A_2008, %dma_start3A_2009] : memref<200x64xf32, #tpu.memory_space<vmem>> -> memref<50x64xf32, #tpu.memory_space<vmem>>
      %dma_start3A_2011 = arith.constant 0 : i32
      %dma_start3A_2012 = arith.constant 0 : i32
      %dma_start3A_2013 = tpu.memref_slice %arg4[%add3A_1933, %dma_start3A_2011, %dma_start3A_2012] : memref<16384x50x64xf32, #tpu.memory_space<hbm>> -> memref<1x50x64xf32, #tpu.memory_space<hbm>>
      %dma_start3A_2014 = tpu.memref_squeeze %dma_start3A_2013 : memref<1x50x64xf32, #tpu.memory_space<hbm>> -> memref<50x64xf32, #tpu.memory_space<hbm>>
      %dma_start3A_2015 = arith.constant 0 : i32
      %dma_start3A_2016 = arith.constant 0 : i32
      %dma_start3A_2017 = tpu.memref_slice %arg4[%add3A_1933, %dma_start3A_2015, %dma_start3A_2016] : memref<16384x50x64xf32, #tpu.memory_space<hbm>> -> memref<1x50x64xf32, #tpu.memory_space<hbm>>
      %dma_start3A_2018 = tpu.memref_squeeze %dma_start3A_2017 : memref<1x50x64xf32, #tpu.memory_space<hbm>> -> memref<50x64xf32, #tpu.memory_space<hbm>>
      %dma_start3A_2019 = arith.constant 0 : i32
      %dma_start3A_2020 = arith.constant 0 : i32
      %dma_start3A_2021 = tpu.memref_slice %arg6[%dma_start3A_2003, %dma_start3A_2019, %dma_start3A_2020] : memref<4x200x64xf32, #tpu.memory_space<vmem>> -> memref<1x200x64xf32, #tpu.memory_space<vmem>>
      %dma_start3A_2022 = tpu.memref_squeeze %dma_start3A_2021 : memref<1x200x64xf32, #tpu.memory_space<vmem>> -> memref<200x64xf32, #tpu.memory_space<vmem>>
      %dma_start3A_2023 = arith.constant 150 : i32
      %dma_start3A_2024 = arith.constant 0 : i32
      %dma_start3A_2025 = tpu.memref_slice %dma_start3A_2022[%dma_start3A_2023, %dma_start3A_2024] : memref<200x64xf32, #tpu.memory_space<vmem>> -> memref<50x64xf32, #tpu.memory_space<vmem>>
      tpu.enqueue_dma source(%dma_start3A_2025 : memref<50x64xf32, #tpu.memory_space<vmem>>) target(%dma_start3A_2018 : memref<50x64xf32, #tpu.memory_space<hbm>>) target_semaphore(%arg11 : memref<!tpu.dma_semaphore, #tpu.memory_space<semaphore_mem>>)
      %add3A_2026 = arith.constant 0 : i32
      %add3A_2027 = arith.addi %mul3A_4, %add3A_2026 : i32
      %add3A_2028 = arith.constant 0 : i32
      %add3A_2029 = arith.addi %add3A_2027, %add3A_2028 : i32
      %add3A_2030 = arith.constant 0 : i32
      %add3A_2031 = arith.addi %mul3A_4, %add3A_2030 : i32
      %add3A_2032 = arith.constant 1 : i32
      %add3A_2033 = arith.addi %add3A_2031, %add3A_2032 : i32
      %add3A_2034 = arith.constant 0 : i32
      %add3A_2035 = arith.addi %mul3A_4, %add3A_2034 : i32
      %add3A_2036 = arith.constant 2 : i32
      %add3A_2037 = arith.addi %add3A_2035, %add3A_2036 : i32
      %add3A_2038 = arith.constant 0 : i32
      %add3A_2039 = arith.addi %mul3A_4, %add3A_2038 : i32
      %add3A_2040 = arith.constant 3 : i32
      %add3A_2041 = arith.addi %add3A_2039, %add3A_2040 : i32
      %dma_wait3A_2042 = arith.constant 2 : i32
      %dma_wait3A_2043 = arith.constant 0 : i32
      %dma_wait3A_2044 = arith.constant 0 : i32
      %dma_wait3A_2045 = tpu.memref_slice %arg6[%dma_wait3A_2042, %dma_wait3A_2043, %dma_wait3A_2044] : memref<4x200x64xf32, #tpu.memory_space<vmem>> -> memref<1x200x64xf32, #tpu.memory_space<vmem>>
      %dma_wait3A_2046 = tpu.memref_squeeze %dma_wait3A_2045 : memref<1x200x64xf32, #tpu.memory_space<vmem>> -> memref<200x64xf32, #tpu.memory_space<vmem>>
      %dma_wait3A_2047 = arith.constant 0 : i32
      %dma_wait3A_2048 = arith.constant 0 : i32
      %dma_wait3A_2049 = tpu.memref_slice %dma_wait3A_2046[%dma_wait3A_2047, %dma_wait3A_2048] : memref<200x64xf32, #tpu.memory_space<vmem>> -> memref<50x64xf32, #tpu.memory_space<vmem>>
      %dma_wait3A_2050 = arith.constant 0 : i32
      %dma_wait3A_2051 = arith.constant 0 : i32
      %dma_wait3A_2052 = tpu.memref_slice %arg4[%add3A_2029, %dma_wait3A_2050, %dma_wait3A_2051] : memref<16384x50x64xf32, #tpu.memory_space<hbm>> -> memref<1x50x64xf32, #tpu.memory_space<hbm>>
      %dma_wait3A_2053 = tpu.memref_squeeze %dma_wait3A_2052 : memref<1x50x64xf32, #tpu.memory_space<hbm>> -> memref<50x64xf32, #tpu.memory_space<hbm>>
      %dma_wait3A_2054 = arith.constant 0 : i32
      %dma_wait3A_2055 = arith.constant 0 : i32
      %dma_wait3A_2056 = tpu.memref_slice %arg4[%add3A_2029, %dma_wait3A_2054, %dma_wait3A_2055] : memref<16384x50x64xf32, #tpu.memory_space<hbm>> -> memref<1x50x64xf32, #tpu.memory_space<hbm>>
      %dma_wait3A_2057 = tpu.memref_squeeze %dma_wait3A_2056 : memref<1x50x64xf32, #tpu.memory_space<hbm>> -> memref<50x64xf32, #tpu.memory_space<hbm>>
      %dma_wait3A_2058 = arith.constant 0 : i32
      %dma_wait3A_2059 = arith.constant 0 : i32
      %dma_wait3A_2060 = tpu.memref_slice %arg6[%dma_wait3A_2042, %dma_wait3A_2058, %dma_wait3A_2059] : memref<4x200x64xf32, #tpu.memory_space<vmem>> -> memref<1x200x64xf32, #tpu.memory_space<vmem>>
      %dma_wait3A_2061 = tpu.memref_squeeze %dma_wait3A_2060 : memref<1x200x64xf32, #tpu.memory_space<vmem>> -> memref<200x64xf32, #tpu.memory_space<vmem>>
      %dma_wait3A_2062 = arith.constant 0 : i32
      %dma_wait3A_2063 = arith.constant 0 : i32
      %dma_wait3A_2064 = tpu.memref_slice %dma_wait3A_2061[%dma_wait3A_2062, %dma_wait3A_2063] : memref<200x64xf32, #tpu.memory_space<vmem>> -> memref<50x64xf32, #tpu.memory_space<vmem>>
      tpu.wait_dma2 semaphore(%arg13 : memref<!tpu.dma_semaphore, #tpu.memory_space<semaphore_mem>>) src(%dma_wait3A_2064 : memref<50x64xf32, #tpu.memory_space<vmem>>) dst(%dma_wait3A_2057 : memref<50x64xf32, #tpu.memory_space<hbm>>)
      %dma_wait3A_2065 = arith.constant 2 : i32
      %dma_wait3A_2066 = arith.constant 0 : i32
      %dma_wait3A_2067 = arith.constant 0 : i32
      %dma_wait3A_2068 = tpu.memref_slice %arg6[%dma_wait3A_2065, %dma_wait3A_2066, %dma_wait3A_2067] : memref<4x200x64xf32, #tpu.memory_space<vmem>> -> memref<1x200x64xf32, #tpu.memory_space<vmem>>
      %dma_wait3A_2069 = tpu.memref_squeeze %dma_wait3A_2068 : memref<1x200x64xf32, #tpu.memory_space<vmem>> -> memref<200x64xf32, #tpu.memory_space<vmem>>
      %dma_wait3A_2070 = arith.constant 50 : i32
      %dma_wait3A_2071 = arith.constant 0 : i32
      %dma_wait3A_2072 = tpu.memref_slice %dma_wait3A_2069[%dma_wait3A_2070, %dma_wait3A_2071] : memref<200x64xf32, #tpu.memory_space<vmem>> -> memref<50x64xf32, #tpu.memory_space<vmem>>
      %dma_wait3A_2073 = arith.constant 0 : i32
      %dma_wait3A_2074 = arith.constant 0 : i32
      %dma_wait3A_2075 = tpu.memref_slice %arg4[%add3A_2033, %dma_wait3A_2073, %dma_wait3A_2074] : memref<16384x50x64xf32, #tpu.memory_space<hbm>> -> memref<1x50x64xf32, #tpu.memory_space<hbm>>
      %dma_wait3A_2076 = tpu.memref_squeeze %dma_wait3A_2075 : memref<1x50x64xf32, #tpu.memory_space<hbm>> -> memref<50x64xf32, #tpu.memory_space<hbm>>
      %dma_wait3A_2077 = arith.constant 0 : i32
      %dma_wait3A_2078 = arith.constant 0 : i32
      %dma_wait3A_2079 = tpu.memref_slice %arg4[%add3A_2033, %dma_wait3A_2077, %dma_wait3A_2078] : memref<16384x50x64xf32, #tpu.memory_space<hbm>> -> memref<1x50x64xf32, #tpu.memory_space<hbm>>
      %dma_wait3A_2080 = tpu.memref_squeeze %dma_wait3A_2079 : memref<1x50x64xf32, #tpu.memory_space<hbm>> -> memref<50x64xf32, #tpu.memory_space<hbm>>
      %dma_wait3A_2081 = arith.constant 0 : i32
      %dma_wait3A_2082 = arith.constant 0 : i32
      %dma_wait3A_2083 = tpu.memref_slice %arg6[%dma_wait3A_2065, %dma_wait3A_2081, %dma_wait3A_2082] : memref<4x200x64xf32, #tpu.memory_space<vmem>> -> memref<1x200x64xf32, #tpu.memory_space<vmem>>
      %dma_wait3A_2084 = tpu.memref_squeeze %dma_wait3A_2083 : memref<1x200x64xf32, #tpu.memory_space<vmem>> -> memref<200x64xf32, #tpu.memory_space<vmem>>
      %dma_wait3A_2085 = arith.constant 50 : i32
      %dma_wait3A_2086 = arith.constant 0 : i32
      %dma_wait3A_2087 = tpu.memref_slice %dma_wait3A_2084[%dma_wait3A_2085, %dma_wait3A_2086] : memref<200x64xf32, #tpu.memory_space<vmem>> -> memref<50x64xf32, #tpu.memory_space<vmem>>
      tpu.wait_dma2 semaphore(%arg13 : memref<!tpu.dma_semaphore, #tpu.memory_space<semaphore_mem>>) src(%dma_wait3A_2087 : memref<50x64xf32, #tpu.memory_space<vmem>>) dst(%dma_wait3A_2080 : memref<50x64xf32, #tpu.memory_space<hbm>>)
      %dma_wait3A_2088 = arith.constant 2 : i32
      %dma_wait3A_2089 = arith.constant 0 : i32
      %dma_wait3A_2090 = arith.constant 0 : i32
      %dma_wait3A_2091 = tpu.memref_slice %arg6[%dma_wait3A_2088, %dma_wait3A_2089, %dma_wait3A_2090] : memref<4x200x64xf32, #tpu.memory_space<vmem>> -> memref<1x200x64xf32, #tpu.memory_space<vmem>>
      %dma_wait3A_2092 = tpu.memref_squeeze %dma_wait3A_2091 : memref<1x200x64xf32, #tpu.memory_space<vmem>> -> memref<200x64xf32, #tpu.memory_space<vmem>>
      %dma_wait3A_2093 = arith.constant 100 : i32
      %dma_wait3A_2094 = arith.constant 0 : i32
      %dma_wait3A_2095 = tpu.memref_slice %dma_wait3A_2092[%dma_wait3A_2093, %dma_wait3A_2094] : memref<200x64xf32, #tpu.memory_space<vmem>> -> memref<50x64xf32, #tpu.memory_space<vmem>>
      %dma_wait3A_2096 = arith.constant 0 : i32
      %dma_wait3A_2097 = arith.constant 0 : i32
      %dma_wait3A_2098 = tpu.memref_slice %arg4[%add3A_2037, %dma_wait3A_2096, %dma_wait3A_2097] : memref<16384x50x64xf32, #tpu.memory_space<hbm>> -> memref<1x50x64xf32, #tpu.memory_space<hbm>>
      %dma_wait3A_2099 = tpu.memref_squeeze %dma_wait3A_2098 : memref<1x50x64xf32, #tpu.memory_space<hbm>> -> memref<50x64xf32, #tpu.memory_space<hbm>>
      %dma_wait3A_2100 = arith.constant 0 : i32
      %dma_wait3A_2101 = arith.constant 0 : i32
      %dma_wait3A_2102 = tpu.memref_slice %arg4[%add3A_2037, %dma_wait3A_2100, %dma_wait3A_2101] : memref<16384x50x64xf32, #tpu.memory_space<hbm>> -> memref<1x50x64xf32, #tpu.memory_space<hbm>>
      %dma_wait3A_2103 = tpu.memref_squeeze %dma_wait3A_2102 : memref<1x50x64xf32, #tpu.memory_space<hbm>> -> memref<50x64xf32, #tpu.memory_space<hbm>>
      %dma_wait3A_2104 = arith.constant 0 : i32
      %dma_wait3A_2105 = arith.constant 0 : i32
      %dma_wait3A_2106 = tpu.memref_slice %arg6[%dma_wait3A_2088, %dma_wait3A_2104, %dma_wait3A_2105] : memref<4x200x64xf32, #tpu.memory_space<vmem>> -> memref<1x200x64xf32, #tpu.memory_space<vmem>>
      %dma_wait3A_2107 = tpu.memref_squeeze %dma_wait3A_2106 : memref<1x200x64xf32, #tpu.memory_space<vmem>> -> memref<200x64xf32, #tpu.memory_space<vmem>>
      %dma_wait3A_2108 = arith.constant 100 : i32
      %dma_wait3A_2109 = arith.constant 0 : i32
      %dma_wait3A_2110 = tpu.memref_slice %dma_wait3A_2107[%dma_wait3A_2108, %dma_wait3A_2109] : memref<200x64xf32, #tpu.memory_space<vmem>> -> memref<50x64xf32, #tpu.memory_space<vmem>>
      tpu.wait_dma2 semaphore(%arg13 : memref<!tpu.dma_semaphore, #tpu.memory_space<semaphore_mem>>) src(%dma_wait3A_2110 : memref<50x64xf32, #tpu.memory_space<vmem>>) dst(%dma_wait3A_2103 : memref<50x64xf32, #tpu.memory_space<hbm>>)
      %dma_wait3A_2111 = arith.constant 2 : i32
      %dma_wait3A_2112 = arith.constant 0 : i32
      %dma_wait3A_2113 = arith.constant 0 : i32
      %dma_wait3A_2114 = tpu.memref_slice %arg6[%dma_wait3A_2111, %dma_wait3A_2112, %dma_wait3A_2113] : memref<4x200x64xf32, #tpu.memory_space<vmem>> -> memref<1x200x64xf32, #tpu.memory_space<vmem>>
      %dma_wait3A_2115 = tpu.memref_squeeze %dma_wait3A_2114 : memref<1x200x64xf32, #tpu.memory_space<vmem>> -> memref<200x64xf32, #tpu.memory_space<vmem>>
      %dma_wait3A_2116 = arith.constant 150 : i32
      %dma_wait3A_2117 = arith.constant 0 : i32
      %dma_wait3A_2118 = tpu.memref_slice %dma_wait3A_2115[%dma_wait3A_2116, %dma_wait3A_2117] : memref<200x64xf32, #tpu.memory_space<vmem>> -> memref<50x64xf32, #tpu.memory_space<vmem>>
      %dma_wait3A_2119 = arith.constant 0 : i32
      %dma_wait3A_2120 = arith.constant 0 : i32
      %dma_wait3A_2121 = tpu.memref_slice %arg4[%add3A_2041, %dma_wait3A_2119, %dma_wait3A_2120] : memref<16384x50x64xf32, #tpu.memory_space<hbm>> -> memref<1x50x64xf32, #tpu.memory_space<hbm>>
      %dma_wait3A_2122 = tpu.memref_squeeze %dma_wait3A_2121 : memref<1x50x64xf32, #tpu.memory_space<hbm>> -> memref<50x64xf32, #tpu.memory_space<hbm>>
      %dma_wait3A_2123 = arith.constant 0 : i32
      %dma_wait3A_2124 = arith.constant 0 : i32
      %dma_wait3A_2125 = tpu.memref_slice %arg4[%add3A_2041, %dma_wait3A_2123, %dma_wait3A_2124] : memref<16384x50x64xf32, #tpu.memory_space<hbm>> -> memref<1x50x64xf32, #tpu.memory_space<hbm>>
      %dma_wait3A_2126 = tpu.memref_squeeze %dma_wait3A_2125 : memref<1x50x64xf32, #tpu.memory_space<hbm>> -> memref<50x64xf32, #tpu.memory_space<hbm>>
      %dma_wait3A_2127 = arith.constant 0 : i32
      %dma_wait3A_2128 = arith.constant 0 : i32
      %dma_wait3A_2129 = tpu.memref_slice %arg6[%dma_wait3A_2111, %dma_wait3A_2127, %dma_wait3A_2128] : memref<4x200x64xf32, #tpu.memory_space<vmem>> -> memref<1x200x64xf32, #tpu.memory_space<vmem>>
      %dma_wait3A_2130 = tpu.memref_squeeze %dma_wait3A_2129 : memref<1x200x64xf32, #tpu.memory_space<vmem>> -> memref<200x64xf32, #tpu.memory_space<vmem>>
      %dma_wait3A_2131 = arith.constant 150 : i32
      %dma_wait3A_2132 = arith.constant 0 : i32
      %dma_wait3A_2133 = tpu.memref_slice %dma_wait3A_2130[%dma_wait3A_2131, %dma_wait3A_2132] : memref<200x64xf32, #tpu.memory_space<vmem>> -> memref<50x64xf32, #tpu.memory_space<vmem>>
      tpu.wait_dma2 semaphore(%arg13 : memref<!tpu.dma_semaphore, #tpu.memory_space<semaphore_mem>>) src(%dma_wait3A_2133 : memref<50x64xf32, #tpu.memory_space<vmem>>) dst(%dma_wait3A_2126 : memref<50x64xf32, #tpu.memory_space<hbm>>)
      %add3A_2134 = arith.constant 2 : i32
      %add3A_2135 = arith.addi %add3A_1902, %add3A_2134 : i32
      %mul3A_2136 = arith.constant 200 : i32
      %mul3A_2137 = arith.muli %add3A_2135, %mul3A_2136 : i32
      %dma_start3A_2138 = arith.constant 2 : i32
      %dma_start3A_2139 = arith.constant 0 : i32
      %dma_start3A_2140 = arith.constant 0 : i32
      %dma_start3A_2141 = tpu.memref_slice %arg6[%dma_start3A_2138, %dma_start3A_2139, %dma_start3A_2140] : memref<4x200x64xf32, #tpu.memory_space<vmem>> -> memref<1x200x64xf32, #tpu.memory_space<vmem>>
      %dma_start3A_2142 = tpu.memref_squeeze %dma_start3A_2141 : memref<1x200x64xf32, #tpu.memory_space<vmem>> -> memref<200x64xf32, #tpu.memory_space<vmem>>
      %dma_start3A_2143 = tpu.memref_slice %arg5[%mul3A_2137] : memref<25600xi32, #tpu.memory_space<vmem>> -> memref<200xi32, #tpu.memory_space<vmem>>
      %dma_start3A_2144 = arith.constant 0 : i32
      %dma_start3A_2145 = arith.constant 0 : i32
      %dma_start3A_2146 = tpu.memref_slice %arg2[%dma_start3A_2144, %dma_start3A_2145] : memref<1000000x64xf32, #tpu.memory_space<hbm>> -> memref<1000000x64xf32, #tpu.memory_space<hbm>>
      tpu.enqueue_indirect_dma source(%dma_start3A_2146 : memref<1000000x64xf32, #tpu.memory_space<hbm>>) target(%dma_start3A_2142 : memref<200x64xf32, #tpu.memory_space<vmem>>) offsets(%dma_start3A_2143 : memref<200xi32, #tpu.memory_space<vmem>>) semaphore(%arg9 : memref<!tpu.dma_semaphore, #tpu.memory_space<semaphore_mem>>)
      %mul3A_2147 = arith.constant 4 : i32
      %mul3A_2148 = arith.muli %scan3A_1897, %mul3A_2147 : i32
      %add3A_2149 = arith.constant 1 : i32
      %add3A_2150 = arith.addi %mul3A_2148, %add3A_2149 : i32
      %mul3A_2151 = arith.constant 200 : i32
      %mul3A_2152 = arith.muli %add3A_2150, %mul3A_2151 : i32
      %dma_wait3A_2153 = arith.constant 1 : i32
      %dma_wait3A_2154 = arith.constant 0 : i32
      %dma_wait3A_2155 = arith.constant 0 : i32
      %dma_wait3A_2156 = tpu.memref_slice %arg6[%dma_wait3A_2153, %dma_wait3A_2154, %dma_wait3A_2155] : memref<4x200x64xf32, #tpu.memory_space<vmem>> -> memref<1x200x64xf32, #tpu.memory_space<vmem>>
      %dma_wait3A_2157 = tpu.memref_squeeze %dma_wait3A_2156 : memref<1x200x64xf32, #tpu.memory_space<vmem>> -> memref<200x64xf32, #tpu.memory_space<vmem>>
      %dma_wait3A_2158 = tpu.memref_slice %arg5[%mul3A_2152] : memref<25600xi32, #tpu.memory_space<vmem>> -> memref<200xi32, #tpu.memory_space<vmem>>
      %dma_wait3A_2159 = arith.constant 0 : i32
      %dma_wait3A_2160 = arith.constant 0 : i32
      %dma_wait3A_2161 = tpu.memref_slice %arg2[%dma_wait3A_2159, %dma_wait3A_2160] : memref<1000000x64xf32, #tpu.memory_space<hbm>> -> memref<1000000x64xf32, #tpu.memory_space<hbm>>
      tpu.wait_indirect_dma semaphore(%arg8 : memref<!tpu.dma_semaphore, #tpu.memory_space<semaphore_mem>>) src(%dma_wait3A_2161 : memref<1000000x64xf32, #tpu.memory_space<hbm>>) dst(%dma_wait3A_2157 : memref<200x64xf32, #tpu.memory_space<vmem>>)
      %mul3A_2162 = arith.constant 4 : i32
      %mul3A_2163 = arith.muli %add3A_2150, %mul3A_2162 : i32
      %add3A_2164 = arith.addi %mul3A_4, %mul3A_2163 : i32
      %add3A_2165 = arith.constant 0 : i32
      %add3A_2166 = arith.addi %add3A_2164, %add3A_2165 : i32
      %mul3A_2167 = arith.constant 4 : i32
      %mul3A_2168 = arith.muli %add3A_2150, %mul3A_2167 : i32
      %add3A_2169 = arith.addi %mul3A_4, %mul3A_2168 : i32
      %add3A_2170 = arith.constant 1 : i32
      %add3A_2171 = arith.addi %add3A_2169, %add3A_2170 : i32
      %mul3A_2172 = arith.constant 4 : i32
      %mul3A_2173 = arith.muli %add3A_2150, %mul3A_2172 : i32
      %add3A_2174 = arith.addi %mul3A_4, %mul3A_2173 : i32
      %add3A_2175 = arith.constant 2 : i32
      %add3A_2176 = arith.addi %add3A_2174, %add3A_2175 : i32
      %mul3A_2177 = arith.constant 4 : i32
      %mul3A_2178 = arith.muli %add3A_2150, %mul3A_2177 : i32
      %add3A_2179 = arith.addi %mul3A_4, %mul3A_2178 : i32
      %add3A_2180 = arith.constant 3 : i32
      %add3A_2181 = arith.addi %add3A_2179, %add3A_2180 : i32
      %dma_start3A_2182 = arith.constant 1 : i32
      %dma_start3A_2183 = arith.constant 0 : i32
      %dma_start3A_2184 = arith.constant 0 : i32
      %dma_start3A_2185 = tpu.memref_slice %arg6[%dma_start3A_2182, %dma_start3A_2183, %dma_start3A_2184] : memref<4x200x64xf32, #tpu.memory_space<vmem>> -> memref<1x200x64xf32, #tpu.memory_space<vmem>>
      %dma_start3A_2186 = tpu.memref_squeeze %dma_start3A_2185 : memref<1x200x64xf32, #tpu.memory_space<vmem>> -> memref<200x64xf32, #tpu.memory_space<vmem>>
      %dma_start3A_2187 = arith.constant 0 : i32
      %dma_start3A_2188 = arith.constant 0 : i32
      %dma_start3A_2189 = tpu.memref_slice %dma_start3A_2186[%dma_start3A_2187, %dma_start3A_2188] : memref<200x64xf32, #tpu.memory_space<vmem>> -> memref<50x64xf32, #tpu.memory_space<vmem>>
      %dma_start3A_2190 = arith.constant 0 : i32
      %dma_start3A_2191 = arith.constant 0 : i32
      %dma_start3A_2192 = tpu.memref_slice %arg4[%add3A_2166, %dma_start3A_2190, %dma_start3A_2191] : memref<16384x50x64xf32, #tpu.memory_space<hbm>> -> memref<1x50x64xf32, #tpu.memory_space<hbm>>
      %dma_start3A_2193 = tpu.memref_squeeze %dma_start3A_2192 : memref<1x50x64xf32, #tpu.memory_space<hbm>> -> memref<50x64xf32, #tpu.memory_space<hbm>>
      %dma_start3A_2194 = arith.constant 0 : i32
      %dma_start3A_2195 = arith.constant 0 : i32
      %dma_start3A_2196 = tpu.memref_slice %arg4[%add3A_2166, %dma_start3A_2194, %dma_start3A_2195] : memref<16384x50x64xf32, #tpu.memory_space<hbm>> -> memref<1x50x64xf32, #tpu.memory_space<hbm>>
      %dma_start3A_2197 = tpu.memref_squeeze %dma_start3A_2196 : memref<1x50x64xf32, #tpu.memory_space<hbm>> -> memref<50x64xf32, #tpu.memory_space<hbm>>
      %dma_start3A_2198 = arith.constant 0 : i32
      %dma_start3A_2199 = arith.constant 0 : i32
      %dma_start3A_2200 = tpu.memref_slice %arg6[%dma_start3A_2182, %dma_start3A_2198, %dma_start3A_2199] : memref<4x200x64xf32, #tpu.memory_space<vmem>> -> memref<1x200x64xf32, #tpu.memory_space<vmem>>
      %dma_start3A_2201 = tpu.memref_squeeze %dma_start3A_2200 : memref<1x200x64xf32, #tpu.memory_space<vmem>> -> memref<200x64xf32, #tpu.memory_space<vmem>>
      %dma_start3A_2202 = arith.constant 0 : i32
      %dma_start3A_2203 = arith.constant 0 : i32
      %dma_start3A_2204 = tpu.memref_slice %dma_start3A_2201[%dma_start3A_2202, %dma_start3A_2203] : memref<200x64xf32, #tpu.memory_space<vmem>> -> memref<50x64xf32, #tpu.memory_space<vmem>>
      tpu.enqueue_dma source(%dma_start3A_2204 : memref<50x64xf32, #tpu.memory_space<vmem>>) target(%dma_start3A_2197 : memref<50x64xf32, #tpu.memory_space<hbm>>) target_semaphore(%arg12 : memref<!tpu.dma_semaphore, #tpu.memory_space<semaphore_mem>>)
      %dma_start3A_2205 = arith.constant 1 : i32
      %dma_start3A_2206 = arith.constant 0 : i32
      %dma_start3A_2207 = arith.constant 0 : i32
      %dma_start3A_2208 = tpu.memref_slice %arg6[%dma_start3A_2205, %dma_start3A_2206, %dma_start3A_2207] : memref<4x200x64xf32, #tpu.memory_space<vmem>> -> memref<1x200x64xf32, #tpu.memory_space<vmem>>
      %dma_start3A_2209 = tpu.memref_squeeze %dma_start3A_2208 : memref<1x200x64xf32, #tpu.memory_space<vmem>> -> memref<200x64xf32, #tpu.memory_space<vmem>>
      %dma_start3A_2210 = arith.constant 50 : i32
      %dma_start3A_2211 = arith.constant 0 : i32
      %dma_start3A_2212 = tpu.memref_slice %dma_start3A_2209[%dma_start3A_2210, %dma_start3A_2211] : memref<200x64xf32, #tpu.memory_space<vmem>> -> memref<50x64xf32, #tpu.memory_space<vmem>>
      %dma_start3A_2213 = arith.constant 0 : i32
      %dma_start3A_2214 = arith.constant 0 : i32
      %dma_start3A_2215 = tpu.memref_slice %arg4[%add3A_2171, %dma_start3A_2213, %dma_start3A_2214] : memref<16384x50x64xf32, #tpu.memory_space<hbm>> -> memref<1x50x64xf32, #tpu.memory_space<hbm>>
      %dma_start3A_2216 = tpu.memref_squeeze %dma_start3A_2215 : memref<1x50x64xf32, #tpu.memory_space<hbm>> -> memref<50x64xf32, #tpu.memory_space<hbm>>
      %dma_start3A_2217 = arith.constant 0 : i32
      %dma_start3A_2218 = arith.constant 0 : i32
      %dma_start3A_2219 = tpu.memref_slice %arg4[%add3A_2171, %dma_start3A_2217, %dma_start3A_2218] : memref<16384x50x64xf32, #tpu.memory_space<hbm>> -> memref<1x50x64xf32, #tpu.memory_space<hbm>>
      %dma_start3A_2220 = tpu.memref_squeeze %dma_start3A_2219 : memref<1x50x64xf32, #tpu.memory_space<hbm>> -> memref<50x64xf32, #tpu.memory_space<hbm>>
      %dma_start3A_2221 = arith.constant 0 : i32
      %dma_start3A_2222 = arith.constant 0 : i32
      %dma_start3A_2223 = tpu.memref_slice %arg6[%dma_start3A_2205, %dma_start3A_2221, %dma_start3A_2222] : memref<4x200x64xf32, #tpu.memory_space<vmem>> -> memref<1x200x64xf32, #tpu.memory_space<vmem>>
      %dma_start3A_2224 = tpu.memref_squeeze %dma_start3A_2223 : memref<1x200x64xf32, #tpu.memory_space<vmem>> -> memref<200x64xf32, #tpu.memory_space<vmem>>
      %dma_start3A_2225 = arith.constant 50 : i32
      %dma_start3A_2226 = arith.constant 0 : i32
      %dma_start3A_2227 = tpu.memref_slice %dma_start3A_2224[%dma_start3A_2225, %dma_start3A_2226] : memref<200x64xf32, #tpu.memory_space<vmem>> -> memref<50x64xf32, #tpu.memory_space<vmem>>
      tpu.enqueue_dma source(%dma_start3A_2227 : memref<50x64xf32, #tpu.memory_space<vmem>>) target(%dma_start3A_2220 : memref<50x64xf32, #tpu.memory_space<hbm>>) target_semaphore(%arg12 : memref<!tpu.dma_semaphore, #tpu.memory_space<semaphore_mem>>)
      %dma_start3A_2228 = arith.constant 1 : i32
      %dma_start3A_2229 = arith.constant 0 : i32
      %dma_start3A_2230 = arith.constant 0 : i32
      %dma_start3A_2231 = tpu.memref_slice %arg6[%dma_start3A_2228, %dma_start3A_2229, %dma_start3A_2230] : memref<4x200x64xf32, #tpu.memory_space<vmem>> -> memref<1x200x64xf32, #tpu.memory_space<vmem>>
      %dma_start3A_2232 = tpu.memref_squeeze %dma_start3A_2231 : memref<1x200x64xf32, #tpu.memory_space<vmem>> -> memref<200x64xf32, #tpu.memory_space<vmem>>
      %dma_start3A_2233 = arith.constant 100 : i32
      %dma_start3A_2234 = arith.constant 0 : i32
      %dma_start3A_2235 = tpu.memref_slice %dma_start3A_2232[%dma_start3A_2233, %dma_start3A_2234] : memref<200x64xf32, #tpu.memory_space<vmem>> -> memref<50x64xf32, #tpu.memory_space<vmem>>
      %dma_start3A_2236 = arith.constant 0 : i32
      %dma_start3A_2237 = arith.constant 0 : i32
      %dma_start3A_2238 = tpu.memref_slice %arg4[%add3A_2176, %dma_start3A_2236, %dma_start3A_2237] : memref<16384x50x64xf32, #tpu.memory_space<hbm>> -> memref<1x50x64xf32, #tpu.memory_space<hbm>>
      %dma_start3A_2239 = tpu.memref_squeeze %dma_start3A_2238 : memref<1x50x64xf32, #tpu.memory_space<hbm>> -> memref<50x64xf32, #tpu.memory_space<hbm>>
      %dma_start3A_2240 = arith.constant 0 : i32
      %dma_start3A_2241 = arith.constant 0 : i32
      %dma_start3A_2242 = tpu.memref_slice %arg4[%add3A_2176, %dma_start3A_2240, %dma_start3A_2241] : memref<16384x50x64xf32, #tpu.memory_space<hbm>> -> memref<1x50x64xf32, #tpu.memory_space<hbm>>
      %dma_start3A_2243 = tpu.memref_squeeze %dma_start3A_2242 : memref<1x50x64xf32, #tpu.memory_space<hbm>> -> memref<50x64xf32, #tpu.memory_space<hbm>>
      %dma_start3A_2244 = arith.constant 0 : i32
      %dma_start3A_2245 = arith.constant 0 : i32
      %dma_start3A_2246 = tpu.memref_slice %arg6[%dma_start3A_2228, %dma_start3A_2244, %dma_start3A_2245] : memref<4x200x64xf32, #tpu.memory_space<vmem>> -> memref<1x200x64xf32, #tpu.memory_space<vmem>>
      %dma_start3A_2247 = tpu.memref_squeeze %dma_start3A_2246 : memref<1x200x64xf32, #tpu.memory_space<vmem>> -> memref<200x64xf32, #tpu.memory_space<vmem>>
      %dma_start3A_2248 = arith.constant 100 : i32
      %dma_start3A_2249 = arith.constant 0 : i32
      %dma_start3A_2250 = tpu.memref_slice %dma_start3A_2247[%dma_start3A_2248, %dma_start3A_2249] : memref<200x64xf32, #tpu.memory_space<vmem>> -> memref<50x64xf32, #tpu.memory_space<vmem>>
      tpu.enqueue_dma source(%dma_start3A_2250 : memref<50x64xf32, #tpu.memory_space<vmem>>) target(%dma_start3A_2243 : memref<50x64xf32, #tpu.memory_space<hbm>>) target_semaphore(%arg12 : memref<!tpu.dma_semaphore, #tpu.memory_space<semaphore_mem>>)
      %dma_start3A_2251 = arith.constant 1 : i32
      %dma_start3A_2252 = arith.constant 0 : i32
      %dma_start3A_2253 = arith.constant 0 : i32
      %dma_start3A_2254 = tpu.memref_slice %arg6[%dma_start3A_2251, %dma_start3A_2252, %dma_start3A_2253] : memref<4x200x64xf32, #tpu.memory_space<vmem>> -> memref<1x200x64xf32, #tpu.memory_space<vmem>>
      %dma_start3A_2255 = tpu.memref_squeeze %dma_start3A_2254 : memref<1x200x64xf32, #tpu.memory_space<vmem>> -> memref<200x64xf32, #tpu.memory_space<vmem>>
      %dma_start3A_2256 = arith.constant 150 : i32
      %dma_start3A_2257 = arith.constant 0 : i32
      %dma_start3A_2258 = tpu.memref_slice %dma_start3A_2255[%dma_start3A_2256, %dma_start3A_2257] : memref<200x64xf32, #tpu.memory_space<vmem>> -> memref<50x64xf32, #tpu.memory_space<vmem>>
      %dma_start3A_2259 = arith.constant 0 : i32
      %dma_start3A_2260 = arith.constant 0 : i32
      %dma_start3A_2261 = tpu.memref_slice %arg4[%add3A_2181, %dma_start3A_2259, %dma_start3A_2260] : memref<16384x50x64xf32, #tpu.memory_space<hbm>> -> memref<1x50x64xf32, #tpu.memory_space<hbm>>
      %dma_start3A_2262 = tpu.memref_squeeze %dma_start3A_2261 : memref<1x50x64xf32, #tpu.memory_space<hbm>> -> memref<50x64xf32, #tpu.memory_space<hbm>>
      %dma_start3A_2263 = arith.constant 0 : i32
      %dma_start3A_2264 = arith.constant 0 : i32
      %dma_start3A_2265 = tpu.memref_slice %arg4[%add3A_2181, %dma_start3A_2263, %dma_start3A_2264] : memref<16384x50x64xf32, #tpu.memory_space<hbm>> -> memref<1x50x64xf32, #tpu.memory_space<hbm>>
      %dma_start3A_2266 = tpu.memref_squeeze %dma_start3A_2265 : memref<1x50x64xf32, #tpu.memory_space<hbm>> -> memref<50x64xf32, #tpu.memory_space<hbm>>
      %dma_start3A_2267 = arith.constant 0 : i32
      %dma_start3A_2268 = arith.constant 0 : i32
      %dma_start3A_2269 = tpu.memref_slice %arg6[%dma_start3A_2251, %dma_start3A_2267, %dma_start3A_2268] : memref<4x200x64xf32, #tpu.memory_space<vmem>> -> memref<1x200x64xf32, #tpu.memory_space<vmem>>
      %dma_start3A_2270 = tpu.memref_squeeze %dma_start3A_2269 : memref<1x200x64xf32, #tpu.memory_space<vmem>> -> memref<200x64xf32, #tpu.memory_space<vmem>>
      %dma_start3A_2271 = arith.constant 150 : i32
      %dma_start3A_2272 = arith.constant 0 : i32
      %dma_start3A_2273 = tpu.memref_slice %dma_start3A_2270[%dma_start3A_2271, %dma_start3A_2272] : memref<200x64xf32, #tpu.memory_space<vmem>> -> memref<50x64xf32, #tpu.memory_space<vmem>>
      tpu.enqueue_dma source(%dma_start3A_2273 : memref<50x64xf32, #tpu.memory_space<vmem>>) target(%dma_start3A_2266 : memref<50x64xf32, #tpu.memory_space<hbm>>) target_semaphore(%arg12 : memref<!tpu.dma_semaphore, #tpu.memory_space<semaphore_mem>>)
      %add3A_2274 = arith.constant 0 : i32
      %add3A_2275 = arith.addi %mul3A_4, %add3A_2274 : i32
      %add3A_2276 = arith.constant 0 : i32
      %add3A_2277 = arith.addi %add3A_2275, %add3A_2276 : i32
      %add3A_2278 = arith.constant 0 : i32
      %add3A_2279 = arith.addi %mul3A_4, %add3A_2278 : i32
      %add3A_2280 = arith.constant 1 : i32
      %add3A_2281 = arith.addi %add3A_2279, %add3A_2280 : i32
      %add3A_2282 = arith.constant 0 : i32
      %add3A_2283 = arith.addi %mul3A_4, %add3A_2282 : i32
      %add3A_2284 = arith.constant 2 : i32
      %add3A_2285 = arith.addi %add3A_2283, %add3A_2284 : i32
      %add3A_2286 = arith.constant 0 : i32
      %add3A_2287 = arith.addi %mul3A_4, %add3A_2286 : i32
      %add3A_2288 = arith.constant 3 : i32
      %add3A_2289 = arith.addi %add3A_2287, %add3A_2288 : i32
      %dma_wait3A_2290 = arith.constant 3 : i32
      %dma_wait3A_2291 = arith.constant 0 : i32
      %dma_wait3A_2292 = arith.constant 0 : i32
      %dma_wait3A_2293 = tpu.memref_slice %arg6[%dma_wait3A_2290, %dma_wait3A_2291, %dma_wait3A_2292] : memref<4x200x64xf32, #tpu.memory_space<vmem>> -> memref<1x200x64xf32, #tpu.memory_space<vmem>>
      %dma_wait3A_2294 = tpu.memref_squeeze %dma_wait3A_2293 : memref<1x200x64xf32, #tpu.memory_space<vmem>> -> memref<200x64xf32, #tpu.memory_space<vmem>>
      %dma_wait3A_2295 = arith.constant 0 : i32
      %dma_wait3A_2296 = arith.constant 0 : i32
      %dma_wait3A_2297 = tpu.memref_slice %dma_wait3A_2294[%dma_wait3A_2295, %dma_wait3A_2296] : memref<200x64xf32, #tpu.memory_space<vmem>> -> memref<50x64xf32, #tpu.memory_space<vmem>>
      %dma_wait3A_2298 = arith.constant 0 : i32
      %dma_wait3A_2299 = arith.constant 0 : i32
      %dma_wait3A_2300 = tpu.memref_slice %arg4[%add3A_2277, %dma_wait3A_2298, %dma_wait3A_2299] : memref<16384x50x64xf32, #tpu.memory_space<hbm>> -> memref<1x50x64xf32, #tpu.memory_space<hbm>>
      %dma_wait3A_2301 = tpu.memref_squeeze %dma_wait3A_2300 : memref<1x50x64xf32, #tpu.memory_space<hbm>> -> memref<50x64xf32, #tpu.memory_space<hbm>>
      %dma_wait3A_2302 = arith.constant 0 : i32
      %dma_wait3A_2303 = arith.constant 0 : i32
      %dma_wait3A_2304 = tpu.memref_slice %arg4[%add3A_2277, %dma_wait3A_2302, %dma_wait3A_2303] : memref<16384x50x64xf32, #tpu.memory_space<hbm>> -> memref<1x50x64xf32, #tpu.memory_space<hbm>>
      %dma_wait3A_2305 = tpu.memref_squeeze %dma_wait3A_2304 : memref<1x50x64xf32, #tpu.memory_space<hbm>> -> memref<50x64xf32, #tpu.memory_space<hbm>>
      %dma_wait3A_2306 = arith.constant 0 : i32
      %dma_wait3A_2307 = arith.constant 0 : i32
      %dma_wait3A_2308 = tpu.memref_slice %arg6[%dma_wait3A_2290, %dma_wait3A_2306, %dma_wait3A_2307] : memref<4x200x64xf32, #tpu.memory_space<vmem>> -> memref<1x200x64xf32, #tpu.memory_space<vmem>>
      %dma_wait3A_2309 = tpu.memref_squeeze %dma_wait3A_2308 : memref<1x200x64xf32, #tpu.memory_space<vmem>> -> memref<200x64xf32, #tpu.memory_space<vmem>>
      %dma_wait3A_2310 = arith.constant 0 : i32
      %dma_wait3A_2311 = arith.constant 0 : i32
      %dma_wait3A_2312 = tpu.memref_slice %dma_wait3A_2309[%dma_wait3A_2310, %dma_wait3A_2311] : memref<200x64xf32, #tpu.memory_space<vmem>> -> memref<50x64xf32, #tpu.memory_space<vmem>>
      tpu.wait_dma2 semaphore(%arg14 : memref<!tpu.dma_semaphore, #tpu.memory_space<semaphore_mem>>) src(%dma_wait3A_2312 : memref<50x64xf32, #tpu.memory_space<vmem>>) dst(%dma_wait3A_2305 : memref<50x64xf32, #tpu.memory_space<hbm>>)
      %dma_wait3A_2313 = arith.constant 3 : i32
      %dma_wait3A_2314 = arith.constant 0 : i32
      %dma_wait3A_2315 = arith.constant 0 : i32
      %dma_wait3A_2316 = tpu.memref_slice %arg6[%dma_wait3A_2313, %dma_wait3A_2314, %dma_wait3A_2315] : memref<4x200x64xf32, #tpu.memory_space<vmem>> -> memref<1x200x64xf32, #tpu.memory_space<vmem>>
      %dma_wait3A_2317 = tpu.memref_squeeze %dma_wait3A_2316 : memref<1x200x64xf32, #tpu.memory_space<vmem>> -> memref<200x64xf32, #tpu.memory_space<vmem>>
      %dma_wait3A_2318 = arith.constant 50 : i32
      %dma_wait3A_2319 = arith.constant 0 : i32
      %dma_wait3A_2320 = tpu.memref_slice %dma_wait3A_2317[%dma_wait3A_2318, %dma_wait3A_2319] : memref<200x64xf32, #tpu.memory_space<vmem>> -> memref<50x64xf32, #tpu.memory_space<vmem>>
      %dma_wait3A_2321 = arith.constant 0 : i32
      %dma_wait3A_2322 = arith.constant 0 : i32
      %dma_wait3A_2323 = tpu.memref_slice %arg4[%add3A_2281, %dma_wait3A_2321, %dma_wait3A_2322] : memref<16384x50x64xf32, #tpu.memory_space<hbm>> -> memref<1x50x64xf32, #tpu.memory_space<hbm>>
      %dma_wait3A_2324 = tpu.memref_squeeze %dma_wait3A_2323 : memref<1x50x64xf32, #tpu.memory_space<hbm>> -> memref<50x64xf32, #tpu.memory_space<hbm>>
      %dma_wait3A_2325 = arith.constant 0 : i32
      %dma_wait3A_2326 = arith.constant 0 : i32
      %dma_wait3A_2327 = tpu.memref_slice %arg4[%add3A_2281, %dma_wait3A_2325, %dma_wait3A_2326] : memref<16384x50x64xf32, #tpu.memory_space<hbm>> -> memref<1x50x64xf32, #tpu.memory_space<hbm>>
      %dma_wait3A_2328 = tpu.memref_squeeze %dma_wait3A_2327 : memref<1x50x64xf32, #tpu.memory_space<hbm>> -> memref<50x64xf32, #tpu.memory_space<hbm>>
      %dma_wait3A_2329 = arith.constant 0 : i32
      %dma_wait3A_2330 = arith.constant 0 : i32
      %dma_wait3A_2331 = tpu.memref_slice %arg6[%dma_wait3A_2313, %dma_wait3A_2329, %dma_wait3A_2330] : memref<4x200x64xf32, #tpu.memory_space<vmem>> -> memref<1x200x64xf32, #tpu.memory_space<vmem>>
      %dma_wait3A_2332 = tpu.memref_squeeze %dma_wait3A_2331 : memref<1x200x64xf32, #tpu.memory_space<vmem>> -> memref<200x64xf32, #tpu.memory_space<vmem>>
      %dma_wait3A_2333 = arith.constant 50 : i32
      %dma_wait3A_2334 = arith.constant 0 : i32
      %dma_wait3A_2335 = tpu.memref_slice %dma_wait3A_2332[%dma_wait3A_2333, %dma_wait3A_2334] : memref<200x64xf32, #tpu.memory_space<vmem>> -> memref<50x64xf32, #tpu.memory_space<vmem>>
      tpu.wait_dma2 semaphore(%arg14 : memref<!tpu.dma_semaphore, #tpu.memory_space<semaphore_mem>>) src(%dma_wait3A_2335 : memref<50x64xf32, #tpu.memory_space<vmem>>) dst(%dma_wait3A_2328 : memref<50x64xf32, #tpu.memory_space<hbm>>)
      %dma_wait3A_2336 = arith.constant 3 : i32
      %dma_wait3A_2337 = arith.constant 0 : i32
      %dma_wait3A_2338 = arith.constant 0 : i32
      %dma_wait3A_2339 = tpu.memref_slice %arg6[%dma_wait3A_2336, %dma_wait3A_2337, %dma_wait3A_2338] : memref<4x200x64xf32, #tpu.memory_space<vmem>> -> memref<1x200x64xf32, #tpu.memory_space<vmem>>
      %dma_wait3A_2340 = tpu.memref_squeeze %dma_wait3A_2339 : memref<1x200x64xf32, #tpu.memory_space<vmem>> -> memref<200x64xf32, #tpu.memory_space<vmem>>
      %dma_wait3A_2341 = arith.constant 100 : i32
      %dma_wait3A_2342 = arith.constant 0 : i32
      %dma_wait3A_2343 = tpu.memref_slice %dma_wait3A_2340[%dma_wait3A_2341, %dma_wait3A_2342] : memref<200x64xf32, #tpu.memory_space<vmem>> -> memref<50x64xf32, #tpu.memory_space<vmem>>
      %dma_wait3A_2344 = arith.constant 0 : i32
      %dma_wait3A_2345 = arith.constant 0 : i32
      %dma_wait3A_2346 = tpu.memref_slice %arg4[%add3A_2285, %dma_wait3A_2344, %dma_wait3A_2345] : memref<16384x50x64xf32, #tpu.memory_space<hbm>> -> memref<1x50x64xf32, #tpu.memory_space<hbm>>
      %dma_wait3A_2347 = tpu.memref_squeeze %dma_wait3A_2346 : memref<1x50x64xf32, #tpu.memory_space<hbm>> -> memref<50x64xf32, #tpu.memory_space<hbm>>
      %dma_wait3A_2348 = arith.constant 0 : i32
      %dma_wait3A_2349 = arith.constant 0 : i32
      %dma_wait3A_2350 = tpu.memref_slice %arg4[%add3A_2285, %dma_wait3A_2348, %dma_wait3A_2349] : memref<16384x50x64xf32, #tpu.memory_space<hbm>> -> memref<1x50x64xf32, #tpu.memory_space<hbm>>
      %dma_wait3A_2351 = tpu.memref_squeeze %dma_wait3A_2350 : memref<1x50x64xf32, #tpu.memory_space<hbm>> -> memref<50x64xf32, #tpu.memory_space<hbm>>
      %dma_wait3A_2352 = arith.constant 0 : i32
      %dma_wait3A_2353 = arith.constant 0 : i32
      %dma_wait3A_2354 = tpu.memref_slice %arg6[%dma_wait3A_2336, %dma_wait3A_2352, %dma_wait3A_2353] : memref<4x200x64xf32, #tpu.memory_space<vmem>> -> memref<1x200x64xf32, #tpu.memory_space<vmem>>
      %dma_wait3A_2355 = tpu.memref_squeeze %dma_wait3A_2354 : memref<1x200x64xf32, #tpu.memory_space<vmem>> -> memref<200x64xf32, #tpu.memory_space<vmem>>
      %dma_wait3A_2356 = arith.constant 100 : i32
      %dma_wait3A_2357 = arith.constant 0 : i32
      %dma_wait3A_2358 = tpu.memref_slice %dma_wait3A_2355[%dma_wait3A_2356, %dma_wait3A_2357] : memref<200x64xf32, #tpu.memory_space<vmem>> -> memref<50x64xf32, #tpu.memory_space<vmem>>
      tpu.wait_dma2 semaphore(%arg14 : memref<!tpu.dma_semaphore, #tpu.memory_space<semaphore_mem>>) src(%dma_wait3A_2358 : memref<50x64xf32, #tpu.memory_space<vmem>>) dst(%dma_wait3A_2351 : memref<50x64xf32, #tpu.memory_space<hbm>>)
      %dma_wait3A_2359 = arith.constant 3 : i32
      %dma_wait3A_2360 = arith.constant 0 : i32
      %dma_wait3A_2361 = arith.constant 0 : i32
      %dma_wait3A_2362 = tpu.memref_slice %arg6[%dma_wait3A_2359, %dma_wait3A_2360, %dma_wait3A_2361] : memref<4x200x64xf32, #tpu.memory_space<vmem>> -> memref<1x200x64xf32, #tpu.memory_space<vmem>>
      %dma_wait3A_2363 = tpu.memref_squeeze %dma_wait3A_2362 : memref<1x200x64xf32, #tpu.memory_space<vmem>> -> memref<200x64xf32, #tpu.memory_space<vmem>>
      %dma_wait3A_2364 = arith.constant 150 : i32
      %dma_wait3A_2365 = arith.constant 0 : i32
      %dma_wait3A_2366 = tpu.memref_slice %dma_wait3A_2363[%dma_wait3A_2364, %dma_wait3A_2365] : memref<200x64xf32, #tpu.memory_space<vmem>> -> memref<50x64xf32, #tpu.memory_space<vmem>>
      %dma_wait3A_2367 = arith.constant 0 : i32
      %dma_wait3A_2368 = arith.constant 0 : i32
      %dma_wait3A_2369 = tpu.memref_slice %arg4[%add3A_2289, %dma_wait3A_2367, %dma_wait3A_2368] : memref<16384x50x64xf32, #tpu.memory_space<hbm>> -> memref<1x50x64xf32, #tpu.memory_space<hbm>>
      %dma_wait3A_2370 = tpu.memref_squeeze %dma_wait3A_2369 : memref<1x50x64xf32, #tpu.memory_space<hbm>> -> memref<50x64xf32, #tpu.memory_space<hbm>>
      %dma_wait3A_2371 = arith.constant 0 : i32
      %dma_wait3A_2372 = arith.constant 0 : i32
      %dma_wait3A_2373 = tpu.memref_slice %arg4[%add3A_2289, %dma_wait3A_2371, %dma_wait3A_2372] : memref<16384x50x64xf32, #tpu.memory_space<hbm>> -> memref<1x50x64xf32, #tpu.memory_space<hbm>>
      %dma_wait3A_2374 = tpu.memref_squeeze %dma_wait3A_2373 : memref<1x50x64xf32, #tpu.memory_space<hbm>> -> memref<50x64xf32, #tpu.memory_space<hbm>>
      %dma_wait3A_2375 = arith.constant 0 : i32
      %dma_wait3A_2376 = arith.constant 0 : i32
      %dma_wait3A_2377 = tpu.memref_slice %arg6[%dma_wait3A_2359, %dma_wait3A_2375, %dma_wait3A_2376] : memref<4x200x64xf32, #tpu.memory_space<vmem>> -> memref<1x200x64xf32, #tpu.memory_space<vmem>>
      %dma_wait3A_2378 = tpu.memref_squeeze %dma_wait3A_2377 : memref<1x200x64xf32, #tpu.memory_space<vmem>> -> memref<200x64xf32, #tpu.memory_space<vmem>>
      %dma_wait3A_2379 = arith.constant 150 : i32
      %dma_wait3A_2380 = arith.constant 0 : i32
      %dma_wait3A_2381 = tpu.memref_slice %dma_wait3A_2378[%dma_wait3A_2379, %dma_wait3A_2380] : memref<200x64xf32, #tpu.memory_space<vmem>> -> memref<50x64xf32, #tpu.memory_space<vmem>>
      tpu.wait_dma2 semaphore(%arg14 : memref<!tpu.dma_semaphore, #tpu.memory_space<semaphore_mem>>) src(%dma_wait3A_2381 : memref<50x64xf32, #tpu.memory_space<vmem>>) dst(%dma_wait3A_2374 : memref<50x64xf32, #tpu.memory_space<hbm>>)
      %add3A_2382 = arith.constant 2 : i32
      %add3A_2383 = arith.addi %add3A_2150, %add3A_2382 : i32
      %mul3A_2384 = arith.constant 200 : i32
      %mul3A_2385 = arith.muli %add3A_2383, %mul3A_2384 : i32
      %dma_start3A_2386 = arith.constant 3 : i32
      %dma_start3A_2387 = arith.constant 0 : i32
      %dma_start3A_2388 = arith.constant 0 : i32
      %dma_start3A_2389 = tpu.memref_slice %arg6[%dma_start3A_2386, %dma_start3A_2387, %dma_start3A_2388] : memref<4x200x64xf32, #tpu.memory_space<vmem>> -> memref<1x200x64xf32, #tpu.memory_space<vmem>>
      %dma_start3A_2390 = tpu.memref_squeeze %dma_start3A_2389 : memref<1x200x64xf32, #tpu.memory_space<vmem>> -> memref<200x64xf32, #tpu.memory_space<vmem>>
      %dma_start3A_2391 = tpu.memref_slice %arg5[%mul3A_2385] : memref<25600xi32, #tpu.memory_space<vmem>> -> memref<200xi32, #tpu.memory_space<vmem>>
      %dma_start3A_2392 = arith.constant 0 : i32
      %dma_start3A_2393 = arith.constant 0 : i32
      %dma_start3A_2394 = tpu.memref_slice %arg2[%dma_start3A_2392, %dma_start3A_2393] : memref<1000000x64xf32, #tpu.memory_space<hbm>> -> memref<1000000x64xf32, #tpu.memory_space<hbm>>
      tpu.enqueue_indirect_dma source(%dma_start3A_2394 : memref<1000000x64xf32, #tpu.memory_space<hbm>>) target(%dma_start3A_2390 : memref<200x64xf32, #tpu.memory_space<vmem>>) offsets(%dma_start3A_2391 : memref<200xi32, #tpu.memory_space<vmem>>) semaphore(%arg10 : memref<!tpu.dma_semaphore, #tpu.memory_space<semaphore_mem>>)
      %mul3A_2395 = arith.constant 4 : i32
      %mul3A_2396 = arith.muli %scan3A_1897, %mul3A_2395 : i32
      %add3A_2397 = arith.constant 2 : i32
      %add3A_2398 = arith.addi %mul3A_2396, %add3A_2397 : i32
      %mul3A_2399 = arith.constant 200 : i32
      %mul3A_2400 = arith.muli %add3A_2398, %mul3A_2399 : i32
      %dma_wait3A_2401 = arith.constant 2 : i32
      %dma_wait3A_2402 = arith.constant 0 : i32
      %dma_wait3A_2403 = arith.constant 0 : i32
      %dma_wait3A_2404 = tpu.memref_slice %arg6[%dma_wait3A_2401, %dma_wait3A_2402, %dma_wait3A_2403] : memref<4x200x64xf32, #tpu.memory_space<vmem>> -> memref<1x200x64xf32, #tpu.memory_space<vmem>>
      %dma_wait3A_2405 = tpu.memref_squeeze %dma_wait3A_2404 : memref<1x200x64xf32, #tpu.memory_space<vmem>> -> memref<200x64xf32, #tpu.memory_space<vmem>>
      %dma_wait3A_2406 = tpu.memref_slice %arg5[%mul3A_2400] : memref<25600xi32, #tpu.memory_space<vmem>> -> memref<200xi32, #tpu.memory_space<vmem>>
      %dma_wait3A_2407 = arith.constant 0 : i32
      %dma_wait3A_2408 = arith.constant 0 : i32
      %dma_wait3A_2409 = tpu.memref_slice %arg2[%dma_wait3A_2407, %dma_wait3A_2408] : memref<1000000x64xf32, #tpu.memory_space<hbm>> -> memref<1000000x64xf32, #tpu.memory_space<hbm>>
      tpu.wait_indirect_dma semaphore(%arg9 : memref<!tpu.dma_semaphore, #tpu.memory_space<semaphore_mem>>) src(%dma_wait3A_2409 : memref<1000000x64xf32, #tpu.memory_space<hbm>>) dst(%dma_wait3A_2405 : memref<200x64xf32, #tpu.memory_space<vmem>>)
      %mul3A_2410 = arith.constant 4 : i32
      %mul3A_2411 = arith.muli %add3A_2398, %mul3A_2410 : i32
      %add3A_2412 = arith.addi %mul3A_4, %mul3A_2411 : i32
      %add3A_2413 = arith.constant 0 : i32
      %add3A_2414 = arith.addi %add3A_2412, %add3A_2413 : i32
      %mul3A_2415 = arith.constant 4 : i32
      %mul3A_2416 = arith.muli %add3A_2398, %mul3A_2415 : i32
      %add3A_2417 = arith.addi %mul3A_4, %mul3A_2416 : i32
      %add3A_2418 = arith.constant 1 : i32
      %add3A_2419 = arith.addi %add3A_2417, %add3A_2418 : i32
      %mul3A_2420 = arith.constant 4 : i32
      %mul3A_2421 = arith.muli %add3A_2398, %mul3A_2420 : i32
      %add3A_2422 = arith.addi %mul3A_4, %mul3A_2421 : i32
      %add3A_2423 = arith.constant 2 : i32
      %add3A_2424 = arith.addi %add3A_2422, %add3A_2423 : i32
      %mul3A_2425 = arith.constant 4 : i32
      %mul3A_2426 = arith.muli %add3A_2398, %mul3A_2425 : i32
      %add3A_2427 = arith.addi %mul3A_4, %mul3A_2426 : i32
      %add3A_2428 = arith.constant 3 : i32
      %add3A_2429 = arith.addi %add3A_2427, %add3A_2428 : i32
      %dma_start3A_2430 = arith.constant 2 : i32
      %dma_start3A_2431 = arith.constant 0 : i32
      %dma_start3A_2432 = arith.constant 0 : i32
      %dma_start3A_2433 = tpu.memref_slice %arg6[%dma_start3A_2430, %dma_start3A_2431, %dma_start3A_2432] : memref<4x200x64xf32, #tpu.memory_space<vmem>> -> memref<1x200x64xf32, #tpu.memory_space<vmem>>
      %dma_start3A_2434 = tpu.memref_squeeze %dma_start3A_2433 : memref<1x200x64xf32, #tpu.memory_space<vmem>> -> memref<200x64xf32, #tpu.memory_space<vmem>>
      %dma_start3A_2435 = arith.constant 0 : i32
      %dma_start3A_2436 = arith.constant 0 : i32
      %dma_start3A_2437 = tpu.memref_slice %dma_start3A_2434[%dma_start3A_2435, %dma_start3A_2436] : memref<200x64xf32, #tpu.memory_space<vmem>> -> memref<50x64xf32, #tpu.memory_space<vmem>>
      %dma_start3A_2438 = arith.constant 0 : i32
      %dma_start3A_2439 = arith.constant 0 : i32
      %dma_start3A_2440 = tpu.memref_slice %arg4[%add3A_2414, %dma_start3A_2438, %dma_start3A_2439] : memref<16384x50x64xf32, #tpu.memory_space<hbm>> -> memref<1x50x64xf32, #tpu.memory_space<hbm>>
      %dma_start3A_2441 = tpu.memref_squeeze %dma_start3A_2440 : memref<1x50x64xf32, #tpu.memory_space<hbm>> -> memref<50x64xf32, #tpu.memory_space<hbm>>
      %dma_start3A_2442 = arith.constant 0 : i32
      %dma_start3A_2443 = arith.constant 0 : i32
      %dma_start3A_2444 = tpu.memref_slice %arg4[%add3A_2414, %dma_start3A_2442, %dma_start3A_2443] : memref<16384x50x64xf32, #tpu.memory_space<hbm>> -> memref<1x50x64xf32, #tpu.memory_space<hbm>>
      %dma_start3A_2445 = tpu.memref_squeeze %dma_start3A_2444 : memref<1x50x64xf32, #tpu.memory_space<hbm>> -> memref<50x64xf32, #tpu.memory_space<hbm>>
      %dma_start3A_2446 = arith.constant 0 : i32
      %dma_start3A_2447 = arith.constant 0 : i32
      %dma_start3A_2448 = tpu.memref_slice %arg6[%dma_start3A_2430, %dma_start3A_2446, %dma_start3A_2447] : memref<4x200x64xf32, #tpu.memory_space<vmem>> -> memref<1x200x64xf32, #tpu.memory_space<vmem>>
      %dma_start3A_2449 = tpu.memref_squeeze %dma_start3A_2448 : memref<1x200x64xf32, #tpu.memory_space<vmem>> -> memref<200x64xf32, #tpu.memory_space<vmem>>
      %dma_start3A_2450 = arith.constant 0 : i32
      %dma_start3A_2451 = arith.constant 0 : i32
      %dma_start3A_2452 = tpu.memref_slice %dma_start3A_2449[%dma_start3A_2450, %dma_start3A_2451] : memref<200x64xf32, #tpu.memory_space<vmem>> -> memref<50x64xf32, #tpu.memory_space<vmem>>
      tpu.enqueue_dma source(%dma_start3A_2452 : memref<50x64xf32, #tpu.memory_space<vmem>>) target(%dma_start3A_2445 : memref<50x64xf32, #tpu.memory_space<hbm>>) target_semaphore(%arg13 : memref<!tpu.dma_semaphore, #tpu.memory_space<semaphore_mem>>)
      %dma_start3A_2453 = arith.constant 2 : i32
      %dma_start3A_2454 = arith.constant 0 : i32
      %dma_start3A_2455 = arith.constant 0 : i32
      %dma_start3A_2456 = tpu.memref_slice %arg6[%dma_start3A_2453, %dma_start3A_2454, %dma_start3A_2455] : memref<4x200x64xf32, #tpu.memory_space<vmem>> -> memref<1x200x64xf32, #tpu.memory_space<vmem>>
      %dma_start3A_2457 = tpu.memref_squeeze %dma_start3A_2456 : memref<1x200x64xf32, #tpu.memory_space<vmem>> -> memref<200x64xf32, #tpu.memory_space<vmem>>
      %dma_start3A_2458 = arith.constant 50 : i32
      %dma_start3A_2459 = arith.constant 0 : i32
      %dma_start3A_2460 = tpu.memref_slice %dma_start3A_2457[%dma_start3A_2458, %dma_start3A_2459] : memref<200x64xf32, #tpu.memory_space<vmem>> -> memref<50x64xf32, #tpu.memory_space<vmem>>
      %dma_start3A_2461 = arith.constant 0 : i32
      %dma_start3A_2462 = arith.constant 0 : i32
      %dma_start3A_2463 = tpu.memref_slice %arg4[%add3A_2419, %dma_start3A_2461, %dma_start3A_2462] : memref<16384x50x64xf32, #tpu.memory_space<hbm>> -> memref<1x50x64xf32, #tpu.memory_space<hbm>>
      %dma_start3A_2464 = tpu.memref_squeeze %dma_start3A_2463 : memref<1x50x64xf32, #tpu.memory_space<hbm>> -> memref<50x64xf32, #tpu.memory_space<hbm>>
      %dma_start3A_2465 = arith.constant 0 : i32
      %dma_start3A_2466 = arith.constant 0 : i32
      %dma_start3A_2467 = tpu.memref_slice %arg4[%add3A_2419, %dma_start3A_2465, %dma_start3A_2466] : memref<16384x50x64xf32, #tpu.memory_space<hbm>> -> memref<1x50x64xf32, #tpu.memory_space<hbm>>
      %dma_start3A_2468 = tpu.memref_squeeze %dma_start3A_2467 : memref<1x50x64xf32, #tpu.memory_space<hbm>> -> memref<50x64xf32, #tpu.memory_space<hbm>>
      %dma_start3A_2469 = arith.constant 0 : i32
      %dma_start3A_2470 = arith.constant 0 : i32
      %dma_start3A_2471 = tpu.memref_slice %arg6[%dma_start3A_2453, %dma_start3A_2469, %dma_start3A_2470] : memref<4x200x64xf32, #tpu.memory_space<vmem>> -> memref<1x200x64xf32, #tpu.memory_space<vmem>>
      %dma_start3A_2472 = tpu.memref_squeeze %dma_start3A_2471 : memref<1x200x64xf32, #tpu.memory_space<vmem>> -> memref<200x64xf32, #tpu.memory_space<vmem>>
      %dma_start3A_2473 = arith.constant 50 : i32
      %dma_start3A_2474 = arith.constant 0 : i32
      %dma_start3A_2475 = tpu.memref_slice %dma_start3A_2472[%dma_start3A_2473, %dma_start3A_2474] : memref<200x64xf32, #tpu.memory_space<vmem>> -> memref<50x64xf32, #tpu.memory_space<vmem>>
      tpu.enqueue_dma source(%dma_start3A_2475 : memref<50x64xf32, #tpu.memory_space<vmem>>) target(%dma_start3A_2468 : memref<50x64xf32, #tpu.memory_space<hbm>>) target_semaphore(%arg13 : memref<!tpu.dma_semaphore, #tpu.memory_space<semaphore_mem>>)
      %dma_start3A_2476 = arith.constant 2 : i32
      %dma_start3A_2477 = arith.constant 0 : i32
      %dma_start3A_2478 = arith.constant 0 : i32
      %dma_start3A_2479 = tpu.memref_slice %arg6[%dma_start3A_2476, %dma_start3A_2477, %dma_start3A_2478] : memref<4x200x64xf32, #tpu.memory_space<vmem>> -> memref<1x200x64xf32, #tpu.memory_space<vmem>>
      %dma_start3A_2480 = tpu.memref_squeeze %dma_start3A_2479 : memref<1x200x64xf32, #tpu.memory_space<vmem>> -> memref<200x64xf32, #tpu.memory_space<vmem>>
      %dma_start3A_2481 = arith.constant 100 : i32
      %dma_start3A_2482 = arith.constant 0 : i32
      %dma_start3A_2483 = tpu.memref_slice %dma_start3A_2480[%dma_start3A_2481, %dma_start3A_2482] : memref<200x64xf32, #tpu.memory_space<vmem>> -> memref<50x64xf32, #tpu.memory_space<vmem>>
      %dma_start3A_2484 = arith.constant 0 : i32
      %dma_start3A_2485 = arith.constant 0 : i32
      %dma_start3A_2486 = tpu.memref_slice %arg4[%add3A_2424, %dma_start3A_2484, %dma_start3A_2485] : memref<16384x50x64xf32, #tpu.memory_space<hbm>> -> memref<1x50x64xf32, #tpu.memory_space<hbm>>
      %dma_start3A_2487 = tpu.memref_squeeze %dma_start3A_2486 : memref<1x50x64xf32, #tpu.memory_space<hbm>> -> memref<50x64xf32, #tpu.memory_space<hbm>>
      %dma_start3A_2488 = arith.constant 0 : i32
      %dma_start3A_2489 = arith.constant 0 : i32
      %dma_start3A_2490 = tpu.memref_slice %arg4[%add3A_2424, %dma_start3A_2488, %dma_start3A_2489] : memref<16384x50x64xf32, #tpu.memory_space<hbm>> -> memref<1x50x64xf32, #tpu.memory_space<hbm>>
      %dma_start3A_2491 = tpu.memref_squeeze %dma_start3A_2490 : memref<1x50x64xf32, #tpu.memory_space<hbm>> -> memref<50x64xf32, #tpu.memory_space<hbm>>
      %dma_start3A_2492 = arith.constant 0 : i32
      %dma_start3A_2493 = arith.constant 0 : i32
      %dma_start3A_2494 = tpu.memref_slice %arg6[%dma_start3A_2476, %dma_start3A_2492, %dma_start3A_2493] : memref<4x200x64xf32, #tpu.memory_space<vmem>> -> memref<1x200x64xf32, #tpu.memory_space<vmem>>
      %dma_start3A_2495 = tpu.memref_squeeze %dma_start3A_2494 : memref<1x200x64xf32, #tpu.memory_space<vmem>> -> memref<200x64xf32, #tpu.memory_space<vmem>>
      %dma_start3A_2496 = arith.constant 100 : i32
      %dma_start3A_2497 = arith.constant 0 : i32
      %dma_start3A_2498 = tpu.memref_slice %dma_start3A_2495[%dma_start3A_2496, %dma_start3A_2497] : memref<200x64xf32, #tpu.memory_space<vmem>> -> memref<50x64xf32, #tpu.memory_space<vmem>>
      tpu.enqueue_dma source(%dma_start3A_2498 : memref<50x64xf32, #tpu.memory_space<vmem>>) target(%dma_start3A_2491 : memref<50x64xf32, #tpu.memory_space<hbm>>) target_semaphore(%arg13 : memref<!tpu.dma_semaphore, #tpu.memory_space<semaphore_mem>>)
      %dma_start3A_2499 = arith.constant 2 : i32
      %dma_start3A_2500 = arith.constant 0 : i32
      %dma_start3A_2501 = arith.constant 0 : i32
      %dma_start3A_2502 = tpu.memref_slice %arg6[%dma_start3A_2499, %dma_start3A_2500, %dma_start3A_2501] : memref<4x200x64xf32, #tpu.memory_space<vmem>> -> memref<1x200x64xf32, #tpu.memory_space<vmem>>
      %dma_start3A_2503 = tpu.memref_squeeze %dma_start3A_2502 : memref<1x200x64xf32, #tpu.memory_space<vmem>> -> memref<200x64xf32, #tpu.memory_space<vmem>>
      %dma_start3A_2504 = arith.constant 150 : i32
      %dma_start3A_2505 = arith.constant 0 : i32
      %dma_start3A_2506 = tpu.memref_slice %dma_start3A_2503[%dma_start3A_2504, %dma_start3A_2505] : memref<200x64xf32, #tpu.memory_space<vmem>> -> memref<50x64xf32, #tpu.memory_space<vmem>>
      %dma_start3A_2507 = arith.constant 0 : i32
      %dma_start3A_2508 = arith.constant 0 : i32
      %dma_start3A_2509 = tpu.memref_slice %arg4[%add3A_2429, %dma_start3A_2507, %dma_start3A_2508] : memref<16384x50x64xf32, #tpu.memory_space<hbm>> -> memref<1x50x64xf32, #tpu.memory_space<hbm>>
      %dma_start3A_2510 = tpu.memref_squeeze %dma_start3A_2509 : memref<1x50x64xf32, #tpu.memory_space<hbm>> -> memref<50x64xf32, #tpu.memory_space<hbm>>
      %dma_start3A_2511 = arith.constant 0 : i32
      %dma_start3A_2512 = arith.constant 0 : i32
      %dma_start3A_2513 = tpu.memref_slice %arg4[%add3A_2429, %dma_start3A_2511, %dma_start3A_2512] : memref<16384x50x64xf32, #tpu.memory_space<hbm>> -> memref<1x50x64xf32, #tpu.memory_space<hbm>>
      %dma_start3A_2514 = tpu.memref_squeeze %dma_start3A_2513 : memref<1x50x64xf32, #tpu.memory_space<hbm>> -> memref<50x64xf32, #tpu.memory_space<hbm>>
      %dma_start3A_2515 = arith.constant 0 : i32
      %dma_start3A_2516 = arith.constant 0 : i32
      %dma_start3A_2517 = tpu.memref_slice %arg6[%dma_start3A_2499, %dma_start3A_2515, %dma_start3A_2516] : memref<4x200x64xf32, #tpu.memory_space<vmem>> -> memref<1x200x64xf32, #tpu.memory_space<vmem>>
      %dma_start3A_2518 = tpu.memref_squeeze %dma_start3A_2517 : memref<1x200x64xf32, #tpu.memory_space<vmem>> -> memref<200x64xf32, #tpu.memory_space<vmem>>
      %dma_start3A_2519 = arith.constant 150 : i32
      %dma_start3A_2520 = arith.constant 0 : i32
      %dma_start3A_2521 = tpu.memref_slice %dma_start3A_2518[%dma_start3A_2519, %dma_start3A_2520] : memref<200x64xf32, #tpu.memory_space<vmem>> -> memref<50x64xf32, #tpu.memory_space<vmem>>
      tpu.enqueue_dma source(%dma_start3A_2521 : memref<50x64xf32, #tpu.memory_space<vmem>>) target(%dma_start3A_2514 : memref<50x64xf32, #tpu.memory_space<hbm>>) target_semaphore(%arg13 : memref<!tpu.dma_semaphore, #tpu.memory_space<semaphore_mem>>)
      %add3A_2522 = arith.constant 0 : i32
      %add3A_2523 = arith.addi %mul3A_4, %add3A_2522 : i32
      %add3A_2524 = arith.constant 0 : i32
      %add3A_2525 = arith.addi %add3A_2523, %add3A_2524 : i32
      %add3A_2526 = arith.constant 0 : i32
      %add3A_2527 = arith.addi %mul3A_4, %add3A_2526 : i32
      %add3A_2528 = arith.constant 1 : i32
      %add3A_2529 = arith.addi %add3A_2527, %add3A_2528 : i32
      %add3A_2530 = arith.constant 0 : i32
      %add3A_2531 = arith.addi %mul3A_4, %add3A_2530 : i32
      %add3A_2532 = arith.constant 2 : i32
      %add3A_2533 = arith.addi %add3A_2531, %add3A_2532 : i32
      %add3A_2534 = arith.constant 0 : i32
      %add3A_2535 = arith.addi %mul3A_4, %add3A_2534 : i32
      %add3A_2536 = arith.constant 3 : i32
      %add3A_2537 = arith.addi %add3A_2535, %add3A_2536 : i32
      %dma_wait3A_2538 = arith.constant 0 : i32
      %dma_wait3A_2539 = arith.constant 0 : i32
      %dma_wait3A_2540 = arith.constant 0 : i32
      %dma_wait3A_2541 = tpu.memref_slice %arg6[%dma_wait3A_2538, %dma_wait3A_2539, %dma_wait3A_2540] : memref<4x200x64xf32, #tpu.memory_space<vmem>> -> memref<1x200x64xf32, #tpu.memory_space<vmem>>
      %dma_wait3A_2542 = tpu.memref_squeeze %dma_wait3A_2541 : memref<1x200x64xf32, #tpu.memory_space<vmem>> -> memref<200x64xf32, #tpu.memory_space<vmem>>
      %dma_wait3A_2543 = arith.constant 0 : i32
      %dma_wait3A_2544 = arith.constant 0 : i32
      %dma_wait3A_2545 = tpu.memref_slice %dma_wait3A_2542[%dma_wait3A_2543, %dma_wait3A_2544] : memref<200x64xf32, #tpu.memory_space<vmem>> -> memref<50x64xf32, #tpu.memory_space<vmem>>
      %dma_wait3A_2546 = arith.constant 0 : i32
      %dma_wait3A_2547 = arith.constant 0 : i32
      %dma_wait3A_2548 = tpu.memref_slice %arg4[%add3A_2525, %dma_wait3A_2546, %dma_wait3A_2547] : memref<16384x50x64xf32, #tpu.memory_space<hbm>> -> memref<1x50x64xf32, #tpu.memory_space<hbm>>
      %dma_wait3A_2549 = tpu.memref_squeeze %dma_wait3A_2548 : memref<1x50x64xf32, #tpu.memory_space<hbm>> -> memref<50x64xf32, #tpu.memory_space<hbm>>
      %dma_wait3A_2550 = arith.constant 0 : i32
      %dma_wait3A_2551 = arith.constant 0 : i32
      %dma_wait3A_2552 = tpu.memref_slice %arg4[%add3A_2525, %dma_wait3A_2550, %dma_wait3A_2551] : memref<16384x50x64xf32, #tpu.memory_space<hbm>> -> memref<1x50x64xf32, #tpu.memory_space<hbm>>
      %dma_wait3A_2553 = tpu.memref_squeeze %dma_wait3A_2552 : memref<1x50x64xf32, #tpu.memory_space<hbm>> -> memref<50x64xf32, #tpu.memory_space<hbm>>
      %dma_wait3A_2554 = arith.constant 0 : i32
      %dma_wait3A_2555 = arith.constant 0 : i32
      %dma_wait3A_2556 = tpu.memref_slice %arg6[%dma_wait3A_2538, %dma_wait3A_2554, %dma_wait3A_2555] : memref<4x200x64xf32, #tpu.memory_space<vmem>> -> memref<1x200x64xf32, #tpu.memory_space<vmem>>
      %dma_wait3A_2557 = tpu.memref_squeeze %dma_wait3A_2556 : memref<1x200x64xf32, #tpu.memory_space<vmem>> -> memref<200x64xf32, #tpu.memory_space<vmem>>
      %dma_wait3A_2558 = arith.constant 0 : i32
      %dma_wait3A_2559 = arith.constant 0 : i32
      %dma_wait3A_2560 = tpu.memref_slice %dma_wait3A_2557[%dma_wait3A_2558, %dma_wait3A_2559] : memref<200x64xf32, #tpu.memory_space<vmem>> -> memref<50x64xf32, #tpu.memory_space<vmem>>
      tpu.wait_dma2 semaphore(%arg11 : memref<!tpu.dma_semaphore, #tpu.memory_space<semaphore_mem>>) src(%dma_wait3A_2560 : memref<50x64xf32, #tpu.memory_space<vmem>>) dst(%dma_wait3A_2553 : memref<50x64xf32, #tpu.memory_space<hbm>>)
      %dma_wait3A_2561 = arith.constant 0 : i32
      %dma_wait3A_2562 = arith.constant 0 : i32
      %dma_wait3A_2563 = arith.constant 0 : i32
      %dma_wait3A_2564 = tpu.memref_slice %arg6[%dma_wait3A_2561, %dma_wait3A_2562, %dma_wait3A_2563] : memref<4x200x64xf32, #tpu.memory_space<vmem>> -> memref<1x200x64xf32, #tpu.memory_space<vmem>>
      %dma_wait3A_2565 = tpu.memref_squeeze %dma_wait3A_2564 : memref<1x200x64xf32, #tpu.memory_space<vmem>> -> memref<200x64xf32, #tpu.memory_space<vmem>>
      %dma_wait3A_2566 = arith.constant 50 : i32
      %dma_wait3A_2567 = arith.constant 0 : i32
      %dma_wait3A_2568 = tpu.memref_slice %dma_wait3A_2565[%dma_wait3A_2566, %dma_wait3A_2567] : memref<200x64xf32, #tpu.memory_space<vmem>> -> memref<50x64xf32, #tpu.memory_space<vmem>>
      %dma_wait3A_2569 = arith.constant 0 : i32
      %dma_wait3A_2570 = arith.constant 0 : i32
      %dma_wait3A_2571 = tpu.memref_slice %arg4[%add3A_2529, %dma_wait3A_2569, %dma_wait3A_2570] : memref<16384x50x64xf32, #tpu.memory_space<hbm>> -> memref<1x50x64xf32, #tpu.memory_space<hbm>>
      %dma_wait3A_2572 = tpu.memref_squeeze %dma_wait3A_2571 : memref<1x50x64xf32, #tpu.memory_space<hbm>> -> memref<50x64xf32, #tpu.memory_space<hbm>>
      %dma_wait3A_2573 = arith.constant 0 : i32
      %dma_wait3A_2574 = arith.constant 0 : i32
      %dma_wait3A_2575 = tpu.memref_slice %arg4[%add3A_2529, %dma_wait3A_2573, %dma_wait3A_2574] : memref<16384x50x64xf32, #tpu.memory_space<hbm>> -> memref<1x50x64xf32, #tpu.memory_space<hbm>>
      %dma_wait3A_2576 = tpu.memref_squeeze %dma_wait3A_2575 : memref<1x50x64xf32, #tpu.memory_space<hbm>> -> memref<50x64xf32, #tpu.memory_space<hbm>>
      %dma_wait3A_2577 = arith.constant 0 : i32
      %dma_wait3A_2578 = arith.constant 0 : i32
      %dma_wait3A_2579 = tpu.memref_slice %arg6[%dma_wait3A_2561, %dma_wait3A_2577, %dma_wait3A_2578] : memref<4x200x64xf32, #tpu.memory_space<vmem>> -> memref<1x200x64xf32, #tpu.memory_space<vmem>>
      %dma_wait3A_2580 = tpu.memref_squeeze %dma_wait3A_2579 : memref<1x200x64xf32, #tpu.memory_space<vmem>> -> memref<200x64xf32, #tpu.memory_space<vmem>>
      %dma_wait3A_2581 = arith.constant 50 : i32
      %dma_wait3A_2582 = arith.constant 0 : i32
      %dma_wait3A_2583 = tpu.memref_slice %dma_wait3A_2580[%dma_wait3A_2581, %dma_wait3A_2582] : memref<200x64xf32, #tpu.memory_space<vmem>> -> memref<50x64xf32, #tpu.memory_space<vmem>>
      tpu.wait_dma2 semaphore(%arg11 : memref<!tpu.dma_semaphore, #tpu.memory_space<semaphore_mem>>) src(%dma_wait3A_2583 : memref<50x64xf32, #tpu.memory_space<vmem>>) dst(%dma_wait3A_2576 : memref<50x64xf32, #tpu.memory_space<hbm>>)
      %dma_wait3A_2584 = arith.constant 0 : i32
      %dma_wait3A_2585 = arith.constant 0 : i32
      %dma_wait3A_2586 = arith.constant 0 : i32
      %dma_wait3A_2587 = tpu.memref_slice %arg6[%dma_wait3A_2584, %dma_wait3A_2585, %dma_wait3A_2586] : memref<4x200x64xf32, #tpu.memory_space<vmem>> -> memref<1x200x64xf32, #tpu.memory_space<vmem>>
      %dma_wait3A_2588 = tpu.memref_squeeze %dma_wait3A_2587 : memref<1x200x64xf32, #tpu.memory_space<vmem>> -> memref<200x64xf32, #tpu.memory_space<vmem>>
      %dma_wait3A_2589 = arith.constant 100 : i32
      %dma_wait3A_2590 = arith.constant 0 : i32
      %dma_wait3A_2591 = tpu.memref_slice %dma_wait3A_2588[%dma_wait3A_2589, %dma_wait3A_2590] : memref<200x64xf32, #tpu.memory_space<vmem>> -> memref<50x64xf32, #tpu.memory_space<vmem>>
      %dma_wait3A_2592 = arith.constant 0 : i32
      %dma_wait3A_2593 = arith.constant 0 : i32
      %dma_wait3A_2594 = tpu.memref_slice %arg4[%add3A_2533, %dma_wait3A_2592, %dma_wait3A_2593] : memref<16384x50x64xf32, #tpu.memory_space<hbm>> -> memref<1x50x64xf32, #tpu.memory_space<hbm>>
      %dma_wait3A_2595 = tpu.memref_squeeze %dma_wait3A_2594 : memref<1x50x64xf32, #tpu.memory_space<hbm>> -> memref<50x64xf32, #tpu.memory_space<hbm>>
      %dma_wait3A_2596 = arith.constant 0 : i32
      %dma_wait3A_2597 = arith.constant 0 : i32
      %dma_wait3A_2598 = tpu.memref_slice %arg4[%add3A_2533, %dma_wait3A_2596, %dma_wait3A_2597] : memref<16384x50x64xf32, #tpu.memory_space<hbm>> -> memref<1x50x64xf32, #tpu.memory_space<hbm>>
      %dma_wait3A_2599 = tpu.memref_squeeze %dma_wait3A_2598 : memref<1x50x64xf32, #tpu.memory_space<hbm>> -> memref<50x64xf32, #tpu.memory_space<hbm>>
      %dma_wait3A_2600 = arith.constant 0 : i32
      %dma_wait3A_2601 = arith.constant 0 : i32
      %dma_wait3A_2602 = tpu.memref_slice %arg6[%dma_wait3A_2584, %dma_wait3A_2600, %dma_wait3A_2601] : memref<4x200x64xf32, #tpu.memory_space<vmem>> -> memref<1x200x64xf32, #tpu.memory_space<vmem>>
      %dma_wait3A_2603 = tpu.memref_squeeze %dma_wait3A_2602 : memref<1x200x64xf32, #tpu.memory_space<vmem>> -> memref<200x64xf32, #tpu.memory_space<vmem>>
      %dma_wait3A_2604 = arith.constant 100 : i32
      %dma_wait3A_2605 = arith.constant 0 : i32
      %dma_wait3A_2606 = tpu.memref_slice %dma_wait3A_2603[%dma_wait3A_2604, %dma_wait3A_2605] : memref<200x64xf32, #tpu.memory_space<vmem>> -> memref<50x64xf32, #tpu.memory_space<vmem>>
      tpu.wait_dma2 semaphore(%arg11 : memref<!tpu.dma_semaphore, #tpu.memory_space<semaphore_mem>>) src(%dma_wait3A_2606 : memref<50x64xf32, #tpu.memory_space<vmem>>) dst(%dma_wait3A_2599 : memref<50x64xf32, #tpu.memory_space<hbm>>)
      %dma_wait3A_2607 = arith.constant 0 : i32
      %dma_wait3A_2608 = arith.constant 0 : i32
      %dma_wait3A_2609 = arith.constant 0 : i32
      %dma_wait3A_2610 = tpu.memref_slice %arg6[%dma_wait3A_2607, %dma_wait3A_2608, %dma_wait3A_2609] : memref<4x200x64xf32, #tpu.memory_space<vmem>> -> memref<1x200x64xf32, #tpu.memory_space<vmem>>
      %dma_wait3A_2611 = tpu.memref_squeeze %dma_wait3A_2610 : memref<1x200x64xf32, #tpu.memory_space<vmem>> -> memref<200x64xf32, #tpu.memory_space<vmem>>
      %dma_wait3A_2612 = arith.constant 150 : i32
      %dma_wait3A_2613 = arith.constant 0 : i32
      %dma_wait3A_2614 = tpu.memref_slice %dma_wait3A_2611[%dma_wait3A_2612, %dma_wait3A_2613] : memref<200x64xf32, #tpu.memory_space<vmem>> -> memref<50x64xf32, #tpu.memory_space<vmem>>
      %dma_wait3A_2615 = arith.constant 0 : i32
      %dma_wait3A_2616 = arith.constant 0 : i32
      %dma_wait3A_2617 = tpu.memref_slice %arg4[%add3A_2537, %dma_wait3A_2615, %dma_wait3A_2616] : memref<16384x50x64xf32, #tpu.memory_space<hbm>> -> memref<1x50x64xf32, #tpu.memory_space<hbm>>
      %dma_wait3A_2618 = tpu.memref_squeeze %dma_wait3A_2617 : memref<1x50x64xf32, #tpu.memory_space<hbm>> -> memref<50x64xf32, #tpu.memory_space<hbm>>
      %dma_wait3A_2619 = arith.constant 0 : i32
      %dma_wait3A_2620 = arith.constant 0 : i32
      %dma_wait3A_2621 = tpu.memref_slice %arg4[%add3A_2537, %dma_wait3A_2619, %dma_wait3A_2620] : memref<16384x50x64xf32, #tpu.memory_space<hbm>> -> memref<1x50x64xf32, #tpu.memory_space<hbm>>
      %dma_wait3A_2622 = tpu.memref_squeeze %dma_wait3A_2621 : memref<1x50x64xf32, #tpu.memory_space<hbm>> -> memref<50x64xf32, #tpu.memory_space<hbm>>
      %dma_wait3A_2623 = arith.constant 0 : i32
      %dma_wait3A_2624 = arith.constant 0 : i32
      %dma_wait3A_2625 = tpu.memref_slice %arg6[%dma_wait3A_2607, %dma_wait3A_2623, %dma_wait3A_2624] : memref<4x200x64xf32, #tpu.memory_space<vmem>> -> memref<1x200x64xf32, #tpu.memory_space<vmem>>
      %dma_wait3A_2626 = tpu.memref_squeeze %dma_wait3A_2625 : memref<1x200x64xf32, #tpu.memory_space<vmem>> -> memref<200x64xf32, #tpu.memory_space<vmem>>
      %dma_wait3A_2627 = arith.constant 150 : i32
      %dma_wait3A_2628 = arith.constant 0 : i32
      %dma_wait3A_2629 = tpu.memref_slice %dma_wait3A_2626[%dma_wait3A_2627, %dma_wait3A_2628] : memref<200x64xf32, #tpu.memory_space<vmem>> -> memref<50x64xf32, #tpu.memory_space<vmem>>
      tpu.wait_dma2 semaphore(%arg11 : memref<!tpu.dma_semaphore, #tpu.memory_space<semaphore_mem>>) src(%dma_wait3A_2629 : memref<50x64xf32, #tpu.memory_space<vmem>>) dst(%dma_wait3A_2622 : memref<50x64xf32, #tpu.memory_space<hbm>>)
      %add3A_2630 = arith.constant 2 : i32
      %add3A_2631 = arith.addi %add3A_2398, %add3A_2630 : i32
      %mul3A_2632 = arith.constant 200 : i32
      %mul3A_2633 = arith.muli %add3A_2631, %mul3A_2632 : i32
      %dma_start3A_2634 = arith.constant 0 : i32
      %dma_start3A_2635 = arith.constant 0 : i32
      %dma_start3A_2636 = arith.constant 0 : i32
      %dma_start3A_2637 = tpu.memref_slice %arg6[%dma_start3A_2634, %dma_start3A_2635, %dma_start3A_2636] : memref<4x200x64xf32, #tpu.memory_space<vmem>> -> memref<1x200x64xf32, #tpu.memory_space<vmem>>
      %dma_start3A_2638 = tpu.memref_squeeze %dma_start3A_2637 : memref<1x200x64xf32, #tpu.memory_space<vmem>> -> memref<200x64xf32, #tpu.memory_space<vmem>>
      %dma_start3A_2639 = tpu.memref_slice %arg5[%mul3A_2633] : memref<25600xi32, #tpu.memory_space<vmem>> -> memref<200xi32, #tpu.memory_space<vmem>>
      %dma_start3A_2640 = arith.constant 0 : i32
      %dma_start3A_2641 = arith.constant 0 : i32
      %dma_start3A_2642 = tpu.memref_slice %arg2[%dma_start3A_2640, %dma_start3A_2641] : memref<1000000x64xf32, #tpu.memory_space<hbm>> -> memref<1000000x64xf32, #tpu.memory_space<hbm>>
      tpu.enqueue_indirect_dma source(%dma_start3A_2642 : memref<1000000x64xf32, #tpu.memory_space<hbm>>) target(%dma_start3A_2638 : memref<200x64xf32, #tpu.memory_space<vmem>>) offsets(%dma_start3A_2639 : memref<200xi32, #tpu.memory_space<vmem>>) semaphore(%arg7 : memref<!tpu.dma_semaphore, #tpu.memory_space<semaphore_mem>>)
      %mul3A_2643 = arith.constant 4 : i32
      %mul3A_2644 = arith.muli %scan3A_1897, %mul3A_2643 : i32
      %add3A_2645 = arith.constant 3 : i32
      %add3A_2646 = arith.addi %mul3A_2644, %add3A_2645 : i32
      %mul3A_2647 = arith.constant 200 : i32
      %mul3A_2648 = arith.muli %add3A_2646, %mul3A_2647 : i32
      %dma_wait3A_2649 = arith.constant 3 : i32
      %dma_wait3A_2650 = arith.constant 0 : i32
      %dma_wait3A_2651 = arith.constant 0 : i32
      %dma_wait3A_2652 = tpu.memref_slice %arg6[%dma_wait3A_2649, %dma_wait3A_2650, %dma_wait3A_2651] : memref<4x200x64xf32, #tpu.memory_space<vmem>> -> memref<1x200x64xf32, #tpu.memory_space<vmem>>
      %dma_wait3A_2653 = tpu.memref_squeeze %dma_wait3A_2652 : memref<1x200x64xf32, #tpu.memory_space<vmem>> -> memref<200x64xf32, #tpu.memory_space<vmem>>
      %dma_wait3A_2654 = tpu.memref_slice %arg5[%mul3A_2648] : memref<25600xi32, #tpu.memory_space<vmem>> -> memref<200xi32, #tpu.memory_space<vmem>>
      %dma_wait3A_2655 = arith.constant 0 : i32
      %dma_wait3A_2656 = arith.constant 0 : i32
      %dma_wait3A_2657 = tpu.memref_slice %arg2[%dma_wait3A_2655, %dma_wait3A_2656] : memref<1000000x64xf32, #tpu.memory_space<hbm>> -> memref<1000000x64xf32, #tpu.memory_space<hbm>>
      tpu.wait_indirect_dma semaphore(%arg10 : memref<!tpu.dma_semaphore, #tpu.memory_space<semaphore_mem>>) src(%dma_wait3A_2657 : memref<1000000x64xf32, #tpu.memory_space<hbm>>) dst(%dma_wait3A_2653 : memref<200x64xf32, #tpu.memory_space<vmem>>)
      %mul3A_2658 = arith.constant 4 : i32
      %mul3A_2659 = arith.muli %add3A_2646, %mul3A_2658 : i32
      %add3A_2660 = arith.addi %mul3A_4, %mul3A_2659 : i32
      %add3A_2661 = arith.constant 0 : i32
      %add3A_2662 = arith.addi %add3A_2660, %add3A_2661 : i32
      %mul3A_2663 = arith.constant 4 : i32
      %mul3A_2664 = arith.muli %add3A_2646, %mul3A_2663 : i32
      %add3A_2665 = arith.addi %mul3A_4, %mul3A_2664 : i32
      %add3A_2666 = arith.constant 1 : i32
      %add3A_2667 = arith.addi %add3A_2665, %add3A_2666 : i32
      %mul3A_2668 = arith.constant 4 : i32
      %mul3A_2669 = arith.muli %add3A_2646, %mul3A_2668 : i32
      %add3A_2670 = arith.addi %mul3A_4, %mul3A_2669 : i32
      %add3A_2671 = arith.constant 2 : i32
      %add3A_2672 = arith.addi %add3A_2670, %add3A_2671 : i32
      %mul3A_2673 = arith.constant 4 : i32
      %mul3A_2674 = arith.muli %add3A_2646, %mul3A_2673 : i32
      %add3A_2675 = arith.addi %mul3A_4, %mul3A_2674 : i32
      %add3A_2676 = arith.constant 3 : i32
      %add3A_2677 = arith.addi %add3A_2675, %add3A_2676 : i32
      %dma_start3A_2678 = arith.constant 3 : i32
      %dma_start3A_2679 = arith.constant 0 : i32
      %dma_start3A_2680 = arith.constant 0 : i32
      %dma_start3A_2681 = tpu.memref_slice %arg6[%dma_start3A_2678, %dma_start3A_2679, %dma_start3A_2680] : memref<4x200x64xf32, #tpu.memory_space<vmem>> -> memref<1x200x64xf32, #tpu.memory_space<vmem>>
      %dma_start3A_2682 = tpu.memref_squeeze %dma_start3A_2681 : memref<1x200x64xf32, #tpu.memory_space<vmem>> -> memref<200x64xf32, #tpu.memory_space<vmem>>
      %dma_start3A_2683 = arith.constant 0 : i32
      %dma_start3A_2684 = arith.constant 0 : i32
      %dma_start3A_2685 = tpu.memref_slice %dma_start3A_2682[%dma_start3A_2683, %dma_start3A_2684] : memref<200x64xf32, #tpu.memory_space<vmem>> -> memref<50x64xf32, #tpu.memory_space<vmem>>
      %dma_start3A_2686 = arith.constant 0 : i32
      %dma_start3A_2687 = arith.constant 0 : i32
      %dma_start3A_2688 = tpu.memref_slice %arg4[%add3A_2662, %dma_start3A_2686, %dma_start3A_2687] : memref<16384x50x64xf32, #tpu.memory_space<hbm>> -> memref<1x50x64xf32, #tpu.memory_space<hbm>>
      %dma_start3A_2689 = tpu.memref_squeeze %dma_start3A_2688 : memref<1x50x64xf32, #tpu.memory_space<hbm>> -> memref<50x64xf32, #tpu.memory_space<hbm>>
      %dma_start3A_2690 = arith.constant 0 : i32
      %dma_start3A_2691 = arith.constant 0 : i32
      %dma_start3A_2692 = tpu.memref_slice %arg4[%add3A_2662, %dma_start3A_2690, %dma_start3A_2691] : memref<16384x50x64xf32, #tpu.memory_space<hbm>> -> memref<1x50x64xf32, #tpu.memory_space<hbm>>
      %dma_start3A_2693 = tpu.memref_squeeze %dma_start3A_2692 : memref<1x50x64xf32, #tpu.memory_space<hbm>> -> memref<50x64xf32, #tpu.memory_space<hbm>>
      %dma_start3A_2694 = arith.constant 0 : i32
      %dma_start3A_2695 = arith.constant 0 : i32
      %dma_start3A_2696 = tpu.memref_slice %arg6[%dma_start3A_2678, %dma_start3A_2694, %dma_start3A_2695] : memref<4x200x64xf32, #tpu.memory_space<vmem>> -> memref<1x200x64xf32, #tpu.memory_space<vmem>>
      %dma_start3A_2697 = tpu.memref_squeeze %dma_start3A_2696 : memref<1x200x64xf32, #tpu.memory_space<vmem>> -> memref<200x64xf32, #tpu.memory_space<vmem>>
      %dma_start3A_2698 = arith.constant 0 : i32
      %dma_start3A_2699 = arith.constant 0 : i32
      %dma_start3A_2700 = tpu.memref_slice %dma_start3A_2697[%dma_start3A_2698, %dma_start3A_2699] : memref<200x64xf32, #tpu.memory_space<vmem>> -> memref<50x64xf32, #tpu.memory_space<vmem>>
      tpu.enqueue_dma source(%dma_start3A_2700 : memref<50x64xf32, #tpu.memory_space<vmem>>) target(%dma_start3A_2693 : memref<50x64xf32, #tpu.memory_space<hbm>>) target_semaphore(%arg14 : memref<!tpu.dma_semaphore, #tpu.memory_space<semaphore_mem>>)
      %dma_start3A_2701 = arith.constant 3 : i32
      %dma_start3A_2702 = arith.constant 0 : i32
      %dma_start3A_2703 = arith.constant 0 : i32
      %dma_start3A_2704 = tpu.memref_slice %arg6[%dma_start3A_2701, %dma_start3A_2702, %dma_start3A_2703] : memref<4x200x64xf32, #tpu.memory_space<vmem>> -> memref<1x200x64xf32, #tpu.memory_space<vmem>>
      %dma_start3A_2705 = tpu.memref_squeeze %dma_start3A_2704 : memref<1x200x64xf32, #tpu.memory_space<vmem>> -> memref<200x64xf32, #tpu.memory_space<vmem>>
      %dma_start3A_2706 = arith.constant 50 : i32
      %dma_start3A_2707 = arith.constant 0 : i32
      %dma_start3A_2708 = tpu.memref_slice %dma_start3A_2705[%dma_start3A_2706, %dma_start3A_2707] : memref<200x64xf32, #tpu.memory_space<vmem>> -> memref<50x64xf32, #tpu.memory_space<vmem>>
      %dma_start3A_2709 = arith.constant 0 : i32
      %dma_start3A_2710 = arith.constant 0 : i32
      %dma_start3A_2711 = tpu.memref_slice %arg4[%add3A_2667, %dma_start3A_2709, %dma_start3A_2710] : memref<16384x50x64xf32, #tpu.memory_space<hbm>> -> memref<1x50x64xf32, #tpu.memory_space<hbm>>
      %dma_start3A_2712 = tpu.memref_squeeze %dma_start3A_2711 : memref<1x50x64xf32, #tpu.memory_space<hbm>> -> memref<50x64xf32, #tpu.memory_space<hbm>>
      %dma_start3A_2713 = arith.constant 0 : i32
      %dma_start3A_2714 = arith.constant 0 : i32
      %dma_start3A_2715 = tpu.memref_slice %arg4[%add3A_2667, %dma_start3A_2713, %dma_start3A_2714] : memref<16384x50x64xf32, #tpu.memory_space<hbm>> -> memref<1x50x64xf32, #tpu.memory_space<hbm>>
      %dma_start3A_2716 = tpu.memref_squeeze %dma_start3A_2715 : memref<1x50x64xf32, #tpu.memory_space<hbm>> -> memref<50x64xf32, #tpu.memory_space<hbm>>
      %dma_start3A_2717 = arith.constant 0 : i32
      %dma_start3A_2718 = arith.constant 0 : i32
      %dma_start3A_2719 = tpu.memref_slice %arg6[%dma_start3A_2701, %dma_start3A_2717, %dma_start3A_2718] : memref<4x200x64xf32, #tpu.memory_space<vmem>> -> memref<1x200x64xf32, #tpu.memory_space<vmem>>
      %dma_start3A_2720 = tpu.memref_squeeze %dma_start3A_2719 : memref<1x200x64xf32, #tpu.memory_space<vmem>> -> memref<200x64xf32, #tpu.memory_space<vmem>>
      %dma_start3A_2721 = arith.constant 50 : i32
      %dma_start3A_2722 = arith.constant 0 : i32
      %dma_start3A_2723 = tpu.memref_slice %dma_start3A_2720[%dma_start3A_2721, %dma_start3A_2722] : memref<200x64xf32, #tpu.memory_space<vmem>> -> memref<50x64xf32, #tpu.memory_space<vmem>>
      tpu.enqueue_dma source(%dma_start3A_2723 : memref<50x64xf32, #tpu.memory_space<vmem>>) target(%dma_start3A_2716 : memref<50x64xf32, #tpu.memory_space<hbm>>) target_semaphore(%arg14 : memref<!tpu.dma_semaphore, #tpu.memory_space<semaphore_mem>>)
      %dma_start3A_2724 = arith.constant 3 : i32
      %dma_start3A_2725 = arith.constant 0 : i32
      %dma_start3A_2726 = arith.constant 0 : i32
      %dma_start3A_2727 = tpu.memref_slice %arg6[%dma_start3A_2724, %dma_start3A_2725, %dma_start3A_2726] : memref<4x200x64xf32, #tpu.memory_space<vmem>> -> memref<1x200x64xf32, #tpu.memory_space<vmem>>
      %dma_start3A_2728 = tpu.memref_squeeze %dma_start3A_2727 : memref<1x200x64xf32, #tpu.memory_space<vmem>> -> memref<200x64xf32, #tpu.memory_space<vmem>>
      %dma_start3A_2729 = arith.constant 100 : i32
      %dma_start3A_2730 = arith.constant 0 : i32
      %dma_start3A_2731 = tpu.memref_slice %dma_start3A_2728[%dma_start3A_2729, %dma_start3A_2730] : memref<200x64xf32, #tpu.memory_space<vmem>> -> memref<50x64xf32, #tpu.memory_space<vmem>>
      %dma_start3A_2732 = arith.constant 0 : i32
      %dma_start3A_2733 = arith.constant 0 : i32
      %dma_start3A_2734 = tpu.memref_slice %arg4[%add3A_2672, %dma_start3A_2732, %dma_start3A_2733] : memref<16384x50x64xf32, #tpu.memory_space<hbm>> -> memref<1x50x64xf32, #tpu.memory_space<hbm>>
      %dma_start3A_2735 = tpu.memref_squeeze %dma_start3A_2734 : memref<1x50x64xf32, #tpu.memory_space<hbm>> -> memref<50x64xf32, #tpu.memory_space<hbm>>
      %dma_start3A_2736 = arith.constant 0 : i32
      %dma_start3A_2737 = arith.constant 0 : i32
      %dma_start3A_2738 = tpu.memref_slice %arg4[%add3A_2672, %dma_start3A_2736, %dma_start3A_2737] : memref<16384x50x64xf32, #tpu.memory_space<hbm>> -> memref<1x50x64xf32, #tpu.memory_space<hbm>>
      %dma_start3A_2739 = tpu.memref_squeeze %dma_start3A_2738 : memref<1x50x64xf32, #tpu.memory_space<hbm>> -> memref<50x64xf32, #tpu.memory_space<hbm>>
      %dma_start3A_2740 = arith.constant 0 : i32
      %dma_start3A_2741 = arith.constant 0 : i32
      %dma_start3A_2742 = tpu.memref_slice %arg6[%dma_start3A_2724, %dma_start3A_2740, %dma_start3A_2741] : memref<4x200x64xf32, #tpu.memory_space<vmem>> -> memref<1x200x64xf32, #tpu.memory_space<vmem>>
      %dma_start3A_2743 = tpu.memref_squeeze %dma_start3A_2742 : memref<1x200x64xf32, #tpu.memory_space<vmem>> -> memref<200x64xf32, #tpu.memory_space<vmem>>
      %dma_start3A_2744 = arith.constant 100 : i32
      %dma_start3A_2745 = arith.constant 0 : i32
      %dma_start3A_2746 = tpu.memref_slice %dma_start3A_2743[%dma_start3A_2744, %dma_start3A_2745] : memref<200x64xf32, #tpu.memory_space<vmem>> -> memref<50x64xf32, #tpu.memory_space<vmem>>
      tpu.enqueue_dma source(%dma_start3A_2746 : memref<50x64xf32, #tpu.memory_space<vmem>>) target(%dma_start3A_2739 : memref<50x64xf32, #tpu.memory_space<hbm>>) target_semaphore(%arg14 : memref<!tpu.dma_semaphore, #tpu.memory_space<semaphore_mem>>)
      %dma_start3A_2747 = arith.constant 3 : i32
      %dma_start3A_2748 = arith.constant 0 : i32
      %dma_start3A_2749 = arith.constant 0 : i32
      %dma_start3A_2750 = tpu.memref_slice %arg6[%dma_start3A_2747, %dma_start3A_2748, %dma_start3A_2749] : memref<4x200x64xf32, #tpu.memory_space<vmem>> -> memref<1x200x64xf32, #tpu.memory_space<vmem>>
      %dma_start3A_2751 = tpu.memref_squeeze %dma_start3A_2750 : memref<1x200x64xf32, #tpu.memory_space<vmem>> -> memref<200x64xf32, #tpu.memory_space<vmem>>
      %dma_start3A_2752 = arith.constant 150 : i32
      %dma_start3A_2753 = arith.constant 0 : i32
      %dma_start3A_2754 = tpu.memref_slice %dma_start3A_2751[%dma_start3A_2752, %dma_start3A_2753] : memref<200x64xf32, #tpu.memory_space<vmem>> -> memref<50x64xf32, #tpu.memory_space<vmem>>
      %dma_start3A_2755 = arith.constant 0 : i32
      %dma_start3A_2756 = arith.constant 0 : i32
      %dma_start3A_2757 = tpu.memref_slice %arg4[%add3A_2677, %dma_start3A_2755, %dma_start3A_2756] : memref<16384x50x64xf32, #tpu.memory_space<hbm>> -> memref<1x50x64xf32, #tpu.memory_space<hbm>>
      %dma_start3A_2758 = tpu.memref_squeeze %dma_start3A_2757 : memref<1x50x64xf32, #tpu.memory_space<hbm>> -> memref<50x64xf32, #tpu.memory_space<hbm>>
      %dma_start3A_2759 = arith.constant 0 : i32
      %dma_start3A_2760 = arith.constant 0 : i32
      %dma_start3A_2761 = tpu.memref_slice %arg4[%add3A_2677, %dma_start3A_2759, %dma_start3A_2760] : memref<16384x50x64xf32, #tpu.memory_space<hbm>> -> memref<1x50x64xf32, #tpu.memory_space<hbm>>
      %dma_start3A_2762 = tpu.memref_squeeze %dma_start3A_2761 : memref<1x50x64xf32, #tpu.memory_space<hbm>> -> memref<50x64xf32, #tpu.memory_space<hbm>>
      %dma_start3A_2763 = arith.constant 0 : i32
      %dma_start3A_2764 = arith.constant 0 : i32
      %dma_start3A_2765 = tpu.memref_slice %arg6[%dma_start3A_2747, %dma_start3A_2763, %dma_start3A_2764] : memref<4x200x64xf32, #tpu.memory_space<vmem>> -> memref<1x200x64xf32, #tpu.memory_space<vmem>>
      %dma_start3A_2766 = tpu.memref_squeeze %dma_start3A_2765 : memref<1x200x64xf32, #tpu.memory_space<vmem>> -> memref<200x64xf32, #tpu.memory_space<vmem>>
      %dma_start3A_2767 = arith.constant 150 : i32
      %dma_start3A_2768 = arith.constant 0 : i32
      %dma_start3A_2769 = tpu.memref_slice %dma_start3A_2766[%dma_start3A_2767, %dma_start3A_2768] : memref<200x64xf32, #tpu.memory_space<vmem>> -> memref<50x64xf32, #tpu.memory_space<vmem>>
      tpu.enqueue_dma source(%dma_start3A_2769 : memref<50x64xf32, #tpu.memory_space<vmem>>) target(%dma_start3A_2762 : memref<50x64xf32, #tpu.memory_space<hbm>>) target_semaphore(%arg14 : memref<!tpu.dma_semaphore, #tpu.memory_space<semaphore_mem>>)
      %add3A_2770 = arith.constant 0 : i32
      %add3A_2771 = arith.addi %mul3A_4, %add3A_2770 : i32
      %add3A_2772 = arith.constant 0 : i32
      %add3A_2773 = arith.addi %add3A_2771, %add3A_2772 : i32
      %add3A_2774 = arith.constant 0 : i32
      %add3A_2775 = arith.addi %mul3A_4, %add3A_2774 : i32
      %add3A_2776 = arith.constant 1 : i32
      %add3A_2777 = arith.addi %add3A_2775, %add3A_2776 : i32
      %add3A_2778 = arith.constant 0 : i32
      %add3A_2779 = arith.addi %mul3A_4, %add3A_2778 : i32
      %add3A_2780 = arith.constant 2 : i32
      %add3A_2781 = arith.addi %add3A_2779, %add3A_2780 : i32
      %add3A_2782 = arith.constant 0 : i32
      %add3A_2783 = arith.addi %mul3A_4, %add3A_2782 : i32
      %add3A_2784 = arith.constant 3 : i32
      %add3A_2785 = arith.addi %add3A_2783, %add3A_2784 : i32
      %dma_wait3A_2786 = arith.constant 1 : i32
      %dma_wait3A_2787 = arith.constant 0 : i32
      %dma_wait3A_2788 = arith.constant 0 : i32
      %dma_wait3A_2789 = tpu.memref_slice %arg6[%dma_wait3A_2786, %dma_wait3A_2787, %dma_wait3A_2788] : memref<4x200x64xf32, #tpu.memory_space<vmem>> -> memref<1x200x64xf32, #tpu.memory_space<vmem>>
      %dma_wait3A_2790 = tpu.memref_squeeze %dma_wait3A_2789 : memref<1x200x64xf32, #tpu.memory_space<vmem>> -> memref<200x64xf32, #tpu.memory_space<vmem>>
      %dma_wait3A_2791 = arith.constant 0 : i32
      %dma_wait3A_2792 = arith.constant 0 : i32
      %dma_wait3A_2793 = tpu.memref_slice %dma_wait3A_2790[%dma_wait3A_2791, %dma_wait3A_2792] : memref<200x64xf32, #tpu.memory_space<vmem>> -> memref<50x64xf32, #tpu.memory_space<vmem>>
      %dma_wait3A_2794 = arith.constant 0 : i32
      %dma_wait3A_2795 = arith.constant 0 : i32
      %dma_wait3A_2796 = tpu.memref_slice %arg4[%add3A_2773, %dma_wait3A_2794, %dma_wait3A_2795] : memref<16384x50x64xf32, #tpu.memory_space<hbm>> -> memref<1x50x64xf32, #tpu.memory_space<hbm>>
      %dma_wait3A_2797 = tpu.memref_squeeze %dma_wait3A_2796 : memref<1x50x64xf32, #tpu.memory_space<hbm>> -> memref<50x64xf32, #tpu.memory_space<hbm>>
      %dma_wait3A_2798 = arith.constant 0 : i32
      %dma_wait3A_2799 = arith.constant 0 : i32
      %dma_wait3A_2800 = tpu.memref_slice %arg4[%add3A_2773, %dma_wait3A_2798, %dma_wait3A_2799] : memref<16384x50x64xf32, #tpu.memory_space<hbm>> -> memref<1x50x64xf32, #tpu.memory_space<hbm>>
      %dma_wait3A_2801 = tpu.memref_squeeze %dma_wait3A_2800 : memref<1x50x64xf32, #tpu.memory_space<hbm>> -> memref<50x64xf32, #tpu.memory_space<hbm>>
      %dma_wait3A_2802 = arith.constant 0 : i32
      %dma_wait3A_2803 = arith.constant 0 : i32
      %dma_wait3A_2804 = tpu.memref_slice %arg6[%dma_wait3A_2786, %dma_wait3A_2802, %dma_wait3A_2803] : memref<4x200x64xf32, #tpu.memory_space<vmem>> -> memref<1x200x64xf32, #tpu.memory_space<vmem>>
      %dma_wait3A_2805 = tpu.memref_squeeze %dma_wait3A_2804 : memref<1x200x64xf32, #tpu.memory_space<vmem>> -> memref<200x64xf32, #tpu.memory_space<vmem>>
      %dma_wait3A_2806 = arith.constant 0 : i32
      %dma_wait3A_2807 = arith.constant 0 : i32
      %dma_wait3A_2808 = tpu.memref_slice %dma_wait3A_2805[%dma_wait3A_2806, %dma_wait3A_2807] : memref<200x64xf32, #tpu.memory_space<vmem>> -> memref<50x64xf32, #tpu.memory_space<vmem>>
      tpu.wait_dma2 semaphore(%arg12 : memref<!tpu.dma_semaphore, #tpu.memory_space<semaphore_mem>>) src(%dma_wait3A_2808 : memref<50x64xf32, #tpu.memory_space<vmem>>) dst(%dma_wait3A_2801 : memref<50x64xf32, #tpu.memory_space<hbm>>)
      %dma_wait3A_2809 = arith.constant 1 : i32
      %dma_wait3A_2810 = arith.constant 0 : i32
      %dma_wait3A_2811 = arith.constant 0 : i32
      %dma_wait3A_2812 = tpu.memref_slice %arg6[%dma_wait3A_2809, %dma_wait3A_2810, %dma_wait3A_2811] : memref<4x200x64xf32, #tpu.memory_space<vmem>> -> memref<1x200x64xf32, #tpu.memory_space<vmem>>
      %dma_wait3A_2813 = tpu.memref_squeeze %dma_wait3A_2812 : memref<1x200x64xf32, #tpu.memory_space<vmem>> -> memref<200x64xf32, #tpu.memory_space<vmem>>
      %dma_wait3A_2814 = arith.constant 50 : i32
      %dma_wait3A_2815 = arith.constant 0 : i32
      %dma_wait3A_2816 = tpu.memref_slice %dma_wait3A_2813[%dma_wait3A_2814, %dma_wait3A_2815] : memref<200x64xf32, #tpu.memory_space<vmem>> -> memref<50x64xf32, #tpu.memory_space<vmem>>
      %dma_wait3A_2817 = arith.constant 0 : i32
      %dma_wait3A_2818 = arith.constant 0 : i32
      %dma_wait3A_2819 = tpu.memref_slice %arg4[%add3A_2777, %dma_wait3A_2817, %dma_wait3A_2818] : memref<16384x50x64xf32, #tpu.memory_space<hbm>> -> memref<1x50x64xf32, #tpu.memory_space<hbm>>
      %dma_wait3A_2820 = tpu.memref_squeeze %dma_wait3A_2819 : memref<1x50x64xf32, #tpu.memory_space<hbm>> -> memref<50x64xf32, #tpu.memory_space<hbm>>
      %dma_wait3A_2821 = arith.constant 0 : i32
      %dma_wait3A_2822 = arith.constant 0 : i32
      %dma_wait3A_2823 = tpu.memref_slice %arg4[%add3A_2777, %dma_wait3A_2821, %dma_wait3A_2822] : memref<16384x50x64xf32, #tpu.memory_space<hbm>> -> memref<1x50x64xf32, #tpu.memory_space<hbm>>
      %dma_wait3A_2824 = tpu.memref_squeeze %dma_wait3A_2823 : memref<1x50x64xf32, #tpu.memory_space<hbm>> -> memref<50x64xf32, #tpu.memory_space<hbm>>
      %dma_wait3A_2825 = arith.constant 0 : i32
      %dma_wait3A_2826 = arith.constant 0 : i32
      %dma_wait3A_2827 = tpu.memref_slice %arg6[%dma_wait3A_2809, %dma_wait3A_2825, %dma_wait3A_2826] : memref<4x200x64xf32, #tpu.memory_space<vmem>> -> memref<1x200x64xf32, #tpu.memory_space<vmem>>
      %dma_wait3A_2828 = tpu.memref_squeeze %dma_wait3A_2827 : memref<1x200x64xf32, #tpu.memory_space<vmem>> -> memref<200x64xf32, #tpu.memory_space<vmem>>
      %dma_wait3A_2829 = arith.constant 50 : i32
      %dma_wait3A_2830 = arith.constant 0 : i32
      %dma_wait3A_2831 = tpu.memref_slice %dma_wait3A_2828[%dma_wait3A_2829, %dma_wait3A_2830] : memref<200x64xf32, #tpu.memory_space<vmem>> -> memref<50x64xf32, #tpu.memory_space<vmem>>
      tpu.wait_dma2 semaphore(%arg12 : memref<!tpu.dma_semaphore, #tpu.memory_space<semaphore_mem>>) src(%dma_wait3A_2831 : memref<50x64xf32, #tpu.memory_space<vmem>>) dst(%dma_wait3A_2824 : memref<50x64xf32, #tpu.memory_space<hbm>>)
      %dma_wait3A_2832 = arith.constant 1 : i32
      %dma_wait3A_2833 = arith.constant 0 : i32
      %dma_wait3A_2834 = arith.constant 0 : i32
      %dma_wait3A_2835 = tpu.memref_slice %arg6[%dma_wait3A_2832, %dma_wait3A_2833, %dma_wait3A_2834] : memref<4x200x64xf32, #tpu.memory_space<vmem>> -> memref<1x200x64xf32, #tpu.memory_space<vmem>>
      %dma_wait3A_2836 = tpu.memref_squeeze %dma_wait3A_2835 : memref<1x200x64xf32, #tpu.memory_space<vmem>> -> memref<200x64xf32, #tpu.memory_space<vmem>>
      %dma_wait3A_2837 = arith.constant 100 : i32
      %dma_wait3A_2838 = arith.constant 0 : i32
      %dma_wait3A_2839 = tpu.memref_slice %dma_wait3A_2836[%dma_wait3A_2837, %dma_wait3A_2838] : memref<200x64xf32, #tpu.memory_space<vmem>> -> memref<50x64xf32, #tpu.memory_space<vmem>>
      %dma_wait3A_2840 = arith.constant 0 : i32
      %dma_wait3A_2841 = arith.constant 0 : i32
      %dma_wait3A_2842 = tpu.memref_slice %arg4[%add3A_2781, %dma_wait3A_2840, %dma_wait3A_2841] : memref<16384x50x64xf32, #tpu.memory_space<hbm>> -> memref<1x50x64xf32, #tpu.memory_space<hbm>>
      %dma_wait3A_2843 = tpu.memref_squeeze %dma_wait3A_2842 : memref<1x50x64xf32, #tpu.memory_space<hbm>> -> memref<50x64xf32, #tpu.memory_space<hbm>>
      %dma_wait3A_2844 = arith.constant 0 : i32
      %dma_wait3A_2845 = arith.constant 0 : i32
      %dma_wait3A_2846 = tpu.memref_slice %arg4[%add3A_2781, %dma_wait3A_2844, %dma_wait3A_2845] : memref<16384x50x64xf32, #tpu.memory_space<hbm>> -> memref<1x50x64xf32, #tpu.memory_space<hbm>>
      %dma_wait3A_2847 = tpu.memref_squeeze %dma_wait3A_2846 : memref<1x50x64xf32, #tpu.memory_space<hbm>> -> memref<50x64xf32, #tpu.memory_space<hbm>>
      %dma_wait3A_2848 = arith.constant 0 : i32
      %dma_wait3A_2849 = arith.constant 0 : i32
      %dma_wait3A_2850 = tpu.memref_slice %arg6[%dma_wait3A_2832, %dma_wait3A_2848, %dma_wait3A_2849] : memref<4x200x64xf32, #tpu.memory_space<vmem>> -> memref<1x200x64xf32, #tpu.memory_space<vmem>>
      %dma_wait3A_2851 = tpu.memref_squeeze %dma_wait3A_2850 : memref<1x200x64xf32, #tpu.memory_space<vmem>> -> memref<200x64xf32, #tpu.memory_space<vmem>>
      %dma_wait3A_2852 = arith.constant 100 : i32
      %dma_wait3A_2853 = arith.constant 0 : i32
      %dma_wait3A_2854 = tpu.memref_slice %dma_wait3A_2851[%dma_wait3A_2852, %dma_wait3A_2853] : memref<200x64xf32, #tpu.memory_space<vmem>> -> memref<50x64xf32, #tpu.memory_space<vmem>>
      tpu.wait_dma2 semaphore(%arg12 : memref<!tpu.dma_semaphore, #tpu.memory_space<semaphore_mem>>) src(%dma_wait3A_2854 : memref<50x64xf32, #tpu.memory_space<vmem>>) dst(%dma_wait3A_2847 : memref<50x64xf32, #tpu.memory_space<hbm>>)
      %dma_wait3A_2855 = arith.constant 1 : i32
      %dma_wait3A_2856 = arith.constant 0 : i32
      %dma_wait3A_2857 = arith.constant 0 : i32
      %dma_wait3A_2858 = tpu.memref_slice %arg6[%dma_wait3A_2855, %dma_wait3A_2856, %dma_wait3A_2857] : memref<4x200x64xf32, #tpu.memory_space<vmem>> -> memref<1x200x64xf32, #tpu.memory_space<vmem>>
      %dma_wait3A_2859 = tpu.memref_squeeze %dma_wait3A_2858 : memref<1x200x64xf32, #tpu.memory_space<vmem>> -> memref<200x64xf32, #tpu.memory_space<vmem>>
      %dma_wait3A_2860 = arith.constant 150 : i32
      %dma_wait3A_2861 = arith.constant 0 : i32
      %dma_wait3A_2862 = tpu.memref_slice %dma_wait3A_2859[%dma_wait3A_2860, %dma_wait3A_2861] : memref<200x64xf32, #tpu.memory_space<vmem>> -> memref<50x64xf32, #tpu.memory_space<vmem>>
      %dma_wait3A_2863 = arith.constant 0 : i32
      %dma_wait3A_2864 = arith.constant 0 : i32
      %dma_wait3A_2865 = tpu.memref_slice %arg4[%add3A_2785, %dma_wait3A_2863, %dma_wait3A_2864] : memref<16384x50x64xf32, #tpu.memory_space<hbm>> -> memref<1x50x64xf32, #tpu.memory_space<hbm>>
      %dma_wait3A_2866 = tpu.memref_squeeze %dma_wait3A_2865 : memref<1x50x64xf32, #tpu.memory_space<hbm>> -> memref<50x64xf32, #tpu.memory_space<hbm>>
      %dma_wait3A_2867 = arith.constant 0 : i32
      %dma_wait3A_2868 = arith.constant 0 : i32
      %dma_wait3A_2869 = tpu.memref_slice %arg4[%add3A_2785, %dma_wait3A_2867, %dma_wait3A_2868] : memref<16384x50x64xf32, #tpu.memory_space<hbm>> -> memref<1x50x64xf32, #tpu.memory_space<hbm>>
      %dma_wait3A_2870 = tpu.memref_squeeze %dma_wait3A_2869 : memref<1x50x64xf32, #tpu.memory_space<hbm>> -> memref<50x64xf32, #tpu.memory_space<hbm>>
      %dma_wait3A_2871 = arith.constant 0 : i32
      %dma_wait3A_2872 = arith.constant 0 : i32
      %dma_wait3A_2873 = tpu.memref_slice %arg6[%dma_wait3A_2855, %dma_wait3A_2871, %dma_wait3A_2872] : memref<4x200x64xf32, #tpu.memory_space<vmem>> -> memref<1x200x64xf32, #tpu.memory_space<vmem>>
      %dma_wait3A_2874 = tpu.memref_squeeze %dma_wait3A_2873 : memref<1x200x64xf32, #tpu.memory_space<vmem>> -> memref<200x64xf32, #tpu.memory_space<vmem>>
      %dma_wait3A_2875 = arith.constant 150 : i32
      %dma_wait3A_2876 = arith.constant 0 : i32
      %dma_wait3A_2877 = tpu.memref_slice %dma_wait3A_2874[%dma_wait3A_2875, %dma_wait3A_2876] : memref<200x64xf32, #tpu.memory_space<vmem>> -> memref<50x64xf32, #tpu.memory_space<vmem>>
      tpu.wait_dma2 semaphore(%arg12 : memref<!tpu.dma_semaphore, #tpu.memory_space<semaphore_mem>>) src(%dma_wait3A_2877 : memref<50x64xf32, #tpu.memory_space<vmem>>) dst(%dma_wait3A_2870 : memref<50x64xf32, #tpu.memory_space<hbm>>)
      %add3A_2878 = arith.constant 2 : i32
      %add3A_2879 = arith.addi %add3A_2646, %add3A_2878 : i32
      %mul3A_2880 = arith.constant 200 : i32
      %mul3A_2881 = arith.muli %add3A_2879, %mul3A_2880 : i32
      %dma_start3A_2882 = arith.constant 1 : i32
      %dma_start3A_2883 = arith.constant 0 : i32
      %dma_start3A_2884 = arith.constant 0 : i32
      %dma_start3A_2885 = tpu.memref_slice %arg6[%dma_start3A_2882, %dma_start3A_2883, %dma_start3A_2884] : memref<4x200x64xf32, #tpu.memory_space<vmem>> -> memref<1x200x64xf32, #tpu.memory_space<vmem>>
      %dma_start3A_2886 = tpu.memref_squeeze %dma_start3A_2885 : memref<1x200x64xf32, #tpu.memory_space<vmem>> -> memref<200x64xf32, #tpu.memory_space<vmem>>
      %dma_start3A_2887 = tpu.memref_slice %arg5[%mul3A_2881] : memref<25600xi32, #tpu.memory_space<vmem>> -> memref<200xi32, #tpu.memory_space<vmem>>
      %dma_start3A_2888 = arith.constant 0 : i32
      %dma_start3A_2889 = arith.constant 0 : i32
      %dma_start3A_2890 = tpu.memref_slice %arg2[%dma_start3A_2888, %dma_start3A_2889] : memref<1000000x64xf32, #tpu.memory_space<hbm>> -> memref<1000000x64xf32, #tpu.memory_space<hbm>>
      tpu.enqueue_indirect_dma source(%dma_start3A_2890 : memref<1000000x64xf32, #tpu.memory_space<hbm>>) target(%dma_start3A_2886 : memref<200x64xf32, #tpu.memory_space<vmem>>) offsets(%dma_start3A_2887 : memref<200xi32, #tpu.memory_space<vmem>>) semaphore(%arg8 : memref<!tpu.dma_semaphore, #tpu.memory_space<semaphore_mem>>)
      %scan3A_2891 = arith.constant 0 : i32
      scf.yield %scan3A_2891 : i32
    }
    %scan3A_756 = arith.constant 30 : i32
    %dma_wait3A_757 = arith.constant 0 : i32
    %dma_wait3A_758 = arith.constant 0 : i32
    %dma_wait3A_759 = arith.constant 0 : i32
    %dma_wait3A_760 = tpu.memref_slice %arg6[%dma_wait3A_757, %dma_wait3A_758, %dma_wait3A_759] : memref<4x200x64xf32, #tpu.memory_space<vmem>> -> memref<1x200x64xf32, #tpu.memory_space<vmem>>
    %dma_wait3A_761 = tpu.memref_squeeze %dma_wait3A_760 : memref<1x200x64xf32, #tpu.memory_space<vmem>> -> memref<200x64xf32, #tpu.memory_space<vmem>>
    %dma_wait3A_762 = arith.constant 24800 : i32
    %dma_wait3A_763 = tpu.memref_slice %arg5[%dma_wait3A_762] : memref<25600xi32, #tpu.memory_space<vmem>> -> memref<200xi32, #tpu.memory_space<vmem>>
    %dma_wait3A_764 = arith.constant 0 : i32
    %dma_wait3A_765 = arith.constant 0 : i32
    %dma_wait3A_766 = tpu.memref_slice %arg2[%dma_wait3A_764, %dma_wait3A_765] : memref<1000000x64xf32, #tpu.memory_space<hbm>> -> memref<1000000x64xf32, #tpu.memory_space<hbm>>
    tpu.wait_indirect_dma semaphore(%arg7 : memref<!tpu.dma_semaphore, #tpu.memory_space<semaphore_mem>>) src(%dma_wait3A_766 : memref<1000000x64xf32, #tpu.memory_space<hbm>>) dst(%dma_wait3A_761 : memref<200x64xf32, #tpu.memory_space<vmem>>)
    %add3A_767 = arith.constant 496 : i32
    %add3A_768 = arith.addi %mul3A_4, %add3A_767 : i32
    %add3A_769 = arith.constant 0 : i32
    %add3A_770 = arith.addi %add3A_768, %add3A_769 : i32
    %add3A_771 = arith.constant 496 : i32
    %add3A_772 = arith.addi %mul3A_4, %add3A_771 : i32
    %add3A_773 = arith.constant 1 : i32
    %add3A_774 = arith.addi %add3A_772, %add3A_773 : i32
    %add3A_775 = arith.constant 496 : i32
    %add3A_776 = arith.addi %mul3A_4, %add3A_775 : i32
    %add3A_777 = arith.constant 2 : i32
    %add3A_778 = arith.addi %add3A_776, %add3A_777 : i32
    %add3A_779 = arith.constant 496 : i32
    %add3A_780 = arith.addi %mul3A_4, %add3A_779 : i32
    %add3A_781 = arith.constant 3 : i32
    %add3A_782 = arith.addi %add3A_780, %add3A_781 : i32
    %dma_start3A_783 = arith.constant 0 : i32
    %dma_start3A_784 = arith.constant 0 : i32
    %dma_start3A_785 = arith.constant 0 : i32
    %dma_start3A_786 = tpu.memref_slice %arg6[%dma_start3A_783, %dma_start3A_784, %dma_start3A_785] : memref<4x200x64xf32, #tpu.memory_space<vmem>> -> memref<1x200x64xf32, #tpu.memory_space<vmem>>
    %dma_start3A_787 = tpu.memref_squeeze %dma_start3A_786 : memref<1x200x64xf32, #tpu.memory_space<vmem>> -> memref<200x64xf32, #tpu.memory_space<vmem>>
    %dma_start3A_788 = arith.constant 0 : i32
    %dma_start3A_789 = arith.constant 0 : i32
    %dma_start3A_790 = tpu.memref_slice %dma_start3A_787[%dma_start3A_788, %dma_start3A_789] : memref<200x64xf32, #tpu.memory_space<vmem>> -> memref<50x64xf32, #tpu.memory_space<vmem>>
    %dma_start3A_791 = arith.constant 0 : i32
    %dma_start3A_792 = arith.constant 0 : i32
    %dma_start3A_793 = tpu.memref_slice %arg4[%add3A_770, %dma_start3A_791, %dma_start3A_792] : memref<16384x50x64xf32, #tpu.memory_space<hbm>> -> memref<1x50x64xf32, #tpu.memory_space<hbm>>
    %dma_start3A_794 = tpu.memref_squeeze %dma_start3A_793 : memref<1x50x64xf32, #tpu.memory_space<hbm>> -> memref<50x64xf32, #tpu.memory_space<hbm>>
    %dma_start3A_795 = arith.constant 0 : i32
    %dma_start3A_796 = arith.constant 0 : i32
    %dma_start3A_797 = tpu.memref_slice %arg4[%add3A_770, %dma_start3A_795, %dma_start3A_796] : memref<16384x50x64xf32, #tpu.memory_space<hbm>> -> memref<1x50x64xf32, #tpu.memory_space<hbm>>
    %dma_start3A_798 = tpu.memref_squeeze %dma_start3A_797 : memref<1x50x64xf32, #tpu.memory_space<hbm>> -> memref<50x64xf32, #tpu.memory_space<hbm>>
    %dma_start3A_799 = arith.constant 0 : i32
    %dma_start3A_800 = arith.constant 0 : i32
    %dma_start3A_801 = tpu.memref_slice %arg6[%dma_start3A_783, %dma_start3A_799, %dma_start3A_800] : memref<4x200x64xf32, #tpu.memory_space<vmem>> -> memref<1x200x64xf32, #tpu.memory_space<vmem>>
    %dma_start3A_802 = tpu.memref_squeeze %dma_start3A_801 : memref<1x200x64xf32, #tpu.memory_space<vmem>> -> memref<200x64xf32, #tpu.memory_space<vmem>>
    %dma_start3A_803 = arith.constant 0 : i32
    %dma_start3A_804 = arith.constant 0 : i32
    %dma_start3A_805 = tpu.memref_slice %dma_start3A_802[%dma_start3A_803, %dma_start3A_804] : memref<200x64xf32, #tpu.memory_space<vmem>> -> memref<50x64xf32, #tpu.memory_space<vmem>>
    tpu.enqueue_dma source(%dma_start3A_805 : memref<50x64xf32, #tpu.memory_space<vmem>>) target(%dma_start3A_798 : memref<50x64xf32, #tpu.memory_space<hbm>>) target_semaphore(%arg11 : memref<!tpu.dma_semaphore, #tpu.memory_space<semaphore_mem>>)
    %dma_start3A_806 = arith.constant 0 : i32
    %dma_start3A_807 = arith.constant 0 : i32
    %dma_start3A_808 = arith.constant 0 : i32
    %dma_start3A_809 = tpu.memref_slice %arg6[%dma_start3A_806, %dma_start3A_807, %dma_start3A_808] : memref<4x200x64xf32, #tpu.memory_space<vmem>> -> memref<1x200x64xf32, #tpu.memory_space<vmem>>
    %dma_start3A_810 = tpu.memref_squeeze %dma_start3A_809 : memref<1x200x64xf32, #tpu.memory_space<vmem>> -> memref<200x64xf32, #tpu.memory_space<vmem>>
    %dma_start3A_811 = arith.constant 50 : i32
    %dma_start3A_812 = arith.constant 0 : i32
    %dma_start3A_813 = tpu.memref_slice %dma_start3A_810[%dma_start3A_811, %dma_start3A_812] : memref<200x64xf32, #tpu.memory_space<vmem>> -> memref<50x64xf32, #tpu.memory_space<vmem>>
    %dma_start3A_814 = arith.constant 0 : i32
    %dma_start3A_815 = arith.constant 0 : i32
    %dma_start3A_816 = tpu.memref_slice %arg4[%add3A_774, %dma_start3A_814, %dma_start3A_815] : memref<16384x50x64xf32, #tpu.memory_space<hbm>> -> memref<1x50x64xf32, #tpu.memory_space<hbm>>
    %dma_start3A_817 = tpu.memref_squeeze %dma_start3A_816 : memref<1x50x64xf32, #tpu.memory_space<hbm>> -> memref<50x64xf32, #tpu.memory_space<hbm>>
    %dma_start3A_818 = arith.constant 0 : i32
    %dma_start3A_819 = arith.constant 0 : i32
    %dma_start3A_820 = tpu.memref_slice %arg4[%add3A_774, %dma_start3A_818, %dma_start3A_819] : memref<16384x50x64xf32, #tpu.memory_space<hbm>> -> memref<1x50x64xf32, #tpu.memory_space<hbm>>
    %dma_start3A_821 = tpu.memref_squeeze %dma_start3A_820 : memref<1x50x64xf32, #tpu.memory_space<hbm>> -> memref<50x64xf32, #tpu.memory_space<hbm>>
    %dma_start3A_822 = arith.constant 0 : i32
    %dma_start3A_823 = arith.constant 0 : i32
    %dma_start3A_824 = tpu.memref_slice %arg6[%dma_start3A_806, %dma_start3A_822, %dma_start3A_823] : memref<4x200x64xf32, #tpu.memory_space<vmem>> -> memref<1x200x64xf32, #tpu.memory_space<vmem>>
    %dma_start3A_825 = tpu.memref_squeeze %dma_start3A_824 : memref<1x200x64xf32, #tpu.memory_space<vmem>> -> memref<200x64xf32, #tpu.memory_space<vmem>>
    %dma_start3A_826 = arith.constant 50 : i32
    %dma_start3A_827 = arith.constant 0 : i32
    %dma_start3A_828 = tpu.memref_slice %dma_start3A_825[%dma_start3A_826, %dma_start3A_827] : memref<200x64xf32, #tpu.memory_space<vmem>> -> memref<50x64xf32, #tpu.memory_space<vmem>>
    tpu.enqueue_dma source(%dma_start3A_828 : memref<50x64xf32, #tpu.memory_space<vmem>>) target(%dma_start3A_821 : memref<50x64xf32, #tpu.memory_space<hbm>>) target_semaphore(%arg11 : memref<!tpu.dma_semaphore, #tpu.memory_space<semaphore_mem>>)
    %dma_start3A_829 = arith.constant 0 : i32
    %dma_start3A_830 = arith.constant 0 : i32
    %dma_start3A_831 = arith.constant 0 : i32
    %dma_start3A_832 = tpu.memref_slice %arg6[%dma_start3A_829, %dma_start3A_830, %dma_start3A_831] : memref<4x200x64xf32, #tpu.memory_space<vmem>> -> memref<1x200x64xf32, #tpu.memory_space<vmem>>
    %dma_start3A_833 = tpu.memref_squeeze %dma_start3A_832 : memref<1x200x64xf32, #tpu.memory_space<vmem>> -> memref<200x64xf32, #tpu.memory_space<vmem>>
    %dma_start3A_834 = arith.constant 100 : i32
    %dma_start3A_835 = arith.constant 0 : i32
    %dma_start3A_836 = tpu.memref_slice %dma_start3A_833[%dma_start3A_834, %dma_start3A_835] : memref<200x64xf32, #tpu.memory_space<vmem>> -> memref<50x64xf32, #tpu.memory_space<vmem>>
    %dma_start3A_837 = arith.constant 0 : i32
    %dma_start3A_838 = arith.constant 0 : i32
    %dma_start3A_839 = tpu.memref_slice %arg4[%add3A_778, %dma_start3A_837, %dma_start3A_838] : memref<16384x50x64xf32, #tpu.memory_space<hbm>> -> memref<1x50x64xf32, #tpu.memory_space<hbm>>
    %dma_start3A_840 = tpu.memref_squeeze %dma_start3A_839 : memref<1x50x64xf32, #tpu.memory_space<hbm>> -> memref<50x64xf32, #tpu.memory_space<hbm>>
    %dma_start3A_841 = arith.constant 0 : i32
    %dma_start3A_842 = arith.constant 0 : i32
    %dma_start3A_843 = tpu.memref_slice %arg4[%add3A_778, %dma_start3A_841, %dma_start3A_842] : memref<16384x50x64xf32, #tpu.memory_space<hbm>> -> memref<1x50x64xf32, #tpu.memory_space<hbm>>
    %dma_start3A_844 = tpu.memref_squeeze %dma_start3A_843 : memref<1x50x64xf32, #tpu.memory_space<hbm>> -> memref<50x64xf32, #tpu.memory_space<hbm>>
    %dma_start3A_845 = arith.constant 0 : i32
    %dma_start3A_846 = arith.constant 0 : i32
    %dma_start3A_847 = tpu.memref_slice %arg6[%dma_start3A_829, %dma_start3A_845, %dma_start3A_846] : memref<4x200x64xf32, #tpu.memory_space<vmem>> -> memref<1x200x64xf32, #tpu.memory_space<vmem>>
    %dma_start3A_848 = tpu.memref_squeeze %dma_start3A_847 : memref<1x200x64xf32, #tpu.memory_space<vmem>> -> memref<200x64xf32, #tpu.memory_space<vmem>>
    %dma_start3A_849 = arith.constant 100 : i32
    %dma_start3A_850 = arith.constant 0 : i32
    %dma_start3A_851 = tpu.memref_slice %dma_start3A_848[%dma_start3A_849, %dma_start3A_850] : memref<200x64xf32, #tpu.memory_space<vmem>> -> memref<50x64xf32, #tpu.memory_space<vmem>>
    tpu.enqueue_dma source(%dma_start3A_851 : memref<50x64xf32, #tpu.memory_space<vmem>>) target(%dma_start3A_844 : memref<50x64xf32, #tpu.memory_space<hbm>>) target_semaphore(%arg11 : memref<!tpu.dma_semaphore, #tpu.memory_space<semaphore_mem>>)
    %dma_start3A_852 = arith.constant 0 : i32
    %dma_start3A_853 = arith.constant 0 : i32
    %dma_start3A_854 = arith.constant 0 : i32
    %dma_start3A_855 = tpu.memref_slice %arg6[%dma_start3A_852, %dma_start3A_853, %dma_start3A_854] : memref<4x200x64xf32, #tpu.memory_space<vmem>> -> memref<1x200x64xf32, #tpu.memory_space<vmem>>
    %dma_start3A_856 = tpu.memref_squeeze %dma_start3A_855 : memref<1x200x64xf32, #tpu.memory_space<vmem>> -> memref<200x64xf32, #tpu.memory_space<vmem>>
    %dma_start3A_857 = arith.constant 150 : i32
    %dma_start3A_858 = arith.constant 0 : i32
    %dma_start3A_859 = tpu.memref_slice %dma_start3A_856[%dma_start3A_857, %dma_start3A_858] : memref<200x64xf32, #tpu.memory_space<vmem>> -> memref<50x64xf32, #tpu.memory_space<vmem>>
    %dma_start3A_860 = arith.constant 0 : i32
    %dma_start3A_861 = arith.constant 0 : i32
    %dma_start3A_862 = tpu.memref_slice %arg4[%add3A_782, %dma_start3A_860, %dma_start3A_861] : memref<16384x50x64xf32, #tpu.memory_space<hbm>> -> memref<1x50x64xf32, #tpu.memory_space<hbm>>
    %dma_start3A_863 = tpu.memref_squeeze %dma_start3A_862 : memref<1x50x64xf32, #tpu.memory_space<hbm>> -> memref<50x64xf32, #tpu.memory_space<hbm>>
    %dma_start3A_864 = arith.constant 0 : i32
    %dma_start3A_865 = arith.constant 0 : i32
    %dma_start3A_866 = tpu.memref_slice %arg4[%add3A_782, %dma_start3A_864, %dma_start3A_865] : memref<16384x50x64xf32, #tpu.memory_space<hbm>> -> memref<1x50x64xf32, #tpu.memory_space<hbm>>
    %dma_start3A_867 = tpu.memref_squeeze %dma_start3A_866 : memref<1x50x64xf32, #tpu.memory_space<hbm>> -> memref<50x64xf32, #tpu.memory_space<hbm>>
    %dma_start3A_868 = arith.constant 0 : i32
    %dma_start3A_869 = arith.constant 0 : i32
    %dma_start3A_870 = tpu.memref_slice %arg6[%dma_start3A_852, %dma_start3A_868, %dma_start3A_869] : memref<4x200x64xf32, #tpu.memory_space<vmem>> -> memref<1x200x64xf32, #tpu.memory_space<vmem>>
    %dma_start3A_871 = tpu.memref_squeeze %dma_start3A_870 : memref<1x200x64xf32, #tpu.memory_space<vmem>> -> memref<200x64xf32, #tpu.memory_space<vmem>>
    %dma_start3A_872 = arith.constant 150 : i32
    %dma_start3A_873 = arith.constant 0 : i32
    %dma_start3A_874 = tpu.memref_slice %dma_start3A_871[%dma_start3A_872, %dma_start3A_873] : memref<200x64xf32, #tpu.memory_space<vmem>> -> memref<50x64xf32, #tpu.memory_space<vmem>>
    tpu.enqueue_dma source(%dma_start3A_874 : memref<50x64xf32, #tpu.memory_space<vmem>>) target(%dma_start3A_867 : memref<50x64xf32, #tpu.memory_space<hbm>>) target_semaphore(%arg11 : memref<!tpu.dma_semaphore, #tpu.memory_space<semaphore_mem>>)
    %add3A_875 = arith.constant 0 : i32
    %add3A_876 = arith.addi %mul3A_4, %add3A_875 : i32
    %add3A_877 = arith.constant 0 : i32
    %add3A_878 = arith.addi %add3A_876, %add3A_877 : i32
    %add3A_879 = arith.constant 0 : i32
    %add3A_880 = arith.addi %mul3A_4, %add3A_879 : i32
    %add3A_881 = arith.constant 1 : i32
    %add3A_882 = arith.addi %add3A_880, %add3A_881 : i32
    %add3A_883 = arith.constant 0 : i32
    %add3A_884 = arith.addi %mul3A_4, %add3A_883 : i32
    %add3A_885 = arith.constant 2 : i32
    %add3A_886 = arith.addi %add3A_884, %add3A_885 : i32
    %add3A_887 = arith.constant 0 : i32
    %add3A_888 = arith.addi %mul3A_4, %add3A_887 : i32
    %add3A_889 = arith.constant 3 : i32
    %add3A_890 = arith.addi %add3A_888, %add3A_889 : i32
    %dma_wait3A_891 = arith.constant 2 : i32
    %dma_wait3A_892 = arith.constant 0 : i32
    %dma_wait3A_893 = arith.constant 0 : i32
    %dma_wait3A_894 = tpu.memref_slice %arg6[%dma_wait3A_891, %dma_wait3A_892, %dma_wait3A_893] : memref<4x200x64xf32, #tpu.memory_space<vmem>> -> memref<1x200x64xf32, #tpu.memory_space<vmem>>
    %dma_wait3A_895 = tpu.memref_squeeze %dma_wait3A_894 : memref<1x200x64xf32, #tpu.memory_space<vmem>> -> memref<200x64xf32, #tpu.memory_space<vmem>>
    %dma_wait3A_896 = arith.constant 0 : i32
    %dma_wait3A_897 = arith.constant 0 : i32
    %dma_wait3A_898 = tpu.memref_slice %dma_wait3A_895[%dma_wait3A_896, %dma_wait3A_897] : memref<200x64xf32, #tpu.memory_space<vmem>> -> memref<50x64xf32, #tpu.memory_space<vmem>>
    %dma_wait3A_899 = arith.constant 0 : i32
    %dma_wait3A_900 = arith.constant 0 : i32
    %dma_wait3A_901 = tpu.memref_slice %arg4[%add3A_878, %dma_wait3A_899, %dma_wait3A_900] : memref<16384x50x64xf32, #tpu.memory_space<hbm>> -> memref<1x50x64xf32, #tpu.memory_space<hbm>>
    %dma_wait3A_902 = tpu.memref_squeeze %dma_wait3A_901 : memref<1x50x64xf32, #tpu.memory_space<hbm>> -> memref<50x64xf32, #tpu.memory_space<hbm>>
    %dma_wait3A_903 = arith.constant 0 : i32
    %dma_wait3A_904 = arith.constant 0 : i32
    %dma_wait3A_905 = tpu.memref_slice %arg4[%add3A_878, %dma_wait3A_903, %dma_wait3A_904] : memref<16384x50x64xf32, #tpu.memory_space<hbm>> -> memref<1x50x64xf32, #tpu.memory_space<hbm>>
    %dma_wait3A_906 = tpu.memref_squeeze %dma_wait3A_905 : memref<1x50x64xf32, #tpu.memory_space<hbm>> -> memref<50x64xf32, #tpu.memory_space<hbm>>
    %dma_wait3A_907 = arith.constant 0 : i32
    %dma_wait3A_908 = arith.constant 0 : i32
    %dma_wait3A_909 = tpu.memref_slice %arg6[%dma_wait3A_891, %dma_wait3A_907, %dma_wait3A_908] : memref<4x200x64xf32, #tpu.memory_space<vmem>> -> memref<1x200x64xf32, #tpu.memory_space<vmem>>
    %dma_wait3A_910 = tpu.memref_squeeze %dma_wait3A_909 : memref<1x200x64xf32, #tpu.memory_space<vmem>> -> memref<200x64xf32, #tpu.memory_space<vmem>>
    %dma_wait3A_911 = arith.constant 0 : i32
    %dma_wait3A_912 = arith.constant 0 : i32
    %dma_wait3A_913 = tpu.memref_slice %dma_wait3A_910[%dma_wait3A_911, %dma_wait3A_912] : memref<200x64xf32, #tpu.memory_space<vmem>> -> memref<50x64xf32, #tpu.memory_space<vmem>>
    tpu.wait_dma2 semaphore(%arg13 : memref<!tpu.dma_semaphore, #tpu.memory_space<semaphore_mem>>) src(%dma_wait3A_913 : memref<50x64xf32, #tpu.memory_space<vmem>>) dst(%dma_wait3A_906 : memref<50x64xf32, #tpu.memory_space<hbm>>)
    %dma_wait3A_914 = arith.constant 2 : i32
    %dma_wait3A_915 = arith.constant 0 : i32
    %dma_wait3A_916 = arith.constant 0 : i32
    %dma_wait3A_917 = tpu.memref_slice %arg6[%dma_wait3A_914, %dma_wait3A_915, %dma_wait3A_916] : memref<4x200x64xf32, #tpu.memory_space<vmem>> -> memref<1x200x64xf32, #tpu.memory_space<vmem>>
    %dma_wait3A_918 = tpu.memref_squeeze %dma_wait3A_917 : memref<1x200x64xf32, #tpu.memory_space<vmem>> -> memref<200x64xf32, #tpu.memory_space<vmem>>
    %dma_wait3A_919 = arith.constant 50 : i32
    %dma_wait3A_920 = arith.constant 0 : i32
    %dma_wait3A_921 = tpu.memref_slice %dma_wait3A_918[%dma_wait3A_919, %dma_wait3A_920] : memref<200x64xf32, #tpu.memory_space<vmem>> -> memref<50x64xf32, #tpu.memory_space<vmem>>
    %dma_wait3A_922 = arith.constant 0 : i32
    %dma_wait3A_923 = arith.constant 0 : i32
    %dma_wait3A_924 = tpu.memref_slice %arg4[%add3A_882, %dma_wait3A_922, %dma_wait3A_923] : memref<16384x50x64xf32, #tpu.memory_space<hbm>> -> memref<1x50x64xf32, #tpu.memory_space<hbm>>
    %dma_wait3A_925 = tpu.memref_squeeze %dma_wait3A_924 : memref<1x50x64xf32, #tpu.memory_space<hbm>> -> memref<50x64xf32, #tpu.memory_space<hbm>>
    %dma_wait3A_926 = arith.constant 0 : i32
    %dma_wait3A_927 = arith.constant 0 : i32
    %dma_wait3A_928 = tpu.memref_slice %arg4[%add3A_882, %dma_wait3A_926, %dma_wait3A_927] : memref<16384x50x64xf32, #tpu.memory_space<hbm>> -> memref<1x50x64xf32, #tpu.memory_space<hbm>>
    %dma_wait3A_929 = tpu.memref_squeeze %dma_wait3A_928 : memref<1x50x64xf32, #tpu.memory_space<hbm>> -> memref<50x64xf32, #tpu.memory_space<hbm>>
    %dma_wait3A_930 = arith.constant 0 : i32
    %dma_wait3A_931 = arith.constant 0 : i32
    %dma_wait3A_932 = tpu.memref_slice %arg6[%dma_wait3A_914, %dma_wait3A_930, %dma_wait3A_931] : memref<4x200x64xf32, #tpu.memory_space<vmem>> -> memref<1x200x64xf32, #tpu.memory_space<vmem>>
    %dma_wait3A_933 = tpu.memref_squeeze %dma_wait3A_932 : memref<1x200x64xf32, #tpu.memory_space<vmem>> -> memref<200x64xf32, #tpu.memory_space<vmem>>
    %dma_wait3A_934 = arith.constant 50 : i32
    %dma_wait3A_935 = arith.constant 0 : i32
    %dma_wait3A_936 = tpu.memref_slice %dma_wait3A_933[%dma_wait3A_934, %dma_wait3A_935] : memref<200x64xf32, #tpu.memory_space<vmem>> -> memref<50x64xf32, #tpu.memory_space<vmem>>
    tpu.wait_dma2 semaphore(%arg13 : memref<!tpu.dma_semaphore, #tpu.memory_space<semaphore_mem>>) src(%dma_wait3A_936 : memref<50x64xf32, #tpu.memory_space<vmem>>) dst(%dma_wait3A_929 : memref<50x64xf32, #tpu.memory_space<hbm>>)
    %dma_wait3A_937 = arith.constant 2 : i32
    %dma_wait3A_938 = arith.constant 0 : i32
    %dma_wait3A_939 = arith.constant 0 : i32
    %dma_wait3A_940 = tpu.memref_slice %arg6[%dma_wait3A_937, %dma_wait3A_938, %dma_wait3A_939] : memref<4x200x64xf32, #tpu.memory_space<vmem>> -> memref<1x200x64xf32, #tpu.memory_space<vmem>>
    %dma_wait3A_941 = tpu.memref_squeeze %dma_wait3A_940 : memref<1x200x64xf32, #tpu.memory_space<vmem>> -> memref<200x64xf32, #tpu.memory_space<vmem>>
    %dma_wait3A_942 = arith.constant 100 : i32
    %dma_wait3A_943 = arith.constant 0 : i32
    %dma_wait3A_944 = tpu.memref_slice %dma_wait3A_941[%dma_wait3A_942, %dma_wait3A_943] : memref<200x64xf32, #tpu.memory_space<vmem>> -> memref<50x64xf32, #tpu.memory_space<vmem>>
    %dma_wait3A_945 = arith.constant 0 : i32
    %dma_wait3A_946 = arith.constant 0 : i32
    %dma_wait3A_947 = tpu.memref_slice %arg4[%add3A_886, %dma_wait3A_945, %dma_wait3A_946] : memref<16384x50x64xf32, #tpu.memory_space<hbm>> -> memref<1x50x64xf32, #tpu.memory_space<hbm>>
    %dma_wait3A_948 = tpu.memref_squeeze %dma_wait3A_947 : memref<1x50x64xf32, #tpu.memory_space<hbm>> -> memref<50x64xf32, #tpu.memory_space<hbm>>
    %dma_wait3A_949 = arith.constant 0 : i32
    %dma_wait3A_950 = arith.constant 0 : i32
    %dma_wait3A_951 = tpu.memref_slice %arg4[%add3A_886, %dma_wait3A_949, %dma_wait3A_950] : memref<16384x50x64xf32, #tpu.memory_space<hbm>> -> memref<1x50x64xf32, #tpu.memory_space<hbm>>
    %dma_wait3A_952 = tpu.memref_squeeze %dma_wait3A_951 : memref<1x50x64xf32, #tpu.memory_space<hbm>> -> memref<50x64xf32, #tpu.memory_space<hbm>>
    %dma_wait3A_953 = arith.constant 0 : i32
    %dma_wait3A_954 = arith.constant 0 : i32
    %dma_wait3A_955 = tpu.memref_slice %arg6[%dma_wait3A_937, %dma_wait3A_953, %dma_wait3A_954] : memref<4x200x64xf32, #tpu.memory_space<vmem>> -> memref<1x200x64xf32, #tpu.memory_space<vmem>>
    %dma_wait3A_956 = tpu.memref_squeeze %dma_wait3A_955 : memref<1x200x64xf32, #tpu.memory_space<vmem>> -> memref<200x64xf32, #tpu.memory_space<vmem>>
    %dma_wait3A_957 = arith.constant 100 : i32
    %dma_wait3A_958 = arith.constant 0 : i32
    %dma_wait3A_959 = tpu.memref_slice %dma_wait3A_956[%dma_wait3A_957, %dma_wait3A_958] : memref<200x64xf32, #tpu.memory_space<vmem>> -> memref<50x64xf32, #tpu.memory_space<vmem>>
    tpu.wait_dma2 semaphore(%arg13 : memref<!tpu.dma_semaphore, #tpu.memory_space<semaphore_mem>>) src(%dma_wait3A_959 : memref<50x64xf32, #tpu.memory_space<vmem>>) dst(%dma_wait3A_952 : memref<50x64xf32, #tpu.memory_space<hbm>>)
    %dma_wait3A_960 = arith.constant 2 : i32
    %dma_wait3A_961 = arith.constant 0 : i32
    %dma_wait3A_962 = arith.constant 0 : i32
    %dma_wait3A_963 = tpu.memref_slice %arg6[%dma_wait3A_960, %dma_wait3A_961, %dma_wait3A_962] : memref<4x200x64xf32, #tpu.memory_space<vmem>> -> memref<1x200x64xf32, #tpu.memory_space<vmem>>
    %dma_wait3A_964 = tpu.memref_squeeze %dma_wait3A_963 : memref<1x200x64xf32, #tpu.memory_space<vmem>> -> memref<200x64xf32, #tpu.memory_space<vmem>>
    %dma_wait3A_965 = arith.constant 150 : i32
    %dma_wait3A_966 = arith.constant 0 : i32
    %dma_wait3A_967 = tpu.memref_slice %dma_wait3A_964[%dma_wait3A_965, %dma_wait3A_966] : memref<200x64xf32, #tpu.memory_space<vmem>> -> memref<50x64xf32, #tpu.memory_space<vmem>>
    %dma_wait3A_968 = arith.constant 0 : i32
    %dma_wait3A_969 = arith.constant 0 : i32
    %dma_wait3A_970 = tpu.memref_slice %arg4[%add3A_890, %dma_wait3A_968, %dma_wait3A_969] : memref<16384x50x64xf32, #tpu.memory_space<hbm>> -> memref<1x50x64xf32, #tpu.memory_space<hbm>>
    %dma_wait3A_971 = tpu.memref_squeeze %dma_wait3A_970 : memref<1x50x64xf32, #tpu.memory_space<hbm>> -> memref<50x64xf32, #tpu.memory_space<hbm>>
    %dma_wait3A_972 = arith.constant 0 : i32
    %dma_wait3A_973 = arith.constant 0 : i32
    %dma_wait3A_974 = tpu.memref_slice %arg4[%add3A_890, %dma_wait3A_972, %dma_wait3A_973] : memref<16384x50x64xf32, #tpu.memory_space<hbm>> -> memref<1x50x64xf32, #tpu.memory_space<hbm>>
    %dma_wait3A_975 = tpu.memref_squeeze %dma_wait3A_974 : memref<1x50x64xf32, #tpu.memory_space<hbm>> -> memref<50x64xf32, #tpu.memory_space<hbm>>
    %dma_wait3A_976 = arith.constant 0 : i32
    %dma_wait3A_977 = arith.constant 0 : i32
    %dma_wait3A_978 = tpu.memref_slice %arg6[%dma_wait3A_960, %dma_wait3A_976, %dma_wait3A_977] : memref<4x200x64xf32, #tpu.memory_space<vmem>> -> memref<1x200x64xf32, #tpu.memory_space<vmem>>
    %dma_wait3A_979 = tpu.memref_squeeze %dma_wait3A_978 : memref<1x200x64xf32, #tpu.memory_space<vmem>> -> memref<200x64xf32, #tpu.memory_space<vmem>>
    %dma_wait3A_980 = arith.constant 150 : i32
    %dma_wait3A_981 = arith.constant 0 : i32
    %dma_wait3A_982 = tpu.memref_slice %dma_wait3A_979[%dma_wait3A_980, %dma_wait3A_981] : memref<200x64xf32, #tpu.memory_space<vmem>> -> memref<50x64xf32, #tpu.memory_space<vmem>>
    tpu.wait_dma2 semaphore(%arg13 : memref<!tpu.dma_semaphore, #tpu.memory_space<semaphore_mem>>) src(%dma_wait3A_982 : memref<50x64xf32, #tpu.memory_space<vmem>>) dst(%dma_wait3A_975 : memref<50x64xf32, #tpu.memory_space<hbm>>)
    %dma_start3A_983 = arith.constant 2 : i32
    %dma_start3A_984 = arith.constant 0 : i32
    %dma_start3A_985 = arith.constant 0 : i32
    %dma_start3A_986 = tpu.memref_slice %arg6[%dma_start3A_983, %dma_start3A_984, %dma_start3A_985] : memref<4x200x64xf32, #tpu.memory_space<vmem>> -> memref<1x200x64xf32, #tpu.memory_space<vmem>>
    %dma_start3A_987 = tpu.memref_squeeze %dma_start3A_986 : memref<1x200x64xf32, #tpu.memory_space<vmem>> -> memref<200x64xf32, #tpu.memory_space<vmem>>
    %dma_start3A_988 = arith.constant 25200 : i32
    %dma_start3A_989 = tpu.memref_slice %arg5[%dma_start3A_988] : memref<25600xi32, #tpu.memory_space<vmem>> -> memref<200xi32, #tpu.memory_space<vmem>>
    %dma_start3A_990 = arith.constant 0 : i32
    %dma_start3A_991 = arith.constant 0 : i32
    %dma_start3A_992 = tpu.memref_slice %arg2[%dma_start3A_990, %dma_start3A_991] : memref<1000000x64xf32, #tpu.memory_space<hbm>> -> memref<1000000x64xf32, #tpu.memory_space<hbm>>
    tpu.enqueue_indirect_dma source(%dma_start3A_992 : memref<1000000x64xf32, #tpu.memory_space<hbm>>) target(%dma_start3A_987 : memref<200x64xf32, #tpu.memory_space<vmem>>) offsets(%dma_start3A_989 : memref<200xi32, #tpu.memory_space<vmem>>) semaphore(%arg9 : memref<!tpu.dma_semaphore, #tpu.memory_space<semaphore_mem>>)
    %dma_wait3A_993 = arith.constant 1 : i32
    %dma_wait3A_994 = arith.constant 0 : i32
    %dma_wait3A_995 = arith.constant 0 : i32
    %dma_wait3A_996 = tpu.memref_slice %arg6[%dma_wait3A_993, %dma_wait3A_994, %dma_wait3A_995] : memref<4x200x64xf32, #tpu.memory_space<vmem>> -> memref<1x200x64xf32, #tpu.memory_space<vmem>>
    %dma_wait3A_997 = tpu.memref_squeeze %dma_wait3A_996 : memref<1x200x64xf32, #tpu.memory_space<vmem>> -> memref<200x64xf32, #tpu.memory_space<vmem>>
    %dma_wait3A_998 = arith.constant 25000 : i32
    %dma_wait3A_999 = tpu.memref_slice %arg5[%dma_wait3A_998] : memref<25600xi32, #tpu.memory_space<vmem>> -> memref<200xi32, #tpu.memory_space<vmem>>
    %dma_wait3A_1000 = arith.constant 0 : i32
    %dma_wait3A_1001 = arith.constant 0 : i32
    %dma_wait3A_1002 = tpu.memref_slice %arg2[%dma_wait3A_1000, %dma_wait3A_1001] : memref<1000000x64xf32, #tpu.memory_space<hbm>> -> memref<1000000x64xf32, #tpu.memory_space<hbm>>
    tpu.wait_indirect_dma semaphore(%arg8 : memref<!tpu.dma_semaphore, #tpu.memory_space<semaphore_mem>>) src(%dma_wait3A_1002 : memref<1000000x64xf32, #tpu.memory_space<hbm>>) dst(%dma_wait3A_997 : memref<200x64xf32, #tpu.memory_space<vmem>>)
    %add3A_1003 = arith.constant 500 : i32
    %add3A_1004 = arith.addi %mul3A_4, %add3A_1003 : i32
    %add3A_1005 = arith.constant 0 : i32
    %add3A_1006 = arith.addi %add3A_1004, %add3A_1005 : i32
    %add3A_1007 = arith.constant 500 : i32
    %add3A_1008 = arith.addi %mul3A_4, %add3A_1007 : i32
    %add3A_1009 = arith.constant 1 : i32
    %add3A_1010 = arith.addi %add3A_1008, %add3A_1009 : i32
    %add3A_1011 = arith.constant 500 : i32
    %add3A_1012 = arith.addi %mul3A_4, %add3A_1011 : i32
    %add3A_1013 = arith.constant 2 : i32
    %add3A_1014 = arith.addi %add3A_1012, %add3A_1013 : i32
    %add3A_1015 = arith.constant 500 : i32
    %add3A_1016 = arith.addi %mul3A_4, %add3A_1015 : i32
    %add3A_1017 = arith.constant 3 : i32
    %add3A_1018 = arith.addi %add3A_1016, %add3A_1017 : i32
    %dma_start3A_1019 = arith.constant 1 : i32
    %dma_start3A_1020 = arith.constant 0 : i32
    %dma_start3A_1021 = arith.constant 0 : i32
    %dma_start3A_1022 = tpu.memref_slice %arg6[%dma_start3A_1019, %dma_start3A_1020, %dma_start3A_1021] : memref<4x200x64xf32, #tpu.memory_space<vmem>> -> memref<1x200x64xf32, #tpu.memory_space<vmem>>
    %dma_start3A_1023 = tpu.memref_squeeze %dma_start3A_1022 : memref<1x200x64xf32, #tpu.memory_space<vmem>> -> memref<200x64xf32, #tpu.memory_space<vmem>>
    %dma_start3A_1024 = arith.constant 0 : i32
    %dma_start3A_1025 = arith.constant 0 : i32
    %dma_start3A_1026 = tpu.memref_slice %dma_start3A_1023[%dma_start3A_1024, %dma_start3A_1025] : memref<200x64xf32, #tpu.memory_space<vmem>> -> memref<50x64xf32, #tpu.memory_space<vmem>>
    %dma_start3A_1027 = arith.constant 0 : i32
    %dma_start3A_1028 = arith.constant 0 : i32
    %dma_start3A_1029 = tpu.memref_slice %arg4[%add3A_1006, %dma_start3A_1027, %dma_start3A_1028] : memref<16384x50x64xf32, #tpu.memory_space<hbm>> -> memref<1x50x64xf32, #tpu.memory_space<hbm>>
    %dma_start3A_1030 = tpu.memref_squeeze %dma_start3A_1029 : memref<1x50x64xf32, #tpu.memory_space<hbm>> -> memref<50x64xf32, #tpu.memory_space<hbm>>
    %dma_start3A_1031 = arith.constant 0 : i32
    %dma_start3A_1032 = arith.constant 0 : i32
    %dma_start3A_1033 = tpu.memref_slice %arg4[%add3A_1006, %dma_start3A_1031, %dma_start3A_1032] : memref<16384x50x64xf32, #tpu.memory_space<hbm>> -> memref<1x50x64xf32, #tpu.memory_space<hbm>>
    %dma_start3A_1034 = tpu.memref_squeeze %dma_start3A_1033 : memref<1x50x64xf32, #tpu.memory_space<hbm>> -> memref<50x64xf32, #tpu.memory_space<hbm>>
    %dma_start3A_1035 = arith.constant 0 : i32
    %dma_start3A_1036 = arith.constant 0 : i32
    %dma_start3A_1037 = tpu.memref_slice %arg6[%dma_start3A_1019, %dma_start3A_1035, %dma_start3A_1036] : memref<4x200x64xf32, #tpu.memory_space<vmem>> -> memref<1x200x64xf32, #tpu.memory_space<vmem>>
    %dma_start3A_1038 = tpu.memref_squeeze %dma_start3A_1037 : memref<1x200x64xf32, #tpu.memory_space<vmem>> -> memref<200x64xf32, #tpu.memory_space<vmem>>
    %dma_start3A_1039 = arith.constant 0 : i32
    %dma_start3A_1040 = arith.constant 0 : i32
    %dma_start3A_1041 = tpu.memref_slice %dma_start3A_1038[%dma_start3A_1039, %dma_start3A_1040] : memref<200x64xf32, #tpu.memory_space<vmem>> -> memref<50x64xf32, #tpu.memory_space<vmem>>
    tpu.enqueue_dma source(%dma_start3A_1041 : memref<50x64xf32, #tpu.memory_space<vmem>>) target(%dma_start3A_1034 : memref<50x64xf32, #tpu.memory_space<hbm>>) target_semaphore(%arg12 : memref<!tpu.dma_semaphore, #tpu.memory_space<semaphore_mem>>)
    %dma_start3A_1042 = arith.constant 1 : i32
    %dma_start3A_1043 = arith.constant 0 : i32
    %dma_start3A_1044 = arith.constant 0 : i32
    %dma_start3A_1045 = tpu.memref_slice %arg6[%dma_start3A_1042, %dma_start3A_1043, %dma_start3A_1044] : memref<4x200x64xf32, #tpu.memory_space<vmem>> -> memref<1x200x64xf32, #tpu.memory_space<vmem>>
    %dma_start3A_1046 = tpu.memref_squeeze %dma_start3A_1045 : memref<1x200x64xf32, #tpu.memory_space<vmem>> -> memref<200x64xf32, #tpu.memory_space<vmem>>
    %dma_start3A_1047 = arith.constant 50 : i32
    %dma_start3A_1048 = arith.constant 0 : i32
    %dma_start3A_1049 = tpu.memref_slice %dma_start3A_1046[%dma_start3A_1047, %dma_start3A_1048] : memref<200x64xf32, #tpu.memory_space<vmem>> -> memref<50x64xf32, #tpu.memory_space<vmem>>
    %dma_start3A_1050 = arith.constant 0 : i32
    %dma_start3A_1051 = arith.constant 0 : i32
    %dma_start3A_1052 = tpu.memref_slice %arg4[%add3A_1010, %dma_start3A_1050, %dma_start3A_1051] : memref<16384x50x64xf32, #tpu.memory_space<hbm>> -> memref<1x50x64xf32, #tpu.memory_space<hbm>>
    %dma_start3A_1053 = tpu.memref_squeeze %dma_start3A_1052 : memref<1x50x64xf32, #tpu.memory_space<hbm>> -> memref<50x64xf32, #tpu.memory_space<hbm>>
    %dma_start3A_1054 = arith.constant 0 : i32
    %dma_start3A_1055 = arith.constant 0 : i32
    %dma_start3A_1056 = tpu.memref_slice %arg4[%add3A_1010, %dma_start3A_1054, %dma_start3A_1055] : memref<16384x50x64xf32, #tpu.memory_space<hbm>> -> memref<1x50x64xf32, #tpu.memory_space<hbm>>
    %dma_start3A_1057 = tpu.memref_squeeze %dma_start3A_1056 : memref<1x50x64xf32, #tpu.memory_space<hbm>> -> memref<50x64xf32, #tpu.memory_space<hbm>>
    %dma_start3A_1058 = arith.constant 0 : i32
    %dma_start3A_1059 = arith.constant 0 : i32
    %dma_start3A_1060 = tpu.memref_slice %arg6[%dma_start3A_1042, %dma_start3A_1058, %dma_start3A_1059] : memref<4x200x64xf32, #tpu.memory_space<vmem>> -> memref<1x200x64xf32, #tpu.memory_space<vmem>>
    %dma_start3A_1061 = tpu.memref_squeeze %dma_start3A_1060 : memref<1x200x64xf32, #tpu.memory_space<vmem>> -> memref<200x64xf32, #tpu.memory_space<vmem>>
    %dma_start3A_1062 = arith.constant 50 : i32
    %dma_start3A_1063 = arith.constant 0 : i32
    %dma_start3A_1064 = tpu.memref_slice %dma_start3A_1061[%dma_start3A_1062, %dma_start3A_1063] : memref<200x64xf32, #tpu.memory_space<vmem>> -> memref<50x64xf32, #tpu.memory_space<vmem>>
    tpu.enqueue_dma source(%dma_start3A_1064 : memref<50x64xf32, #tpu.memory_space<vmem>>) target(%dma_start3A_1057 : memref<50x64xf32, #tpu.memory_space<hbm>>) target_semaphore(%arg12 : memref<!tpu.dma_semaphore, #tpu.memory_space<semaphore_mem>>)
    %dma_start3A_1065 = arith.constant 1 : i32
    %dma_start3A_1066 = arith.constant 0 : i32
    %dma_start3A_1067 = arith.constant 0 : i32
    %dma_start3A_1068 = tpu.memref_slice %arg6[%dma_start3A_1065, %dma_start3A_1066, %dma_start3A_1067] : memref<4x200x64xf32, #tpu.memory_space<vmem>> -> memref<1x200x64xf32, #tpu.memory_space<vmem>>
    %dma_start3A_1069 = tpu.memref_squeeze %dma_start3A_1068 : memref<1x200x64xf32, #tpu.memory_space<vmem>> -> memref<200x64xf32, #tpu.memory_space<vmem>>
    %dma_start3A_1070 = arith.constant 100 : i32
    %dma_start3A_1071 = arith.constant 0 : i32
    %dma_start3A_1072 = tpu.memref_slice %dma_start3A_1069[%dma_start3A_1070, %dma_start3A_1071] : memref<200x64xf32, #tpu.memory_space<vmem>> -> memref<50x64xf32, #tpu.memory_space<vmem>>
    %dma_start3A_1073 = arith.constant 0 : i32
    %dma_start3A_1074 = arith.constant 0 : i32
    %dma_start3A_1075 = tpu.memref_slice %arg4[%add3A_1014, %dma_start3A_1073, %dma_start3A_1074] : memref<16384x50x64xf32, #tpu.memory_space<hbm>> -> memref<1x50x64xf32, #tpu.memory_space<hbm>>
    %dma_start3A_1076 = tpu.memref_squeeze %dma_start3A_1075 : memref<1x50x64xf32, #tpu.memory_space<hbm>> -> memref<50x64xf32, #tpu.memory_space<hbm>>
    %dma_start3A_1077 = arith.constant 0 : i32
    %dma_start3A_1078 = arith.constant 0 : i32
    %dma_start3A_1079 = tpu.memref_slice %arg4[%add3A_1014, %dma_start3A_1077, %dma_start3A_1078] : memref<16384x50x64xf32, #tpu.memory_space<hbm>> -> memref<1x50x64xf32, #tpu.memory_space<hbm>>
    %dma_start3A_1080 = tpu.memref_squeeze %dma_start3A_1079 : memref<1x50x64xf32, #tpu.memory_space<hbm>> -> memref<50x64xf32, #tpu.memory_space<hbm>>
    %dma_start3A_1081 = arith.constant 0 : i32
    %dma_start3A_1082 = arith.constant 0 : i32
    %dma_start3A_1083 = tpu.memref_slice %arg6[%dma_start3A_1065, %dma_start3A_1081, %dma_start3A_1082] : memref<4x200x64xf32, #tpu.memory_space<vmem>> -> memref<1x200x64xf32, #tpu.memory_space<vmem>>
    %dma_start3A_1084 = tpu.memref_squeeze %dma_start3A_1083 : memref<1x200x64xf32, #tpu.memory_space<vmem>> -> memref<200x64xf32, #tpu.memory_space<vmem>>
    %dma_start3A_1085 = arith.constant 100 : i32
    %dma_start3A_1086 = arith.constant 0 : i32
    %dma_start3A_1087 = tpu.memref_slice %dma_start3A_1084[%dma_start3A_1085, %dma_start3A_1086] : memref<200x64xf32, #tpu.memory_space<vmem>> -> memref<50x64xf32, #tpu.memory_space<vmem>>
    tpu.enqueue_dma source(%dma_start3A_1087 : memref<50x64xf32, #tpu.memory_space<vmem>>) target(%dma_start3A_1080 : memref<50x64xf32, #tpu.memory_space<hbm>>) target_semaphore(%arg12 : memref<!tpu.dma_semaphore, #tpu.memory_space<semaphore_mem>>)
    %dma_start3A_1088 = arith.constant 1 : i32
    %dma_start3A_1089 = arith.constant 0 : i32
    %dma_start3A_1090 = arith.constant 0 : i32
    %dma_start3A_1091 = tpu.memref_slice %arg6[%dma_start3A_1088, %dma_start3A_1089, %dma_start3A_1090] : memref<4x200x64xf32, #tpu.memory_space<vmem>> -> memref<1x200x64xf32, #tpu.memory_space<vmem>>
    %dma_start3A_1092 = tpu.memref_squeeze %dma_start3A_1091 : memref<1x200x64xf32, #tpu.memory_space<vmem>> -> memref<200x64xf32, #tpu.memory_space<vmem>>
    %dma_start3A_1093 = arith.constant 150 : i32
    %dma_start3A_1094 = arith.constant 0 : i32
    %dma_start3A_1095 = tpu.memref_slice %dma_start3A_1092[%dma_start3A_1093, %dma_start3A_1094] : memref<200x64xf32, #tpu.memory_space<vmem>> -> memref<50x64xf32, #tpu.memory_space<vmem>>
    %dma_start3A_1096 = arith.constant 0 : i32
    %dma_start3A_1097 = arith.constant 0 : i32
    %dma_start3A_1098 = tpu.memref_slice %arg4[%add3A_1018, %dma_start3A_1096, %dma_start3A_1097] : memref<16384x50x64xf32, #tpu.memory_space<hbm>> -> memref<1x50x64xf32, #tpu.memory_space<hbm>>
    %dma_start3A_1099 = tpu.memref_squeeze %dma_start3A_1098 : memref<1x50x64xf32, #tpu.memory_space<hbm>> -> memref<50x64xf32, #tpu.memory_space<hbm>>
    %dma_start3A_1100 = arith.constant 0 : i32
    %dma_start3A_1101 = arith.constant 0 : i32
    %dma_start3A_1102 = tpu.memref_slice %arg4[%add3A_1018, %dma_start3A_1100, %dma_start3A_1101] : memref<16384x50x64xf32, #tpu.memory_space<hbm>> -> memref<1x50x64xf32, #tpu.memory_space<hbm>>
    %dma_start3A_1103 = tpu.memref_squeeze %dma_start3A_1102 : memref<1x50x64xf32, #tpu.memory_space<hbm>> -> memref<50x64xf32, #tpu.memory_space<hbm>>
    %dma_start3A_1104 = arith.constant 0 : i32
    %dma_start3A_1105 = arith.constant 0 : i32
    %dma_start3A_1106 = tpu.memref_slice %arg6[%dma_start3A_1088, %dma_start3A_1104, %dma_start3A_1105] : memref<4x200x64xf32, #tpu.memory_space<vmem>> -> memref<1x200x64xf32, #tpu.memory_space<vmem>>
    %dma_start3A_1107 = tpu.memref_squeeze %dma_start3A_1106 : memref<1x200x64xf32, #tpu.memory_space<vmem>> -> memref<200x64xf32, #tpu.memory_space<vmem>>
    %dma_start3A_1108 = arith.constant 150 : i32
    %dma_start3A_1109 = arith.constant 0 : i32
    %dma_start3A_1110 = tpu.memref_slice %dma_start3A_1107[%dma_start3A_1108, %dma_start3A_1109] : memref<200x64xf32, #tpu.memory_space<vmem>> -> memref<50x64xf32, #tpu.memory_space<vmem>>
    tpu.enqueue_dma source(%dma_start3A_1110 : memref<50x64xf32, #tpu.memory_space<vmem>>) target(%dma_start3A_1103 : memref<50x64xf32, #tpu.memory_space<hbm>>) target_semaphore(%arg12 : memref<!tpu.dma_semaphore, #tpu.memory_space<semaphore_mem>>)
    %add3A_1111 = arith.constant 0 : i32
    %add3A_1112 = arith.addi %mul3A_4, %add3A_1111 : i32
    %add3A_1113 = arith.constant 0 : i32
    %add3A_1114 = arith.addi %add3A_1112, %add3A_1113 : i32
    %add3A_1115 = arith.constant 0 : i32
    %add3A_1116 = arith.addi %mul3A_4, %add3A_1115 : i32
    %add3A_1117 = arith.constant 1 : i32
    %add3A_1118 = arith.addi %add3A_1116, %add3A_1117 : i32
    %add3A_1119 = arith.constant 0 : i32
    %add3A_1120 = arith.addi %mul3A_4, %add3A_1119 : i32
    %add3A_1121 = arith.constant 2 : i32
    %add3A_1122 = arith.addi %add3A_1120, %add3A_1121 : i32
    %add3A_1123 = arith.constant 0 : i32
    %add3A_1124 = arith.addi %mul3A_4, %add3A_1123 : i32
    %add3A_1125 = arith.constant 3 : i32
    %add3A_1126 = arith.addi %add3A_1124, %add3A_1125 : i32
    %dma_wait3A_1127 = arith.constant 3 : i32
    %dma_wait3A_1128 = arith.constant 0 : i32
    %dma_wait3A_1129 = arith.constant 0 : i32
    %dma_wait3A_1130 = tpu.memref_slice %arg6[%dma_wait3A_1127, %dma_wait3A_1128, %dma_wait3A_1129] : memref<4x200x64xf32, #tpu.memory_space<vmem>> -> memref<1x200x64xf32, #tpu.memory_space<vmem>>
    %dma_wait3A_1131 = tpu.memref_squeeze %dma_wait3A_1130 : memref<1x200x64xf32, #tpu.memory_space<vmem>> -> memref<200x64xf32, #tpu.memory_space<vmem>>
    %dma_wait3A_1132 = arith.constant 0 : i32
    %dma_wait3A_1133 = arith.constant 0 : i32
    %dma_wait3A_1134 = tpu.memref_slice %dma_wait3A_1131[%dma_wait3A_1132, %dma_wait3A_1133] : memref<200x64xf32, #tpu.memory_space<vmem>> -> memref<50x64xf32, #tpu.memory_space<vmem>>
    %dma_wait3A_1135 = arith.constant 0 : i32
    %dma_wait3A_1136 = arith.constant 0 : i32
    %dma_wait3A_1137 = tpu.memref_slice %arg4[%add3A_1114, %dma_wait3A_1135, %dma_wait3A_1136] : memref<16384x50x64xf32, #tpu.memory_space<hbm>> -> memref<1x50x64xf32, #tpu.memory_space<hbm>>
    %dma_wait3A_1138 = tpu.memref_squeeze %dma_wait3A_1137 : memref<1x50x64xf32, #tpu.memory_space<hbm>> -> memref<50x64xf32, #tpu.memory_space<hbm>>
    %dma_wait3A_1139 = arith.constant 0 : i32
    %dma_wait3A_1140 = arith.constant 0 : i32
    %dma_wait3A_1141 = tpu.memref_slice %arg4[%add3A_1114, %dma_wait3A_1139, %dma_wait3A_1140] : memref<16384x50x64xf32, #tpu.memory_space<hbm>> -> memref<1x50x64xf32, #tpu.memory_space<hbm>>
    %dma_wait3A_1142 = tpu.memref_squeeze %dma_wait3A_1141 : memref<1x50x64xf32, #tpu.memory_space<hbm>> -> memref<50x64xf32, #tpu.memory_space<hbm>>
    %dma_wait3A_1143 = arith.constant 0 : i32
    %dma_wait3A_1144 = arith.constant 0 : i32
    %dma_wait3A_1145 = tpu.memref_slice %arg6[%dma_wait3A_1127, %dma_wait3A_1143, %dma_wait3A_1144] : memref<4x200x64xf32, #tpu.memory_space<vmem>> -> memref<1x200x64xf32, #tpu.memory_space<vmem>>
    %dma_wait3A_1146 = tpu.memref_squeeze %dma_wait3A_1145 : memref<1x200x64xf32, #tpu.memory_space<vmem>> -> memref<200x64xf32, #tpu.memory_space<vmem>>
    %dma_wait3A_1147 = arith.constant 0 : i32
    %dma_wait3A_1148 = arith.constant 0 : i32
    %dma_wait3A_1149 = tpu.memref_slice %dma_wait3A_1146[%dma_wait3A_1147, %dma_wait3A_1148] : memref<200x64xf32, #tpu.memory_space<vmem>> -> memref<50x64xf32, #tpu.memory_space<vmem>>
    tpu.wait_dma2 semaphore(%arg14 : memref<!tpu.dma_semaphore, #tpu.memory_space<semaphore_mem>>) src(%dma_wait3A_1149 : memref<50x64xf32, #tpu.memory_space<vmem>>) dst(%dma_wait3A_1142 : memref<50x64xf32, #tpu.memory_space<hbm>>)
    %dma_wait3A_1150 = arith.constant 3 : i32
    %dma_wait3A_1151 = arith.constant 0 : i32
    %dma_wait3A_1152 = arith.constant 0 : i32
    %dma_wait3A_1153 = tpu.memref_slice %arg6[%dma_wait3A_1150, %dma_wait3A_1151, %dma_wait3A_1152] : memref<4x200x64xf32, #tpu.memory_space<vmem>> -> memref<1x200x64xf32, #tpu.memory_space<vmem>>
    %dma_wait3A_1154 = tpu.memref_squeeze %dma_wait3A_1153 : memref<1x200x64xf32, #tpu.memory_space<vmem>> -> memref<200x64xf32, #tpu.memory_space<vmem>>
    %dma_wait3A_1155 = arith.constant 50 : i32
    %dma_wait3A_1156 = arith.constant 0 : i32
    %dma_wait3A_1157 = tpu.memref_slice %dma_wait3A_1154[%dma_wait3A_1155, %dma_wait3A_1156] : memref<200x64xf32, #tpu.memory_space<vmem>> -> memref<50x64xf32, #tpu.memory_space<vmem>>
    %dma_wait3A_1158 = arith.constant 0 : i32
    %dma_wait3A_1159 = arith.constant 0 : i32
    %dma_wait3A_1160 = tpu.memref_slice %arg4[%add3A_1118, %dma_wait3A_1158, %dma_wait3A_1159] : memref<16384x50x64xf32, #tpu.memory_space<hbm>> -> memref<1x50x64xf32, #tpu.memory_space<hbm>>
    %dma_wait3A_1161 = tpu.memref_squeeze %dma_wait3A_1160 : memref<1x50x64xf32, #tpu.memory_space<hbm>> -> memref<50x64xf32, #tpu.memory_space<hbm>>
    %dma_wait3A_1162 = arith.constant 0 : i32
    %dma_wait3A_1163 = arith.constant 0 : i32
    %dma_wait3A_1164 = tpu.memref_slice %arg4[%add3A_1118, %dma_wait3A_1162, %dma_wait3A_1163] : memref<16384x50x64xf32, #tpu.memory_space<hbm>> -> memref<1x50x64xf32, #tpu.memory_space<hbm>>
    %dma_wait3A_1165 = tpu.memref_squeeze %dma_wait3A_1164 : memref<1x50x64xf32, #tpu.memory_space<hbm>> -> memref<50x64xf32, #tpu.memory_space<hbm>>
    %dma_wait3A_1166 = arith.constant 0 : i32
    %dma_wait3A_1167 = arith.constant 0 : i32
    %dma_wait3A_1168 = tpu.memref_slice %arg6[%dma_wait3A_1150, %dma_wait3A_1166, %dma_wait3A_1167] : memref<4x200x64xf32, #tpu.memory_space<vmem>> -> memref<1x200x64xf32, #tpu.memory_space<vmem>>
    %dma_wait3A_1169 = tpu.memref_squeeze %dma_wait3A_1168 : memref<1x200x64xf32, #tpu.memory_space<vmem>> -> memref<200x64xf32, #tpu.memory_space<vmem>>
    %dma_wait3A_1170 = arith.constant 50 : i32
    %dma_wait3A_1171 = arith.constant 0 : i32
    %dma_wait3A_1172 = tpu.memref_slice %dma_wait3A_1169[%dma_wait3A_1170, %dma_wait3A_1171] : memref<200x64xf32, #tpu.memory_space<vmem>> -> memref<50x64xf32, #tpu.memory_space<vmem>>
    tpu.wait_dma2 semaphore(%arg14 : memref<!tpu.dma_semaphore, #tpu.memory_space<semaphore_mem>>) src(%dma_wait3A_1172 : memref<50x64xf32, #tpu.memory_space<vmem>>) dst(%dma_wait3A_1165 : memref<50x64xf32, #tpu.memory_space<hbm>>)
    %dma_wait3A_1173 = arith.constant 3 : i32
    %dma_wait3A_1174 = arith.constant 0 : i32
    %dma_wait3A_1175 = arith.constant 0 : i32
    %dma_wait3A_1176 = tpu.memref_slice %arg6[%dma_wait3A_1173, %dma_wait3A_1174, %dma_wait3A_1175] : memref<4x200x64xf32, #tpu.memory_space<vmem>> -> memref<1x200x64xf32, #tpu.memory_space<vmem>>
    %dma_wait3A_1177 = tpu.memref_squeeze %dma_wait3A_1176 : memref<1x200x64xf32, #tpu.memory_space<vmem>> -> memref<200x64xf32, #tpu.memory_space<vmem>>
    %dma_wait3A_1178 = arith.constant 100 : i32
    %dma_wait3A_1179 = arith.constant 0 : i32
    %dma_wait3A_1180 = tpu.memref_slice %dma_wait3A_1177[%dma_wait3A_1178, %dma_wait3A_1179] : memref<200x64xf32, #tpu.memory_space<vmem>> -> memref<50x64xf32, #tpu.memory_space<vmem>>
    %dma_wait3A_1181 = arith.constant 0 : i32
    %dma_wait3A_1182 = arith.constant 0 : i32
    %dma_wait3A_1183 = tpu.memref_slice %arg4[%add3A_1122, %dma_wait3A_1181, %dma_wait3A_1182] : memref<16384x50x64xf32, #tpu.memory_space<hbm>> -> memref<1x50x64xf32, #tpu.memory_space<hbm>>
    %dma_wait3A_1184 = tpu.memref_squeeze %dma_wait3A_1183 : memref<1x50x64xf32, #tpu.memory_space<hbm>> -> memref<50x64xf32, #tpu.memory_space<hbm>>
    %dma_wait3A_1185 = arith.constant 0 : i32
    %dma_wait3A_1186 = arith.constant 0 : i32
    %dma_wait3A_1187 = tpu.memref_slice %arg4[%add3A_1122, %dma_wait3A_1185, %dma_wait3A_1186] : memref<16384x50x64xf32, #tpu.memory_space<hbm>> -> memref<1x50x64xf32, #tpu.memory_space<hbm>>
    %dma_wait3A_1188 = tpu.memref_squeeze %dma_wait3A_1187 : memref<1x50x64xf32, #tpu.memory_space<hbm>> -> memref<50x64xf32, #tpu.memory_space<hbm>>
    %dma_wait3A_1189 = arith.constant 0 : i32
    %dma_wait3A_1190 = arith.constant 0 : i32
    %dma_wait3A_1191 = tpu.memref_slice %arg6[%dma_wait3A_1173, %dma_wait3A_1189, %dma_wait3A_1190] : memref<4x200x64xf32, #tpu.memory_space<vmem>> -> memref<1x200x64xf32, #tpu.memory_space<vmem>>
    %dma_wait3A_1192 = tpu.memref_squeeze %dma_wait3A_1191 : memref<1x200x64xf32, #tpu.memory_space<vmem>> -> memref<200x64xf32, #tpu.memory_space<vmem>>
    %dma_wait3A_1193 = arith.constant 100 : i32
    %dma_wait3A_1194 = arith.constant 0 : i32
    %dma_wait3A_1195 = tpu.memref_slice %dma_wait3A_1192[%dma_wait3A_1193, %dma_wait3A_1194] : memref<200x64xf32, #tpu.memory_space<vmem>> -> memref<50x64xf32, #tpu.memory_space<vmem>>
    tpu.wait_dma2 semaphore(%arg14 : memref<!tpu.dma_semaphore, #tpu.memory_space<semaphore_mem>>) src(%dma_wait3A_1195 : memref<50x64xf32, #tpu.memory_space<vmem>>) dst(%dma_wait3A_1188 : memref<50x64xf32, #tpu.memory_space<hbm>>)
    %dma_wait3A_1196 = arith.constant 3 : i32
    %dma_wait3A_1197 = arith.constant 0 : i32
    %dma_wait3A_1198 = arith.constant 0 : i32
    %dma_wait3A_1199 = tpu.memref_slice %arg6[%dma_wait3A_1196, %dma_wait3A_1197, %dma_wait3A_1198] : memref<4x200x64xf32, #tpu.memory_space<vmem>> -> memref<1x200x64xf32, #tpu.memory_space<vmem>>
    %dma_wait3A_1200 = tpu.memref_squeeze %dma_wait3A_1199 : memref<1x200x64xf32, #tpu.memory_space<vmem>> -> memref<200x64xf32, #tpu.memory_space<vmem>>
    %dma_wait3A_1201 = arith.constant 150 : i32
    %dma_wait3A_1202 = arith.constant 0 : i32
    %dma_wait3A_1203 = tpu.memref_slice %dma_wait3A_1200[%dma_wait3A_1201, %dma_wait3A_1202] : memref<200x64xf32, #tpu.memory_space<vmem>> -> memref<50x64xf32, #tpu.memory_space<vmem>>
    %dma_wait3A_1204 = arith.constant 0 : i32
    %dma_wait3A_1205 = arith.constant 0 : i32
    %dma_wait3A_1206 = tpu.memref_slice %arg4[%add3A_1126, %dma_wait3A_1204, %dma_wait3A_1205] : memref<16384x50x64xf32, #tpu.memory_space<hbm>> -> memref<1x50x64xf32, #tpu.memory_space<hbm>>
    %dma_wait3A_1207 = tpu.memref_squeeze %dma_wait3A_1206 : memref<1x50x64xf32, #tpu.memory_space<hbm>> -> memref<50x64xf32, #tpu.memory_space<hbm>>
    %dma_wait3A_1208 = arith.constant 0 : i32
    %dma_wait3A_1209 = arith.constant 0 : i32
    %dma_wait3A_1210 = tpu.memref_slice %arg4[%add3A_1126, %dma_wait3A_1208, %dma_wait3A_1209] : memref<16384x50x64xf32, #tpu.memory_space<hbm>> -> memref<1x50x64xf32, #tpu.memory_space<hbm>>
    %dma_wait3A_1211 = tpu.memref_squeeze %dma_wait3A_1210 : memref<1x50x64xf32, #tpu.memory_space<hbm>> -> memref<50x64xf32, #tpu.memory_space<hbm>>
    %dma_wait3A_1212 = arith.constant 0 : i32
    %dma_wait3A_1213 = arith.constant 0 : i32
    %dma_wait3A_1214 = tpu.memref_slice %arg6[%dma_wait3A_1196, %dma_wait3A_1212, %dma_wait3A_1213] : memref<4x200x64xf32, #tpu.memory_space<vmem>> -> memref<1x200x64xf32, #tpu.memory_space<vmem>>
    %dma_wait3A_1215 = tpu.memref_squeeze %dma_wait3A_1214 : memref<1x200x64xf32, #tpu.memory_space<vmem>> -> memref<200x64xf32, #tpu.memory_space<vmem>>
    %dma_wait3A_1216 = arith.constant 150 : i32
    %dma_wait3A_1217 = arith.constant 0 : i32
    %dma_wait3A_1218 = tpu.memref_slice %dma_wait3A_1215[%dma_wait3A_1216, %dma_wait3A_1217] : memref<200x64xf32, #tpu.memory_space<vmem>> -> memref<50x64xf32, #tpu.memory_space<vmem>>
    tpu.wait_dma2 semaphore(%arg14 : memref<!tpu.dma_semaphore, #tpu.memory_space<semaphore_mem>>) src(%dma_wait3A_1218 : memref<50x64xf32, #tpu.memory_space<vmem>>) dst(%dma_wait3A_1211 : memref<50x64xf32, #tpu.memory_space<hbm>>)
    %dma_start3A_1219 = arith.constant 3 : i32
    %dma_start3A_1220 = arith.constant 0 : i32
    %dma_start3A_1221 = arith.constant 0 : i32
    %dma_start3A_1222 = tpu.memref_slice %arg6[%dma_start3A_1219, %dma_start3A_1220, %dma_start3A_1221] : memref<4x200x64xf32, #tpu.memory_space<vmem>> -> memref<1x200x64xf32, #tpu.memory_space<vmem>>
    %dma_start3A_1223 = tpu.memref_squeeze %dma_start3A_1222 : memref<1x200x64xf32, #tpu.memory_space<vmem>> -> memref<200x64xf32, #tpu.memory_space<vmem>>
    %dma_start3A_1224 = arith.constant 25400 : i32
    %dma_start3A_1225 = tpu.memref_slice %arg5[%dma_start3A_1224] : memref<25600xi32, #tpu.memory_space<vmem>> -> memref<200xi32, #tpu.memory_space<vmem>>
    %dma_start3A_1226 = arith.constant 0 : i32
    %dma_start3A_1227 = arith.constant 0 : i32
    %dma_start3A_1228 = tpu.memref_slice %arg2[%dma_start3A_1226, %dma_start3A_1227] : memref<1000000x64xf32, #tpu.memory_space<hbm>> -> memref<1000000x64xf32, #tpu.memory_space<hbm>>
    tpu.enqueue_indirect_dma source(%dma_start3A_1228 : memref<1000000x64xf32, #tpu.memory_space<hbm>>) target(%dma_start3A_1223 : memref<200x64xf32, #tpu.memory_space<vmem>>) offsets(%dma_start3A_1225 : memref<200xi32, #tpu.memory_space<vmem>>) semaphore(%arg10 : memref<!tpu.dma_semaphore, #tpu.memory_space<semaphore_mem>>)
    %dma_wait3A_1229 = arith.constant 2 : i32
    %dma_wait3A_1230 = arith.constant 0 : i32
    %dma_wait3A_1231 = arith.constant 0 : i32
    %dma_wait3A_1232 = tpu.memref_slice %arg6[%dma_wait3A_1229, %dma_wait3A_1230, %dma_wait3A_1231] : memref<4x200x64xf32, #tpu.memory_space<vmem>> -> memref<1x200x64xf32, #tpu.memory_space<vmem>>
    %dma_wait3A_1233 = tpu.memref_squeeze %dma_wait3A_1232 : memref<1x200x64xf32, #tpu.memory_space<vmem>> -> memref<200x64xf32, #tpu.memory_space<vmem>>
    %dma_wait3A_1234 = arith.constant 25200 : i32
    %dma_wait3A_1235 = tpu.memref_slice %arg5[%dma_wait3A_1234] : memref<25600xi32, #tpu.memory_space<vmem>> -> memref<200xi32, #tpu.memory_space<vmem>>
    %dma_wait3A_1236 = arith.constant 0 : i32
    %dma_wait3A_1237 = arith.constant 0 : i32
    %dma_wait3A_1238 = tpu.memref_slice %arg2[%dma_wait3A_1236, %dma_wait3A_1237] : memref<1000000x64xf32, #tpu.memory_space<hbm>> -> memref<1000000x64xf32, #tpu.memory_space<hbm>>
    tpu.wait_indirect_dma semaphore(%arg9 : memref<!tpu.dma_semaphore, #tpu.memory_space<semaphore_mem>>) src(%dma_wait3A_1238 : memref<1000000x64xf32, #tpu.memory_space<hbm>>) dst(%dma_wait3A_1233 : memref<200x64xf32, #tpu.memory_space<vmem>>)
    %add3A_1239 = arith.constant 504 : i32
    %add3A_1240 = arith.addi %mul3A_4, %add3A_1239 : i32
    %add3A_1241 = arith.constant 0 : i32
    %add3A_1242 = arith.addi %add3A_1240, %add3A_1241 : i32
    %add3A_1243 = arith.constant 504 : i32
    %add3A_1244 = arith.addi %mul3A_4, %add3A_1243 : i32
    %add3A_1245 = arith.constant 1 : i32
    %add3A_1246 = arith.addi %add3A_1244, %add3A_1245 : i32
    %add3A_1247 = arith.constant 504 : i32
    %add3A_1248 = arith.addi %mul3A_4, %add3A_1247 : i32
    %add3A_1249 = arith.constant 2 : i32
    %add3A_1250 = arith.addi %add3A_1248, %add3A_1249 : i32
    %add3A_1251 = arith.constant 504 : i32
    %add3A_1252 = arith.addi %mul3A_4, %add3A_1251 : i32
    %add3A_1253 = arith.constant 3 : i32
    %add3A_1254 = arith.addi %add3A_1252, %add3A_1253 : i32
    %dma_start3A_1255 = arith.constant 2 : i32
    %dma_start3A_1256 = arith.constant 0 : i32
    %dma_start3A_1257 = arith.constant 0 : i32
    %dma_start3A_1258 = tpu.memref_slice %arg6[%dma_start3A_1255, %dma_start3A_1256, %dma_start3A_1257] : memref<4x200x64xf32, #tpu.memory_space<vmem>> -> memref<1x200x64xf32, #tpu.memory_space<vmem>>
    %dma_start3A_1259 = tpu.memref_squeeze %dma_start3A_1258 : memref<1x200x64xf32, #tpu.memory_space<vmem>> -> memref<200x64xf32, #tpu.memory_space<vmem>>
    %dma_start3A_1260 = arith.constant 0 : i32
    %dma_start3A_1261 = arith.constant 0 : i32
    %dma_start3A_1262 = tpu.memref_slice %dma_start3A_1259[%dma_start3A_1260, %dma_start3A_1261] : memref<200x64xf32, #tpu.memory_space<vmem>> -> memref<50x64xf32, #tpu.memory_space<vmem>>
    %dma_start3A_1263 = arith.constant 0 : i32
    %dma_start3A_1264 = arith.constant 0 : i32
    %dma_start3A_1265 = tpu.memref_slice %arg4[%add3A_1242, %dma_start3A_1263, %dma_start3A_1264] : memref<16384x50x64xf32, #tpu.memory_space<hbm>> -> memref<1x50x64xf32, #tpu.memory_space<hbm>>
    %dma_start3A_1266 = tpu.memref_squeeze %dma_start3A_1265 : memref<1x50x64xf32, #tpu.memory_space<hbm>> -> memref<50x64xf32, #tpu.memory_space<hbm>>
    %dma_start3A_1267 = arith.constant 0 : i32
    %dma_start3A_1268 = arith.constant 0 : i32
    %dma_start3A_1269 = tpu.memref_slice %arg4[%add3A_1242, %dma_start3A_1267, %dma_start3A_1268] : memref<16384x50x64xf32, #tpu.memory_space<hbm>> -> memref<1x50x64xf32, #tpu.memory_space<hbm>>
    %dma_start3A_1270 = tpu.memref_squeeze %dma_start3A_1269 : memref<1x50x64xf32, #tpu.memory_space<hbm>> -> memref<50x64xf32, #tpu.memory_space<hbm>>
    %dma_start3A_1271 = arith.constant 0 : i32
    %dma_start3A_1272 = arith.constant 0 : i32
    %dma_start3A_1273 = tpu.memref_slice %arg6[%dma_start3A_1255, %dma_start3A_1271, %dma_start3A_1272] : memref<4x200x64xf32, #tpu.memory_space<vmem>> -> memref<1x200x64xf32, #tpu.memory_space<vmem>>
    %dma_start3A_1274 = tpu.memref_squeeze %dma_start3A_1273 : memref<1x200x64xf32, #tpu.memory_space<vmem>> -> memref<200x64xf32, #tpu.memory_space<vmem>>
    %dma_start3A_1275 = arith.constant 0 : i32
    %dma_start3A_1276 = arith.constant 0 : i32
    %dma_start3A_1277 = tpu.memref_slice %dma_start3A_1274[%dma_start3A_1275, %dma_start3A_1276] : memref<200x64xf32, #tpu.memory_space<vmem>> -> memref<50x64xf32, #tpu.memory_space<vmem>>
    tpu.enqueue_dma source(%dma_start3A_1277 : memref<50x64xf32, #tpu.memory_space<vmem>>) target(%dma_start3A_1270 : memref<50x64xf32, #tpu.memory_space<hbm>>) target_semaphore(%arg13 : memref<!tpu.dma_semaphore, #tpu.memory_space<semaphore_mem>>)
    %dma_start3A_1278 = arith.constant 2 : i32
    %dma_start3A_1279 = arith.constant 0 : i32
    %dma_start3A_1280 = arith.constant 0 : i32
    %dma_start3A_1281 = tpu.memref_slice %arg6[%dma_start3A_1278, %dma_start3A_1279, %dma_start3A_1280] : memref<4x200x64xf32, #tpu.memory_space<vmem>> -> memref<1x200x64xf32, #tpu.memory_space<vmem>>
    %dma_start3A_1282 = tpu.memref_squeeze %dma_start3A_1281 : memref<1x200x64xf32, #tpu.memory_space<vmem>> -> memref<200x64xf32, #tpu.memory_space<vmem>>
    %dma_start3A_1283 = arith.constant 50 : i32
    %dma_start3A_1284 = arith.constant 0 : i32
    %dma_start3A_1285 = tpu.memref_slice %dma_start3A_1282[%dma_start3A_1283, %dma_start3A_1284] : memref<200x64xf32, #tpu.memory_space<vmem>> -> memref<50x64xf32, #tpu.memory_space<vmem>>
    %dma_start3A_1286 = arith.constant 0 : i32
    %dma_start3A_1287 = arith.constant 0 : i32
    %dma_start3A_1288 = tpu.memref_slice %arg4[%add3A_1246, %dma_start3A_1286, %dma_start3A_1287] : memref<16384x50x64xf32, #tpu.memory_space<hbm>> -> memref<1x50x64xf32, #tpu.memory_space<hbm>>
    %dma_start3A_1289 = tpu.memref_squeeze %dma_start3A_1288 : memref<1x50x64xf32, #tpu.memory_space<hbm>> -> memref<50x64xf32, #tpu.memory_space<hbm>>
    %dma_start3A_1290 = arith.constant 0 : i32
    %dma_start3A_1291 = arith.constant 0 : i32
    %dma_start3A_1292 = tpu.memref_slice %arg4[%add3A_1246, %dma_start3A_1290, %dma_start3A_1291] : memref<16384x50x64xf32, #tpu.memory_space<hbm>> -> memref<1x50x64xf32, #tpu.memory_space<hbm>>
    %dma_start3A_1293 = tpu.memref_squeeze %dma_start3A_1292 : memref<1x50x64xf32, #tpu.memory_space<hbm>> -> memref<50x64xf32, #tpu.memory_space<hbm>>
    %dma_start3A_1294 = arith.constant 0 : i32
    %dma_start3A_1295 = arith.constant 0 : i32
    %dma_start3A_1296 = tpu.memref_slice %arg6[%dma_start3A_1278, %dma_start3A_1294, %dma_start3A_1295] : memref<4x200x64xf32, #tpu.memory_space<vmem>> -> memref<1x200x64xf32, #tpu.memory_space<vmem>>
    %dma_start3A_1297 = tpu.memref_squeeze %dma_start3A_1296 : memref<1x200x64xf32, #tpu.memory_space<vmem>> -> memref<200x64xf32, #tpu.memory_space<vmem>>
    %dma_start3A_1298 = arith.constant 50 : i32
    %dma_start3A_1299 = arith.constant 0 : i32
    %dma_start3A_1300 = tpu.memref_slice %dma_start3A_1297[%dma_start3A_1298, %dma_start3A_1299] : memref<200x64xf32, #tpu.memory_space<vmem>> -> memref<50x64xf32, #tpu.memory_space<vmem>>
    tpu.enqueue_dma source(%dma_start3A_1300 : memref<50x64xf32, #tpu.memory_space<vmem>>) target(%dma_start3A_1293 : memref<50x64xf32, #tpu.memory_space<hbm>>) target_semaphore(%arg13 : memref<!tpu.dma_semaphore, #tpu.memory_space<semaphore_mem>>)
    %dma_start3A_1301 = arith.constant 2 : i32
    %dma_start3A_1302 = arith.constant 0 : i32
    %dma_start3A_1303 = arith.constant 0 : i32
    %dma_start3A_1304 = tpu.memref_slice %arg6[%dma_start3A_1301, %dma_start3A_1302, %dma_start3A_1303] : memref<4x200x64xf32, #tpu.memory_space<vmem>> -> memref<1x200x64xf32, #tpu.memory_space<vmem>>
    %dma_start3A_1305 = tpu.memref_squeeze %dma_start3A_1304 : memref<1x200x64xf32, #tpu.memory_space<vmem>> -> memref<200x64xf32, #tpu.memory_space<vmem>>
    %dma_start3A_1306 = arith.constant 100 : i32
    %dma_start3A_1307 = arith.constant 0 : i32
    %dma_start3A_1308 = tpu.memref_slice %dma_start3A_1305[%dma_start3A_1306, %dma_start3A_1307] : memref<200x64xf32, #tpu.memory_space<vmem>> -> memref<50x64xf32, #tpu.memory_space<vmem>>
    %dma_start3A_1309 = arith.constant 0 : i32
    %dma_start3A_1310 = arith.constant 0 : i32
    %dma_start3A_1311 = tpu.memref_slice %arg4[%add3A_1250, %dma_start3A_1309, %dma_start3A_1310] : memref<16384x50x64xf32, #tpu.memory_space<hbm>> -> memref<1x50x64xf32, #tpu.memory_space<hbm>>
    %dma_start3A_1312 = tpu.memref_squeeze %dma_start3A_1311 : memref<1x50x64xf32, #tpu.memory_space<hbm>> -> memref<50x64xf32, #tpu.memory_space<hbm>>
    %dma_start3A_1313 = arith.constant 0 : i32
    %dma_start3A_1314 = arith.constant 0 : i32
    %dma_start3A_1315 = tpu.memref_slice %arg4[%add3A_1250, %dma_start3A_1313, %dma_start3A_1314] : memref<16384x50x64xf32, #tpu.memory_space<hbm>> -> memref<1x50x64xf32, #tpu.memory_space<hbm>>
    %dma_start3A_1316 = tpu.memref_squeeze %dma_start3A_1315 : memref<1x50x64xf32, #tpu.memory_space<hbm>> -> memref<50x64xf32, #tpu.memory_space<hbm>>
    %dma_start3A_1317 = arith.constant 0 : i32
    %dma_start3A_1318 = arith.constant 0 : i32
    %dma_start3A_1319 = tpu.memref_slice %arg6[%dma_start3A_1301, %dma_start3A_1317, %dma_start3A_1318] : memref<4x200x64xf32, #tpu.memory_space<vmem>> -> memref<1x200x64xf32, #tpu.memory_space<vmem>>
    %dma_start3A_1320 = tpu.memref_squeeze %dma_start3A_1319 : memref<1x200x64xf32, #tpu.memory_space<vmem>> -> memref<200x64xf32, #tpu.memory_space<vmem>>
    %dma_start3A_1321 = arith.constant 100 : i32
    %dma_start3A_1322 = arith.constant 0 : i32
    %dma_start3A_1323 = tpu.memref_slice %dma_start3A_1320[%dma_start3A_1321, %dma_start3A_1322] : memref<200x64xf32, #tpu.memory_space<vmem>> -> memref<50x64xf32, #tpu.memory_space<vmem>>
    tpu.enqueue_dma source(%dma_start3A_1323 : memref<50x64xf32, #tpu.memory_space<vmem>>) target(%dma_start3A_1316 : memref<50x64xf32, #tpu.memory_space<hbm>>) target_semaphore(%arg13 : memref<!tpu.dma_semaphore, #tpu.memory_space<semaphore_mem>>)
    %dma_start3A_1324 = arith.constant 2 : i32
    %dma_start3A_1325 = arith.constant 0 : i32
    %dma_start3A_1326 = arith.constant 0 : i32
    %dma_start3A_1327 = tpu.memref_slice %arg6[%dma_start3A_1324, %dma_start3A_1325, %dma_start3A_1326] : memref<4x200x64xf32, #tpu.memory_space<vmem>> -> memref<1x200x64xf32, #tpu.memory_space<vmem>>
    %dma_start3A_1328 = tpu.memref_squeeze %dma_start3A_1327 : memref<1x200x64xf32, #tpu.memory_space<vmem>> -> memref<200x64xf32, #tpu.memory_space<vmem>>
    %dma_start3A_1329 = arith.constant 150 : i32
    %dma_start3A_1330 = arith.constant 0 : i32
    %dma_start3A_1331 = tpu.memref_slice %dma_start3A_1328[%dma_start3A_1329, %dma_start3A_1330] : memref<200x64xf32, #tpu.memory_space<vmem>> -> memref<50x64xf32, #tpu.memory_space<vmem>>
    %dma_start3A_1332 = arith.constant 0 : i32
    %dma_start3A_1333 = arith.constant 0 : i32
    %dma_start3A_1334 = tpu.memref_slice %arg4[%add3A_1254, %dma_start3A_1332, %dma_start3A_1333] : memref<16384x50x64xf32, #tpu.memory_space<hbm>> -> memref<1x50x64xf32, #tpu.memory_space<hbm>>
    %dma_start3A_1335 = tpu.memref_squeeze %dma_start3A_1334 : memref<1x50x64xf32, #tpu.memory_space<hbm>> -> memref<50x64xf32, #tpu.memory_space<hbm>>
    %dma_start3A_1336 = arith.constant 0 : i32
    %dma_start3A_1337 = arith.constant 0 : i32
    %dma_start3A_1338 = tpu.memref_slice %arg4[%add3A_1254, %dma_start3A_1336, %dma_start3A_1337] : memref<16384x50x64xf32, #tpu.memory_space<hbm>> -> memref<1x50x64xf32, #tpu.memory_space<hbm>>
    %dma_start3A_1339 = tpu.memref_squeeze %dma_start3A_1338 : memref<1x50x64xf32, #tpu.memory_space<hbm>> -> memref<50x64xf32, #tpu.memory_space<hbm>>
    %dma_start3A_1340 = arith.constant 0 : i32
    %dma_start3A_1341 = arith.constant 0 : i32
    %dma_start3A_1342 = tpu.memref_slice %arg6[%dma_start3A_1324, %dma_start3A_1340, %dma_start3A_1341] : memref<4x200x64xf32, #tpu.memory_space<vmem>> -> memref<1x200x64xf32, #tpu.memory_space<vmem>>
    %dma_start3A_1343 = tpu.memref_squeeze %dma_start3A_1342 : memref<1x200x64xf32, #tpu.memory_space<vmem>> -> memref<200x64xf32, #tpu.memory_space<vmem>>
    %dma_start3A_1344 = arith.constant 150 : i32
    %dma_start3A_1345 = arith.constant 0 : i32
    %dma_start3A_1346 = tpu.memref_slice %dma_start3A_1343[%dma_start3A_1344, %dma_start3A_1345] : memref<200x64xf32, #tpu.memory_space<vmem>> -> memref<50x64xf32, #tpu.memory_space<vmem>>
    tpu.enqueue_dma source(%dma_start3A_1346 : memref<50x64xf32, #tpu.memory_space<vmem>>) target(%dma_start3A_1339 : memref<50x64xf32, #tpu.memory_space<hbm>>) target_semaphore(%arg13 : memref<!tpu.dma_semaphore, #tpu.memory_space<semaphore_mem>>)
    %dma_wait3A_1347 = arith.constant 3 : i32
    %dma_wait3A_1348 = arith.constant 0 : i32
    %dma_wait3A_1349 = arith.constant 0 : i32
    %dma_wait3A_1350 = tpu.memref_slice %arg6[%dma_wait3A_1347, %dma_wait3A_1348, %dma_wait3A_1349] : memref<4x200x64xf32, #tpu.memory_space<vmem>> -> memref<1x200x64xf32, #tpu.memory_space<vmem>>
    %dma_wait3A_1351 = tpu.memref_squeeze %dma_wait3A_1350 : memref<1x200x64xf32, #tpu.memory_space<vmem>> -> memref<200x64xf32, #tpu.memory_space<vmem>>
    %dma_wait3A_1352 = arith.constant 25400 : i32
    %dma_wait3A_1353 = tpu.memref_slice %arg5[%dma_wait3A_1352] : memref<25600xi32, #tpu.memory_space<vmem>> -> memref<200xi32, #tpu.memory_space<vmem>>
    %dma_wait3A_1354 = arith.constant 0 : i32
    %dma_wait3A_1355 = arith.constant 0 : i32
    %dma_wait3A_1356 = tpu.memref_slice %arg2[%dma_wait3A_1354, %dma_wait3A_1355] : memref<1000000x64xf32, #tpu.memory_space<hbm>> -> memref<1000000x64xf32, #tpu.memory_space<hbm>>
    tpu.wait_indirect_dma semaphore(%arg10 : memref<!tpu.dma_semaphore, #tpu.memory_space<semaphore_mem>>) src(%dma_wait3A_1356 : memref<1000000x64xf32, #tpu.memory_space<hbm>>) dst(%dma_wait3A_1351 : memref<200x64xf32, #tpu.memory_space<vmem>>)
    %add3A_1357 = arith.constant 508 : i32
    %add3A_1358 = arith.addi %mul3A_4, %add3A_1357 : i32
    %add3A_1359 = arith.constant 0 : i32
    %add3A_1360 = arith.addi %add3A_1358, %add3A_1359 : i32
    %add3A_1361 = arith.constant 508 : i32
    %add3A_1362 = arith.addi %mul3A_4, %add3A_1361 : i32
    %add3A_1363 = arith.constant 1 : i32
    %add3A_1364 = arith.addi %add3A_1362, %add3A_1363 : i32
    %add3A_1365 = arith.constant 508 : i32
    %add3A_1366 = arith.addi %mul3A_4, %add3A_1365 : i32
    %add3A_1367 = arith.constant 2 : i32
    %add3A_1368 = arith.addi %add3A_1366, %add3A_1367 : i32
    %add3A_1369 = arith.constant 508 : i32
    %add3A_1370 = arith.addi %mul3A_4, %add3A_1369 : i32
    %add3A_1371 = arith.constant 3 : i32
    %add3A_1372 = arith.addi %add3A_1370, %add3A_1371 : i32
    %dma_start3A_1373 = arith.constant 3 : i32
    %dma_start3A_1374 = arith.constant 0 : i32
    %dma_start3A_1375 = arith.constant 0 : i32
    %dma_start3A_1376 = tpu.memref_slice %arg6[%dma_start3A_1373, %dma_start3A_1374, %dma_start3A_1375] : memref<4x200x64xf32, #tpu.memory_space<vmem>> -> memref<1x200x64xf32, #tpu.memory_space<vmem>>
    %dma_start3A_1377 = tpu.memref_squeeze %dma_start3A_1376 : memref<1x200x64xf32, #tpu.memory_space<vmem>> -> memref<200x64xf32, #tpu.memory_space<vmem>>
    %dma_start3A_1378 = arith.constant 0 : i32
    %dma_start3A_1379 = arith.constant 0 : i32
    %dma_start3A_1380 = tpu.memref_slice %dma_start3A_1377[%dma_start3A_1378, %dma_start3A_1379] : memref<200x64xf32, #tpu.memory_space<vmem>> -> memref<50x64xf32, #tpu.memory_space<vmem>>
    %dma_start3A_1381 = arith.constant 0 : i32
    %dma_start3A_1382 = arith.constant 0 : i32
    %dma_start3A_1383 = tpu.memref_slice %arg4[%add3A_1360, %dma_start3A_1381, %dma_start3A_1382] : memref<16384x50x64xf32, #tpu.memory_space<hbm>> -> memref<1x50x64xf32, #tpu.memory_space<hbm>>
    %dma_start3A_1384 = tpu.memref_squeeze %dma_start3A_1383 : memref<1x50x64xf32, #tpu.memory_space<hbm>> -> memref<50x64xf32, #tpu.memory_space<hbm>>
    %dma_start3A_1385 = arith.constant 0 : i32
    %dma_start3A_1386 = arith.constant 0 : i32
    %dma_start3A_1387 = tpu.memref_slice %arg4[%add3A_1360, %dma_start3A_1385, %dma_start3A_1386] : memref<16384x50x64xf32, #tpu.memory_space<hbm>> -> memref<1x50x64xf32, #tpu.memory_space<hbm>>
    %dma_start3A_1388 = tpu.memref_squeeze %dma_start3A_1387 : memref<1x50x64xf32, #tpu.memory_space<hbm>> -> memref<50x64xf32, #tpu.memory_space<hbm>>
    %dma_start3A_1389 = arith.constant 0 : i32
    %dma_start3A_1390 = arith.constant 0 : i32
    %dma_start3A_1391 = tpu.memref_slice %arg6[%dma_start3A_1373, %dma_start3A_1389, %dma_start3A_1390] : memref<4x200x64xf32, #tpu.memory_space<vmem>> -> memref<1x200x64xf32, #tpu.memory_space<vmem>>
    %dma_start3A_1392 = tpu.memref_squeeze %dma_start3A_1391 : memref<1x200x64xf32, #tpu.memory_space<vmem>> -> memref<200x64xf32, #tpu.memory_space<vmem>>
    %dma_start3A_1393 = arith.constant 0 : i32
    %dma_start3A_1394 = arith.constant 0 : i32
    %dma_start3A_1395 = tpu.memref_slice %dma_start3A_1392[%dma_start3A_1393, %dma_start3A_1394] : memref<200x64xf32, #tpu.memory_space<vmem>> -> memref<50x64xf32, #tpu.memory_space<vmem>>
    tpu.enqueue_dma source(%dma_start3A_1395 : memref<50x64xf32, #tpu.memory_space<vmem>>) target(%dma_start3A_1388 : memref<50x64xf32, #tpu.memory_space<hbm>>) target_semaphore(%arg14 : memref<!tpu.dma_semaphore, #tpu.memory_space<semaphore_mem>>)
    %dma_start3A_1396 = arith.constant 3 : i32
    %dma_start3A_1397 = arith.constant 0 : i32
    %dma_start3A_1398 = arith.constant 0 : i32
    %dma_start3A_1399 = tpu.memref_slice %arg6[%dma_start3A_1396, %dma_start3A_1397, %dma_start3A_1398] : memref<4x200x64xf32, #tpu.memory_space<vmem>> -> memref<1x200x64xf32, #tpu.memory_space<vmem>>
    %dma_start3A_1400 = tpu.memref_squeeze %dma_start3A_1399 : memref<1x200x64xf32, #tpu.memory_space<vmem>> -> memref<200x64xf32, #tpu.memory_space<vmem>>
    %dma_start3A_1401 = arith.constant 50 : i32
    %dma_start3A_1402 = arith.constant 0 : i32
    %dma_start3A_1403 = tpu.memref_slice %dma_start3A_1400[%dma_start3A_1401, %dma_start3A_1402] : memref<200x64xf32, #tpu.memory_space<vmem>> -> memref<50x64xf32, #tpu.memory_space<vmem>>
    %dma_start3A_1404 = arith.constant 0 : i32
    %dma_start3A_1405 = arith.constant 0 : i32
    %dma_start3A_1406 = tpu.memref_slice %arg4[%add3A_1364, %dma_start3A_1404, %dma_start3A_1405] : memref<16384x50x64xf32, #tpu.memory_space<hbm>> -> memref<1x50x64xf32, #tpu.memory_space<hbm>>
    %dma_start3A_1407 = tpu.memref_squeeze %dma_start3A_1406 : memref<1x50x64xf32, #tpu.memory_space<hbm>> -> memref<50x64xf32, #tpu.memory_space<hbm>>
    %dma_start3A_1408 = arith.constant 0 : i32
    %dma_start3A_1409 = arith.constant 0 : i32
    %dma_start3A_1410 = tpu.memref_slice %arg4[%add3A_1364, %dma_start3A_1408, %dma_start3A_1409] : memref<16384x50x64xf32, #tpu.memory_space<hbm>> -> memref<1x50x64xf32, #tpu.memory_space<hbm>>
    %dma_start3A_1411 = tpu.memref_squeeze %dma_start3A_1410 : memref<1x50x64xf32, #tpu.memory_space<hbm>> -> memref<50x64xf32, #tpu.memory_space<hbm>>
    %dma_start3A_1412 = arith.constant 0 : i32
    %dma_start3A_1413 = arith.constant 0 : i32
    %dma_start3A_1414 = tpu.memref_slice %arg6[%dma_start3A_1396, %dma_start3A_1412, %dma_start3A_1413] : memref<4x200x64xf32, #tpu.memory_space<vmem>> -> memref<1x200x64xf32, #tpu.memory_space<vmem>>
    %dma_start3A_1415 = tpu.memref_squeeze %dma_start3A_1414 : memref<1x200x64xf32, #tpu.memory_space<vmem>> -> memref<200x64xf32, #tpu.memory_space<vmem>>
    %dma_start3A_1416 = arith.constant 50 : i32
    %dma_start3A_1417 = arith.constant 0 : i32
    %dma_start3A_1418 = tpu.memref_slice %dma_start3A_1415[%dma_start3A_1416, %dma_start3A_1417] : memref<200x64xf32, #tpu.memory_space<vmem>> -> memref<50x64xf32, #tpu.memory_space<vmem>>
    tpu.enqueue_dma source(%dma_start3A_1418 : memref<50x64xf32, #tpu.memory_space<vmem>>) target(%dma_start3A_1411 : memref<50x64xf32, #tpu.memory_space<hbm>>) target_semaphore(%arg14 : memref<!tpu.dma_semaphore, #tpu.memory_space<semaphore_mem>>)
    %dma_start3A_1419 = arith.constant 3 : i32
    %dma_start3A_1420 = arith.constant 0 : i32
    %dma_start3A_1421 = arith.constant 0 : i32
    %dma_start3A_1422 = tpu.memref_slice %arg6[%dma_start3A_1419, %dma_start3A_1420, %dma_start3A_1421] : memref<4x200x64xf32, #tpu.memory_space<vmem>> -> memref<1x200x64xf32, #tpu.memory_space<vmem>>
    %dma_start3A_1423 = tpu.memref_squeeze %dma_start3A_1422 : memref<1x200x64xf32, #tpu.memory_space<vmem>> -> memref<200x64xf32, #tpu.memory_space<vmem>>
    %dma_start3A_1424 = arith.constant 100 : i32
    %dma_start3A_1425 = arith.constant 0 : i32
    %dma_start3A_1426 = tpu.memref_slice %dma_start3A_1423[%dma_start3A_1424, %dma_start3A_1425] : memref<200x64xf32, #tpu.memory_space<vmem>> -> memref<50x64xf32, #tpu.memory_space<vmem>>
    %dma_start3A_1427 = arith.constant 0 : i32
    %dma_start3A_1428 = arith.constant 0 : i32
    %dma_start3A_1429 = tpu.memref_slice %arg4[%add3A_1368, %dma_start3A_1427, %dma_start3A_1428] : memref<16384x50x64xf32, #tpu.memory_space<hbm>> -> memref<1x50x64xf32, #tpu.memory_space<hbm>>
    %dma_start3A_1430 = tpu.memref_squeeze %dma_start3A_1429 : memref<1x50x64xf32, #tpu.memory_space<hbm>> -> memref<50x64xf32, #tpu.memory_space<hbm>>
    %dma_start3A_1431 = arith.constant 0 : i32
    %dma_start3A_1432 = arith.constant 0 : i32
    %dma_start3A_1433 = tpu.memref_slice %arg4[%add3A_1368, %dma_start3A_1431, %dma_start3A_1432] : memref<16384x50x64xf32, #tpu.memory_space<hbm>> -> memref<1x50x64xf32, #tpu.memory_space<hbm>>
    %dma_start3A_1434 = tpu.memref_squeeze %dma_start3A_1433 : memref<1x50x64xf32, #tpu.memory_space<hbm>> -> memref<50x64xf32, #tpu.memory_space<hbm>>
    %dma_start3A_1435 = arith.constant 0 : i32
    %dma_start3A_1436 = arith.constant 0 : i32
    %dma_start3A_1437 = tpu.memref_slice %arg6[%dma_start3A_1419, %dma_start3A_1435, %dma_start3A_1436] : memref<4x200x64xf32, #tpu.memory_space<vmem>> -> memref<1x200x64xf32, #tpu.memory_space<vmem>>
    %dma_start3A_1438 = tpu.memref_squeeze %dma_start3A_1437 : memref<1x200x64xf32, #tpu.memory_space<vmem>> -> memref<200x64xf32, #tpu.memory_space<vmem>>
    %dma_start3A_1439 = arith.constant 100 : i32
    %dma_start3A_1440 = arith.constant 0 : i32
    %dma_start3A_1441 = tpu.memref_slice %dma_start3A_1438[%dma_start3A_1439, %dma_start3A_1440] : memref<200x64xf32, #tpu.memory_space<vmem>> -> memref<50x64xf32, #tpu.memory_space<vmem>>
    tpu.enqueue_dma source(%dma_start3A_1441 : memref<50x64xf32, #tpu.memory_space<vmem>>) target(%dma_start3A_1434 : memref<50x64xf32, #tpu.memory_space<hbm>>) target_semaphore(%arg14 : memref<!tpu.dma_semaphore, #tpu.memory_space<semaphore_mem>>)
    %dma_start3A_1442 = arith.constant 3 : i32
    %dma_start3A_1443 = arith.constant 0 : i32
    %dma_start3A_1444 = arith.constant 0 : i32
    %dma_start3A_1445 = tpu.memref_slice %arg6[%dma_start3A_1442, %dma_start3A_1443, %dma_start3A_1444] : memref<4x200x64xf32, #tpu.memory_space<vmem>> -> memref<1x200x64xf32, #tpu.memory_space<vmem>>
    %dma_start3A_1446 = tpu.memref_squeeze %dma_start3A_1445 : memref<1x200x64xf32, #tpu.memory_space<vmem>> -> memref<200x64xf32, #tpu.memory_space<vmem>>
    %dma_start3A_1447 = arith.constant 150 : i32
    %dma_start3A_1448 = arith.constant 0 : i32
    %dma_start3A_1449 = tpu.memref_slice %dma_start3A_1446[%dma_start3A_1447, %dma_start3A_1448] : memref<200x64xf32, #tpu.memory_space<vmem>> -> memref<50x64xf32, #tpu.memory_space<vmem>>
    %dma_start3A_1450 = arith.constant 0 : i32
    %dma_start3A_1451 = arith.constant 0 : i32
    %dma_start3A_1452 = tpu.memref_slice %arg4[%add3A_1372, %dma_start3A_1450, %dma_start3A_1451] : memref<16384x50x64xf32, #tpu.memory_space<hbm>> -> memref<1x50x64xf32, #tpu.memory_space<hbm>>
    %dma_start3A_1453 = tpu.memref_squeeze %dma_start3A_1452 : memref<1x50x64xf32, #tpu.memory_space<hbm>> -> memref<50x64xf32, #tpu.memory_space<hbm>>
    %dma_start3A_1454 = arith.constant 0 : i32
    %dma_start3A_1455 = arith.constant 0 : i32
    %dma_start3A_1456 = tpu.memref_slice %arg4[%add3A_1372, %dma_start3A_1454, %dma_start3A_1455] : memref<16384x50x64xf32, #tpu.memory_space<hbm>> -> memref<1x50x64xf32, #tpu.memory_space<hbm>>
    %dma_start3A_1457 = tpu.memref_squeeze %dma_start3A_1456 : memref<1x50x64xf32, #tpu.memory_space<hbm>> -> memref<50x64xf32, #tpu.memory_space<hbm>>
    %dma_start3A_1458 = arith.constant 0 : i32
    %dma_start3A_1459 = arith.constant 0 : i32
    %dma_start3A_1460 = tpu.memref_slice %arg6[%dma_start3A_1442, %dma_start3A_1458, %dma_start3A_1459] : memref<4x200x64xf32, #tpu.memory_space<vmem>> -> memref<1x200x64xf32, #tpu.memory_space<vmem>>
    %dma_start3A_1461 = tpu.memref_squeeze %dma_start3A_1460 : memref<1x200x64xf32, #tpu.memory_space<vmem>> -> memref<200x64xf32, #tpu.memory_space<vmem>>
    %dma_start3A_1462 = arith.constant 150 : i32
    %dma_start3A_1463 = arith.constant 0 : i32
    %dma_start3A_1464 = tpu.memref_slice %dma_start3A_1461[%dma_start3A_1462, %dma_start3A_1463] : memref<200x64xf32, #tpu.memory_space<vmem>> -> memref<50x64xf32, #tpu.memory_space<vmem>>
    tpu.enqueue_dma source(%dma_start3A_1464 : memref<50x64xf32, #tpu.memory_space<vmem>>) target(%dma_start3A_1457 : memref<50x64xf32, #tpu.memory_space<hbm>>) target_semaphore(%arg14 : memref<!tpu.dma_semaphore, #tpu.memory_space<semaphore_mem>>)
    %add3A_1465 = arith.constant 0 : i32
    %add3A_1466 = arith.addi %mul3A_4, %add3A_1465 : i32
    %add3A_1467 = arith.constant 0 : i32
    %add3A_1468 = arith.addi %add3A_1466, %add3A_1467 : i32
    %add3A_1469 = arith.constant 0 : i32
    %add3A_1470 = arith.addi %mul3A_4, %add3A_1469 : i32
    %add3A_1471 = arith.constant 1 : i32
    %add3A_1472 = arith.addi %add3A_1470, %add3A_1471 : i32
    %add3A_1473 = arith.constant 0 : i32
    %add3A_1474 = arith.addi %mul3A_4, %add3A_1473 : i32
    %add3A_1475 = arith.constant 2 : i32
    %add3A_1476 = arith.addi %add3A_1474, %add3A_1475 : i32
    %add3A_1477 = arith.constant 0 : i32
    %add3A_1478 = arith.addi %mul3A_4, %add3A_1477 : i32
    %add3A_1479 = arith.constant 3 : i32
    %add3A_1480 = arith.addi %add3A_1478, %add3A_1479 : i32
    %dma_wait3A_1481 = arith.constant 0 : i32
    %dma_wait3A_1482 = arith.constant 0 : i32
    %dma_wait3A_1483 = arith.constant 0 : i32
    %dma_wait3A_1484 = tpu.memref_slice %arg6[%dma_wait3A_1481, %dma_wait3A_1482, %dma_wait3A_1483] : memref<4x200x64xf32, #tpu.memory_space<vmem>> -> memref<1x200x64xf32, #tpu.memory_space<vmem>>
    %dma_wait3A_1485 = tpu.memref_squeeze %dma_wait3A_1484 : memref<1x200x64xf32, #tpu.memory_space<vmem>> -> memref<200x64xf32, #tpu.memory_space<vmem>>
    %dma_wait3A_1486 = arith.constant 0 : i32
    %dma_wait3A_1487 = arith.constant 0 : i32
    %dma_wait3A_1488 = tpu.memref_slice %dma_wait3A_1485[%dma_wait3A_1486, %dma_wait3A_1487] : memref<200x64xf32, #tpu.memory_space<vmem>> -> memref<50x64xf32, #tpu.memory_space<vmem>>
    %dma_wait3A_1489 = arith.constant 0 : i32
    %dma_wait3A_1490 = arith.constant 0 : i32
    %dma_wait3A_1491 = tpu.memref_slice %arg4[%add3A_1468, %dma_wait3A_1489, %dma_wait3A_1490] : memref<16384x50x64xf32, #tpu.memory_space<hbm>> -> memref<1x50x64xf32, #tpu.memory_space<hbm>>
    %dma_wait3A_1492 = tpu.memref_squeeze %dma_wait3A_1491 : memref<1x50x64xf32, #tpu.memory_space<hbm>> -> memref<50x64xf32, #tpu.memory_space<hbm>>
    %dma_wait3A_1493 = arith.constant 0 : i32
    %dma_wait3A_1494 = arith.constant 0 : i32
    %dma_wait3A_1495 = tpu.memref_slice %arg4[%add3A_1468, %dma_wait3A_1493, %dma_wait3A_1494] : memref<16384x50x64xf32, #tpu.memory_space<hbm>> -> memref<1x50x64xf32, #tpu.memory_space<hbm>>
    %dma_wait3A_1496 = tpu.memref_squeeze %dma_wait3A_1495 : memref<1x50x64xf32, #tpu.memory_space<hbm>> -> memref<50x64xf32, #tpu.memory_space<hbm>>
    %dma_wait3A_1497 = arith.constant 0 : i32
    %dma_wait3A_1498 = arith.constant 0 : i32
    %dma_wait3A_1499 = tpu.memref_slice %arg6[%dma_wait3A_1481, %dma_wait3A_1497, %dma_wait3A_1498] : memref<4x200x64xf32, #tpu.memory_space<vmem>> -> memref<1x200x64xf32, #tpu.memory_space<vmem>>
    %dma_wait3A_1500 = tpu.memref_squeeze %dma_wait3A_1499 : memref<1x200x64xf32, #tpu.memory_space<vmem>> -> memref<200x64xf32, #tpu.memory_space<vmem>>
    %dma_wait3A_1501 = arith.constant 0 : i32
    %dma_wait3A_1502 = arith.constant 0 : i32
    %dma_wait3A_1503 = tpu.memref_slice %dma_wait3A_1500[%dma_wait3A_1501, %dma_wait3A_1502] : memref<200x64xf32, #tpu.memory_space<vmem>> -> memref<50x64xf32, #tpu.memory_space<vmem>>
    tpu.wait_dma2 semaphore(%arg11 : memref<!tpu.dma_semaphore, #tpu.memory_space<semaphore_mem>>) src(%dma_wait3A_1503 : memref<50x64xf32, #tpu.memory_space<vmem>>) dst(%dma_wait3A_1496 : memref<50x64xf32, #tpu.memory_space<hbm>>)
    %dma_wait3A_1504 = arith.constant 0 : i32
    %dma_wait3A_1505 = arith.constant 0 : i32
    %dma_wait3A_1506 = arith.constant 0 : i32
    %dma_wait3A_1507 = tpu.memref_slice %arg6[%dma_wait3A_1504, %dma_wait3A_1505, %dma_wait3A_1506] : memref<4x200x64xf32, #tpu.memory_space<vmem>> -> memref<1x200x64xf32, #tpu.memory_space<vmem>>
    %dma_wait3A_1508 = tpu.memref_squeeze %dma_wait3A_1507 : memref<1x200x64xf32, #tpu.memory_space<vmem>> -> memref<200x64xf32, #tpu.memory_space<vmem>>
    %dma_wait3A_1509 = arith.constant 50 : i32
    %dma_wait3A_1510 = arith.constant 0 : i32
    %dma_wait3A_1511 = tpu.memref_slice %dma_wait3A_1508[%dma_wait3A_1509, %dma_wait3A_1510] : memref<200x64xf32, #tpu.memory_space<vmem>> -> memref<50x64xf32, #tpu.memory_space<vmem>>
    %dma_wait3A_1512 = arith.constant 0 : i32
    %dma_wait3A_1513 = arith.constant 0 : i32
    %dma_wait3A_1514 = tpu.memref_slice %arg4[%add3A_1472, %dma_wait3A_1512, %dma_wait3A_1513] : memref<16384x50x64xf32, #tpu.memory_space<hbm>> -> memref<1x50x64xf32, #tpu.memory_space<hbm>>
    %dma_wait3A_1515 = tpu.memref_squeeze %dma_wait3A_1514 : memref<1x50x64xf32, #tpu.memory_space<hbm>> -> memref<50x64xf32, #tpu.memory_space<hbm>>
    %dma_wait3A_1516 = arith.constant 0 : i32
    %dma_wait3A_1517 = arith.constant 0 : i32
    %dma_wait3A_1518 = tpu.memref_slice %arg4[%add3A_1472, %dma_wait3A_1516, %dma_wait3A_1517] : memref<16384x50x64xf32, #tpu.memory_space<hbm>> -> memref<1x50x64xf32, #tpu.memory_space<hbm>>
    %dma_wait3A_1519 = tpu.memref_squeeze %dma_wait3A_1518 : memref<1x50x64xf32, #tpu.memory_space<hbm>> -> memref<50x64xf32, #tpu.memory_space<hbm>>
    %dma_wait3A_1520 = arith.constant 0 : i32
    %dma_wait3A_1521 = arith.constant 0 : i32
    %dma_wait3A_1522 = tpu.memref_slice %arg6[%dma_wait3A_1504, %dma_wait3A_1520, %dma_wait3A_1521] : memref<4x200x64xf32, #tpu.memory_space<vmem>> -> memref<1x200x64xf32, #tpu.memory_space<vmem>>
    %dma_wait3A_1523 = tpu.memref_squeeze %dma_wait3A_1522 : memref<1x200x64xf32, #tpu.memory_space<vmem>> -> memref<200x64xf32, #tpu.memory_space<vmem>>
    %dma_wait3A_1524 = arith.constant 50 : i32
    %dma_wait3A_1525 = arith.constant 0 : i32
    %dma_wait3A_1526 = tpu.memref_slice %dma_wait3A_1523[%dma_wait3A_1524, %dma_wait3A_1525] : memref<200x64xf32, #tpu.memory_space<vmem>> -> memref<50x64xf32, #tpu.memory_space<vmem>>
    tpu.wait_dma2 semaphore(%arg11 : memref<!tpu.dma_semaphore, #tpu.memory_space<semaphore_mem>>) src(%dma_wait3A_1526 : memref<50x64xf32, #tpu.memory_space<vmem>>) dst(%dma_wait3A_1519 : memref<50x64xf32, #tpu.memory_space<hbm>>)
    %dma_wait3A_1527 = arith.constant 0 : i32
    %dma_wait3A_1528 = arith.constant 0 : i32
    %dma_wait3A_1529 = arith.constant 0 : i32
    %dma_wait3A_1530 = tpu.memref_slice %arg6[%dma_wait3A_1527, %dma_wait3A_1528, %dma_wait3A_1529] : memref<4x200x64xf32, #tpu.memory_space<vmem>> -> memref<1x200x64xf32, #tpu.memory_space<vmem>>
    %dma_wait3A_1531 = tpu.memref_squeeze %dma_wait3A_1530 : memref<1x200x64xf32, #tpu.memory_space<vmem>> -> memref<200x64xf32, #tpu.memory_space<vmem>>
    %dma_wait3A_1532 = arith.constant 100 : i32
    %dma_wait3A_1533 = arith.constant 0 : i32
    %dma_wait3A_1534 = tpu.memref_slice %dma_wait3A_1531[%dma_wait3A_1532, %dma_wait3A_1533] : memref<200x64xf32, #tpu.memory_space<vmem>> -> memref<50x64xf32, #tpu.memory_space<vmem>>
    %dma_wait3A_1535 = arith.constant 0 : i32
    %dma_wait3A_1536 = arith.constant 0 : i32
    %dma_wait3A_1537 = tpu.memref_slice %arg4[%add3A_1476, %dma_wait3A_1535, %dma_wait3A_1536] : memref<16384x50x64xf32, #tpu.memory_space<hbm>> -> memref<1x50x64xf32, #tpu.memory_space<hbm>>
    %dma_wait3A_1538 = tpu.memref_squeeze %dma_wait3A_1537 : memref<1x50x64xf32, #tpu.memory_space<hbm>> -> memref<50x64xf32, #tpu.memory_space<hbm>>
    %dma_wait3A_1539 = arith.constant 0 : i32
    %dma_wait3A_1540 = arith.constant 0 : i32
    %dma_wait3A_1541 = tpu.memref_slice %arg4[%add3A_1476, %dma_wait3A_1539, %dma_wait3A_1540] : memref<16384x50x64xf32, #tpu.memory_space<hbm>> -> memref<1x50x64xf32, #tpu.memory_space<hbm>>
    %dma_wait3A_1542 = tpu.memref_squeeze %dma_wait3A_1541 : memref<1x50x64xf32, #tpu.memory_space<hbm>> -> memref<50x64xf32, #tpu.memory_space<hbm>>
    %dma_wait3A_1543 = arith.constant 0 : i32
    %dma_wait3A_1544 = arith.constant 0 : i32
    %dma_wait3A_1545 = tpu.memref_slice %arg6[%dma_wait3A_1527, %dma_wait3A_1543, %dma_wait3A_1544] : memref<4x200x64xf32, #tpu.memory_space<vmem>> -> memref<1x200x64xf32, #tpu.memory_space<vmem>>
    %dma_wait3A_1546 = tpu.memref_squeeze %dma_wait3A_1545 : memref<1x200x64xf32, #tpu.memory_space<vmem>> -> memref<200x64xf32, #tpu.memory_space<vmem>>
    %dma_wait3A_1547 = arith.constant 100 : i32
    %dma_wait3A_1548 = arith.constant 0 : i32
    %dma_wait3A_1549 = tpu.memref_slice %dma_wait3A_1546[%dma_wait3A_1547, %dma_wait3A_1548] : memref<200x64xf32, #tpu.memory_space<vmem>> -> memref<50x64xf32, #tpu.memory_space<vmem>>
    tpu.wait_dma2 semaphore(%arg11 : memref<!tpu.dma_semaphore, #tpu.memory_space<semaphore_mem>>) src(%dma_wait3A_1549 : memref<50x64xf32, #tpu.memory_space<vmem>>) dst(%dma_wait3A_1542 : memref<50x64xf32, #tpu.memory_space<hbm>>)
    %dma_wait3A_1550 = arith.constant 0 : i32
    %dma_wait3A_1551 = arith.constant 0 : i32
    %dma_wait3A_1552 = arith.constant 0 : i32
    %dma_wait3A_1553 = tpu.memref_slice %arg6[%dma_wait3A_1550, %dma_wait3A_1551, %dma_wait3A_1552] : memref<4x200x64xf32, #tpu.memory_space<vmem>> -> memref<1x200x64xf32, #tpu.memory_space<vmem>>
    %dma_wait3A_1554 = tpu.memref_squeeze %dma_wait3A_1553 : memref<1x200x64xf32, #tpu.memory_space<vmem>> -> memref<200x64xf32, #tpu.memory_space<vmem>>
    %dma_wait3A_1555 = arith.constant 150 : i32
    %dma_wait3A_1556 = arith.constant 0 : i32
    %dma_wait3A_1557 = tpu.memref_slice %dma_wait3A_1554[%dma_wait3A_1555, %dma_wait3A_1556] : memref<200x64xf32, #tpu.memory_space<vmem>> -> memref<50x64xf32, #tpu.memory_space<vmem>>
    %dma_wait3A_1558 = arith.constant 0 : i32
    %dma_wait3A_1559 = arith.constant 0 : i32
    %dma_wait3A_1560 = tpu.memref_slice %arg4[%add3A_1480, %dma_wait3A_1558, %dma_wait3A_1559] : memref<16384x50x64xf32, #tpu.memory_space<hbm>> -> memref<1x50x64xf32, #tpu.memory_space<hbm>>
    %dma_wait3A_1561 = tpu.memref_squeeze %dma_wait3A_1560 : memref<1x50x64xf32, #tpu.memory_space<hbm>> -> memref<50x64xf32, #tpu.memory_space<hbm>>
    %dma_wait3A_1562 = arith.constant 0 : i32
    %dma_wait3A_1563 = arith.constant 0 : i32
    %dma_wait3A_1564 = tpu.memref_slice %arg4[%add3A_1480, %dma_wait3A_1562, %dma_wait3A_1563] : memref<16384x50x64xf32, #tpu.memory_space<hbm>> -> memref<1x50x64xf32, #tpu.memory_space<hbm>>
    %dma_wait3A_1565 = tpu.memref_squeeze %dma_wait3A_1564 : memref<1x50x64xf32, #tpu.memory_space<hbm>> -> memref<50x64xf32, #tpu.memory_space<hbm>>
    %dma_wait3A_1566 = arith.constant 0 : i32
    %dma_wait3A_1567 = arith.constant 0 : i32
    %dma_wait3A_1568 = tpu.memref_slice %arg6[%dma_wait3A_1550, %dma_wait3A_1566, %dma_wait3A_1567] : memref<4x200x64xf32, #tpu.memory_space<vmem>> -> memref<1x200x64xf32, #tpu.memory_space<vmem>>
    %dma_wait3A_1569 = tpu.memref_squeeze %dma_wait3A_1568 : memref<1x200x64xf32, #tpu.memory_space<vmem>> -> memref<200x64xf32, #tpu.memory_space<vmem>>
    %dma_wait3A_1570 = arith.constant 150 : i32
    %dma_wait3A_1571 = arith.constant 0 : i32
    %dma_wait3A_1572 = tpu.memref_slice %dma_wait3A_1569[%dma_wait3A_1570, %dma_wait3A_1571] : memref<200x64xf32, #tpu.memory_space<vmem>> -> memref<50x64xf32, #tpu.memory_space<vmem>>
    tpu.wait_dma2 semaphore(%arg11 : memref<!tpu.dma_semaphore, #tpu.memory_space<semaphore_mem>>) src(%dma_wait3A_1572 : memref<50x64xf32, #tpu.memory_space<vmem>>) dst(%dma_wait3A_1565 : memref<50x64xf32, #tpu.memory_space<hbm>>)
    %add3A_1573 = arith.constant 0 : i32
    %add3A_1574 = arith.addi %mul3A_4, %add3A_1573 : i32
    %add3A_1575 = arith.constant 0 : i32
    %add3A_1576 = arith.addi %add3A_1574, %add3A_1575 : i32
    %add3A_1577 = arith.constant 0 : i32
    %add3A_1578 = arith.addi %mul3A_4, %add3A_1577 : i32
    %add3A_1579 = arith.constant 1 : i32
    %add3A_1580 = arith.addi %add3A_1578, %add3A_1579 : i32
    %add3A_1581 = arith.constant 0 : i32
    %add3A_1582 = arith.addi %mul3A_4, %add3A_1581 : i32
    %add3A_1583 = arith.constant 2 : i32
    %add3A_1584 = arith.addi %add3A_1582, %add3A_1583 : i32
    %add3A_1585 = arith.constant 0 : i32
    %add3A_1586 = arith.addi %mul3A_4, %add3A_1585 : i32
    %add3A_1587 = arith.constant 3 : i32
    %add3A_1588 = arith.addi %add3A_1586, %add3A_1587 : i32
    %dma_wait3A_1589 = arith.constant 1 : i32
    %dma_wait3A_1590 = arith.constant 0 : i32
    %dma_wait3A_1591 = arith.constant 0 : i32
    %dma_wait3A_1592 = tpu.memref_slice %arg6[%dma_wait3A_1589, %dma_wait3A_1590, %dma_wait3A_1591] : memref<4x200x64xf32, #tpu.memory_space<vmem>> -> memref<1x200x64xf32, #tpu.memory_space<vmem>>
    %dma_wait3A_1593 = tpu.memref_squeeze %dma_wait3A_1592 : memref<1x200x64xf32, #tpu.memory_space<vmem>> -> memref<200x64xf32, #tpu.memory_space<vmem>>
    %dma_wait3A_1594 = arith.constant 0 : i32
    %dma_wait3A_1595 = arith.constant 0 : i32
    %dma_wait3A_1596 = tpu.memref_slice %dma_wait3A_1593[%dma_wait3A_1594, %dma_wait3A_1595] : memref<200x64xf32, #tpu.memory_space<vmem>> -> memref<50x64xf32, #tpu.memory_space<vmem>>
    %dma_wait3A_1597 = arith.constant 0 : i32
    %dma_wait3A_1598 = arith.constant 0 : i32
    %dma_wait3A_1599 = tpu.memref_slice %arg4[%add3A_1576, %dma_wait3A_1597, %dma_wait3A_1598] : memref<16384x50x64xf32, #tpu.memory_space<hbm>> -> memref<1x50x64xf32, #tpu.memory_space<hbm>>
    %dma_wait3A_1600 = tpu.memref_squeeze %dma_wait3A_1599 : memref<1x50x64xf32, #tpu.memory_space<hbm>> -> memref<50x64xf32, #tpu.memory_space<hbm>>
    %dma_wait3A_1601 = arith.constant 0 : i32
    %dma_wait3A_1602 = arith.constant 0 : i32
    %dma_wait3A_1603 = tpu.memref_slice %arg4[%add3A_1576, %dma_wait3A_1601, %dma_wait3A_1602] : memref<16384x50x64xf32, #tpu.memory_space<hbm>> -> memref<1x50x64xf32, #tpu.memory_space<hbm>>
    %dma_wait3A_1604 = tpu.memref_squeeze %dma_wait3A_1603 : memref<1x50x64xf32, #tpu.memory_space<hbm>> -> memref<50x64xf32, #tpu.memory_space<hbm>>
    %dma_wait3A_1605 = arith.constant 0 : i32
    %dma_wait3A_1606 = arith.constant 0 : i32
    %dma_wait3A_1607 = tpu.memref_slice %arg6[%dma_wait3A_1589, %dma_wait3A_1605, %dma_wait3A_1606] : memref<4x200x64xf32, #tpu.memory_space<vmem>> -> memref<1x200x64xf32, #tpu.memory_space<vmem>>
    %dma_wait3A_1608 = tpu.memref_squeeze %dma_wait3A_1607 : memref<1x200x64xf32, #tpu.memory_space<vmem>> -> memref<200x64xf32, #tpu.memory_space<vmem>>
    %dma_wait3A_1609 = arith.constant 0 : i32
    %dma_wait3A_1610 = arith.constant 0 : i32
    %dma_wait3A_1611 = tpu.memref_slice %dma_wait3A_1608[%dma_wait3A_1609, %dma_wait3A_1610] : memref<200x64xf32, #tpu.memory_space<vmem>> -> memref<50x64xf32, #tpu.memory_space<vmem>>
    tpu.wait_dma2 semaphore(%arg12 : memref<!tpu.dma_semaphore, #tpu.memory_space<semaphore_mem>>) src(%dma_wait3A_1611 : memref<50x64xf32, #tpu.memory_space<vmem>>) dst(%dma_wait3A_1604 : memref<50x64xf32, #tpu.memory_space<hbm>>)
    %dma_wait3A_1612 = arith.constant 1 : i32
    %dma_wait3A_1613 = arith.constant 0 : i32
    %dma_wait3A_1614 = arith.constant 0 : i32
    %dma_wait3A_1615 = tpu.memref_slice %arg6[%dma_wait3A_1612, %dma_wait3A_1613, %dma_wait3A_1614] : memref<4x200x64xf32, #tpu.memory_space<vmem>> -> memref<1x200x64xf32, #tpu.memory_space<vmem>>
    %dma_wait3A_1616 = tpu.memref_squeeze %dma_wait3A_1615 : memref<1x200x64xf32, #tpu.memory_space<vmem>> -> memref<200x64xf32, #tpu.memory_space<vmem>>
    %dma_wait3A_1617 = arith.constant 50 : i32
    %dma_wait3A_1618 = arith.constant 0 : i32
    %dma_wait3A_1619 = tpu.memref_slice %dma_wait3A_1616[%dma_wait3A_1617, %dma_wait3A_1618] : memref<200x64xf32, #tpu.memory_space<vmem>> -> memref<50x64xf32, #tpu.memory_space<vmem>>
    %dma_wait3A_1620 = arith.constant 0 : i32
    %dma_wait3A_1621 = arith.constant 0 : i32
    %dma_wait3A_1622 = tpu.memref_slice %arg4[%add3A_1580, %dma_wait3A_1620, %dma_wait3A_1621] : memref<16384x50x64xf32, #tpu.memory_space<hbm>> -> memref<1x50x64xf32, #tpu.memory_space<hbm>>
    %dma_wait3A_1623 = tpu.memref_squeeze %dma_wait3A_1622 : memref<1x50x64xf32, #tpu.memory_space<hbm>> -> memref<50x64xf32, #tpu.memory_space<hbm>>
    %dma_wait3A_1624 = arith.constant 0 : i32
    %dma_wait3A_1625 = arith.constant 0 : i32
    %dma_wait3A_1626 = tpu.memref_slice %arg4[%add3A_1580, %dma_wait3A_1624, %dma_wait3A_1625] : memref<16384x50x64xf32, #tpu.memory_space<hbm>> -> memref<1x50x64xf32, #tpu.memory_space<hbm>>
    %dma_wait3A_1627 = tpu.memref_squeeze %dma_wait3A_1626 : memref<1x50x64xf32, #tpu.memory_space<hbm>> -> memref<50x64xf32, #tpu.memory_space<hbm>>
    %dma_wait3A_1628 = arith.constant 0 : i32
    %dma_wait3A_1629 = arith.constant 0 : i32
    %dma_wait3A_1630 = tpu.memref_slice %arg6[%dma_wait3A_1612, %dma_wait3A_1628, %dma_wait3A_1629] : memref<4x200x64xf32, #tpu.memory_space<vmem>> -> memref<1x200x64xf32, #tpu.memory_space<vmem>>
    %dma_wait3A_1631 = tpu.memref_squeeze %dma_wait3A_1630 : memref<1x200x64xf32, #tpu.memory_space<vmem>> -> memref<200x64xf32, #tpu.memory_space<vmem>>
    %dma_wait3A_1632 = arith.constant 50 : i32
    %dma_wait3A_1633 = arith.constant 0 : i32
    %dma_wait3A_1634 = tpu.memref_slice %dma_wait3A_1631[%dma_wait3A_1632, %dma_wait3A_1633] : memref<200x64xf32, #tpu.memory_space<vmem>> -> memref<50x64xf32, #tpu.memory_space<vmem>>
    tpu.wait_dma2 semaphore(%arg12 : memref<!tpu.dma_semaphore, #tpu.memory_space<semaphore_mem>>) src(%dma_wait3A_1634 : memref<50x64xf32, #tpu.memory_space<vmem>>) dst(%dma_wait3A_1627 : memref<50x64xf32, #tpu.memory_space<hbm>>)
    %dma_wait3A_1635 = arith.constant 1 : i32
    %dma_wait3A_1636 = arith.constant 0 : i32
    %dma_wait3A_1637 = arith.constant 0 : i32
    %dma_wait3A_1638 = tpu.memref_slice %arg6[%dma_wait3A_1635, %dma_wait3A_1636, %dma_wait3A_1637] : memref<4x200x64xf32, #tpu.memory_space<vmem>> -> memref<1x200x64xf32, #tpu.memory_space<vmem>>
    %dma_wait3A_1639 = tpu.memref_squeeze %dma_wait3A_1638 : memref<1x200x64xf32, #tpu.memory_space<vmem>> -> memref<200x64xf32, #tpu.memory_space<vmem>>
    %dma_wait3A_1640 = arith.constant 100 : i32
    %dma_wait3A_1641 = arith.constant 0 : i32
    %dma_wait3A_1642 = tpu.memref_slice %dma_wait3A_1639[%dma_wait3A_1640, %dma_wait3A_1641] : memref<200x64xf32, #tpu.memory_space<vmem>> -> memref<50x64xf32, #tpu.memory_space<vmem>>
    %dma_wait3A_1643 = arith.constant 0 : i32
    %dma_wait3A_1644 = arith.constant 0 : i32
    %dma_wait3A_1645 = tpu.memref_slice %arg4[%add3A_1584, %dma_wait3A_1643, %dma_wait3A_1644] : memref<16384x50x64xf32, #tpu.memory_space<hbm>> -> memref<1x50x64xf32, #tpu.memory_space<hbm>>
    %dma_wait3A_1646 = tpu.memref_squeeze %dma_wait3A_1645 : memref<1x50x64xf32, #tpu.memory_space<hbm>> -> memref<50x64xf32, #tpu.memory_space<hbm>>
    %dma_wait3A_1647 = arith.constant 0 : i32
    %dma_wait3A_1648 = arith.constant 0 : i32
    %dma_wait3A_1649 = tpu.memref_slice %arg4[%add3A_1584, %dma_wait3A_1647, %dma_wait3A_1648] : memref<16384x50x64xf32, #tpu.memory_space<hbm>> -> memref<1x50x64xf32, #tpu.memory_space<hbm>>
    %dma_wait3A_1650 = tpu.memref_squeeze %dma_wait3A_1649 : memref<1x50x64xf32, #tpu.memory_space<hbm>> -> memref<50x64xf32, #tpu.memory_space<hbm>>
    %dma_wait3A_1651 = arith.constant 0 : i32
    %dma_wait3A_1652 = arith.constant 0 : i32
    %dma_wait3A_1653 = tpu.memref_slice %arg6[%dma_wait3A_1635, %dma_wait3A_1651, %dma_wait3A_1652] : memref<4x200x64xf32, #tpu.memory_space<vmem>> -> memref<1x200x64xf32, #tpu.memory_space<vmem>>
    %dma_wait3A_1654 = tpu.memref_squeeze %dma_wait3A_1653 : memref<1x200x64xf32, #tpu.memory_space<vmem>> -> memref<200x64xf32, #tpu.memory_space<vmem>>
    %dma_wait3A_1655 = arith.constant 100 : i32
    %dma_wait3A_1656 = arith.constant 0 : i32
    %dma_wait3A_1657 = tpu.memref_slice %dma_wait3A_1654[%dma_wait3A_1655, %dma_wait3A_1656] : memref<200x64xf32, #tpu.memory_space<vmem>> -> memref<50x64xf32, #tpu.memory_space<vmem>>
    tpu.wait_dma2 semaphore(%arg12 : memref<!tpu.dma_semaphore, #tpu.memory_space<semaphore_mem>>) src(%dma_wait3A_1657 : memref<50x64xf32, #tpu.memory_space<vmem>>) dst(%dma_wait3A_1650 : memref<50x64xf32, #tpu.memory_space<hbm>>)
    %dma_wait3A_1658 = arith.constant 1 : i32
    %dma_wait3A_1659 = arith.constant 0 : i32
    %dma_wait3A_1660 = arith.constant 0 : i32
    %dma_wait3A_1661 = tpu.memref_slice %arg6[%dma_wait3A_1658, %dma_wait3A_1659, %dma_wait3A_1660] : memref<4x200x64xf32, #tpu.memory_space<vmem>> -> memref<1x200x64xf32, #tpu.memory_space<vmem>>
    %dma_wait3A_1662 = tpu.memref_squeeze %dma_wait3A_1661 : memref<1x200x64xf32, #tpu.memory_space<vmem>> -> memref<200x64xf32, #tpu.memory_space<vmem>>
    %dma_wait3A_1663 = arith.constant 150 : i32
    %dma_wait3A_1664 = arith.constant 0 : i32
    %dma_wait3A_1665 = tpu.memref_slice %dma_wait3A_1662[%dma_wait3A_1663, %dma_wait3A_1664] : memref<200x64xf32, #tpu.memory_space<vmem>> -> memref<50x64xf32, #tpu.memory_space<vmem>>
    %dma_wait3A_1666 = arith.constant 0 : i32
    %dma_wait3A_1667 = arith.constant 0 : i32
    %dma_wait3A_1668 = tpu.memref_slice %arg4[%add3A_1588, %dma_wait3A_1666, %dma_wait3A_1667] : memref<16384x50x64xf32, #tpu.memory_space<hbm>> -> memref<1x50x64xf32, #tpu.memory_space<hbm>>
    %dma_wait3A_1669 = tpu.memref_squeeze %dma_wait3A_1668 : memref<1x50x64xf32, #tpu.memory_space<hbm>> -> memref<50x64xf32, #tpu.memory_space<hbm>>
    %dma_wait3A_1670 = arith.constant 0 : i32
    %dma_wait3A_1671 = arith.constant 0 : i32
    %dma_wait3A_1672 = tpu.memref_slice %arg4[%add3A_1588, %dma_wait3A_1670, %dma_wait3A_1671] : memref<16384x50x64xf32, #tpu.memory_space<hbm>> -> memref<1x50x64xf32, #tpu.memory_space<hbm>>
    %dma_wait3A_1673 = tpu.memref_squeeze %dma_wait3A_1672 : memref<1x50x64xf32, #tpu.memory_space<hbm>> -> memref<50x64xf32, #tpu.memory_space<hbm>>
    %dma_wait3A_1674 = arith.constant 0 : i32
    %dma_wait3A_1675 = arith.constant 0 : i32
    %dma_wait3A_1676 = tpu.memref_slice %arg6[%dma_wait3A_1658, %dma_wait3A_1674, %dma_wait3A_1675] : memref<4x200x64xf32, #tpu.memory_space<vmem>> -> memref<1x200x64xf32, #tpu.memory_space<vmem>>
    %dma_wait3A_1677 = tpu.memref_squeeze %dma_wait3A_1676 : memref<1x200x64xf32, #tpu.memory_space<vmem>> -> memref<200x64xf32, #tpu.memory_space<vmem>>
    %dma_wait3A_1678 = arith.constant 150 : i32
    %dma_wait3A_1679 = arith.constant 0 : i32
    %dma_wait3A_1680 = tpu.memref_slice %dma_wait3A_1677[%dma_wait3A_1678, %dma_wait3A_1679] : memref<200x64xf32, #tpu.memory_space<vmem>> -> memref<50x64xf32, #tpu.memory_space<vmem>>
    tpu.wait_dma2 semaphore(%arg12 : memref<!tpu.dma_semaphore, #tpu.memory_space<semaphore_mem>>) src(%dma_wait3A_1680 : memref<50x64xf32, #tpu.memory_space<vmem>>) dst(%dma_wait3A_1673 : memref<50x64xf32, #tpu.memory_space<hbm>>)
    %add3A_1681 = arith.constant 0 : i32
    %add3A_1682 = arith.addi %mul3A_4, %add3A_1681 : i32
    %add3A_1683 = arith.constant 0 : i32
    %add3A_1684 = arith.addi %add3A_1682, %add3A_1683 : i32
    %add3A_1685 = arith.constant 0 : i32
    %add3A_1686 = arith.addi %mul3A_4, %add3A_1685 : i32
    %add3A_1687 = arith.constant 1 : i32
    %add3A_1688 = arith.addi %add3A_1686, %add3A_1687 : i32
    %add3A_1689 = arith.constant 0 : i32
    %add3A_1690 = arith.addi %mul3A_4, %add3A_1689 : i32
    %add3A_1691 = arith.constant 2 : i32
    %add3A_1692 = arith.addi %add3A_1690, %add3A_1691 : i32
    %add3A_1693 = arith.constant 0 : i32
    %add3A_1694 = arith.addi %mul3A_4, %add3A_1693 : i32
    %add3A_1695 = arith.constant 3 : i32
    %add3A_1696 = arith.addi %add3A_1694, %add3A_1695 : i32
    %dma_wait3A_1697 = arith.constant 2 : i32
    %dma_wait3A_1698 = arith.constant 0 : i32
    %dma_wait3A_1699 = arith.constant 0 : i32
    %dma_wait3A_1700 = tpu.memref_slice %arg6[%dma_wait3A_1697, %dma_wait3A_1698, %dma_wait3A_1699] : memref<4x200x64xf32, #tpu.memory_space<vmem>> -> memref<1x200x64xf32, #tpu.memory_space<vmem>>
    %dma_wait3A_1701 = tpu.memref_squeeze %dma_wait3A_1700 : memref<1x200x64xf32, #tpu.memory_space<vmem>> -> memref<200x64xf32, #tpu.memory_space<vmem>>
    %dma_wait3A_1702 = arith.constant 0 : i32
    %dma_wait3A_1703 = arith.constant 0 : i32
    %dma_wait3A_1704 = tpu.memref_slice %dma_wait3A_1701[%dma_wait3A_1702, %dma_wait3A_1703] : memref<200x64xf32, #tpu.memory_space<vmem>> -> memref<50x64xf32, #tpu.memory_space<vmem>>
    %dma_wait3A_1705 = arith.constant 0 : i32
    %dma_wait3A_1706 = arith.constant 0 : i32
    %dma_wait3A_1707 = tpu.memref_slice %arg4[%add3A_1684, %dma_wait3A_1705, %dma_wait3A_1706] : memref<16384x50x64xf32, #tpu.memory_space<hbm>> -> memref<1x50x64xf32, #tpu.memory_space<hbm>>
    %dma_wait3A_1708 = tpu.memref_squeeze %dma_wait3A_1707 : memref<1x50x64xf32, #tpu.memory_space<hbm>> -> memref<50x64xf32, #tpu.memory_space<hbm>>
    %dma_wait3A_1709 = arith.constant 0 : i32
    %dma_wait3A_1710 = arith.constant 0 : i32
    %dma_wait3A_1711 = tpu.memref_slice %arg4[%add3A_1684, %dma_wait3A_1709, %dma_wait3A_1710] : memref<16384x50x64xf32, #tpu.memory_space<hbm>> -> memref<1x50x64xf32, #tpu.memory_space<hbm>>
    %dma_wait3A_1712 = tpu.memref_squeeze %dma_wait3A_1711 : memref<1x50x64xf32, #tpu.memory_space<hbm>> -> memref<50x64xf32, #tpu.memory_space<hbm>>
    %dma_wait3A_1713 = arith.constant 0 : i32
    %dma_wait3A_1714 = arith.constant 0 : i32
    %dma_wait3A_1715 = tpu.memref_slice %arg6[%dma_wait3A_1697, %dma_wait3A_1713, %dma_wait3A_1714] : memref<4x200x64xf32, #tpu.memory_space<vmem>> -> memref<1x200x64xf32, #tpu.memory_space<vmem>>
    %dma_wait3A_1716 = tpu.memref_squeeze %dma_wait3A_1715 : memref<1x200x64xf32, #tpu.memory_space<vmem>> -> memref<200x64xf32, #tpu.memory_space<vmem>>
    %dma_wait3A_1717 = arith.constant 0 : i32
    %dma_wait3A_1718 = arith.constant 0 : i32
    %dma_wait3A_1719 = tpu.memref_slice %dma_wait3A_1716[%dma_wait3A_1717, %dma_wait3A_1718] : memref<200x64xf32, #tpu.memory_space<vmem>> -> memref<50x64xf32, #tpu.memory_space<vmem>>
    tpu.wait_dma2 semaphore(%arg13 : memref<!tpu.dma_semaphore, #tpu.memory_space<semaphore_mem>>) src(%dma_wait3A_1719 : memref<50x64xf32, #tpu.memory_space<vmem>>) dst(%dma_wait3A_1712 : memref<50x64xf32, #tpu.memory_space<hbm>>)
    %dma_wait3A_1720 = arith.constant 2 : i32
    %dma_wait3A_1721 = arith.constant 0 : i32
    %dma_wait3A_1722 = arith.constant 0 : i32
    %dma_wait3A_1723 = tpu.memref_slice %arg6[%dma_wait3A_1720, %dma_wait3A_1721, %dma_wait3A_1722] : memref<4x200x64xf32, #tpu.memory_space<vmem>> -> memref<1x200x64xf32, #tpu.memory_space<vmem>>
    %dma_wait3A_1724 = tpu.memref_squeeze %dma_wait3A_1723 : memref<1x200x64xf32, #tpu.memory_space<vmem>> -> memref<200x64xf32, #tpu.memory_space<vmem>>
    %dma_wait3A_1725 = arith.constant 50 : i32
    %dma_wait3A_1726 = arith.constant 0 : i32
    %dma_wait3A_1727 = tpu.memref_slice %dma_wait3A_1724[%dma_wait3A_1725, %dma_wait3A_1726] : memref<200x64xf32, #tpu.memory_space<vmem>> -> memref<50x64xf32, #tpu.memory_space<vmem>>
    %dma_wait3A_1728 = arith.constant 0 : i32
    %dma_wait3A_1729 = arith.constant 0 : i32
    %dma_wait3A_1730 = tpu.memref_slice %arg4[%add3A_1688, %dma_wait3A_1728, %dma_wait3A_1729] : memref<16384x50x64xf32, #tpu.memory_space<hbm>> -> memref<1x50x64xf32, #tpu.memory_space<hbm>>
    %dma_wait3A_1731 = tpu.memref_squeeze %dma_wait3A_1730 : memref<1x50x64xf32, #tpu.memory_space<hbm>> -> memref<50x64xf32, #tpu.memory_space<hbm>>
    %dma_wait3A_1732 = arith.constant 0 : i32
    %dma_wait3A_1733 = arith.constant 0 : i32
    %dma_wait3A_1734 = tpu.memref_slice %arg4[%add3A_1688, %dma_wait3A_1732, %dma_wait3A_1733] : memref<16384x50x64xf32, #tpu.memory_space<hbm>> -> memref<1x50x64xf32, #tpu.memory_space<hbm>>
    %dma_wait3A_1735 = tpu.memref_squeeze %dma_wait3A_1734 : memref<1x50x64xf32, #tpu.memory_space<hbm>> -> memref<50x64xf32, #tpu.memory_space<hbm>>
    %dma_wait3A_1736 = arith.constant 0 : i32
    %dma_wait3A_1737 = arith.constant 0 : i32
    %dma_wait3A_1738 = tpu.memref_slice %arg6[%dma_wait3A_1720, %dma_wait3A_1736, %dma_wait3A_1737] : memref<4x200x64xf32, #tpu.memory_space<vmem>> -> memref<1x200x64xf32, #tpu.memory_space<vmem>>
    %dma_wait3A_1739 = tpu.memref_squeeze %dma_wait3A_1738 : memref<1x200x64xf32, #tpu.memory_space<vmem>> -> memref<200x64xf32, #tpu.memory_space<vmem>>
    %dma_wait3A_1740 = arith.constant 50 : i32
    %dma_wait3A_1741 = arith.constant 0 : i32
    %dma_wait3A_1742 = tpu.memref_slice %dma_wait3A_1739[%dma_wait3A_1740, %dma_wait3A_1741] : memref<200x64xf32, #tpu.memory_space<vmem>> -> memref<50x64xf32, #tpu.memory_space<vmem>>
    tpu.wait_dma2 semaphore(%arg13 : memref<!tpu.dma_semaphore, #tpu.memory_space<semaphore_mem>>) src(%dma_wait3A_1742 : memref<50x64xf32, #tpu.memory_space<vmem>>) dst(%dma_wait3A_1735 : memref<50x64xf32, #tpu.memory_space<hbm>>)
    %dma_wait3A_1743 = arith.constant 2 : i32
    %dma_wait3A_1744 = arith.constant 0 : i32
    %dma_wait3A_1745 = arith.constant 0 : i32
    %dma_wait3A_1746 = tpu.memref_slice %arg6[%dma_wait3A_1743, %dma_wait3A_1744, %dma_wait3A_1745] : memref<4x200x64xf32, #tpu.memory_space<vmem>> -> memref<1x200x64xf32, #tpu.memory_space<vmem>>
    %dma_wait3A_1747 = tpu.memref_squeeze %dma_wait3A_1746 : memref<1x200x64xf32, #tpu.memory_space<vmem>> -> memref<200x64xf32, #tpu.memory_space<vmem>>
    %dma_wait3A_1748 = arith.constant 100 : i32
    %dma_wait3A_1749 = arith.constant 0 : i32
    %dma_wait3A_1750 = tpu.memref_slice %dma_wait3A_1747[%dma_wait3A_1748, %dma_wait3A_1749] : memref<200x64xf32, #tpu.memory_space<vmem>> -> memref<50x64xf32, #tpu.memory_space<vmem>>
    %dma_wait3A_1751 = arith.constant 0 : i32
    %dma_wait3A_1752 = arith.constant 0 : i32
    %dma_wait3A_1753 = tpu.memref_slice %arg4[%add3A_1692, %dma_wait3A_1751, %dma_wait3A_1752] : memref<16384x50x64xf32, #tpu.memory_space<hbm>> -> memref<1x50x64xf32, #tpu.memory_space<hbm>>
    %dma_wait3A_1754 = tpu.memref_squeeze %dma_wait3A_1753 : memref<1x50x64xf32, #tpu.memory_space<hbm>> -> memref<50x64xf32, #tpu.memory_space<hbm>>
    %dma_wait3A_1755 = arith.constant 0 : i32
    %dma_wait3A_1756 = arith.constant 0 : i32
    %dma_wait3A_1757 = tpu.memref_slice %arg4[%add3A_1692, %dma_wait3A_1755, %dma_wait3A_1756] : memref<16384x50x64xf32, #tpu.memory_space<hbm>> -> memref<1x50x64xf32, #tpu.memory_space<hbm>>
    %dma_wait3A_1758 = tpu.memref_squeeze %dma_wait3A_1757 : memref<1x50x64xf32, #tpu.memory_space<hbm>> -> memref<50x64xf32, #tpu.memory_space<hbm>>
    %dma_wait3A_1759 = arith.constant 0 : i32
    %dma_wait3A_1760 = arith.constant 0 : i32
    %dma_wait3A_1761 = tpu.memref_slice %arg6[%dma_wait3A_1743, %dma_wait3A_1759, %dma_wait3A_1760] : memref<4x200x64xf32, #tpu.memory_space<vmem>> -> memref<1x200x64xf32, #tpu.memory_space<vmem>>
    %dma_wait3A_1762 = tpu.memref_squeeze %dma_wait3A_1761 : memref<1x200x64xf32, #tpu.memory_space<vmem>> -> memref<200x64xf32, #tpu.memory_space<vmem>>
    %dma_wait3A_1763 = arith.constant 100 : i32
    %dma_wait3A_1764 = arith.constant 0 : i32
    %dma_wait3A_1765 = tpu.memref_slice %dma_wait3A_1762[%dma_wait3A_1763, %dma_wait3A_1764] : memref<200x64xf32, #tpu.memory_space<vmem>> -> memref<50x64xf32, #tpu.memory_space<vmem>>
    tpu.wait_dma2 semaphore(%arg13 : memref<!tpu.dma_semaphore, #tpu.memory_space<semaphore_mem>>) src(%dma_wait3A_1765 : memref<50x64xf32, #tpu.memory_space<vmem>>) dst(%dma_wait3A_1758 : memref<50x64xf32, #tpu.memory_space<hbm>>)
    %dma_wait3A_1766 = arith.constant 2 : i32
    %dma_wait3A_1767 = arith.constant 0 : i32
    %dma_wait3A_1768 = arith.constant 0 : i32
    %dma_wait3A_1769 = tpu.memref_slice %arg6[%dma_wait3A_1766, %dma_wait3A_1767, %dma_wait3A_1768] : memref<4x200x64xf32, #tpu.memory_space<vmem>> -> memref<1x200x64xf32, #tpu.memory_space<vmem>>
    %dma_wait3A_1770 = tpu.memref_squeeze %dma_wait3A_1769 : memref<1x200x64xf32, #tpu.memory_space<vmem>> -> memref<200x64xf32, #tpu.memory_space<vmem>>
    %dma_wait3A_1771 = arith.constant 150 : i32
    %dma_wait3A_1772 = arith.constant 0 : i32
    %dma_wait3A_1773 = tpu.memref_slice %dma_wait3A_1770[%dma_wait3A_1771, %dma_wait3A_1772] : memref<200x64xf32, #tpu.memory_space<vmem>> -> memref<50x64xf32, #tpu.memory_space<vmem>>
    %dma_wait3A_1774 = arith.constant 0 : i32
    %dma_wait3A_1775 = arith.constant 0 : i32
    %dma_wait3A_1776 = tpu.memref_slice %arg4[%add3A_1696, %dma_wait3A_1774, %dma_wait3A_1775] : memref<16384x50x64xf32, #tpu.memory_space<hbm>> -> memref<1x50x64xf32, #tpu.memory_space<hbm>>
    %dma_wait3A_1777 = tpu.memref_squeeze %dma_wait3A_1776 : memref<1x50x64xf32, #tpu.memory_space<hbm>> -> memref<50x64xf32, #tpu.memory_space<hbm>>
    %dma_wait3A_1778 = arith.constant 0 : i32
    %dma_wait3A_1779 = arith.constant 0 : i32
    %dma_wait3A_1780 = tpu.memref_slice %arg4[%add3A_1696, %dma_wait3A_1778, %dma_wait3A_1779] : memref<16384x50x64xf32, #tpu.memory_space<hbm>> -> memref<1x50x64xf32, #tpu.memory_space<hbm>>
    %dma_wait3A_1781 = tpu.memref_squeeze %dma_wait3A_1780 : memref<1x50x64xf32, #tpu.memory_space<hbm>> -> memref<50x64xf32, #tpu.memory_space<hbm>>
    %dma_wait3A_1782 = arith.constant 0 : i32
    %dma_wait3A_1783 = arith.constant 0 : i32
    %dma_wait3A_1784 = tpu.memref_slice %arg6[%dma_wait3A_1766, %dma_wait3A_1782, %dma_wait3A_1783] : memref<4x200x64xf32, #tpu.memory_space<vmem>> -> memref<1x200x64xf32, #tpu.memory_space<vmem>>
    %dma_wait3A_1785 = tpu.memref_squeeze %dma_wait3A_1784 : memref<1x200x64xf32, #tpu.memory_space<vmem>> -> memref<200x64xf32, #tpu.memory_space<vmem>>
    %dma_wait3A_1786 = arith.constant 150 : i32
    %dma_wait3A_1787 = arith.constant 0 : i32
    %dma_wait3A_1788 = tpu.memref_slice %dma_wait3A_1785[%dma_wait3A_1786, %dma_wait3A_1787] : memref<200x64xf32, #tpu.memory_space<vmem>> -> memref<50x64xf32, #tpu.memory_space<vmem>>
    tpu.wait_dma2 semaphore(%arg13 : memref<!tpu.dma_semaphore, #tpu.memory_space<semaphore_mem>>) src(%dma_wait3A_1788 : memref<50x64xf32, #tpu.memory_space<vmem>>) dst(%dma_wait3A_1781 : memref<50x64xf32, #tpu.memory_space<hbm>>)
    %add3A_1789 = arith.constant 0 : i32
    %add3A_1790 = arith.addi %mul3A_4, %add3A_1789 : i32
    %add3A_1791 = arith.constant 0 : i32
    %add3A_1792 = arith.addi %add3A_1790, %add3A_1791 : i32
    %add3A_1793 = arith.constant 0 : i32
    %add3A_1794 = arith.addi %mul3A_4, %add3A_1793 : i32
    %add3A_1795 = arith.constant 1 : i32
    %add3A_1796 = arith.addi %add3A_1794, %add3A_1795 : i32
    %add3A_1797 = arith.constant 0 : i32
    %add3A_1798 = arith.addi %mul3A_4, %add3A_1797 : i32
    %add3A_1799 = arith.constant 2 : i32
    %add3A_1800 = arith.addi %add3A_1798, %add3A_1799 : i32
    %add3A_1801 = arith.constant 0 : i32
    %add3A_1802 = arith.addi %mul3A_4, %add3A_1801 : i32
    %add3A_1803 = arith.constant 3 : i32
    %add3A_1804 = arith.addi %add3A_1802, %add3A_1803 : i32
    %dma_wait3A_1805 = arith.constant 3 : i32
    %dma_wait3A_1806 = arith.constant 0 : i32
    %dma_wait3A_1807 = arith.constant 0 : i32
    %dma_wait3A_1808 = tpu.memref_slice %arg6[%dma_wait3A_1805, %dma_wait3A_1806, %dma_wait3A_1807] : memref<4x200x64xf32, #tpu.memory_space<vmem>> -> memref<1x200x64xf32, #tpu.memory_space<vmem>>
    %dma_wait3A_1809 = tpu.memref_squeeze %dma_wait3A_1808 : memref<1x200x64xf32, #tpu.memory_space<vmem>> -> memref<200x64xf32, #tpu.memory_space<vmem>>
    %dma_wait3A_1810 = arith.constant 0 : i32
    %dma_wait3A_1811 = arith.constant 0 : i32
    %dma_wait3A_1812 = tpu.memref_slice %dma_wait3A_1809[%dma_wait3A_1810, %dma_wait3A_1811] : memref<200x64xf32, #tpu.memory_space<vmem>> -> memref<50x64xf32, #tpu.memory_space<vmem>>
    %dma_wait3A_1813 = arith.constant 0 : i32
    %dma_wait3A_1814 = arith.constant 0 : i32
    %dma_wait3A_1815 = tpu.memref_slice %arg4[%add3A_1792, %dma_wait3A_1813, %dma_wait3A_1814] : memref<16384x50x64xf32, #tpu.memory_space<hbm>> -> memref<1x50x64xf32, #tpu.memory_space<hbm>>
    %dma_wait3A_1816 = tpu.memref_squeeze %dma_wait3A_1815 : memref<1x50x64xf32, #tpu.memory_space<hbm>> -> memref<50x64xf32, #tpu.memory_space<hbm>>
    %dma_wait3A_1817 = arith.constant 0 : i32
    %dma_wait3A_1818 = arith.constant 0 : i32
    %dma_wait3A_1819 = tpu.memref_slice %arg4[%add3A_1792, %dma_wait3A_1817, %dma_wait3A_1818] : memref<16384x50x64xf32, #tpu.memory_space<hbm>> -> memref<1x50x64xf32, #tpu.memory_space<hbm>>
    %dma_wait3A_1820 = tpu.memref_squeeze %dma_wait3A_1819 : memref<1x50x64xf32, #tpu.memory_space<hbm>> -> memref<50x64xf32, #tpu.memory_space<hbm>>
    %dma_wait3A_1821 = arith.constant 0 : i32
    %dma_wait3A_1822 = arith.constant 0 : i32
    %dma_wait3A_1823 = tpu.memref_slice %arg6[%dma_wait3A_1805, %dma_wait3A_1821, %dma_wait3A_1822] : memref<4x200x64xf32, #tpu.memory_space<vmem>> -> memref<1x200x64xf32, #tpu.memory_space<vmem>>
    %dma_wait3A_1824 = tpu.memref_squeeze %dma_wait3A_1823 : memref<1x200x64xf32, #tpu.memory_space<vmem>> -> memref<200x64xf32, #tpu.memory_space<vmem>>
    %dma_wait3A_1825 = arith.constant 0 : i32
    %dma_wait3A_1826 = arith.constant 0 : i32
    %dma_wait3A_1827 = tpu.memref_slice %dma_wait3A_1824[%dma_wait3A_1825, %dma_wait3A_1826] : memref<200x64xf32, #tpu.memory_space<vmem>> -> memref<50x64xf32, #tpu.memory_space<vmem>>
    tpu.wait_dma2 semaphore(%arg14 : memref<!tpu.dma_semaphore, #tpu.memory_space<semaphore_mem>>) src(%dma_wait3A_1827 : memref<50x64xf32, #tpu.memory_space<vmem>>) dst(%dma_wait3A_1820 : memref<50x64xf32, #tpu.memory_space<hbm>>)
    %dma_wait3A_1828 = arith.constant 3 : i32
    %dma_wait3A_1829 = arith.constant 0 : i32
    %dma_wait3A_1830 = arith.constant 0 : i32
    %dma_wait3A_1831 = tpu.memref_slice %arg6[%dma_wait3A_1828, %dma_wait3A_1829, %dma_wait3A_1830] : memref<4x200x64xf32, #tpu.memory_space<vmem>> -> memref<1x200x64xf32, #tpu.memory_space<vmem>>
    %dma_wait3A_1832 = tpu.memref_squeeze %dma_wait3A_1831 : memref<1x200x64xf32, #tpu.memory_space<vmem>> -> memref<200x64xf32, #tpu.memory_space<vmem>>
    %dma_wait3A_1833 = arith.constant 50 : i32
    %dma_wait3A_1834 = arith.constant 0 : i32
    %dma_wait3A_1835 = tpu.memref_slice %dma_wait3A_1832[%dma_wait3A_1833, %dma_wait3A_1834] : memref<200x64xf32, #tpu.memory_space<vmem>> -> memref<50x64xf32, #tpu.memory_space<vmem>>
    %dma_wait3A_1836 = arith.constant 0 : i32
    %dma_wait3A_1837 = arith.constant 0 : i32
    %dma_wait3A_1838 = tpu.memref_slice %arg4[%add3A_1796, %dma_wait3A_1836, %dma_wait3A_1837] : memref<16384x50x64xf32, #tpu.memory_space<hbm>> -> memref<1x50x64xf32, #tpu.memory_space<hbm>>
    %dma_wait3A_1839 = tpu.memref_squeeze %dma_wait3A_1838 : memref<1x50x64xf32, #tpu.memory_space<hbm>> -> memref<50x64xf32, #tpu.memory_space<hbm>>
    %dma_wait3A_1840 = arith.constant 0 : i32
    %dma_wait3A_1841 = arith.constant 0 : i32
    %dma_wait3A_1842 = tpu.memref_slice %arg4[%add3A_1796, %dma_wait3A_1840, %dma_wait3A_1841] : memref<16384x50x64xf32, #tpu.memory_space<hbm>> -> memref<1x50x64xf32, #tpu.memory_space<hbm>>
    %dma_wait3A_1843 = tpu.memref_squeeze %dma_wait3A_1842 : memref<1x50x64xf32, #tpu.memory_space<hbm>> -> memref<50x64xf32, #tpu.memory_space<hbm>>
    %dma_wait3A_1844 = arith.constant 0 : i32
    %dma_wait3A_1845 = arith.constant 0 : i32
    %dma_wait3A_1846 = tpu.memref_slice %arg6[%dma_wait3A_1828, %dma_wait3A_1844, %dma_wait3A_1845] : memref<4x200x64xf32, #tpu.memory_space<vmem>> -> memref<1x200x64xf32, #tpu.memory_space<vmem>>
    %dma_wait3A_1847 = tpu.memref_squeeze %dma_wait3A_1846 : memref<1x200x64xf32, #tpu.memory_space<vmem>> -> memref<200x64xf32, #tpu.memory_space<vmem>>
    %dma_wait3A_1848 = arith.constant 50 : i32
    %dma_wait3A_1849 = arith.constant 0 : i32
    %dma_wait3A_1850 = tpu.memref_slice %dma_wait3A_1847[%dma_wait3A_1848, %dma_wait3A_1849] : memref<200x64xf32, #tpu.memory_space<vmem>> -> memref<50x64xf32, #tpu.memory_space<vmem>>
    tpu.wait_dma2 semaphore(%arg14 : memref<!tpu.dma_semaphore, #tpu.memory_space<semaphore_mem>>) src(%dma_wait3A_1850 : memref<50x64xf32, #tpu.memory_space<vmem>>) dst(%dma_wait3A_1843 : memref<50x64xf32, #tpu.memory_space<hbm>>)
    %dma_wait3A_1851 = arith.constant 3 : i32
    %dma_wait3A_1852 = arith.constant 0 : i32
    %dma_wait3A_1853 = arith.constant 0 : i32
    %dma_wait3A_1854 = tpu.memref_slice %arg6[%dma_wait3A_1851, %dma_wait3A_1852, %dma_wait3A_1853] : memref<4x200x64xf32, #tpu.memory_space<vmem>> -> memref<1x200x64xf32, #tpu.memory_space<vmem>>
    %dma_wait3A_1855 = tpu.memref_squeeze %dma_wait3A_1854 : memref<1x200x64xf32, #tpu.memory_space<vmem>> -> memref<200x64xf32, #tpu.memory_space<vmem>>
    %dma_wait3A_1856 = arith.constant 100 : i32
    %dma_wait3A_1857 = arith.constant 0 : i32
    %dma_wait3A_1858 = tpu.memref_slice %dma_wait3A_1855[%dma_wait3A_1856, %dma_wait3A_1857] : memref<200x64xf32, #tpu.memory_space<vmem>> -> memref<50x64xf32, #tpu.memory_space<vmem>>
    %dma_wait3A_1859 = arith.constant 0 : i32
    %dma_wait3A_1860 = arith.constant 0 : i32
    %dma_wait3A_1861 = tpu.memref_slice %arg4[%add3A_1800, %dma_wait3A_1859, %dma_wait3A_1860] : memref<16384x50x64xf32, #tpu.memory_space<hbm>> -> memref<1x50x64xf32, #tpu.memory_space<hbm>>
    %dma_wait3A_1862 = tpu.memref_squeeze %dma_wait3A_1861 : memref<1x50x64xf32, #tpu.memory_space<hbm>> -> memref<50x64xf32, #tpu.memory_space<hbm>>
    %dma_wait3A_1863 = arith.constant 0 : i32
    %dma_wait3A_1864 = arith.constant 0 : i32
    %dma_wait3A_1865 = tpu.memref_slice %arg4[%add3A_1800, %dma_wait3A_1863, %dma_wait3A_1864] : memref<16384x50x64xf32, #tpu.memory_space<hbm>> -> memref<1x50x64xf32, #tpu.memory_space<hbm>>
    %dma_wait3A_1866 = tpu.memref_squeeze %dma_wait3A_1865 : memref<1x50x64xf32, #tpu.memory_space<hbm>> -> memref<50x64xf32, #tpu.memory_space<hbm>>
    %dma_wait3A_1867 = arith.constant 0 : i32
    %dma_wait3A_1868 = arith.constant 0 : i32
    %dma_wait3A_1869 = tpu.memref_slice %arg6[%dma_wait3A_1851, %dma_wait3A_1867, %dma_wait3A_1868] : memref<4x200x64xf32, #tpu.memory_space<vmem>> -> memref<1x200x64xf32, #tpu.memory_space<vmem>>
    %dma_wait3A_1870 = tpu.memref_squeeze %dma_wait3A_1869 : memref<1x200x64xf32, #tpu.memory_space<vmem>> -> memref<200x64xf32, #tpu.memory_space<vmem>>
    %dma_wait3A_1871 = arith.constant 100 : i32
    %dma_wait3A_1872 = arith.constant 0 : i32
    %dma_wait3A_1873 = tpu.memref_slice %dma_wait3A_1870[%dma_wait3A_1871, %dma_wait3A_1872] : memref<200x64xf32, #tpu.memory_space<vmem>> -> memref<50x64xf32, #tpu.memory_space<vmem>>
    tpu.wait_dma2 semaphore(%arg14 : memref<!tpu.dma_semaphore, #tpu.memory_space<semaphore_mem>>) src(%dma_wait3A_1873 : memref<50x64xf32, #tpu.memory_space<vmem>>) dst(%dma_wait3A_1866 : memref<50x64xf32, #tpu.memory_space<hbm>>)
    %dma_wait3A_1874 = arith.constant 3 : i32
    %dma_wait3A_1875 = arith.constant 0 : i32
    %dma_wait3A_1876 = arith.constant 0 : i32
    %dma_wait3A_1877 = tpu.memref_slice %arg6[%dma_wait3A_1874, %dma_wait3A_1875, %dma_wait3A_1876] : memref<4x200x64xf32, #tpu.memory_space<vmem>> -> memref<1x200x64xf32, #tpu.memory_space<vmem>>
    %dma_wait3A_1878 = tpu.memref_squeeze %dma_wait3A_1877 : memref<1x200x64xf32, #tpu.memory_space<vmem>> -> memref<200x64xf32, #tpu.memory_space<vmem>>
    %dma_wait3A_1879 = arith.constant 150 : i32
    %dma_wait3A_1880 = arith.constant 0 : i32
    %dma_wait3A_1881 = tpu.memref_slice %dma_wait3A_1878[%dma_wait3A_1879, %dma_wait3A_1880] : memref<200x64xf32, #tpu.memory_space<vmem>> -> memref<50x64xf32, #tpu.memory_space<vmem>>
    %dma_wait3A_1882 = arith.constant 0 : i32
    %dma_wait3A_1883 = arith.constant 0 : i32
    %dma_wait3A_1884 = tpu.memref_slice %arg4[%add3A_1804, %dma_wait3A_1882, %dma_wait3A_1883] : memref<16384x50x64xf32, #tpu.memory_space<hbm>> -> memref<1x50x64xf32, #tpu.memory_space<hbm>>
    %dma_wait3A_1885 = tpu.memref_squeeze %dma_wait3A_1884 : memref<1x50x64xf32, #tpu.memory_space<hbm>> -> memref<50x64xf32, #tpu.memory_space<hbm>>
    %dma_wait3A_1886 = arith.constant 0 : i32
    %dma_wait3A_1887 = arith.constant 0 : i32
    %dma_wait3A_1888 = tpu.memref_slice %arg4[%add3A_1804, %dma_wait3A_1886, %dma_wait3A_1887] : memref<16384x50x64xf32, #tpu.memory_space<hbm>> -> memref<1x50x64xf32, #tpu.memory_space<hbm>>
    %dma_wait3A_1889 = tpu.memref_squeeze %dma_wait3A_1888 : memref<1x50x64xf32, #tpu.memory_space<hbm>> -> memref<50x64xf32, #tpu.memory_space<hbm>>
    %dma_wait3A_1890 = arith.constant 0 : i32
    %dma_wait3A_1891 = arith.constant 0 : i32
    %dma_wait3A_1892 = tpu.memref_slice %arg6[%dma_wait3A_1874, %dma_wait3A_1890, %dma_wait3A_1891] : memref<4x200x64xf32, #tpu.memory_space<vmem>> -> memref<1x200x64xf32, #tpu.memory_space<vmem>>
    %dma_wait3A_1893 = tpu.memref_squeeze %dma_wait3A_1892 : memref<1x200x64xf32, #tpu.memory_space<vmem>> -> memref<200x64xf32, #tpu.memory_space<vmem>>
    %dma_wait3A_1894 = arith.constant 150 : i32
    %dma_wait3A_1895 = arith.constant 0 : i32
    %dma_wait3A_1896 = tpu.memref_slice %dma_wait3A_1893[%dma_wait3A_1894, %dma_wait3A_1895] : memref<200x64xf32, #tpu.memory_space<vmem>> -> memref<50x64xf32, #tpu.memory_space<vmem>>
    tpu.wait_dma2 semaphore(%arg14 : memref<!tpu.dma_semaphore, #tpu.memory_space<semaphore_mem>>) src(%dma_wait3A_1896 : memref<50x64xf32, #tpu.memory_space<vmem>>) dst(%dma_wait3A_1889 : memref<50x64xf32, #tpu.memory_space<hbm>>)
    return
  }
}

</mosaic_0001>

<sc_bundles>
// kernel: kernel.3.cloned.1.call-start
scs
__scs_entry_jumppad:
0x0: {  	(pc) =	sbr.rel $0x88, $3  }
0x1: {  	(tag) =	ssettag $0x0;
	lr =	simm.s32 $0x1  }
0x2: {  	[smem:$0x3F9F] =	sst lr;
	_ =	strace $0xD0000000  }
0x3: {  	_ = 	snop  }
0x4: {  	_ = 	snop  }
0x5: {  	_ = 	snop  }
0x6: {  	_ = 	snop  }
0x7: {  	_ = 	snop  }
__scs_overlays_trampoline_lowered:
0x8: {  	[smem:$0x3FAE] =	sst s0  }
0x9: {  	[smem:$0x3FAF] =	sst s1  }
0xa: {  	[smem:$0x3FB0] =	sst s2  }
0xb: {  	[smem:$0x3FB1] =	sst s3  }
0xc: {  	[smem:$0x3FB2] =	sst s4  }
0xd: {  	[smem:$0x3FB3] =	sst s5  }
0xe: {  	[smem:$0x3FB4] =	sst s6  }
0xf: {  	[smem:$0x3FB5] =	sst s7  }
0x10: {  	[smem:$0x3FB6] =	sst s8  }
0x11: {  	[smem:$0x3FB7] =	sst s9;
	s0 =	simm.s32 @!p0 $0x0  }
0x12: {  	s1 =	sld [smem:$0x3F9D];
	s0 =	simm.s32 @p0 $0x1  }
0x13: {  	[smem:$0x3FB8] =	sst s0;
	s0 =	simm.s32 @!p1 $0x0  }
0x14: {  	s2 =	sld [smem:$0x3F9C];
	s0 =	simm.s32 @p1 $0x1  }
0x15: {  	[smem:$0x3FB9] =	sst s0;
	s0 =	simm.s32 @!p2 $0x0  }
0x16: {  	s3 =	sld [smem:$0x3FDB];
	s0 =	simm.s32 @p2 $0x1  }
0x17: {  	s4 =	simm.s32 $0x1BF5;
	[smem:$0x3FBB] =	sst s0  }
0x18: {  	s0 =	sld [smem:$0x3F9E];
	_ =	swait.ge [sflag:s4], $0x0  }
0x19: {  	s7 =	sld [smem:$0x3F9F]  }
0x1a: {  	s8 =	sadd.s32 $0xFFFFE003, lr  }
0x1b: {  	s9 =	sadd.s32 $0xFFFFFEF7, lr;
	s5 =	simm.s32 $0xFFFFFFFF;
	p2 =	slt.u32 s8, $0xFFFFF086  }
0x1c: {  	p1 =	slt.u32 s9, $0xF7A;
	s5 =	simm.s32 @!p2 $0x0  }
0x1d: {  	s5 =	simm.s32 @p1 $0x1;
	p0 =	seq.s32 s7, s2  }
0x1e: {  	s7 =	smul.u32 @!p0 $0xF7A, s2;
	p2 =	seq.s32 @!p0 s5, $0x0  }
0x1f: {  	s9 =	smul.u32 $0xF7A, s1;
	s8 =	simm.s32 @!p0 $0x1BF5;
	p2 =	por !p2, p0  }
0x20: {  	[sflag:s8] =	ssyncset.s32 @!p0 $0xFFFFF086;
	s6 =	sadd.s32 @!p0 s3, s7;
	s7 =	simm.s32 @!p0 $0x108  }
0x21: {  	s3 =	sadd.s32 s3, s9;
	s6 =	sadd.s32 @!p0 $0x88, s6;
	s7 =	simm.s32 @p2 $0x1082  }
0x22: {  	[simem:s7], [sflag:s8] =	dma.local @!p0 [hbm:s6], $0xF7A  }
0x23: {  	s9 =	sor.u32 $0xD0000000, s2;
	s6 =	simm.s32 $0x108;
	_ =	swait.ge @!p0 [sflag:s8], $0x0  }
0x24: {  	s3 =	sadd.s32 $0x88, s3;
	s6 =	simm.s32 @!p1 $0x1082;
	[sflag:s4] =	ssyncset.s32 $0xFFFFF086  }
0x25: {  	[simem:s6], [sflag:s4] =	dma.local [hbm:s3], $0xF7A  }
0x26: {  	[smem:$0x3F9F] =	sst s1;
	(tag) =	ssettag s2;
	_ =	strace s9  }
0x27: {  	s1 =	sld [smem:$0x3FAF]  }
0x28: {  	s2 =	sld [smem:$0x3FB0]  }
0x29: {  	s4 =	sld [smem:$0x3FB2]  }
0x2a: {  	p0 =	seq.s32 s5, $0x0;
	s5 =	sld [smem:$0x3FB3]  }
0x2b: {  	s6 =	sld [smem:$0x3FB4]  }
0x2c: {  	s7 =	sld [smem:$0x3FB5]  }
0x2d: {  	s3 =	simm.s32 $0x108;
	s8 =	sld [smem:$0x3FB6]  }
0x2e: {  	s3 =	simm.s32 @!p0 $0x1082;
	s9 =	sld [smem:$0x3FB7]  }
0x2f: {  	lr =	sadd.s32 s0, s3;
	s0 =	sld [smem:$0x3FAE]  }
0x30: {  	s3 =	sld [smem:$0x3FB1]  }
0x31: {  	[smem:$0x3FBA] =	sst s10  }
0x32: {  	s10 =	sld [smem:$0x3FB8];
	_ =	sdelay $0x3  }
0x33: {  	p0 =	seq.s32 s10, $0x1;
	s10 =	sld [smem:$0x3FBA];
	_ =	sdelay $0x3  }
0x34: {  	[smem:$0x3FBA] =	sst s10  }
0x35: {  	s10 =	sld [smem:$0x3FB9];
	_ =	sdelay $0x3  }
0x36: {  	p1 =	seq.s32 s10, $0x1;
	s10 =	sld [smem:$0x3FBA];
	_ =	sdelay $0x3  }
0x37: {  	[smem:$0x3FBA] =	sst s10  }
0x38: {  	s10 =	sld [smem:$0x3FBB]  }
0x39: {  	_ = 	snop;
	(pc) =	sbr.ind lr, $3  }
0x3a: {  	_ = 	snop  }
0x3b: {  	_ = 	snop  }
0x3c: {  	p2 =	seq.s32 s10, $0x1;
	s10 =	sld [smem:$0x3FBA]  }
0x3d: {  	_ =	shalt  }
0x3e: {  	_ =	shalt  }
0x3f: {  	_ =	shalt  }
0x40: {  	_ =	shalt  }
0x41: {  	_ =	shalt  }
0x42: {  	_ =	shalt  }
0x43: {  	_ =	shalt  }
0x44: {  	_ =	shalt  }
0x45: {  	_ =	shalt  }
0x46: {  	_ =	shalt  }
0x47: {  	_ =	shalt  }
0x48: {  	_ =	shalt  }
0x49: {  	_ =	shalt  }
0x4a: {  	_ =	shalt  }
0x4b: {  	_ =	shalt  }
0x4c: {  	_ =	shalt  }
0x4d: {  	_ =	shalt  }
0x4e: {  	_ =	shalt  }
0x4f: {  	_ =	shalt  }
0x50: {  	_ =	shalt  }
0x51: {  	_ =	shalt  }
0x52: {  	_ =	shalt  }
0x53: {  	_ =	shalt  }
0x54: {  	_ =	shalt  }
0x55: {  	_ =	shalt  }
0x56: {  	_ =	shalt  }
0x57: {  	_ =	shalt  }
0x58: {  	_ =	shalt  }
0x59: {  	_ =	shalt  }
0x5a: {  	_ =	shalt  }
0x5b: {  	_ =	shalt  }
0x5c: {  	_ =	shalt  }
0x5d: {  	_ =	shalt  }
0x5e: {  	_ =	shalt  }
0x5f: {  	_ =	shalt  }
0x60: {  	_ =	shalt  }
0x61: {  	_ =	shalt  }
0x62: {  	_ =	shalt  }
0x63: {  	_ =	shalt  }
0x64: {  	_ =	shalt  }
0x65: {  	_ =	shalt  }
0x66: {  	_ =	shalt  }
0x67: {  	_ =	shalt  }
0x68: {  	_ =	shalt  }
0x69: {  	_ =	shalt  }
0x6a: {  	_ =	shalt  }
0x6b: {  	_ =	shalt  }
0x6c: {  	_ =	shalt  }
0x6d: {  	_ =	shalt  }
0x6e: {  	_ =	shalt  }
0x6f: {  	_ =	shalt  }
0x70: {  	_ =	shalt  }
0x71: {  	_ =	shalt  }
0x72: {  	_ =	shalt  }
0x73: {  	_ =	shalt  }
0x74: {  	_ =	shalt  }
0x75: {  	_ =	shalt  }
0x76: {  	_ =	shalt  }
0x77: {  	_ =	shalt  }
0x78: {  	_ =	shalt  }
0x79: {  	_ =	shalt  }
0x7a: {  	_ =	shalt  }
0x7b: {  	_ =	shalt  }
0x7c: {  	_ =	shalt  }
0x7d: {  	_ =	shalt  }
0x7e: {  	_ =	shalt  }
0x7f: {  	_ =	shalt  }
0x80: {  	_ =	shalt  }
0x81: {  	_ =	shalt  }
0x82: {  	_ =	shalt  }
0x83: {  	_ =	shalt  }
0x84: {  	_ =	shalt  }
0x85: {  	_ =	shalt  }
0x86: {  	_ =	shalt  }
0x87: {  	_ =	shalt  }
.Lfunc_end0:
.L_simem_size_0:
called_computation.1_lowered:
.L_overlay_start_0:
0x88: {  	s2 =	sld [smem:$0x3FD9]  }
0x89: {  	s3 =	sld [smem:$0x3FFE];
	_ =	sdelay $0x1  }
0x8a: {  	s1 =	srdreg.scid  }
0x8b: {  	s0 =	sand.u32 $0x1, s1  }
0x8c: {  	s17 =	sshll.u32 s0, $0xA;
	s2 =	sadd.s32 s3, s2  }
0x8d: {  	s2 =	sadd.s32 s2, s17  }
0x8e: {  	[smem:$0x3FC6] =	sst s2  }
0x8f: {  	_ = 	snop  }
0x90: {  	s2 =	sld [smem:$0x3FD0];
	(tm) =	ssettm $0x1  }
0x91: {  	s18 =	sld [smem:$0x3FFB];
	_ =	sdelay $0x3  }
0x92: {  	_ =	strace s18  }
0x93: {  	s3 =	sld [smem:$0x3FFC];
	_ =	sdelay $0x3  }
0x94: {  	_ =	strace s3  }
0x95: {  	s3 =	sld [smem:$0x3FFD];
	_ =	sdelay $0x3  }
0x96: {  	_ =	strace s3  }
0x97: {  	_ =	strace $0x8FFFFFFF  }
0x98: {  	s19 =	sld [smem:$0x3FDB];
	_ =	sdelay $0x1  }
0x99: {  	s4 =	simm.s32 $_scs_section_size  }
0x9a: {  	s5 =	simm.s32 $_size__tile_overlayer_lowered;
	s6 =	simm.s32 $_tile_overlayer_lowered  }
0x9b: {  	s22 =	simm.s32 $0x1BFF;
	s21 =	sshll.u32 s6, $0x1;
	s3 =	sadd.s32 s4, s19  }
0x9c: {  	s7 =	simm.s32 $0x0;
	s20 =	sshll.u32 s5, $0x1;
	s5 =	sadd.s32 s21, s3  }
0x9d: {  	[timem:s7], [sflag:s22] =	dma.local [hbm:s5], s20  }
0x9e: {  	_ =	swait.ge [sflag:s22], s20  }
0x9f: {  	s4 =	ssub.s32 $0x0, s20;
	[sflag:s22] =	ssyncset.done $0x0  }
0xa0: {  	[sflag:s22] =	ssyncadd.s32 s4;
	_ =	sdelay $0x1  }
0xa1: {  	s23 =	simm.s32 $0x1B8B  }
0xa2: {  	_ =	swait.ge [sflag:s23], $0x1  }
0xa3: {  	[sflag:s23] =	ssyncset.done $0x0  }
0xa4: {  	s25 =	simm.s32 $0x1B8E;
	s24 =	sld [smem:$0x3FFE];
	[sflag:s23] =	ssyncadd.s32 $0xFFFFFFFF  }
0xa5: {  	s26 =	simm.s32 $execute0_lowered;
	[smem:$0x3FD2] =	sst s25  }
0xa6: {  	s5 =	sshll.u32 s26, $0x1;
	_ =	strace $0x80000046;
	[dreg:$0x1] =	wrdreg $0xFFFFFFFF  }
0xa7: {  	s28 =	simm.s32 $_size_execute0_lowered;
	s3 =	sadd.s32 s3, s5;
	[dreg:$0x0] =	wrdreg $0x0  }
0xa8: {  	s5 =	sshll.u32 s28, $0x1;
	[dreg:$0x2] =	wrdreg s3  }
0xa9: {  	[dreg:$0x3] =	wrdreg s5  }
0xaa: {  	[dreg:$0x4] =	wrdreg $0xC0  }
0xab: {  	_ =	task [dreg:s7], $0x5FFFF  }
0xac: {  	[dreg:$0x1] =	wrdreg $0xFFFFFFFF  }
0xad: {  	[dreg:$0x0] =	wrdreg $0x60  }
0xae: {  	[dreg:$0x2] =	wrdreg s24  }
0xaf: {  	[dreg:$0x3] =	wrdreg s2  }
0xb0: {  	[dreg:$0x4] =	wrdreg $0x9  }
0xb1: {  	_ =	task.clear_ibuf [dreg:s7], $0x5FFFF;
	_ =	strace $0x90000046  }
0xb2: {  	s29 =	simm.s32 $0x9;
	_ =	strace $0x80000048  }
0xb3: {  	_ =	swait.ge [sflag:s29], $0x1  }
0xb4: {  	[sflag:s29] =	ssyncadd.s32 $0xFFFFFFFF  }
0xb5: {  	_ =	strace $0x90000048  }
0xb6: {  	_ =	sfence  }
0xb7: {  	s30 =	sld [smem:$0x0];
	_ =	sdelay $0x2  }
0xb8: {  	s31 =	sshll.u32 s1, $0xD;
	s1 =	sshrl.u32 s1, $0x2  }
0xb9: {  	s3 =	sand.u32 $0x4000, s31;
	s1 =	sadd.s32 s1, s30  }
0xba: {  	s0 =	sor.u32 s3, s0;
	s1 =	sshll.u32 s1, $0x11  }
0xbb: {  	s0 =	sor.u32 s1, s0  }
0xbc: {  	s0 =	sadd.s32 $0x8F2B, s0  }
0xbd: {  	[sflag:s0] =	ssyncadd.remote.s32 $0x1  }
0xbe: {  	_ =	sfence.sel $0xFFFF  }
0xbf: {  	[dreg:$0x0] =	wrdreg $0xFFFFFFFF;
	(pc) =	sbr.abs _section_cstart, $3  }
0xc0: {  	[dreg:$0x1] =	wrdreg $0xFFFFFFFF  }
0xc1: {  	_ =	task.clear_ibuf [dreg:s7], $0x2FFFF;
	_ =	strace $0x9FFFFFFF  }
0xc2: {  	(tm) =	ssettm $0x7FFFFFFF  }
0xc3: {  	_ =	shalt  }
tec
execute0_lowered:
.L_overlay_start_1:
0x0: {  	(tag) =	ssettag $0x1  }
0x1: {  	s3 =	srdreg.scid;
	s9 =	stileid.u32  }
0x2: {  	s5 =	sand.u32 $0x1, s3;
	s22 =	sshll.u32 s9, $0x1  }
0x3: {  	s4 =	sor.u32 s5, s22  }
0x4: {  	s1 =	rddreg [dreg:$0x0];
	s6 =	smul.u32 $0xC80, s4  }
0x5: {  	s0 =	rddreg [dreg:$0x1];
	s2 =	simm.s32 $0x0;
	s8 =	smul.u32 $0x32000, s4  }
0x6: {  	[smem:$0x7FF] =	sst s2;
	s3 =	sadd.s32 $0x19800, s1;
	s25 =	smul.u32 $0x320000, s9  }
0x7: {  	_ =	strace $0x80000047;
	s6 =	sadd.s32 s6, s1;
	s10 =	sadd.s32 s0, s8  }
0x8: {  	s4 =	smul.u32 $0x190000, s4;
	s6 =	sadd.s32 $0x800, s6;
	[dreg:$0x11] =	wrdreg s10  }
0x9: {  	s9 =	smul.u32 $0x64000, s9;
	s24 =	sadd.s32 $0x190, s10;
	[dreg:$0x10] =	wrdreg s6  }
0xa: {  	s4 =	sshrl.u32 s4, $0x3;
	s26 =	sadd.s32 $0x320, s10;
	[dreg:$0x12] =	wrdreg s24  }
0xb: {  	s4 =	sadd.s32 s0, s4;
	s8 =	sadd.s32 $0x4B0, s10;
	[dreg:$0x13] =	wrdreg s26  }
0xc: {  	s7 =	ssub.s32 $0x2, s5;
	[dreg:$0x14] =	wrdreg s8;
	s11 =	sadd.s32 $0x30700, s4  }
0xd: {  	s28 =	smul.u32 $0x190000, s5;
	s12 =	sadd.s32 $0x30890, s4;
	[dreg:$0x15] =	wrdreg s11  }
0xe: {  	s5 =	smul.u32 $0x32000, s5;
	s13 =	sadd.s32 $0x30A20, s4;
	[dreg:$0x16] =	wrdreg s12  }
0xf: {  	s23 =	sshrl.u32 s7, $0x1;
	s14 =	sadd.s32 $0x30BB0, s4;
	[dreg:$0x17] =	wrdreg s13  }
0x10: {  	s1 =	ssub.s32 s7, s23;
	s15 =	sadd.s32 $0x30D40, s4;
	[dreg:$0x18] =	wrdreg s14  }
0x11: {  	s6 =	sadd.s32 s28, s25;
	s16 =	sadd.s32 $0x30ED0, s4;
	[dreg:$0x19] =	wrdreg s15  }
0x12: {  	s18 =	sadd.s32 $0x31060, s4;
	s19 =	sadd.s32 $0x311F0, s4;
	[dreg:$0x1a] =	wrdreg s16  }
0x13: {  	s20 =	sadd.s32 $0x31380, s4;
	s25 =	sadd.s32 s9, s0;
	[dreg:$0x1b] =	wrdreg s18  }
0x14: {  	s28 =	sadd.s32 $0x31510, s4;
	s9 =	sadd.s32 $0x31830, s4;
	[dreg:$0x1c] =	wrdreg s19  }
0x15: {  	s17 =	sadd.s32 $0x11F80, s6;
	[dreg:$0x1d] =	wrdreg s20;
	s21 =	sadd.s32 $0x11300, s6  }
0x16: {  	s23 =	sadd.s32 $0x10680, s6;
	s26 =	sor.u32 $0xED80, s6;
	[dreg:$0x1e] =	wrdreg s28  }
0x17: {  	s5 =	sadd.s32 s5, s25;
	s13 =	sor.u32 $0xE100, s6;
	s16 =	sadd.s32 $0x18380, s6  }
0x18: {  	s20 =	sadd.s32 $0x17700, s6;
	s25 =	sadd.s32 $0x15180, s6;
	[smem:$0x7EC] =	sst s9  }
0x19: {  	s7 =	sshrl.u32 s17, $0x3;
	s22 =	sshrl.u32 s21, $0x3;
	s8 =	sshrl.u32 s23, $0x3  }
0x1a: {  	s11 =	sshrl.u32 s26, $0x3;
	[dreg:$0x6] =	wrdreg s5;
	s23 =	sadd.s32 $0x316A0, s4  }
0x1b: {  	s14 =	sshrl.u32 s13, $0x3;
	s13 =	sadd.s32 $0x31CE0, s4;
	[dreg:$0x1f] =	wrdreg s23  }
0x1c: {  	s18 =	sshrl.u32 s16, $0x3;
	s16 =	sadd.s32 $0x640, s10;
	[smem:$0x7EF] =	sst s13  }
0x1d: {  	s21 =	sshrl.u32 s20, $0x3;
	s20 =	sadd.s32 $0xC80, s10;
	[smem:$0x7F2] =	sst s16  }
0x1e: {  	s26 =	sshrl.u32 s25, $0x3;
	s25 =	sadd.s32 $0x1450, s10;
	[smem:$0x7F6] =	sst s20  }
0x1f: {  	s7 =	sadd.s32 s7, s0;
	[smem:$0x7FB] =	sst s25  }
0x20: {  	s24 =	sadd.s32 s8, s0;
	[dreg:$0x3] =	wrdreg s7  }
0x21: {  	s12 =	sadd.s32 s11, s0;
	[dreg:$0x5] =	wrdreg s24  }
0x22: {  	s5 =	sadd.s32 s14, s0;
	[dreg:$0x7] =	wrdreg s12  }
0x23: {  	s29 =	simm.s32 $0x5;
	s19 =	sadd.s32 s18, s0;
	[dreg:$0x8] =	wrdreg s5  }
0x24: {  	s30 =	simm.s32 $0x4;
	s11 =	sadd.s32 $0x319C0, s4;
	[dreg:$0xa] =	wrdreg s19  }
0x25: {  	s31 =	simm.s32 $0xBB80;
	s14 =	sadd.s32 $0x31E70, s4;
	[smem:$0x7ED] =	sst s11  }
0x26: {  	s15 =	sor.u32 $0xD480, s6;
	s18 =	sadd.s32 $0x960, s10;
	[smem:$0x7F0] =	sst s14  }
0x27: {  	s28 =	sadd.s32 $0x14500, s6;
	s23 =	sadd.s32 $0x1130, s10;
	[smem:$0x7F4] =	sst s18  }
0x28: {  	s13 =	simm.s32 $0x9600;
	s7 =	sadd.s32 s22, s0;
	[smem:$0x7F9] =	sst s23  }
0x29: {  	s22 =	sadd.s32 $0x16A80, s6;
	s5 =	sadd.s32 s21, s0;
	[dreg:$0x4] =	wrdreg s7  }
0x2a: {  	s6 =	sadd.s32 $0x13880, s6;
	s12 =	sadd.s32 $0x31B50, s4;
	[dreg:$0xb] =	wrdreg s5  }
0x2b: {  	s19 =	sadd.s32 $0xAF0, s10;
	s21 =	sadd.s32 $0xE10, s10;
	[smem:$0x7EE] =	sst s12  }
0x2c: {  	s11 =	simm.s32 $0xC8;
	s14 =	simm.s32 $0x1;
	[smem:$0x7F5] =	sst s19  }
0x2d: {  	s18 =	simm.s32 $0xC800;
	s5 =	sadd.s32 s26, s0;
	[smem:$0x7F7] =	sst s21  }
0x2e: {  	s7 =	sshrl.u32 s15, $0x3;
	s15 =	smax.u32 s1, $0x1;
	[dreg:$0xd] =	wrdreg s5  }
0x2f: {  	s23 =	simm.s32 $0xFA00;
	s26 =	sadd.s32 $0x15E0, s10;
	[smem:$0x7F1] =	sst s15  }
0x30: {  	s4 =	simm.s32 $0x6;
	s17 =	sadd.s32 s7, s0;
	[smem:$0x7FC] =	sst s26  }
0x31: {  	s7 =	sshrl.u32 s22, $0x3;
	s22 =	sadd.s32 $0xFA0, s10;
	[dreg:$0x9] =	wrdreg s17  }
0x32: {  	s6 =	sshrl.u32 s6, $0x3;
	s24 =	sadd.s32 s7, s0;
	[smem:$0x7F8] =	sst s22  }
0x33: {  	s12 =	simm.s32 $0x6400;
	s17 =	sadd.s32 $0x7D0, s10;
	[dreg:$0xc] =	wrdreg s24  }
0x34: {  	s7 =	sshrl.u32 s28, $0x3;
	s28 =	sadd.s32 $0x1770, s10;
	[smem:$0x7F3] =	sst s17  }
0x35: {  	s19 =	simm.s32 $0x2;
	s8 =	sadd.s32 s7, s0;
	[smem:$0x7FD] =	sst s28  }
0x36: {  	s0 =	sadd.s32 s6, s0;
	s24 =	sadd.s32 $0x12C0, s10;
	[dreg:$0xe] =	wrdreg s8  }
0x37: {  	s6 =	simm.s32 $0x7;
	s7 =	simm.s32 $0x8;
	[dreg:$0xf] =	wrdreg s0  }
0x38: {  	[smem:$0x7FA] =	sst s24;
	s24 =	simm.s32 $0x3;
	s0 =	simm.s32 $0x0  }
.LBB2_1:
0x39: {  	[smem:$0x7EB] =	sst s0  }
0x3a: {  	s5 =	rddreg [dreg:$0x10];
	s16 =	simm.s32 $0x9  }
0x3b: {  	[tilespmem:s2], [sflag:$0x9] =	stream.linear.gather [hbm4b:s5+s2], $0x6400, $0x38;
	[tilespmem:$0x12C00] =	vst v63  }
0x3c: {  	_ =	swait.ge [sflag:s16], $0x6400  }
0x3d: {  	[sflag:s16] =	ssyncset.done $0x0  }
0x3e: {  	[sflag:s16] =	ssyncadd.s32 $0xFFFF9C00  }
0x3f: {  	[tilespmem:s12], [sflag:$0x1] =	stream.indirect.gather [hbm4b:s3+s11], $0x40, s2, s11, $0xb8;
	[tilespmem:$0x12C00] =	vst v63  }
0x40: {  	_ = 	snop  }
0x41: {  	[tilespmem:s13], [sflag:$0x2] =	stream.indirect.gather [hbm4b:s3+s11], $0x40, s11, s11, $0xb8;
	[tilespmem:$0x12C00] =	vst v63  }
0x42: {  	_ =	swait.ge [sflag:s14], $0x3200  }
0x43: {  	[sflag:s14] =	ssyncset.done $0x0  }
0x44: {  	s17 =	rddreg [dreg:$0x11];
	[sflag:s14] =	ssyncadd.s32 $0xFFFFCE00  }
0x45: {  	[hbm4b:s17+s2] =	stream.linear.scatter [tilespmem:s12], [sflag:$0x5], $0xC80, $0x38;
	[tilespmem:$0x12C00] =	vst v63  }
0x46: {  	s10 =	simm.s32 $0x7080;
	s20 =	rddreg [dreg:$0x12]  }
0x47: {  	[hbm4b:s20+s2] =	stream.linear.scatter [tilespmem:s10], [sflag:$0x5], $0xC80, $0x38;
	[tilespmem:$0x12C00] =	vst v63  }
0x48: {  	s15 =	simm.s32 $0x7D00;
	s21 =	rddreg [dreg:$0x13]  }
0x49: {  	[hbm4b:s21+s2] =	stream.linear.scatter [tilespmem:s15], [sflag:$0x5], $0xC80, $0x38;
	[tilespmem:$0x12C00] =	vst v63  }
0x4a: {  	s16 =	simm.s32 $0x8980;
	s22 =	rddreg [dreg:$0x14]  }
0x4b: {  	[hbm4b:s22+s2] =	stream.linear.scatter [tilespmem:s16], [sflag:$0x5], $0xC80, $0x38;
	[tilespmem:$0x12C00] =	vst v63  }
0x4c: {  	s25 =	simm.s32 $0x190  }
0x4d: {  	[tilespmem:s18], [sflag:$0x3] =	stream.indirect.gather [hbm4b:s3+s11], $0x40, s25, s11, $0xb8;
	[tilespmem:$0x12C00] =	vst v63  }
0x4e: {  	_ =	swait.ge [sflag:s19], $0x3200  }
0x4f: {  	s26 =	sld [smem:$0x7F2]  }
0x50: {  	[sflag:s19] =	ssyncset.done $0x0  }
0x51: {  	s0 =	sld [smem:$0x7F3];
	[sflag:s19] =	ssyncadd.s32 $0xFFFFCE00  }
0x52: {  	[hbm4b:s26+s2] =	stream.linear.scatter [tilespmem:s13], [sflag:$0x6], $0xC80, $0x38;
	[tilespmem:$0x12C00] =	vst v63  }
0x53: {  	s17 =	simm.s32 $0xA280;
	s1 =	sld [smem:$0x7F4]  }
0x54: {  	[hbm4b:s0+s2] =	stream.linear.scatter [tilespmem:s17], [sflag:$0x6], $0xC80, $0x38;
	[tilespmem:$0x12C00] =	vst v63  }
0x55: {  	s20 =	simm.s32 $0xAF00;
	s8 =	sld [smem:$0x7F5]  }
0x56: {  	[hbm4b:s1+s2] =	stream.linear.scatter [tilespmem:s20], [sflag:$0x6], $0xC80, $0x38;
	[tilespmem:$0x12C00] =	vst v63  }
0x57: {  	s26 =	simm.s32 $0xBB80  }
0x58: {  	[hbm4b:s8+s2] =	stream.linear.scatter [tilespmem:s26], [sflag:$0x6], $0xC80, $0x38;
	[tilespmem:$0x12C00] =	vst v63  }
0x59: {  	s9 =	simm.s32 $0x258  }
0x5a: {  	[tilespmem:s23], [sflag:$0x4] =	stream.indirect.gather [hbm4b:s3+s11], $0x40, s9, s11, $0xb8;
	[tilespmem:$0x12C00] =	vst v63  }
0x5b: {  	_ =	swait.ge [sflag:s24], $0x3200  }
0x5c: {  	s21 =	sld [smem:$0x7F6]  }
0x5d: {  	[sflag:s24] =	ssyncset.done $0x0  }
0x5e: {  	s22 =	sld [smem:$0x7F7];
	[sflag:s24] =	ssyncadd.s32 $0xFFFFCE00  }
0x5f: {  	[hbm4b:s21+s2] =	stream.linear.scatter [tilespmem:s18], [sflag:$0x7], $0xC80, $0x38;
	[tilespmem:$0x12C00] =	vst v63  }
0x60: {  	s1 =	simm.s32 $0xD480;
	s25 =	sld [smem:$0x7F8]  }
0x61: {  	[hbm4b:s22+s2] =	stream.linear.scatter [tilespmem:s1], [sflag:$0x7], $0xC80, $0x38;
	[tilespmem:$0x12C00] =	vst v63  }
0x62: {  	s0 =	sld [smem:$0x7F9];
	s21 =	simm.s32 $0xE100  }
0x63: {  	[hbm4b:s25+s2] =	stream.linear.scatter [tilespmem:s21], [sflag:$0x7], $0xC80, $0x38;
	[tilespmem:$0x12C00] =	vst v63  }
0x64: {  	s25 =	simm.s32 $0xED80  }
0x65: {  	[hbm4b:s0+s2] =	stream.linear.scatter [tilespmem:s25], [sflag:$0x7], $0xC80, $0x38;
	[tilespmem:$0x12C00] =	vst v63  }
0x66: {  	_ =	swait.ge [sflag:s29], $0xC80  }
0x67: {  	[sflag:s29] =	ssyncset.done $0x0  }
0x68: {  	[sflag:s29] =	ssyncadd.s32 $0xFFFFF380  }
0x69: {  	_ =	swait.ge [sflag:s29], $0xC80  }
0x6a: {  	[sflag:s29] =	ssyncset.done $0x0  }
0x6b: {  	[sflag:s29] =	ssyncadd.s32 $0xFFFFF380  }
0x6c: {  	_ =	swait.ge [sflag:s29], $0xC80  }
0x6d: {  	[sflag:s29] =	ssyncset.done $0x0  }
0x6e: {  	[sflag:s29] =	ssyncadd.s32 $0xFFFFF380  }
0x6f: {  	_ =	swait.ge [sflag:s29], $0xC80  }
0x70: {  	[sflag:s29] =	ssyncset.done $0x0  }
0x71: {  	s5 =	simm.s32 $0x320;
	[sflag:s29] =	ssyncadd.s32 $0xFFFFF380  }
0x72: {  	[tilespmem:s12], [sflag:$0x1] =	stream.indirect.gather [hbm4b:s3+s11], $0x40, s5, s11, $0xb8;
	[tilespmem:$0x12C00] =	vst v63  }
0x73: {  	_ =	swait.ge [sflag:s30], $0x3200  }
0x74: {  	s8 =	sld [smem:$0x7FA]  }
0x75: {  	[sflag:s30] =	ssyncset.done $0x0  }
0x76: {  	s9 =	sld [smem:$0x7FB];
	[sflag:s30] =	ssyncadd.s32 $0xFFFFCE00  }
0x77: {  	[hbm4b:s8+s2] =	stream.linear.scatter [tilespmem:s23], [sflag:$0x8], $0xC80, $0x38;
	[tilespmem:$0x12C00] =	vst v63  }
0x78: {  	s22 =	simm.s32 $0x10680;
	s0 =	sld [smem:$0x7FC]  }
0x79: {  	[hbm4b:s9+s2] =	stream.linear.scatter [tilespmem:s22], [sflag:$0x8], $0xC80, $0x38;
	[tilespmem:$0x12C00] =	vst v63  }
0x7a: {  	s28 =	simm.s32 $0x11300;
	s8 =	sld [smem:$0x7FD]  }
0x7b: {  	[hbm4b:s0+s2] =	stream.linear.scatter [tilespmem:s28], [sflag:$0x8], $0xC80, $0x38;
	[tilespmem:$0x12C00] =	vst v63  }
0x7c: {  	s9 =	simm.s32 $0x11F80  }
0x7d: {  	[hbm4b:s8+s2] =	stream.linear.scatter [tilespmem:s9], [sflag:$0x8], $0xC80, $0x38;
	[tilespmem:$0x12C00] =	vst v63  }
0x7e: {  	_ =	swait.ge [sflag:s4], $0xC80  }
0x7f: {  	[sflag:s4] =	ssyncset.done $0x0  }
0x80: {  	[sflag:s4] =	ssyncadd.s32 $0xFFFFF380  }
0x81: {  	_ =	swait.ge [sflag:s4], $0xC80  }
0x82: {  	[sflag:s4] =	ssyncset.done $0x0  }
0x83: {  	[sflag:s4] =	ssyncadd.s32 $0xFFFFF380  }
0x84: {  	_ =	swait.ge [sflag:s4], $0xC80  }
0x85: {  	[sflag:s4] =	ssyncset.done $0x0  }
0x86: {  	[sflag:s4] =	ssyncadd.s32 $0xFFFFF380  }
0x87: {  	_ =	swait.ge [sflag:s4], $0xC80  }
0x88: {  	[sflag:s4] =	ssyncset.done $0x0  }
0x89: {  	s8 =	simm.s32 $0x3E8;
	[sflag:s4] =	ssyncadd.s32 $0xFFFFF380  }
0x8a: {  	[tilespmem:s13], [sflag:$0x2] =	stream.indirect.gather [hbm4b:s3+s11], $0x40, s8, s11, $0xb8;
	[tilespmem:$0x12C00] =	vst v63  }
0x8b: {  	_ =	swait.ge [sflag:s14], $0x3200  }
0x8c: {  	s9 =	rddreg [dreg:$0x6]  }
0x8d: {  	[sflag:s14] =	ssyncset.done $0x0;
	s5 =	sadd.s32 $0x0, s9  }
0x8e: {  	s8 =	rddreg [dreg:$0x9];
	[sflag:s14] =	ssyncadd.s32 $0xFFFFCE00;
	s9 =	sadd.s32 $0x1900, s5  }
0x8f: {  	[hbm4b:s9+s2] =	stream.linear.scatter [tilespmem:s12], [sflag:$0x5], $0xC80, $0x38;
	[tilespmem:$0x12C00] =	vst v63  }
0x90: {  	s8 =	sadd.s32 $0x0, s8;
	s9 =	rddreg [dreg:$0x8]  }
0x91: {  	[hbm4b:s8+s2] =	stream.linear.scatter [tilespmem:s10], [sflag:$0x5], $0xC80, $0x38;
	[tilespmem:$0x12C00] =	vst v63  }
0x92: {  	s0 =	rddreg [dreg:$0x7];
	s9 =	sadd.s32 $0x0, s9  }
0x93: {  	[hbm4b:s9+s2] =	stream.linear.scatter [tilespmem:s15], [sflag:$0x5], $0xC80, $0x38;
	[tilespmem:$0x12C00] =	vst v63  }
0x94: {  	s8 =	sadd.s32 $0x0, s0  }
0x95: {  	[hbm4b:s8+s2] =	stream.linear.scatter [tilespmem:s16], [sflag:$0x5], $0xC80, $0x38;
	[tilespmem:$0x12C00] =	vst v63  }
0x96: {  	_ =	swait.ge [sflag:s6], $0xC80  }
0x97: {  	[sflag:s6] =	ssyncset.done $0x0  }
0x98: {  	[sflag:s6] =	ssyncadd.s32 $0xFFFFF380  }
0x99: {  	_ =	swait.ge [sflag:s6], $0xC80  }
0x9a: {  	[sflag:s6] =	ssyncset.done $0x0  }
0x9b: {  	[sflag:s6] =	ssyncadd.s32 $0xFFFFF380  }
0x9c: {  	_ =	swait.ge [sflag:s6], $0xC80  }
0x9d: {  	[sflag:s6] =	ssyncset.done $0x0  }
0x9e: {  	[sflag:s6] =	ssyncadd.s32 $0xFFFFF380  }
0x9f: {  	_ =	swait.ge [sflag:s6], $0xC80  }
0xa0: {  	[sflag:s6] =	ssyncset.done $0x0  }
0xa1: {  	s9 =	simm.s32 $0x4B0;
	[sflag:s6] =	ssyncadd.s32 $0xFFFFF380  }
0xa2: {  	[tilespmem:s18], [sflag:$0x3] =	stream.indirect.gather [hbm4b:s3+s11], $0x40, s9, s11, $0xb8;
	[tilespmem:$0x12C00] =	vst v63  }
0xa3: {  	_ =	swait.ge [sflag:s19], $0x3200  }
0xa4: {  	[sflag:s19] =	ssyncset.done $0x0  }
0xa5: {  	s15 =	sadd.s32 $0x1F40, s5;
	s10 =	rddreg [dreg:$0x5];
	[sflag:s19] =	ssyncadd.s32 $0xFFFFCE00  }
0xa6: {  	[hbm4b:s15+s2] =	stream.linear.scatter [tilespmem:s13], [sflag:$0x6], $0xC80, $0x38;
	[tilespmem:$0x12C00] =	vst v63  }
0xa7: {  	s16 =	rddreg [dreg:$0x4];
	s8 =	sadd.s32 $0x0, s10  }
0xa8: {  	[hbm4b:s8+s2] =	stream.linear.scatter [tilespmem:s17], [sflag:$0x6], $0xC80, $0x38;
	[tilespmem:$0x12C00] =	vst v63  }
0xa9: {  	s0 =	rddreg [dreg:$0x3];
	s9 =	sadd.s32 $0x0, s16  }
0xaa: {  	[hbm4b:s9+s2] =	stream.linear.scatter [tilespmem:s20], [sflag:$0x6], $0xC80, $0x38;
	[tilespmem:$0x12C00] =	vst v63  }
0xab: {  	s8 =	sadd.s32 $0x0, s0  }
0xac: {  	[hbm4b:s8+s2] =	stream.linear.scatter [tilespmem:s26], [sflag:$0x6], $0xC80, $0x38;
	[tilespmem:$0x12C00] =	vst v63  }
0xad: {  	_ =	swait.ge [sflag:s7], $0xC80  }
0xae: {  	[sflag:s7] =	ssyncset.done $0x0  }
0xaf: {  	[sflag:s7] =	ssyncadd.s32 $0xFFFFF380  }
0xb0: {  	_ =	swait.ge [sflag:s7], $0xC80  }
0xb1: {  	[sflag:s7] =	ssyncset.done $0x0  }
0xb2: {  	[sflag:s7] =	ssyncadd.s32 $0xFFFFF380  }
0xb3: {  	_ =	swait.ge [sflag:s7], $0xC80  }
0xb4: {  	[sflag:s7] =	ssyncset.done $0x0  }
0xb5: {  	[sflag:s7] =	ssyncadd.s32 $0xFFFFF380  }
0xb6: {  	_ =	swait.ge [sflag:s7], $0xC80  }
0xb7: {  	[sflag:s7] =	ssyncset.done $0x0  }
0xb8: {  	s10 =	simm.s32 $0x578;
	[sflag:s7] =	ssyncadd.s32 $0xFFFFF380  }
0xb9: {  	[tilespmem:s23], [sflag:$0x4] =	stream.indirect.gather [hbm4b:s3+s11], $0x40, s10, s11, $0xb8;
	[tilespmem:$0x12C00] =	vst v63  }
0xba: {  	_ =	swait.ge [sflag:s24], $0x3200  }
0xbb: {  	[sflag:s24] =	ssyncset.done $0x0  }
0xbc: {  	s16 =	sadd.s32 $0x2580, s5;
	s15 =	rddreg [dreg:$0xf];
	[sflag:s24] =	ssyncadd.s32 $0xFFFFCE00  }
0xbd: {  	[hbm4b:s16+s2] =	stream.linear.scatter [tilespmem:s18], [sflag:$0x7], $0xC80, $0x38;
	[tilespmem:$0x12C00] =	vst v63  }
0xbe: {  	s17 =	rddreg [dreg:$0xe];
	s8 =	sadd.s32 $0x0, s15  }
0xbf: {  	[hbm4b:s8+s2] =	stream.linear.scatter [tilespmem:s1], [sflag:$0x7], $0xC80, $0x38;
	[tilespmem:$0x12C00] =	vst v63  }
0xc0: {  	s20 =	rddreg [dreg:$0xd];
	s9 =	sadd.s32 $0x0, s17  }
0xc1: {  	[hbm4b:s9+s2] =	stream.linear.scatter [tilespmem:s21], [sflag:$0x7], $0xC80, $0x38;
	[tilespmem:$0x12C00] =	vst v63  }
0xc2: {  	s8 =	sadd.s32 $0x0, s20  }
0xc3: {  	[hbm4b:s8+s2] =	stream.linear.scatter [tilespmem:s25], [sflag:$0x7], $0xC80, $0x38;
	[tilespmem:$0x12C00] =	vst v63  }
0xc4: {  	_ =	swait.ge [sflag:s29], $0xC80  }
0xc5: {  	[sflag:s29] =	ssyncset.done $0x0  }
0xc6: {  	[sflag:s29] =	ssyncadd.s32 $0xFFFFF380  }
0xc7: {  	_ =	swait.ge [sflag:s29], $0xC80  }
0xc8: {  	[sflag:s29] =	ssyncset.done $0x0  }
0xc9: {  	[sflag:s29] =	ssyncadd.s32 $0xFFFFF380  }
0xca: {  	_ =	swait.ge [sflag:s29], $0xC80  }
0xcb: {  	[sflag:s29] =	ssyncset.done $0x0  }
0xcc: {  	[sflag:s29] =	ssyncadd.s32 $0xFFFFF380  }
0xcd: {  	_ =	swait.ge [sflag:s29], $0xC80  }
0xce: {  	[sflag:s29] =	ssyncset.done $0x0  }
0xcf: {  	s26 =	simm.s32 $0x640;
	[sflag:s29] =	ssyncadd.s32 $0xFFFFF380  }
0xd0: {  	[tilespmem:s12], [sflag:$0x1] =	stream.indirect.gather [hbm4b:s3+s11], $0x40, s26, s11, $0xb8;
	[tilespmem:$0x12C00] =	vst v63  }
0xd1: {  	_ =	swait.ge [sflag:s30], $0x3200  }
0xd2: {  	[sflag:s30] =	ssyncset.done $0x0  }
0xd3: {  	s5 =	sadd.s32 $0x2BC0, s5;
	s9 =	rddreg [dreg:$0xc];
	[sflag:s30] =	ssyncadd.s32 $0xFFFFCE00  }
0xd4: {  	[hbm4b:s5+s2] =	stream.linear.scatter [tilespmem:s23], [sflag:$0x8], $0xC80, $0x38;
	[tilespmem:$0x12C00] =	vst v63  }
0xd5: {  	s10 =	rddreg [dreg:$0xb];
	s15 =	sadd.s32 $0x0, s9  }
0xd6: {  	[hbm4b:s15+s2] =	stream.linear.scatter [tilespmem:s22], [sflag:$0x8], $0xC80, $0x38;
	[tilespmem:$0x12C00] =	vst v63  }
0xd7: {  	s16 =	rddreg [dreg:$0xa];
	s17 =	sadd.s32 $0x0, s10  }
0xd8: {  	[hbm4b:s17+s2] =	stream.linear.scatter [tilespmem:s28], [sflag:$0x8], $0xC80, $0x38;
	[tilespmem:$0x12C00] =	vst v63  }
0xd9: {  	s20 =	sadd.s32 $0x0, s16;
	s22 =	simm.s32 $0x11F80  }
0xda: {  	[hbm4b:s20+s2] =	stream.linear.scatter [tilespmem:s22], [sflag:$0x8], $0xC80, $0x38;
	[tilespmem:$0x12C00] =	vst v63  }
0xdb: {  	_ =	swait.ge [sflag:s4], $0xC80  }
0xdc: {  	[sflag:s4] =	ssyncset.done $0x0  }
0xdd: {  	[sflag:s4] =	ssyncadd.s32 $0xFFFFF380  }
0xde: {  	_ =	swait.ge [sflag:s4], $0xC80  }
0xdf: {  	[sflag:s4] =	ssyncset.done $0x0  }
0xe0: {  	[sflag:s4] =	ssyncadd.s32 $0xFFFFF380  }
0xe1: {  	_ =	swait.ge [sflag:s4], $0xC80  }
0xe2: {  	s0 =	simm.s32 $0xD480;
	[sflag:s4] =	ssyncset.done $0x0  }
0xe3: {  	s1 =	simm.s32 $0xE100;
	s21 =	simm.s32 $0xED80;
	[sflag:s4] =	ssyncadd.s32 $0xFFFFF380  }
0xe4: {  	s25 =	simm.s32 $0x10680;
	s26 =	simm.s32 $0x11300;
	_ =	swait.ge [sflag:s4], $0xC80  }
0xe5: {  	s9 =	simm.s32 $0x708;
	s10 =	simm.s32 $0xA28;
	[sflag:s4] =	ssyncset.done $0x0  }
0xe6: {  	s5 =	simm.s32 $0x1900;
	s28 =	simm.s32 $0x11F80;
	[sflag:s4] =	ssyncadd.s32 $0xFFFFF380  }
.LBB2_2:
0xe7: {  	[tilespmem:s13], [sflag:$0x2] =	stream.indirect.gather [hbm4b:s3+s11], $0x40, s9, s11, $0xb8;
	[tilespmem:$0x12C00] =	vst v63  }
0xe8: {  	_ =	swait.ge [sflag:s14], $0x3200  }
0xe9: {  	s8 =	smov.u32 s5;
	s15 =	rddreg [dreg:$0x6]  }
0xea: {  	[sflag:s14] =	ssyncset.done $0x0;
	s15 =	sadd.s32 s8, s15  }
0xeb: {  	s16 =	rddreg [dreg:$0x9];
	[sflag:s14] =	ssyncadd.s32 $0xFFFFCE00;
	s17 =	sadd.s32 $0x1900, s15  }
0xec: {  	[hbm4b:s17+s2] =	stream.linear.scatter [tilespmem:s12], [sflag:$0x5], $0xC80, $0x38;
	[tilespmem:$0x12C00] =	vst v63  }
0xed: {  	s22 =	simm.s32 $0x7080;
	s20 =	rddreg [dreg:$0x8];
	s16 =	sadd.s32 s8, s16  }
0xee: {  	[hbm4b:s16+s2] =	stream.linear.scatter [tilespmem:s22], [sflag:$0x5], $0xC80, $0x38;
	[tilespmem:$0x12C00] =	vst v63  }
0xef: {  	s20 =	sadd.s32 s8, s20;
	s17 =	rddreg [dreg:$0x7];
	s22 =	simm.s32 $0x7D00  }
0xf0: {  	[hbm4b:s20+s2] =	stream.linear.scatter [tilespmem:s22], [sflag:$0x5], $0xC80, $0x38;
	[tilespmem:$0x12C00] =	vst v63  }
0xf1: {  	s20 =	sadd.s32 s8, s17;
	s22 =	simm.s32 $0x8980  }
0xf2: {  	[hbm4b:s20+s2] =	stream.linear.scatter [tilespmem:s22], [sflag:$0x5], $0xC80, $0x38;
	[tilespmem:$0x12C00] =	vst v63  }
0xf3: {  	_ =	swait.ge [sflag:s6], $0xC80  }
0xf4: {  	[sflag:s6] =	ssyncset.done $0x0  }
0xf5: {  	[sflag:s6] =	ssyncadd.s32 $0xFFFFF380  }
0xf6: {  	_ =	swait.ge [sflag:s6], $0xC80  }
0xf7: {  	[sflag:s6] =	ssyncset.done $0x0  }
0xf8: {  	[sflag:s6] =	ssyncadd.s32 $0xFFFFF380  }
0xf9: {  	_ =	swait.ge [sflag:s6], $0xC80  }
0xfa: {  	[sflag:s6] =	ssyncset.done $0x0  }
0xfb: {  	[sflag:s6] =	ssyncadd.s32 $0xFFFFF380  }
0xfc: {  	_ =	swait.ge [sflag:s6], $0xC80  }
0xfd: {  	[sflag:s6] =	ssyncset.done $0x0  }
0xfe: {  	s20 =	sadd.s32 $0xFFFFFDA8, s10;
	[sflag:s6] =	ssyncadd.s32 $0xFFFFF380  }
0xff: {  	[tilespmem:s18], [sflag:$0x3] =	stream.indirect.gather [hbm4b:s3+s11], $0x40, s20, s11, $0xb8;
	[tilespmem:$0x12C00] =	vst v63  }
0x100: {  	_ =	swait.ge [sflag:s19], $0x3200  }
0x101: {  	[sflag:s19] =	ssyncset.done $0x0  }
0x102: {  	s22 =	sadd.s32 $0x1F40, s15;
	s16 =	rddreg [dreg:$0x5];
	[sflag:s19] =	ssyncadd.s32 $0xFFFFCE00  }
0x103: {  	[hbm4b:s22+s2] =	stream.linear.scatter [tilespmem:s13], [sflag:$0x6], $0xC80, $0x38;
	[tilespmem:$0x12C00] =	vst v63  }
0x104: {  	s20 =	rddreg [dreg:$0x4];
	s16 =	sadd.s32 s8, s16;
	s22 =	simm.s32 $0xA280  }
0x105: {  	[hbm4b:s16+s2] =	stream.linear.scatter [tilespmem:s22], [sflag:$0x6], $0xC80, $0x38;
	[tilespmem:$0x12C00] =	vst v63  }
0x106: {  	s17 =	rddreg [dreg:$0x3];
	s20 =	sadd.s32 s8, s20;
	s22 =	simm.s32 $0xAF00  }
0x107: {  	[hbm4b:s20+s2] =	stream.linear.scatter [tilespmem:s22], [sflag:$0x6], $0xC80, $0x38;
	[tilespmem:$0x12C00] =	vst v63  }
0x108: {  	s17 =	sadd.s32 s8, s17  }
0x109: {  	[hbm4b:s17+s2] =	stream.linear.scatter [tilespmem:s31], [sflag:$0x6], $0xC80, $0x38;
	[tilespmem:$0x12C00] =	vst v63  }
0x10a: {  	_ =	swait.ge [sflag:s7], $0xC80  }
0x10b: {  	[sflag:s7] =	ssyncset.done $0x0  }
0x10c: {  	[sflag:s7] =	ssyncadd.s32 $0xFFFFF380  }
0x10d: {  	_ =	swait.ge [sflag:s7], $0xC80  }
0x10e: {  	[sflag:s7] =	ssyncset.done $0x0  }
0x10f: {  	[sflag:s7] =	ssyncadd.s32 $0xFFFFF380  }
0x110: {  	_ =	swait.ge [sflag:s7], $0xC80  }
0x111: {  	[sflag:s7] =	ssyncset.done $0x0  }
0x112: {  	[sflag:s7] =	ssyncadd.s32 $0xFFFFF380  }
0x113: {  	_ =	swait.ge [sflag:s7], $0xC80  }
0x114: {  	[sflag:s7] =	ssyncset.done $0x0  }
0x115: {  	s20 =	sadd.s32 $0xFFFFFE70, s10;
	[sflag:s7] =	ssyncadd.s32 $0xFFFFF380  }
0x116: {  	[tilespmem:s23], [sflag:$0x4] =	stream.indirect.gather [hbm4b:s3+s11], $0x40, s20, s11, $0xb8;
	[tilespmem:$0x12C00] =	vst v63  }
0x117: {  	_ =	swait.ge [sflag:s24], $0x3200  }
0x118: {  	[sflag:s24] =	ssyncset.done $0x0  }
0x119: {  	s22 =	sadd.s32 $0x2580, s15;
	s16 =	rddreg [dreg:$0xf];
	[sflag:s24] =	ssyncadd.s32 $0xFFFFCE00  }
0x11a: {  	[hbm4b:s22+s2] =	stream.linear.scatter [tilespmem:s18], [sflag:$0x7], $0xC80, $0x38;
	[tilespmem:$0x12C00] =	vst v63  }
0x11b: {  	s20 =	rddreg [dreg:$0xe];
	s16 =	sadd.s32 s8, s16  }
0x11c: {  	[hbm4b:s16+s2] =	stream.linear.scatter [tilespmem:s0], [sflag:$0x7], $0xC80, $0x38;
	[tilespmem:$0x12C00] =	vst v63  }
0x11d: {  	s20 =	sadd.s32 s8, s20;
	s22 =	rddreg [dreg:$0xd]  }
0x11e: {  	[hbm4b:s20+s2] =	stream.linear.scatter [tilespmem:s1], [sflag:$0x7], $0xC80, $0x38;
	[tilespmem:$0x12C00] =	vst v63  }
0x11f: {  	s22 =	sadd.s32 s8, s22  }
0x120: {  	[hbm4b:s22+s2] =	stream.linear.scatter [tilespmem:s21], [sflag:$0x7], $0xC80, $0x38;
	[tilespmem:$0x12C00] =	vst v63  }
0x121: {  	_ =	swait.ge [sflag:s29], $0xC80  }
0x122: {  	[sflag:s29] =	ssyncset.done $0x0  }
0x123: {  	[sflag:s29] =	ssyncadd.s32 $0xFFFFF380  }
0x124: {  	_ =	swait.ge [sflag:s29], $0xC80  }
0x125: {  	[sflag:s29] =	ssyncset.done $0x0  }
0x126: {  	[sflag:s29] =	ssyncadd.s32 $0xFFFFF380  }
0x127: {  	_ =	swait.ge [sflag:s29], $0xC80  }
0x128: {  	[sflag:s29] =	ssyncset.done $0x0  }
0x129: {  	[sflag:s29] =	ssyncadd.s32 $0xFFFFF380  }
0x12a: {  	_ =	swait.ge [sflag:s29], $0xC80  }
0x12b: {  	[sflag:s29] =	ssyncset.done $0x0  }
0x12c: {  	s17 =	sadd.s32 $0xFFFFFF38, s10;
	[sflag:s29] =	ssyncadd.s32 $0xFFFFF380  }
0x12d: {  	[tilespmem:s12], [sflag:$0x1] =	stream.indirect.gather [hbm4b:s3+s11], $0x40, s17, s11, $0xb8;
	[tilespmem:$0x12C00] =	vst v63  }
0x12e: {  	_ =	swait.ge [sflag:s30], $0x3200  }
0x12f: {  	[sflag:s30] =	ssyncset.done $0x0  }
0x130: {  	s15 =	sadd.s32 $0x2BC0, s15;
	s20 =	rddreg [dreg:$0xc];
	[sflag:s30] =	ssyncadd.s32 $0xFFFFCE00  }
0x131: {  	[hbm4b:s15+s2] =	stream.linear.scatter [tilespmem:s23], [sflag:$0x8], $0xC80, $0x38;
	[tilespmem:$0x12C00] =	vst v63  }
0x132: {  	s22 =	rddreg [dreg:$0xb];
	s16 =	sadd.s32 s8, s20  }
0x133: {  	[hbm4b:s16+s2] =	stream.linear.scatter [tilespmem:s25], [sflag:$0x8], $0xC80, $0x38;
	[tilespmem:$0x12C00] =	vst v63  }
0x134: {  	s20 =	rddreg [dreg:$0xa];
	s22 =	sadd.s32 s8, s22  }
0x135: {  	[hbm4b:s22+s2] =	stream.linear.scatter [tilespmem:s26], [sflag:$0x8], $0xC80, $0x38;
	[tilespmem:$0x12C00] =	vst v63  }
0x136: {  	s8 =	sadd.s32 s8, s20  }
0x137: {  	[hbm4b:s8+s2] =	stream.linear.scatter [tilespmem:s28], [sflag:$0x8], $0xC80, $0x38;
	[tilespmem:$0x12C00] =	vst v63  }
0x138: {  	_ =	swait.ge [sflag:s4], $0xC80  }
0x139: {  	[sflag:s4] =	ssyncset.done $0x0  }
0x13a: {  	[sflag:s4] =	ssyncadd.s32 $0xFFFFF380  }
0x13b: {  	_ =	swait.ge [sflag:s4], $0xC80  }
0x13c: {  	[sflag:s4] =	ssyncset.done $0x0  }
0x13d: {  	[sflag:s4] =	ssyncadd.s32 $0xFFFFF380  }
0x13e: {  	p0 =	sne.s32 s5, $0x2D500;
	_ =	swait.ge [sflag:s4], $0xC80  }
.Ltmp0:
0x13f: {  	[sflag:s4] =	ssyncset.done $0x0;
	(pc) =	sbr.rel @p0 .LBB2_2-.Ltmp0, $4  }
0x140: {  	[sflag:s4] =	ssyncadd.s32 $0xFFFFF380  }
0x141: {  	_ =	swait.ge [sflag:s4], $0xC80  }
0x142: {  	s9 =	smov.u32 s10;
	[sflag:s4] =	ssyncset.done $0x0  }
0x143: {  	s5 =	sadd.s32 $0x1900, s5;
	s10 =	sadd.s32 $0x320, s10;
	[sflag:s4] =	ssyncadd.s32 $0xFFFFF380  }
0x144: {  	[tilespmem:s13], [sflag:$0x2] =	stream.indirect.gather [hbm4b:s3+s11], $0x40, s9, s11, $0xb8;
	[tilespmem:$0x12C00] =	vst v63  }
0x145: {  	_ =	swait.ge [sflag:s14], $0x3200  }
0x146: {  	[sflag:s14] =	ssyncset.done $0x0  }
0x147: {  	s5 =	rddreg [dreg:$0x15];
	[sflag:s14] =	ssyncadd.s32 $0xFFFFCE00  }
0x148: {  	[hbm4b:s5+s2] =	stream.linear.scatter [tilespmem:s12], [sflag:$0x5], $0xC80, $0x38;
	[tilespmem:$0x12C00] =	vst v63  }
0x149: {  	s8 =	simm.s32 $0x7080;
	s17 =	rddreg [dreg:$0x16]  }
0x14a: {  	[hbm4b:s17+s2] =	stream.linear.scatter [tilespmem:s8], [sflag:$0x5], $0xC80, $0x38;
	[tilespmem:$0x12C00] =	vst v63  }
0x14b: {  	s22 =	simm.s32 $0x7D00;
	s20 =	rddreg [dreg:$0x17]  }
0x14c: {  	[hbm4b:s20+s2] =	stream.linear.scatter [tilespmem:s22], [sflag:$0x5], $0xC80, $0x38;
	[tilespmem:$0x12C00] =	vst v63  }
0x14d: {  	s9 =	simm.s32 $0x8980;
	s8 =	rddreg [dreg:$0x18]  }
0x14e: {  	[hbm4b:s8+s2] =	stream.linear.scatter [tilespmem:s9], [sflag:$0x5], $0xC80, $0x38;
	[tilespmem:$0x12C00] =	vst v63  }
0x14f: {  	_ =	swait.ge [sflag:s6], $0xC80  }
0x150: {  	[sflag:s6] =	ssyncset.done $0x0  }
0x151: {  	[sflag:s6] =	ssyncadd.s32 $0xFFFFF380  }
0x152: {  	_ =	swait.ge [sflag:s6], $0xC80  }
0x153: {  	[sflag:s6] =	ssyncset.done $0x0  }
0x154: {  	[sflag:s6] =	ssyncadd.s32 $0xFFFFF380  }
0x155: {  	_ =	swait.ge [sflag:s6], $0xC80  }
0x156: {  	[sflag:s6] =	ssyncset.done $0x0  }
0x157: {  	[sflag:s6] =	ssyncadd.s32 $0xFFFFF380  }
0x158: {  	_ =	swait.ge [sflag:s6], $0xC80  }
0x159: {  	[sflag:s6] =	ssyncset.done $0x0  }
0x15a: {  	s10 =	simm.s32 $0x6270;
	[sflag:s6] =	ssyncadd.s32 $0xFFFFF380  }
0x15b: {  	[tilespmem:s18], [sflag:$0x3] =	stream.indirect.gather [hbm4b:s3+s11], $0x40, s10, s11, $0xb8;
	[tilespmem:$0x12C00] =	vst v63  }
0x15c: {  	_ =	swait.ge [sflag:s19], $0x3200  }
0x15d: {  	[sflag:s19] =	ssyncset.done $0x0  }
0x15e: {  	s15 =	rddreg [dreg:$0x19];
	[sflag:s19] =	ssyncadd.s32 $0xFFFFCE00  }
0x15f: {  	[hbm4b:s15+s2] =	stream.linear.scatter [tilespmem:s13], [sflag:$0x6], $0xC80, $0x38;
	[tilespmem:$0x12C00] =	vst v63  }
0x160: {  	s17 =	simm.s32 $0xA280;
	s16 =	rddreg [dreg:$0x1a]  }
0x161: {  	[hbm4b:s16+s2] =	stream.linear.scatter [tilespmem:s17], [sflag:$0x6], $0xC80, $0x38;
	[tilespmem:$0x12C00] =	vst v63  }
0x162: {  	s22 =	simm.s32 $0xAF00;
	s20 =	rddreg [dreg:$0x1b]  }
0x163: {  	[hbm4b:s20+s2] =	stream.linear.scatter [tilespmem:s22], [sflag:$0x6], $0xC80, $0x38;
	[tilespmem:$0x12C00] =	vst v63  }
0x164: {  	s8 =	rddreg [dreg:$0x1c]  }
0x165: {  	[hbm4b:s8+s2] =	stream.linear.scatter [tilespmem:s31], [sflag:$0x6], $0xC80, $0x38;
	[tilespmem:$0x12C00] =	vst v63  }
0x166: {  	_ =	swait.ge [sflag:s7], $0xC80  }
0x167: {  	[sflag:s7] =	ssyncset.done $0x0  }
0x168: {  	[sflag:s7] =	ssyncadd.s32 $0xFFFFF380  }
0x169: {  	_ =	swait.ge [sflag:s7], $0xC80  }
0x16a: {  	[sflag:s7] =	ssyncset.done $0x0  }
0x16b: {  	[sflag:s7] =	ssyncadd.s32 $0xFFFFF380  }
0x16c: {  	_ =	swait.ge [sflag:s7], $0xC80  }
0x16d: {  	[sflag:s7] =	ssyncset.done $0x0  }
0x16e: {  	[sflag:s7] =	ssyncadd.s32 $0xFFFFF380  }
0x16f: {  	_ =	swait.ge [sflag:s7], $0xC80  }
0x170: {  	[sflag:s7] =	ssyncset.done $0x0  }
0x171: {  	s9 =	simm.s32 $0x6338;
	[sflag:s7] =	ssyncadd.s32 $0xFFFFF380  }
0x172: {  	[tilespmem:s23], [sflag:$0x4] =	stream.indirect.gather [hbm4b:s3+s11], $0x40, s9, s11, $0xb8;
	[tilespmem:$0x12C00] =	vst v63  }
0x173: {  	_ =	swait.ge [sflag:s24], $0x3200  }
0x174: {  	[sflag:s24] =	ssyncset.done $0x0;
	s10 =	rddreg [dreg:$0x1d]  }
0x175: {  	s15 =	rddreg [dreg:$0x1e];
	[sflag:s24] =	ssyncadd.s32 $0xFFFFCE00  }
0x176: {  	[hbm4b:s10+s2] =	stream.linear.scatter [tilespmem:s18], [sflag:$0x7], $0xC80, $0x38;
	[tilespmem:$0x12C00] =	vst v63  }
0x177: {  	s16 =	rddreg [dreg:$0x1f]  }
0x178: {  	[hbm4b:s15+s2] =	stream.linear.scatter [tilespmem:s0], [sflag:$0x7], $0xC80, $0x38;
	[tilespmem:$0x12C00] =	vst v63  }
0x179: {  	s17 =	sld [smem:$0x7EC]  }
0x17a: {  	[hbm4b:s16+s2] =	stream.linear.scatter [tilespmem:s1], [sflag:$0x7], $0xC80, $0x38;
	[tilespmem:$0x12C00] =	vst v63  }
0x17b: {  	_ = 	snop  }
0x17c: {  	[hbm4b:s17+s2] =	stream.linear.scatter [tilespmem:s21], [sflag:$0x7], $0xC80, $0x38;
	[tilespmem:$0x12C00] =	vst v63  }
0x17d: {  	_ =	swait.ge [sflag:s30], $0x3200  }
0x17e: {  	s20 =	sld [smem:$0x7ED]  }
0x17f: {  	[sflag:s30] =	ssyncset.done $0x0  }
0x180: {  	s21 =	sld [smem:$0x7EE];
	[sflag:s30] =	ssyncadd.s32 $0xFFFFCE00  }
0x181: {  	[hbm4b:s20+s2] =	stream.linear.scatter [tilespmem:s23], [sflag:$0x8], $0xC80, $0x38;
	[tilespmem:$0x12C00] =	vst v63  }
0x182: {  	s22 =	sld [smem:$0x7EF]  }
0x183: {  	[hbm4b:s21+s2] =	stream.linear.scatter [tilespmem:s25], [sflag:$0x8], $0xC80, $0x38;
	[tilespmem:$0x12C00] =	vst v63  }
0x184: {  	s25 =	sld [smem:$0x7F0]  }
0x185: {  	[hbm4b:s22+s2] =	stream.linear.scatter [tilespmem:s26], [sflag:$0x8], $0xC80, $0x38;
	[tilespmem:$0x12C00] =	vst v63  }
0x186: {  	_ = 	snop  }
0x187: {  	[hbm4b:s25+s2] =	stream.linear.scatter [tilespmem:s28], [sflag:$0x8], $0xC80, $0x38;
	[tilespmem:$0x12C00] =	vst v63  }
0x188: {  	_ =	swait.ge [sflag:s29], $0xC80  }
0x189: {  	[sflag:s29] =	ssyncset.done $0x0  }
0x18a: {  	[sflag:s29] =	ssyncadd.s32 $0xFFFFF380  }
0x18b: {  	_ =	swait.ge [sflag:s29], $0xC80  }
0x18c: {  	[sflag:s29] =	ssyncset.done $0x0  }
0x18d: {  	[sflag:s29] =	ssyncadd.s32 $0xFFFFF380  }
0x18e: {  	_ =	swait.ge [sflag:s29], $0xC80  }
0x18f: {  	[sflag:s29] =	ssyncset.done $0x0  }
0x190: {  	[sflag:s29] =	ssyncadd.s32 $0xFFFFF380  }
0x191: {  	_ =	swait.ge [sflag:s29], $0xC80  }
0x192: {  	[sflag:s29] =	ssyncset.done $0x0  }
0x193: {  	[sflag:s29] =	ssyncadd.s32 $0xFFFFF380  }
0x194: {  	_ =	swait.ge [sflag:s4], $0xC80  }
0x195: {  	[sflag:s4] =	ssyncset.done $0x0  }
0x196: {  	[sflag:s4] =	ssyncadd.s32 $0xFFFFF380  }
0x197: {  	_ =	swait.ge [sflag:s4], $0xC80  }
0x198: {  	[sflag:s4] =	ssyncset.done $0x0  }
0x199: {  	[sflag:s4] =	ssyncadd.s32 $0xFFFFF380  }
0x19a: {  	_ =	swait.ge [sflag:s4], $0xC80  }
0x19b: {  	[sflag:s4] =	ssyncset.done $0x0  }
0x19c: {  	[sflag:s4] =	ssyncadd.s32 $0xFFFFF380  }
0x19d: {  	_ =	swait.ge [sflag:s4], $0xC80  }
0x19e: {  	[sflag:s4] =	ssyncset.done $0x0  }
0x19f: {  	[sflag:s4] =	ssyncadd.s32 $0xFFFFF380  }
0x1a0: {  	_ =	swait.ge [sflag:s6], $0xC80  }
0x1a1: {  	[sflag:s6] =	ssyncset.done $0x0  }
0x1a2: {  	[sflag:s6] =	ssyncadd.s32 $0xFFFFF380  }
0x1a3: {  	_ =	swait.ge [sflag:s6], $0xC80  }
0x1a4: {  	[sflag:s6] =	ssyncset.done $0x0  }
0x1a5: {  	[sflag:s6] =	ssyncadd.s32 $0xFFFFF380  }
0x1a6: {  	_ =	swait.ge [sflag:s6], $0xC80  }
0x1a7: {  	[sflag:s6] =	ssyncset.done $0x0  }
0x1a8: {  	[sflag:s6] =	ssyncadd.s32 $0xFFFFF380  }
0x1a9: {  	_ =	swait.ge [sflag:s6], $0xC80  }
0x1aa: {  	[sflag:s6] =	ssyncset.done $0x0  }
0x1ab: {  	[sflag:s6] =	ssyncadd.s32 $0xFFFFF380  }
0x1ac: {  	_ =	swait.ge [sflag:s7], $0xC80  }
0x1ad: {  	[sflag:s7] =	ssyncset.done $0x0  }
0x1ae: {  	[sflag:s7] =	ssyncadd.s32 $0xFFFFF380  }
0x1af: {  	_ =	swait.ge [sflag:s7], $0xC80  }
0x1b0: {  	[sflag:s7] =	ssyncset.done $0x0  }
0x1b1: {  	[sflag:s7] =	ssyncadd.s32 $0xFFFFF380  }
0x1b2: {  	_ =	swait.ge [sflag:s7], $0xC80  }
0x1b3: {  	[sflag:s7] =	ssyncset.done $0x0  }
0x1b4: {  	[sflag:s7] =	ssyncadd.s32 $0xFFFFF380  }
0x1b5: {  	_ =	swait.ge [sflag:s7], $0xC80  }
0x1b6: {  	s26 =	sld [smem:$0x7EB]  }
0x1b7: {  	s28 =	sld [smem:$0x7F1];
	_ =	sdelay $0x1  }
0x1b8: {  	s0 =	sadd.s32 $0x1, s26  }
0x1b9: {  	p0 =	sne.s32 s0, s28  }
.Ltmp1:
0x1ba: {  	_ = 	snop;
	(pc) =	sbr.rel @p0 .LBB2_1-.Ltmp1, $3  }
0x1bb: {  	_ =	sdelay $0x1  }
0x1bc: {  	[sflag:s7] =	ssyncset.done $0x0  }
0x1bd: {  	[sflag:s7] =	ssyncadd.s32 $0xFFFFF380  }
0x1be: {  	_ =	sfence.sel $0x180000  }
0x1bf: {  	[bflag:$0x0] =	sbarrier.arrive $0xFFFF  }
0x1c0: {  	_ =	strace $0x90000047  }
0x1c1: {  	s0 =	stileid.u32;
	[bflag:$0x2] =	sbarrier.arrive $0xFFFF  }
0x1c2: {  	p0 =	sne.s32 s0, $0x0;
	s0 =	rddreg [dreg:$0x2]  }
0x1c3: {  	s0 =	sadd.s32 @!p0 $0x100000, s0  }
0x1c4: {  	[sflag:s0] =	ssyncadd.tile.s32 @!p0 $0x1;
	_ =	shalt  }
.Lfunc_end2:
_tile_overlayer_lowered:
.L_overlay_start_2:
0x1c5: {  	(tag) =	ssettag $0x2  }
0x1c6: {  	s0 =	rddreg [dreg:$0x0];
	s2 =	stileid.u32  }
0x1c7: {  	s1 =	rddreg [dreg:$0x1];
	p0 =	sne.s32 s2, $0x0  }
0x1c8: {  	s3 =	rddreg [dreg:$0x2];
	[bflag:$0x3] =	sbarrier.arrive $0xFFFF;
	s2 =	simm.s32 @!p0 $0x1C09  }
0x1c9: {  	[timem:s3], [sflag:s2] =	dma.local @!p0 [hbm:s0], s1  }
0x1ca: {  	s0 =	simm.s32 @!p0 $0x9  }
0x1cb: {  	_ =	swait.ge @!p0 [sflag:s0], s1  }
0x1cc: {  	s1 =	ssub.s32 @!p0 $0x0, s1;
	[sflag:s0] =	ssyncset.done @!p0 $0x0  }
0x1cd: {  	[sflag:s0] =	ssyncadd.s32 @!p0 s1  }
0x1ce: {  	[bflag:$0x3] =	sbarrier.arrive $0xFFFF  }
0x1cf: {  	_ =	shalt  }

// kernel: sparse-core-data-format-call.cloned.1.call-start
scs
called_computation_lowered:
.L_overlay_start_0:
0x0: {  	s2 =	sld [smem:$0x3FD9]  }
0x1: {  	s3 =	sld [smem:$0x3FFE];
	_ =	sdelay $0x1  }
0x2: {  	s1 =	srdreg.scid  }
0x3: {  	s0 =	sand.u32 $0x1, s1  }
0x4: {  	s18 =	sshll.u32 s0, $0xA;
	s2 =	sadd.s32 s3, s2  }
0x5: {  	s2 =	sadd.s32 s2, s18  }
0x6: {  	[smem:$0x3FC6] =	sst s2  }
0x7: {  	_ = 	snop  }
0x8: {  	s2 =	sld [smem:$0x3FD0];
	(tm) =	ssettm $0x1  }
0x9: {  	s19 =	sld [smem:$0x3FFB];
	_ =	sdelay $0x3  }
0xa: {  	_ =	strace s19  }
0xb: {  	s3 =	sld [smem:$0x3FFC];
	_ =	sdelay $0x3  }
0xc: {  	_ =	strace s3  }
0xd: {  	s3 =	sld [smem:$0x3FFD];
	_ =	sdelay $0x3  }
0xe: {  	_ =	strace s3  }
0xf: {  	_ =	strace $0x8FFFFFFF  }
0x10: {  	s20 =	sld [smem:$0x3FDB];
	_ =	sdelay $0x1  }
0x11: {  	s4 =	simm.s32 $_scs_section_size  }
0x12: {  	s5 =	simm.s32 $_size__tile_overlayer_lowered;
	s6 =	simm.s32 $_tile_overlayer_lowered  }
0x13: {  	s23 =	simm.s32 $0x1BFF;
	s22 =	sshll.u32 s6, $0x1;
	s3 =	sadd.s32 s4, s20  }
0x14: {  	s7 =	simm.s32 $0x0;
	s21 =	sshll.u32 s5, $0x1;
	s5 =	sadd.s32 s22, s3  }
0x15: {  	[timem:s7], [sflag:s23] =	dma.local [hbm:s5], s21  }
0x16: {  	_ =	swait.ge [sflag:s23], s21  }
0x17: {  	s4 =	ssub.s32 $0x0, s21;
	[sflag:s23] =	ssyncset.done $0x0  }
0x18: {  	[sflag:s23] =	ssyncadd.s32 s4;
	_ =	sdelay $0x1  }
0x19: {  	s24 =	simm.s32 $0x1B8B  }
0x1a: {  	_ =	swait.ge [sflag:s24], $0x1  }
0x1b: {  	[sflag:s24] =	ssyncset.done $0x0  }
0x1c: {  	s26 =	simm.s32 $0x1B8E;
	s25 =	sld [smem:$0x3FFE];
	[sflag:s24] =	ssyncadd.s32 $0xFFFFFFFF  }
0x1d: {  	s27 =	simm.s32 $execute0_lowered;
	[smem:$0x3FD2] =	sst s26  }
0x1e: {  	s5 =	sshll.u32 s27, $0x1;
	_ =	strace $0x80000049;
	[dreg:$0x1] =	wrdreg $0xFFFFFFFF  }
0x1f: {  	s28 =	simm.s32 $_size_execute0_lowered;
	s3 =	sadd.s32 s3, s5;
	[dreg:$0x0] =	wrdreg $0x0  }
0x20: {  	s5 =	sshll.u32 s28, $0x1;
	[dreg:$0x2] =	wrdreg s3  }
0x21: {  	[dreg:$0x3] =	wrdreg s5  }
0x22: {  	[dreg:$0x4] =	wrdreg $0xC0  }
0x23: {  	_ =	task [dreg:s7], $0x5FFFF  }
0x24: {  	[dreg:$0x1] =	wrdreg $0xFFFFFFFF  }
0x25: {  	[dreg:$0x0] =	wrdreg $0x60  }
0x26: {  	[dreg:$0x2] =	wrdreg s25  }
0x27: {  	[dreg:$0x3] =	wrdreg s2  }
0x28: {  	[dreg:$0x4] =	wrdreg $0x9  }
0x29: {  	_ =	task.clear_ibuf [dreg:s7], $0x5FFFF;
	_ =	strace $0x90000049  }
0x2a: {  	s29 =	simm.s32 $0x9;
	_ =	strace $0x8000004B  }
0x2b: {  	_ =	swait.ge [sflag:s29], $0x1  }
0x2c: {  	[sflag:s29] =	ssyncadd.s32 $0xFFFFFFFF  }
0x2d: {  	_ =	strace $0x9000004B  }
0x2e: {  	_ =	sfence  }
0x2f: {  	s30 =	sld [smem:$0x0];
	_ =	sdelay $0x2  }
0x30: {  	s31 =	sshll.u32 s1, $0xD;
	s1 =	sshrl.u32 s1, $0x2  }
0x31: {  	s3 =	sand.u32 $0x4000, s31;
	s1 =	sadd.s32 s1, s30  }
0x32: {  	s0 =	sor.u32 s3, s0;
	s1 =	sshll.u32 s1, $0x11  }
0x33: {  	s0 =	sor.u32 s1, s0  }
0x34: {  	s0 =	sadd.s32 $0x8F2B, s0  }
0x35: {  	[sflag:s0] =	ssyncadd.remote.s32 $0x1  }
0x36: {  	_ =	sfence.sel $0xFFFF  }
0x37: {  	[dreg:$0x0] =	wrdreg $0xFFFFFFFF;
	(pc) =	sbr.abs _section_cstart, $3  }
0x38: {  	[dreg:$0x1] =	wrdreg $0xFFFFFFFF  }
0x39: {  	_ =	task.clear_ibuf [dreg:s7], $0x2FFFF;
	_ =	strace $0x9FFFFFFF  }
0x3a: {  	(tm) =	ssettm $0x7FFFFFFF  }
0x3b: {  	_ =	shalt  }
tec
execute0_lowered:
.L_overlay_start_1:
0x0: {  	(tag) =	ssettag $0x1  }
0x1: {  	s0 =	srdreg.scid  }
0x2: {  	s1 =	sshll.u32 s0, $0x4  }
0x3: {  	s0 =	stileid.u32;
	s1 =	sand.u32 $0x10, s1  }
0x4: {  	s1 =	sor.u32 s0, s1  }
0x5: {  	s6 =	rddreg [dreg:$0x0];
	s4 =	simm.s32 $0x1;
	s2 =	sshll.u32 s1, $0x7  }
0x6: {  	s7 =	simm.s32 $0x2;
	s12 =	simm.s32 $0x0;
	s1 =	ssub.s32 $0x4000, s2  }
0x7: {  	s8 =	simm.s32 $0x20000;
	s13 =	simm.s32 $0x0;
	s3 =	sand.u32 $0xF80, s1  }
0x8: {  	s9 =	simm.s32 $0x0;
	s5 =	sshrl.u32 s1, $0xC;
	p0 =	sne.s32 s3, $0x0  }
.Ltmp0:
0x9: {  	s1 =	rddreg [dreg:$0x2];
	s4 =	simm.s32 @!p0 $0x0;
	(pc) =	sbr.rel .LBB1_1-.Ltmp0, $4  }
0xa: {  	s11 =	simm.s32 $0x0;
	s3 =	rddreg [dreg:$0x1];
	s5 =	sadd.s32 s4, s5  }
0xb: {  	_ =	strace $0x8000004A;
	s4 =	simm.s32 $0x1;
	s5 =	smul.u32 $0x32, s5  }
0xc: {  	s6 =	sadd.s32 $0x800, s6;
	s10 =	smov.u32 s2;
	[sflag:s4] =	ssyncpa.u1 $0x0  }
0xd: {  	p0 =	por $0x0, $0x0;
	[sflag:s7] =	ssyncpa.u1 $0x0;
	s7 =	sor.u32 $0x1, s5  }
.LBB1_4:
0xe: {  	s16 =	sshll.u32 s13, $0x3;
	s17 =	sand.u32 $0x78, s13  }
0xf: {  	s30 =	sand.u32 $0x1F800, s13;
	s12 =	sshll.u32 s12, $0x11;
	s16 =	sand.u32 $0x3C00, s16  }
0x10: {  	[tilespmem:s15+$0x810 ss:$0x81] =	vst.msk $0xffff, v2;
	s31 =	sand.u32 $0x7, s13;
	s16 =	sor.u32 s17, s16;
	s17 =	sadd.s32 s3, s30  }
0x11: {  	[tilespmem:s15+$0x1020 ss:$0x81] =	vst.msk $0xffff, v0;
	s13 =	sshll.u32 s31, $0x12;
	s12 =	sadd.s32 s12, s17;
	s16 =	sshrl.u32 s16, $0x3  }
0x12: {  	[tilespmem:s15+$0x0 ss:$0x81] =	vst.msk $0xffff, v1;
	s13 =	sor.u32 $0x400, s13;
	s12 =	sadd.s32 s16, s12  }
0x13: {  	[hbm4b:s12+s13] =	stream.strided.scatter [tilespmem:s14], [sflag:$0x2], $0x2000, s8, s13, $0x20;
	[tilespmem:$0x8080] =	vst v63  }
.LBB1_5:
0x14: {  	s14 =	sadd.s32 $0x1, s9  }
0x15: {  	s12 =	sadd.s32 $0x1000, s10;
	s16 =	smov.u32 s10;
	p2 =	sgt.s32 s14, $0x31  }
0x16: {  	s16 =	smov.u32 @p2 s12  }
0x17: {  	s14 =	simm.s32 @p2 $0x0;
	p2 =	sgt.s32 s16, $0x3FFF  }
0x18: {  	s16 =	smov.u32 @p2 s2;
	p2 =	sne.s32 s11, s7  }
.Ltmp1:
0x19: {  	p1 =	slt.u32 s11, $0x2;
	(pc) =	sbr.rel @!p2 .LBB1_6-.Ltmp1, $4  }
0x1a: {  	s15 =	simm.s32 @!p1 $0x2  }
0x1b: {  	s13 =	smov.u32 s10;
	p0 =	por !p0, !p0;
	_ =	swait.ge @!p1 [sflag:s15], $0x2000  }
0x1c: {  	s12 =	smov.u32 s9;
	[sflag:s15] =	ssyncset.done @!p1 $0x0;
	s9 =	smov.u32 s14  }
0x1d: {  	s11 =	sadd.s32 $0x1, s11;
	[sflag:s15] =	ssyncadd.s32 @!p1 $0xFFFFE000;
	s10 =	smov.u32 s16  }
.LBB1_1:
0x1e: {  	p1 =	sge.u32 s11, s5  }
0x1f: {  	s14 =	sand.u32 @!p1 $0x1FFFFFF, s9  }
0x20: {  	s15 =	smulhi.u32 @!p1 $0x4924925, s14;
	_ =	sdelay $0x1  }
0x21: {  	s15 =	smul.u32 @!p1 $0x38, s15  }
0x22: {  	s16 =	sxor.u32 @!p1 $0xFFFFFFFF, s11;
	s17 =	smul.u32 @!p1 $0x380, s10  }
0x23: {  	s31 =	sadd.s32 $0xFFFFFFFF, s11;
	s16 =	sshll.u32 @!p1 s16, $0xD;
	s14 =	ssub.s32 @!p1 s14, s15  }
0x24: {  	s15 =	sand.u32 @!p1 $0x2000, s16;
	s16 =	sadd.s32 @!p1 s6, s17;
	s14 =	sshll.u32 @!p1 s14, $0x4  }
0x25: {  	s17 =	simm.s32 @!p1 $0x1C00;
	s14 =	sadd.s32 @!p1 s14, s16;
	s16 =	simm.s32 @!p1 $0x40  }
0x26: {  	[tilespmem:s15], [sflag:$0x1] =	stream.strided.gather @!p1 [hbm4b:s14+s16], $0x2000, s17, s16, $0x38;
	[tilespmem:$0x8080] =	vst v63  }
0x27: {  	p1 =	sge.u32 s31, s5  }
.Ltmp2:
0x28: {  	_ = 	snop;
	(pc) =	sbr.rel @p1 .LBB1_5-.Ltmp2, $1  }
0x29: {  	_ =	sdelay $0x3  }
0x2a: {  	s14 =	simm.s32 $0x1  }
0x2b: {  	_ =	swait.ge [sflag:s4], $0x2000;
	s14 =	simm.s32 @!p0 $0x0  }
0x2c: {  	[sflag:s4] =	ssyncset.done $0x0;
	s15 =	sshll.u32 s14, $0xD  }
0x2d: {  	[sflag:s4] =	ssyncadd.s32 $0xFFFFE000;
	s18 =	sor.u32 $0x20, s15  }
0x2e: {  	s14 =	smul.u32 $0x8100, s14;
	v3 =	vld [tilespmem:s18+$0x10]  }
0x2f: {  	s30 =	sand.u32 $0x1, s11;
	v2 =	vld [tilespmem:s18+$0xFFFFFFF0]  }
0x30: {  	s15 =	smul.u32 $0x8100, s30;
	s14 =	sshrl.u32 s14, $0x2;
	v0 =	vld [tilespmem:s18+$0x0]  }
0x31: {  	v1 =	vld [tilespmem:s18+$0xFFFFFFE0];
	s16 =	sor.u32 $0x4000, s14  }
0x32: {  	s31 =	sshrl.u32 s15, $0x2;
	s15 =	sadd.s32 $0x0, s16  }
0x33: {  	s17 =	simm.s32 $0x4;
	s18 =	sadd.s32 $0x40, s18;
	s14 =	sor.u32 $0x4000, s31;
	[tilespmem:s15+$0x1830 ss:$0x81] =	vst.msk $0xffff, v3  }
.LBB1_3:
0x34: {  	v3 =	vld [tilespmem:s18+$0x10];
	p1 =	sne.s32 s17, $0x1FC;
	[tilespmem:s15+$0x810 ss:$0x81] =	vst.msk $0xffff, v2;
	s19 =	smov.u32 s17;
	s17 =	sadd.s32 $0x4, s17  }
.Ltmp3:
0x35: {  	v2 =	vld [tilespmem:s18+$0xFFFFFFF0];
	[tilespmem:s15+$0x1020 ss:$0x81] =	vst.msk $0xffff, v0;
	(pc) =	sbr.rel @p1 .LBB1_3-.Ltmp3, $4  }
0x36: {  	v0 =	vld [tilespmem:s18+$0x0];
	[tilespmem:s15+$0x0 ss:$0x81] =	vst.msk $0xffff, v1  }
0x37: {  	s15 =	sshra.s32 s19, $0x2;
	v1 =	vld [tilespmem:s18+$0xFFFFFFE0]  }
0x38: {  	s15 =	sadd.s32 s15, s16  }
0x39: {  	s18 =	sadd.s32 $0x40, s18;
	[tilespmem:s15+$0x1830 ss:$0x81] =	vst.msk $0xffff, v3  }
.Ltmp4:
0x3a: {  	_ = 	snop;
	(pc) =	sbr.rel .LBB1_4-.Ltmp4, $1  }
0x3b: {  	_ =	sdelay $0x3  }
.LBB1_6:
0x3c: {  	_ =	sfence.sel $0x180000  }
0x3d: {  	s2 =	simm.s32 $0x1;
	[bflag:$0x0] =	sbarrier.arrive $0xFFFF  }
0x3e: {  	s31 =	simm.s32 $0x2;
	[sflag:s2] =	ssyncpa.u1 $0x1  }
0x3f: {  	[sflag:s31] =	ssyncpa.u1 $0x1  }
0x40: {  	p0 =	sne.s32 s0, $0x0;
	_ =	strace $0x9000004A  }
0x41: {  	s0 =	sadd.s32 @!p0 $0x100000, s1;
	[bflag:$0x2] =	sbarrier.arrive $0xFFFF  }
0x42: {  	[sflag:s0] =	ssyncadd.tile.s32 @!p0 $0x1;
	_ =	shalt  }
.Lfunc_end1:
_tile_overlayer_lowered:
.L_overlay_start_2:
0x43: {  	(tag) =	ssettag $0x2  }
0x44: {  	s0 =	rddreg [dreg:$0x0];
	s2 =	stileid.u32  }
0x45: {  	s1 =	rddreg [dreg:$0x1];
	p0 =	sne.s32 s2, $0x0  }
0x46: {  	s3 =	rddreg [dreg:$0x2];
	[bflag:$0x3] =	sbarrier.arrive $0xFFFF;
	s2 =	simm.s32 @!p0 $0x1C01  }
0x47: {  	[timem:s3], [sflag:s2] =	dma.local @!p0 [hbm:s0], s1  }
0x48: {  	s0 =	simm.s32 @!p0 $0x1  }
0x49: {  	_ =	swait.ge @!p0 [sflag:s0], s1  }
0x4a: {  	s1 =	ssub.s32 @!p0 $0x0, s1;
	[sflag:s0] =	ssyncset.done @!p0 $0x0  }
0x4b: {  	[sflag:s0] =	ssyncadd.s32 @!p0 s1  }
0x4c: {  	[bflag:$0x3] =	sbarrier.arrive $0xFFFF  }
0x4d: {  	_ =	shalt  }

</sc_bundles>
